<compile_context>
chip_gen: v7x
topology: tpu7x:2x2x1
jax: 0.10.2.dev20260603
libtpu: 0.0.44.dev20260713+nightly
codegen_flags: <defaults>
</compile_context>

<pallas_src>
import functools

import jax
import jax.numpy as jnp
from jax import lax
from jax.experimental import pallas as pl
from jax.experimental.pallas import tpu as pltpu
from jax.experimental.pallas import tpu_sc as plsc

_P = 3
_DIM = 3
_L = 16


_S = 8


def kernel(ctrl_pts, Nu, uspan):
    B, K, D1 = ctrl_pts.shape
    OUT = uspan.shape[0]
    KD = K * D1
    OD = OUT * _DIM
    info = plsc.get_sparse_core_info()
    NC = info.num_cores
    NW = NC * info.num_subcores
    rows_per = B // NW
    NT = OUT // _L
    CW = _S * KD
    OW = _S * OD
    nchunks = rows_per // _S

    ctrl_flat = ctrl_pts.reshape(B, KD)
    nu_flat = Nu.reshape(OUT * (_P + 1))

    mesh = plsc.VectorSubcoreMesh(core_axis_name="c", subcore_axis_name="s")

    @functools.partial(
        pl.kernel,
        mesh=mesh,
        compiler_params=pltpu.CompilerParams(needs_layout_passes=False),
        out_type=jax.ShapeDtypeStruct((B, OD), jnp.float32),
        scratch_types=[
            pltpu.VMEM((CW,), jnp.float32),
            pltpu.VMEM((CW,), jnp.float32),
            pltpu.VMEM((OW,), jnp.float32),
            pltpu.VMEM((OW,), jnp.float32),
            pltpu.VMEM((OUT,), jnp.int32),
            pltpu.VMEM((OUT * (_P + 1),), jnp.float32),
            pltpu.VMEM((OUT,), jnp.int32),
            pltpu.VMEM((OUT,), jnp.int32),
            pltpu.VMEM(((_P + 1) * OUT,), jnp.float32),
            pltpu.SemaphoreType.DMA,
            pltpu.SemaphoreType.DMA,
            pltpu.SemaphoreType.DMA,
            pltpu.SemaphoreType.DMA,
        ],
    )
    def sc_kernel(ctrl_hbm, nu_hbm, usp_hbm, out_hbm,
                  cb0, cb1, ob0, ob1, usp_v, nu_v, g4_v, b3_v, nuw_v,
                  si0, si1, so0, so1):
        wid = lax.axis_index("s") * NC + lax.axis_index("c")
        base_row = wid * rows_per

        pltpu.sync_copy(usp_hbm, usp_v)
        pltpu.sync_copy(nu_hbm, nu_v)

        lanes = lax.iota(jnp.int32, _L)

        def build(t, carry):
            u0 = t * _L
            usp = usp_v[pl.ds(u0, _L)]
            g4_v[pl.ds(u0, _L)] = (usp - _P) * (_P + 1)
            b3_v[pl.ds(u0, _L)] = (lanes + u0) * _DIM
            for p in range(_P + 1):
                idx = (lanes + u0) * (_P + 1) + p
                nuw_v[pl.ds(p * OUT + u0, _L)] = plsc.load_gather(nu_v, [idx])
            return carry

        lax.fori_loop(0, NT, build, 0)

        def compute_chunk(cbuf, obuf):
            def grp(t, carry):
                u0 = t * _L
                g4 = g4_v[pl.ds(u0, _L)]
                b3 = b3_v[pl.ds(u0, _L)]
                nus = [nuw_v[pl.ds(p * OUT + u0, _L)] for p in range(_P + 1)]
                nj = (_P + 1) * (_P + 1)
                win = [g4 + j for j in range(nj)]
                bd = [b3 + d for d in range(_DIM)]
                for r in range(_S):
                    acc = [None] * (_P + 1)
                    for j in range(nj):
                        p, d = j // (_P + 1), j % (_P + 1)
                        w = plsc.load_gather(cbuf, [win[j] + r * KD])
                        term = w * nus[p]
                        acc[d] = term if acc[d] is None else acc[d] + term
                    inv = 1.0 / acc[_P]
                    for d in range(_DIM):
                        plsc.store_scatter(obuf, [bd[d] + r * OD],
                                           acc[d] * inv)
                return carry

            lax.fori_loop(0, NT, grp, 0)

        def in_copy(c, buf, sem):
            r0 = base_row + c * _S
            for r in range(_S):
                pltpu.async_copy(ctrl_hbm.at[r0 + r],
                                 buf.at[pl.ds(r * KD, KD)], sem)

        def in_wait(buf, sem):
            for r in range(_S):
                pltpu.make_async_copy(ctrl_hbm.at[base_row],
                                      buf.at[pl.ds(r * KD, KD)], sem).wait()

        def out_copy(c, buf, sem):
            r0 = base_row + c * _S
            for r in range(_S):
                pltpu.async_copy(buf.at[pl.ds(r * OD, OD)],
                                 out_hbm.at[r0 + r], sem)

        def out_wait(buf, sem):
            for r in range(_S):
                pltpu.make_async_copy(buf.at[pl.ds(r * OD, OD)],
                                      out_hbm.at[base_row], sem).wait()

        in_copy(0, cb0, si0)

        def pair(i, carry):
            c0 = 2 * i

            @pl.when(c0 + 1 < nchunks)
            def _():
                in_copy(c0 + 1, cb1, si1)

            in_wait(cb0, si0)

            @pl.when(i > 0)
            def _():
                out_wait(ob0, so0)

            compute_chunk(cb0, ob0)
            out_copy(c0, ob0, so0)

            @pl.when(c0 + 2 < nchunks)
            def _():
                in_copy(c0 + 2, cb0, si0)

            in_wait(cb1, si1)

            @pl.when(i > 0)
            def _():
                out_wait(ob1, so1)

            compute_chunk(cb1, ob1)
            out_copy(c0 + 1, ob1, so1)
            return carry

        lax.fori_loop(0, nchunks // 2, pair, 0)
        out_wait(ob0, so0)
        out_wait(ob1, so1)

    out = sc_kernel(ctrl_flat, nu_flat, uspan)
    return out.reshape(B, OUT, _DIM)

# --- scband reference (transcript-rebuilt; emitter-appended) ---
"""Pipeline reference for scband-curve-eval-16415365005743 (READ-ONLY COPY).

The authoritative reference and input builder live on the scoring server;
editing this copy changes nothing except your own understanding.
"""

import jax, jax.numpy as jnp
import numpy as np

DELTA = 1e-08
M = 1023
P = 3
OUT_DIM = 512
DIM = 3
BATCH = 4096


def gen_knot_vector(p, m):
    # Clamped uniform knot vector, length m + p + 2
    n_internal = m - p
    internal = [i / (n_internal + 1.0) for i in range(1, n_internal + 1)]
    return np.array([0.0] * (p + 1) + internal + [1.0] * (p + 1), dtype=np.float64)


def find_span(m, p, u, U):
    # NURBS Book algorithm A2.1
    if u >= U[m + 1]:
        return m
    if u <= U[p]:
        return p
    low, high = p, m + 1
    mid = (low + high) // 2
    while u < U[mid] or u >= U[mid + 1]:
        if u < U[mid]:
            high = mid
        else:
            low = mid
        mid = (low + high) // 2
    return mid


def basis_funs(span, u, p, U):
    # NURBS Book algorithm A2.2 (the p+1 nonzero basis functions)
    N = np.zeros(p + 1, dtype=np.float64)
    N[0] = 1.0
    left = np.zeros(p + 1, dtype=np.float64)
    right = np.zeros(p + 1, dtype=np.float64)
    for j in range(1, p + 1):
        left[j] = u - U[span + 1 - j]
        right[j] = U[span + j] - u
        saved = 0.0
        for r in range(j):
            temp = N[r] / (right[r + 1] + left[j - r])
            N[r] = saved + right[r + 1] * temp
            saved = left[j - r] * temp
        N[j] = saved
    return N


def setup_inputs(seed: int = 0) -> dict:
    key = jax.random.key(seed)
    k1, k2 = jax.random.split(key)
    coords = jax.random.normal(k1, (BATCH, M + 1, DIM), dtype=jnp.float32)
    # weights (last channel) kept positive and bounded away from zero to avoid blowup in the rational division
    weights = jax.random.uniform(k2, (BATCH, M + 1, 1), dtype=jnp.float32) + 0.5
    ctrl_pts = jnp.concatenate([coords, weights], axis=-1)  # [B, m+1, dim+1]

    # Precompute basis (mirrors CurveEval.__init__ / _precompute_basis)
    U = gen_knot_vector(P, M)
    u = np.linspace(0.0 + DELTA, 1.0 - DELTA, OUT_DIM)
    uspan = np.array([find_span(M, P, ui, U) for ui in u], dtype=np.int32)
    Nu = np.stack([basis_funs(int(uspan[i]), u[i], P, U) for i in range(OUT_DIM)]).astype(np.float32)
    return {
        "ctrl_pts": ctrl_pts,
        "Nu": jnp.asarray(Nu),      # [out_dim, p+1] float32
        "uspan": jnp.asarray(uspan)  # [out_dim] int32
    }


def reference(ctrl_pts, Nu, uspan):
    # u_indices: [out_dim, p+1] control-point indices per parameter value
    u_indices = uspan[:, None] - P + jnp.arange(P + 1, dtype=uspan.dtype)
    # gather: [B, out_dim, p+1, dim+1]
    ctrl_u = ctrl_pts[:, u_indices]
    # einsum 'batch u p dim, u p -> batch u dim'
    curves_w = jnp.einsum('bupd,up->bud', ctrl_u, Nu)
    curves = curves_w[..., :DIM] / curves_w[..., DIM:DIM + 1]
    return curves

if __name__ == "__main__":
    import jax
    _d = setup_inputs()
    print(jax.jit(kernel)(*tuple(_d.values())))

</pallas_src>

<mosaic_0001>
#map = affine_map<(d0, d1) -> (0, 0)>
#map1 = affine_map<(d0, d1) -> (0)>
module attributes {stable_mosaic.version = 14 : i64} {
  func.func @sc_kernel(%arg0: i32, %arg1: i32, %arg2: memref<4096x4096xf32, #tpu.memory_space<hbm>>, %arg3: memref<2048xf32, #tpu.memory_space<hbm>>, %arg4: memref<512xi32, #tpu.memory_space<hbm>>, %arg5: memref<4096x1536xf32, #tpu.memory_space<hbm>>, %arg6: memref<32768xf32, #tpu.memory_space<vmem>>, %arg7: memref<32768xf32, #tpu.memory_space<vmem>>, %arg8: memref<12288xf32, #tpu.memory_space<vmem>>, %arg9: memref<12288xf32, #tpu.memory_space<vmem>>, %arg10: memref<512xi32, #tpu.memory_space<vmem>>, %arg11: memref<2048xf32, #tpu.memory_space<vmem>>, %arg12: memref<512xi32, #tpu.memory_space<vmem>>, %arg13: memref<512xi32, #tpu.memory_space<vmem>>, %arg14: memref<2048xf32, #tpu.memory_space<vmem>>, %arg15: memref<!tpu.dma_semaphore, #tpu.memory_space<semaphore_mem>>, %arg16: memref<!tpu.dma_semaphore, #tpu.memory_space<semaphore_mem>>, %arg17: memref<!tpu.dma_semaphore, #tpu.memory_space<semaphore_mem>>, %arg18: memref<!tpu.dma_semaphore, #tpu.memory_space<semaphore_mem>>) attributes {dimension_semantics = [#tpu.dimension_semantics<core_parallel>, #tpu.dimension_semantics<subcore_parallel>], iteration_bounds = array<i64: 2, 16>, scalar_prefetch = 0 : i64, scratch_operands = 13 : i64, tpu.core_type = #tpu.core_type<sc_vector_subcore>, window_params = [{transform_indices = #map}, {transform_indices = #map1}, {transform_indices = #map1}, {transform_indices = #map}]} {
    %mul3A = arith.constant 2 : i32
    %mul3A_0 = arith.muli %arg1, %mul3A : i32
    %add3A = arith.addi %mul3A_0, %arg0 : i32
    %mul3A_1 = arith.constant 128 : i32
    %mul3A_2 = arith.muli %add3A, %mul3A_1 : i32
    "tpu.region"() ({
      %run_scoped3A = tpu.sem_alloc : memref<!tpu.dma_semaphore, #tpu.memory_space<semaphore_mem>>
      tpu.enqueue_dma source(%arg4 : memref<512xi32, #tpu.memory_space<hbm>>) target(%arg10 : memref<512xi32, #tpu.memory_space<vmem>>) target_semaphore(%run_scoped3A : memref<!tpu.dma_semaphore, #tpu.memory_space<semaphore_mem>>)
      tpu.wait_dma2 semaphore(%run_scoped3A : memref<!tpu.dma_semaphore, #tpu.memory_space<semaphore_mem>>) src(%arg4 : memref<512xi32, #tpu.memory_space<hbm>>) dst(%arg10 : memref<512xi32, #tpu.memory_space<vmem>>)
      tpu.yield
    }) : () -> ()
    "tpu.region"() ({
      %run_scoped3A = tpu.sem_alloc : memref<!tpu.dma_semaphore, #tpu.memory_space<semaphore_mem>>
      tpu.enqueue_dma source(%arg3 : memref<2048xf32, #tpu.memory_space<hbm>>) target(%arg11 : memref<2048xf32, #tpu.memory_space<vmem>>) target_semaphore(%run_scoped3A : memref<!tpu.dma_semaphore, #tpu.memory_space<semaphore_mem>>)
      tpu.wait_dma2 semaphore(%run_scoped3A : memref<!tpu.dma_semaphore, #tpu.memory_space<semaphore_mem>>) src(%arg3 : memref<2048xf32, #tpu.memory_space<hbm>>) dst(%arg11 : memref<2048xf32, #tpu.memory_space<vmem>>)
      tpu.yield
    }) : () -> ()
    %iota3A = tpu.iota {dimensions = array<i32: 0>} : vector<16xi32>
    %scan3A = arith.constant 0 : i32
    %scan3A_3 = arith.constant 0 : i32
    %scan3A_4 = arith.constant 32 : i32
    %scan3A_5 = arith.addi %scan3A_3, %scan3A_4 : i32
    %scan3A_6 = arith.constant 1 : i32
    scf.for %scan3A_270 = %scan3A_3 to %scan3A_5 step %scan3A_6  : i32 {
      %mul3A_271 = arith.constant 16 : i32
      %mul3A_272 = arith.muli %scan3A_270, %mul3A_271 : i32
      %get3A = arith.index_cast %mul3A_272 : i32 to index
      %get3A_273 = tpu.vector_load %arg10[%get3A] {strides = array<i32>} : memref<512xi32, #tpu.memory_space<vmem>>, vector<16xi32>,
      %sub3A = arith.constant 3 : i32
      %sub3A_274 = vector.broadcast %sub3A : i32 to vector<16xi32>
      %sub3A_275 = arith.subi %get3A_273, %sub3A_274 : vector<16xi32>
      %mul3A_276 = arith.constant 4 : i32
      %mul3A_277 = vector.broadcast %mul3A_276 : i32 to vector<16xi32>
      %mul3A_278 = arith.muli %sub3A_275, %mul3A_277 : vector<16xi32>
      %swap3A = arith.index_cast %mul3A_272 : i32 to index
      %swap3A_279 = tpu.vector_load %arg12[%swap3A] {strides = array<i32>} : memref<512xi32, #tpu.memory_space<vmem>>, vector<16xi32>,
      tpu.vector_store %arg12[%swap3A], %mul3A_278 {strides = array<i32>} : memref<512xi32, #tpu.memory_space<vmem>>, vector<16xi32>,
      %add3A_280 = vector.broadcast %mul3A_272 : i32 to vector<16xi32>
      %add3A_281 = arith.addi %iota3A, %add3A_280 : vector<16xi32>
      %mul3A_282 = arith.constant 3 : i32
      %mul3A_283 = vector.broadcast %mul3A_282 : i32 to vector<16xi32>
      %mul3A_284 = arith.muli %add3A_281, %mul3A_283 : vector<16xi32>
      %swap3A_285 = arith.index_cast %mul3A_272 : i32 to index
      %swap3A_286 = tpu.vector_load %arg13[%swap3A_285] {strides = array<i32>} : memref<512xi32, #tpu.memory_space<vmem>>, vector<16xi32>,
      tpu.vector_store %arg13[%swap3A_285], %mul3A_284 {strides = array<i32>} : memref<512xi32, #tpu.memory_space<vmem>>, vector<16xi32>,
      %add3A_287 = vector.broadcast %mul3A_272 : i32 to vector<16xi32>
      %add3A_288 = arith.addi %iota3A, %add3A_287 : vector<16xi32>
      %mul3A_289 = arith.constant 4 : i32
      %mul3A_290 = vector.broadcast %mul3A_289 : i32 to vector<16xi32>
      %mul3A_291 = arith.muli %add3A_288, %mul3A_290 : vector<16xi32>
      %add3A_292 = arith.constant 0 : i32
      %add3A_293 = vector.broadcast %add3A_292 : i32 to vector<16xi32>
      %add3A_294 = arith.addi %mul3A_291, %add3A_293 : vector<16xi32>
      %gather3A = tpu.vector_load_idx %arg11[%add3A_294] : memref<2048xf32, #tpu.memory_space<vmem>>[vector<16xi32>], vector<16xf32>,
      %add3A_295 = arith.constant 0 : i32
      %add3A_296 = arith.addi %add3A_295, %mul3A_272 : i32
      %swap3A_297 = arith.index_cast %add3A_296 : i32 to index
      %swap3A_298 = tpu.vector_load %arg14[%swap3A_297] {strides = array<i32>} : memref<2048xf32, #tpu.memory_space<vmem>>, vector<16xf32>,
      tpu.vector_store %arg14[%swap3A_297], %gather3A {strides = array<i32>} : memref<2048xf32, #tpu.memory_space<vmem>>, vector<16xf32>,
      %add3A_299 = vector.broadcast %mul3A_272 : i32 to vector<16xi32>
      %add3A_300 = arith.addi %iota3A, %add3A_299 : vector<16xi32>
      %mul3A_301 = arith.constant 4 : i32
      %mul3A_302 = vector.broadcast %mul3A_301 : i32 to vector<16xi32>
      %mul3A_303 = arith.muli %add3A_300, %mul3A_302 : vector<16xi32>
      %add3A_304 = arith.constant 1 : i32
      %add3A_305 = vector.broadcast %add3A_304 : i32 to vector<16xi32>
      %add3A_306 = arith.addi %mul3A_303, %add3A_305 : vector<16xi32>
      %gather3A_307 = tpu.vector_load_idx %arg11[%add3A_306] : memref<2048xf32, #tpu.memory_space<vmem>>[vector<16xi32>], vector<16xf32>,
      %add3A_308 = arith.constant 512 : i32
      %add3A_309 = arith.addi %add3A_308, %mul3A_272 : i32
      %swap3A_310 = arith.index_cast %add3A_309 : i32 to index
      %swap3A_311 = tpu.vector_load %arg14[%swap3A_310] {strides = array<i32>} : memref<2048xf32, #tpu.memory_space<vmem>>, vector<16xf32>,
      tpu.vector_store %arg14[%swap3A_310], %gather3A_307 {strides = array<i32>} : memref<2048xf32, #tpu.memory_space<vmem>>, vector<16xf32>,
      %add3A_312 = vector.broadcast %mul3A_272 : i32 to vector<16xi32>
      %add3A_313 = arith.addi %iota3A, %add3A_312 : vector<16xi32>
      %mul3A_314 = arith.constant 4 : i32
      %mul3A_315 = vector.broadcast %mul3A_314 : i32 to vector<16xi32>
      %mul3A_316 = arith.muli %add3A_313, %mul3A_315 : vector<16xi32>
      %add3A_317 = arith.constant 2 : i32
      %add3A_318 = vector.broadcast %add3A_317 : i32 to vector<16xi32>
      %add3A_319 = arith.addi %mul3A_316, %add3A_318 : vector<16xi32>
      %gather3A_320 = tpu.vector_load_idx %arg11[%add3A_319] : memref<2048xf32, #tpu.memory_space<vmem>>[vector<16xi32>], vector<16xf32>,
      %add3A_321 = arith.constant 1024 : i32
      %add3A_322 = arith.addi %add3A_321, %mul3A_272 : i32
      %swap3A_323 = arith.index_cast %add3A_322 : i32 to index
      %swap3A_324 = tpu.vector_load %arg14[%swap3A_323] {strides = array<i32>} : memref<2048xf32, #tpu.memory_space<vmem>>, vector<16xf32>,
      tpu.vector_store %arg14[%swap3A_323], %gather3A_320 {strides = array<i32>} : memref<2048xf32, #tpu.memory_space<vmem>>, vector<16xf32>,
      %add3A_325 = vector.broadcast %mul3A_272 : i32 to vector<16xi32>
      %add3A_326 = arith.addi %iota3A, %add3A_325 : vector<16xi32>
      %mul3A_327 = arith.constant 4 : i32
      %mul3A_328 = vector.broadcast %mul3A_327 : i32 to vector<16xi32>
      %mul3A_329 = arith.muli %add3A_326, %mul3A_328 : vector<16xi32>
      %add3A_330 = arith.constant 3 : i32
      %add3A_331 = vector.broadcast %add3A_330 : i32 to vector<16xi32>
      %add3A_332 = arith.addi %mul3A_329, %add3A_331 : vector<16xi32>
      %gather3A_333 = tpu.vector_load_idx %arg11[%add3A_332] : memref<2048xf32, #tpu.memory_space<vmem>>[vector<16xi32>], vector<16xf32>,
      %add3A_334 = arith.constant 1536 : i32
      %add3A_335 = arith.addi %add3A_334, %mul3A_272 : i32
      %swap3A_336 = arith.index_cast %add3A_335 : i32 to index
      %swap3A_337 = tpu.vector_load %arg14[%swap3A_336] {strides = array<i32>} : memref<2048xf32, #tpu.memory_space<vmem>>, vector<16xf32>,
      tpu.vector_store %arg14[%swap3A_336], %gather3A_333 {strides = array<i32>} : memref<2048xf32, #tpu.memory_space<vmem>>, vector<16xf32>,
    }
    %scan3A_7 = arith.constant 32 : i32
    %add3A_8 = arith.constant 0 : i32
    %add3A_9 = arith.addi %mul3A_2, %add3A_8 : i32
    %add3A_10 = arith.constant 0 : i32
    %add3A_11 = arith.addi %add3A_9, %add3A_10 : i32
    %dma_start3A = arith.constant 0 : i32
    %dma_start3A_12 = tpu.memref_slice %arg6[%dma_start3A] : memref<32768xf32, #tpu.memory_space<vmem>> -> memref<4096xf32, #tpu.memory_space<vmem>>
    %dma_start3A_13 = arith.constant 0 : i32
    %dma_start3A_14 = tpu.memref_slice %arg2[%add3A_11, %dma_start3A_13] : memref<4096x4096xf32, #tpu.memory_space<hbm>> -> memref<1x4096xf32, #tpu.memory_space<hbm>>
    %dma_start3A_15 = tpu.memref_squeeze %dma_start3A_14 : memref<1x4096xf32, #tpu.memory_space<hbm>> -> memref<4096xf32, #tpu.memory_space<hbm>>
    %dma_start3A_16 = arith.constant 0 : i32
    %dma_start3A_17 = tpu.memref_slice %arg6[%dma_start3A_16] : memref<32768xf32, #tpu.memory_space<vmem>> -> memref<4096xf32, #tpu.memory_space<vmem>>
    %dma_start3A_18 = arith.constant 0 : i32
    %dma_start3A_19 = tpu.memref_slice %arg2[%add3A_11, %dma_start3A_18] : memref<4096x4096xf32, #tpu.memory_space<hbm>> -> memref<1x4096xf32, #tpu.memory_space<hbm>>
    %dma_start3A_20 = tpu.memref_squeeze %dma_start3A_19 : memref<1x4096xf32, #tpu.memory_space<hbm>> -> memref<4096xf32, #tpu.memory_space<hbm>>
    tpu.enqueue_dma source(%dma_start3A_20 : memref<4096xf32, #tpu.memory_space<hbm>>) target(%dma_start3A_17 : memref<4096xf32, #tpu.memory_space<vmem>>) target_semaphore(%arg15 : memref<!tpu.dma_semaphore, #tpu.memory_space<semaphore_mem>>)
    %add3A_21 = arith.constant 1 : i32
    %add3A_22 = arith.addi %add3A_9, %add3A_21 : i32
    %dma_start3A_23 = arith.constant 4096 : i32
    %dma_start3A_24 = tpu.memref_slice %arg6[%dma_start3A_23] : memref<32768xf32, #tpu.memory_space<vmem>> -> memref<4096xf32, #tpu.memory_space<vmem>>
    %dma_start3A_25 = arith.constant 0 : i32
    %dma_start3A_26 = tpu.memref_slice %arg2[%add3A_22, %dma_start3A_25] : memref<4096x4096xf32, #tpu.memory_space<hbm>> -> memref<1x4096xf32, #tpu.memory_space<hbm>>
    %dma_start3A_27 = tpu.memref_squeeze %dma_start3A_26 : memref<1x4096xf32, #tpu.memory_space<hbm>> -> memref<4096xf32, #tpu.memory_space<hbm>>
    %dma_start3A_28 = arith.constant 4096 : i32
    %dma_start3A_29 = tpu.memref_slice %arg6[%dma_start3A_28] : memref<32768xf32, #tpu.memory_space<vmem>> -> memref<4096xf32, #tpu.memory_space<vmem>>
    %dma_start3A_30 = arith.constant 0 : i32
    %dma_start3A_31 = tpu.memref_slice %arg2[%add3A_22, %dma_start3A_30] : memref<4096x4096xf32, #tpu.memory_space<hbm>> -> memref<1x4096xf32, #tpu.memory_space<hbm>>
    %dma_start3A_32 = tpu.memref_squeeze %dma_start3A_31 : memref<1x4096xf32, #tpu.memory_space<hbm>> -> memref<4096xf32, #tpu.memory_space<hbm>>
    tpu.enqueue_dma source(%dma_start3A_32 : memref<4096xf32, #tpu.memory_space<hbm>>) target(%dma_start3A_29 : memref<4096xf32, #tpu.memory_space<vmem>>) target_semaphore(%arg15 : memref<!tpu.dma_semaphore, #tpu.memory_space<semaphore_mem>>)
    %add3A_33 = arith.constant 2 : i32
    %add3A_34 = arith.addi %add3A_9, %add3A_33 : i32
    %dma_start3A_35 = arith.constant 8192 : i32
    %dma_start3A_36 = tpu.memref_slice %arg6[%dma_start3A_35] : memref<32768xf32, #tpu.memory_space<vmem>> -> memref<4096xf32, #tpu.memory_space<vmem>>
    %dma_start3A_37 = arith.constant 0 : i32
    %dma_start3A_38 = tpu.memref_slice %arg2[%add3A_34, %dma_start3A_37] : memref<4096x4096xf32, #tpu.memory_space<hbm>> -> memref<1x4096xf32, #tpu.memory_space<hbm>>
    %dma_start3A_39 = tpu.memref_squeeze %dma_start3A_38 : memref<1x4096xf32, #tpu.memory_space<hbm>> -> memref<4096xf32, #tpu.memory_space<hbm>>
    %dma_start3A_40 = arith.constant 8192 : i32
    %dma_start3A_41 = tpu.memref_slice %arg6[%dma_start3A_40] : memref<32768xf32, #tpu.memory_space<vmem>> -> memref<4096xf32, #tpu.memory_space<vmem>>
    %dma_start3A_42 = arith.constant 0 : i32
    %dma_start3A_43 = tpu.memref_slice %arg2[%add3A_34, %dma_start3A_42] : memref<4096x4096xf32, #tpu.memory_space<hbm>> -> memref<1x4096xf32, #tpu.memory_space<hbm>>
    %dma_start3A_44 = tpu.memref_squeeze %dma_start3A_43 : memref<1x4096xf32, #tpu.memory_space<hbm>> -> memref<4096xf32, #tpu.memory_space<hbm>>
    tpu.enqueue_dma source(%dma_start3A_44 : memref<4096xf32, #tpu.memory_space<hbm>>) target(%dma_start3A_41 : memref<4096xf32, #tpu.memory_space<vmem>>) target_semaphore(%arg15 : memref<!tpu.dma_semaphore, #tpu.memory_space<semaphore_mem>>)
    %add3A_45 = arith.constant 3 : i32
    %add3A_46 = arith.addi %add3A_9, %add3A_45 : i32
    %dma_start3A_47 = arith.constant 12288 : i32
    %dma_start3A_48 = tpu.memref_slice %arg6[%dma_start3A_47] : memref<32768xf32, #tpu.memory_space<vmem>> -> memref<4096xf32, #tpu.memory_space<vmem>>
    %dma_start3A_49 = arith.constant 0 : i32
    %dma_start3A_50 = tpu.memref_slice %arg2[%add3A_46, %dma_start3A_49] : memref<4096x4096xf32, #tpu.memory_space<hbm>> -> memref<1x4096xf32, #tpu.memory_space<hbm>>
    %dma_start3A_51 = tpu.memref_squeeze %dma_start3A_50 : memref<1x4096xf32, #tpu.memory_space<hbm>> -> memref<4096xf32, #tpu.memory_space<hbm>>
    %dma_start3A_52 = arith.constant 12288 : i32
    %dma_start3A_53 = tpu.memref_slice %arg6[%dma_start3A_52] : memref<32768xf32, #tpu.memory_space<vmem>> -> memref<4096xf32, #tpu.memory_space<vmem>>
    %dma_start3A_54 = arith.constant 0 : i32
    %dma_start3A_55 = tpu.memref_slice %arg2[%add3A_46, %dma_start3A_54] : memref<4096x4096xf32, #tpu.memory_space<hbm>> -> memref<1x4096xf32, #tpu.memory_space<hbm>>
    %dma_start3A_56 = tpu.memref_squeeze %dma_start3A_55 : memref<1x4096xf32, #tpu.memory_space<hbm>> -> memref<4096xf32, #tpu.memory_space<hbm>>
    tpu.enqueue_dma source(%dma_start3A_56 : memref<4096xf32, #tpu.memory_space<hbm>>) target(%dma_start3A_53 : memref<4096xf32, #tpu.memory_space<vmem>>) target_semaphore(%arg15 : memref<!tpu.dma_semaphore, #tpu.memory_space<semaphore_mem>>)
    %add3A_57 = arith.constant 4 : i32
    %add3A_58 = arith.addi %add3A_9, %add3A_57 : i32
    %dma_start3A_59 = arith.constant 16384 : i32
    %dma_start3A_60 = tpu.memref_slice %arg6[%dma_start3A_59] : memref<32768xf32, #tpu.memory_space<vmem>> -> memref<4096xf32, #tpu.memory_space<vmem>>
    %dma_start3A_61 = arith.constant 0 : i32
    %dma_start3A_62 = tpu.memref_slice %arg2[%add3A_58, %dma_start3A_61] : memref<4096x4096xf32, #tpu.memory_space<hbm>> -> memref<1x4096xf32, #tpu.memory_space<hbm>>
    %dma_start3A_63 = tpu.memref_squeeze %dma_start3A_62 : memref<1x4096xf32, #tpu.memory_space<hbm>> -> memref<4096xf32, #tpu.memory_space<hbm>>
    %dma_start3A_64 = arith.constant 16384 : i32
    %dma_start3A_65 = tpu.memref_slice %arg6[%dma_start3A_64] : memref<32768xf32, #tpu.memory_space<vmem>> -> memref<4096xf32, #tpu.memory_space<vmem>>
    %dma_start3A_66 = arith.constant 0 : i32
    %dma_start3A_67 = tpu.memref_slice %arg2[%add3A_58, %dma_start3A_66] : memref<4096x4096xf32, #tpu.memory_space<hbm>> -> memref<1x4096xf32, #tpu.memory_space<hbm>>
    %dma_start3A_68 = tpu.memref_squeeze %dma_start3A_67 : memref<1x4096xf32, #tpu.memory_space<hbm>> -> memref<4096xf32, #tpu.memory_space<hbm>>
    tpu.enqueue_dma source(%dma_start3A_68 : memref<4096xf32, #tpu.memory_space<hbm>>) target(%dma_start3A_65 : memref<4096xf32, #tpu.memory_space<vmem>>) target_semaphore(%arg15 : memref<!tpu.dma_semaphore, #tpu.memory_space<semaphore_mem>>)
    %add3A_69 = arith.constant 5 : i32
    %add3A_70 = arith.addi %add3A_9, %add3A_69 : i32
    %dma_start3A_71 = arith.constant 20480 : i32
    %dma_start3A_72 = tpu.memref_slice %arg6[%dma_start3A_71] : memref<32768xf32, #tpu.memory_space<vmem>> -> memref<4096xf32, #tpu.memory_space<vmem>>
    %dma_start3A_73 = arith.constant 0 : i32
    %dma_start3A_74 = tpu.memref_slice %arg2[%add3A_70, %dma_start3A_73] : memref<4096x4096xf32, #tpu.memory_space<hbm>> -> memref<1x4096xf32, #tpu.memory_space<hbm>>
    %dma_start3A_75 = tpu.memref_squeeze %dma_start3A_74 : memref<1x4096xf32, #tpu.memory_space<hbm>> -> memref<4096xf32, #tpu.memory_space<hbm>>
    %dma_start3A_76 = arith.constant 20480 : i32
    %dma_start3A_77 = tpu.memref_slice %arg6[%dma_start3A_76] : memref<32768xf32, #tpu.memory_space<vmem>> -> memref<4096xf32, #tpu.memory_space<vmem>>
    %dma_start3A_78 = arith.constant 0 : i32
    %dma_start3A_79 = tpu.memref_slice %arg2[%add3A_70, %dma_start3A_78] : memref<4096x4096xf32, #tpu.memory_space<hbm>> -> memref<1x4096xf32, #tpu.memory_space<hbm>>
    %dma_start3A_80 = tpu.memref_squeeze %dma_start3A_79 : memref<1x4096xf32, #tpu.memory_space<hbm>> -> memref<4096xf32, #tpu.memory_space<hbm>>
    tpu.enqueue_dma source(%dma_start3A_80 : memref<4096xf32, #tpu.memory_space<hbm>>) target(%dma_start3A_77 : memref<4096xf32, #tpu.memory_space<vmem>>) target_semaphore(%arg15 : memref<!tpu.dma_semaphore, #tpu.memory_space<semaphore_mem>>)
    %add3A_81 = arith.constant 6 : i32
    %add3A_82 = arith.addi %add3A_9, %add3A_81 : i32
    %dma_start3A_83 = arith.constant 24576 : i32
    %dma_start3A_84 = tpu.memref_slice %arg6[%dma_start3A_83] : memref<32768xf32, #tpu.memory_space<vmem>> -> memref<4096xf32, #tpu.memory_space<vmem>>
    %dma_start3A_85 = arith.constant 0 : i32
    %dma_start3A_86 = tpu.memref_slice %arg2[%add3A_82, %dma_start3A_85] : memref<4096x4096xf32, #tpu.memory_space<hbm>> -> memref<1x4096xf32, #tpu.memory_space<hbm>>
    %dma_start3A_87 = tpu.memref_squeeze %dma_start3A_86 : memref<1x4096xf32, #tpu.memory_space<hbm>> -> memref<4096xf32, #tpu.memory_space<hbm>>
    %dma_start3A_88 = arith.constant 24576 : i32
    %dma_start3A_89 = tpu.memref_slice %arg6[%dma_start3A_88] : memref<32768xf32, #tpu.memory_space<vmem>> -> memref<4096xf32, #tpu.memory_space<vmem>>
    %dma_start3A_90 = arith.constant 0 : i32
    %dma_start3A_91 = tpu.memref_slice %arg2[%add3A_82, %dma_start3A_90] : memref<4096x4096xf32, #tpu.memory_space<hbm>> -> memref<1x4096xf32, #tpu.memory_space<hbm>>
    %dma_start3A_92 = tpu.memref_squeeze %dma_start3A_91 : memref<1x4096xf32, #tpu.memory_space<hbm>> -> memref<4096xf32, #tpu.memory_space<hbm>>
    tpu.enqueue_dma source(%dma_start3A_92 : memref<4096xf32, #tpu.memory_space<hbm>>) target(%dma_start3A_89 : memref<4096xf32, #tpu.memory_space<vmem>>) target_semaphore(%arg15 : memref<!tpu.dma_semaphore, #tpu.memory_space<semaphore_mem>>)
    %add3A_93 = arith.constant 7 : i32
    %add3A_94 = arith.addi %add3A_9, %add3A_93 : i32
    %dma_start3A_95 = arith.constant 28672 : i32
    %dma_start3A_96 = tpu.memref_slice %arg6[%dma_start3A_95] : memref<32768xf32, #tpu.memory_space<vmem>> -> memref<4096xf32, #tpu.memory_space<vmem>>
    %dma_start3A_97 = arith.constant 0 : i32
    %dma_start3A_98 = tpu.memref_slice %arg2[%add3A_94, %dma_start3A_97] : memref<4096x4096xf32, #tpu.memory_space<hbm>> -> memref<1x4096xf32, #tpu.memory_space<hbm>>
    %dma_start3A_99 = tpu.memref_squeeze %dma_start3A_98 : memref<1x4096xf32, #tpu.memory_space<hbm>> -> memref<4096xf32, #tpu.memory_space<hbm>>
    %dma_start3A_100 = arith.constant 28672 : i32
    %dma_start3A_101 = tpu.memref_slice %arg6[%dma_start3A_100] : memref<32768xf32, #tpu.memory_space<vmem>> -> memref<4096xf32, #tpu.memory_space<vmem>>
    %dma_start3A_102 = arith.constant 0 : i32
    %dma_start3A_103 = tpu.memref_slice %arg2[%add3A_94, %dma_start3A_102] : memref<4096x4096xf32, #tpu.memory_space<hbm>> -> memref<1x4096xf32, #tpu.memory_space<hbm>>
    %dma_start3A_104 = tpu.memref_squeeze %dma_start3A_103 : memref<1x4096xf32, #tpu.memory_space<hbm>> -> memref<4096xf32, #tpu.memory_space<hbm>>
    tpu.enqueue_dma source(%dma_start3A_104 : memref<4096xf32, #tpu.memory_space<hbm>>) target(%dma_start3A_101 : memref<4096xf32, #tpu.memory_space<vmem>>) target_semaphore(%arg15 : memref<!tpu.dma_semaphore, #tpu.memory_space<semaphore_mem>>)
    %scan3A_105 = arith.constant 0 : i32
    %scan3A_106 = arith.constant 0 : i32
    %scan3A_107 = arith.constant 8 : i32
    %scan3A_108 = arith.addi %scan3A_106, %scan3A_107 : i32
    %scan3A_109 = arith.constant 1 : i32
    scf.for %scan3A_270 = %scan3A_106 to %scan3A_108 step %scan3A_109  : i32 {
      %mul3A_271 = arith.constant 2 : i32
      %mul3A_272 = arith.muli %mul3A_271, %scan3A_270 : i32
      %add3A_273 = arith.constant 1 : i32
      %add3A_274 = arith.addi %mul3A_272, %add3A_273 : i32
      %lt3A = arith.constant 16 : i32
      %lt3A_275 = arith.cmpi slt, %add3A_274, %lt3A : i32
      %convert_element_type3A = arith.extui %lt3A_275 : i1 to i32
      %cond3A = arith.constant 0 : i32
      %cond3A_276 = arith.cmpi ne, %convert_element_type3A, %cond3A : i32
      scf.if %cond3A_276 {
        %add3A_665 = arith.constant 1 : i32
        %add3A_666 = arith.addi %mul3A_272, %add3A_665 : i32
        %mul3A_667 = arith.constant 8 : i32
        %mul3A_668 = arith.muli %add3A_666, %mul3A_667 : i32
        %add3A_669 = arith.addi %mul3A_2, %mul3A_668 : i32
        %add3A_670 = arith.constant 0 : i32
        %add3A_671 = arith.addi %add3A_669, %add3A_670 : i32
        %dma_start3A_672 = arith.constant 0 : i32
        %dma_start3A_673 = tpu.memref_slice %arg7[%dma_start3A_672] : memref<32768xf32, #tpu.memory_space<vmem>> -> memref<4096xf32, #tpu.memory_space<vmem>>
        %dma_start3A_674 = arith.constant 0 : i32
        %dma_start3A_675 = tpu.memref_slice %arg2[%add3A_671, %dma_start3A_674] : memref<4096x4096xf32, #tpu.memory_space<hbm>> -> memref<1x4096xf32, #tpu.memory_space<hbm>>
        %dma_start3A_676 = tpu.memref_squeeze %dma_start3A_675 : memref<1x4096xf32, #tpu.memory_space<hbm>> -> memref<4096xf32, #tpu.memory_space<hbm>>
        %dma_start3A_677 = arith.constant 0 : i32
        %dma_start3A_678 = tpu.memref_slice %arg7[%dma_start3A_677] : memref<32768xf32, #tpu.memory_space<vmem>> -> memref<4096xf32, #tpu.memory_space<vmem>>
        %dma_start3A_679 = arith.constant 0 : i32
        %dma_start3A_680 = tpu.memref_slice %arg2[%add3A_671, %dma_start3A_679] : memref<4096x4096xf32, #tpu.memory_space<hbm>> -> memref<1x4096xf32, #tpu.memory_space<hbm>>
        %dma_start3A_681 = tpu.memref_squeeze %dma_start3A_680 : memref<1x4096xf32, #tpu.memory_space<hbm>> -> memref<4096xf32, #tpu.memory_space<hbm>>
        tpu.enqueue_dma source(%dma_start3A_681 : memref<4096xf32, #tpu.memory_space<hbm>>) target(%dma_start3A_678 : memref<4096xf32, #tpu.memory_space<vmem>>) target_semaphore(%arg16 : memref<!tpu.dma_semaphore, #tpu.memory_space<semaphore_mem>>)
        %add3A_682 = arith.constant 1 : i32
        %add3A_683 = arith.addi %add3A_669, %add3A_682 : i32
        %dma_start3A_684 = arith.constant 4096 : i32
        %dma_start3A_685 = tpu.memref_slice %arg7[%dma_start3A_684] : memref<32768xf32, #tpu.memory_space<vmem>> -> memref<4096xf32, #tpu.memory_space<vmem>>
        %dma_start3A_686 = arith.constant 0 : i32
        %dma_start3A_687 = tpu.memref_slice %arg2[%add3A_683, %dma_start3A_686] : memref<4096x4096xf32, #tpu.memory_space<hbm>> -> memref<1x4096xf32, #tpu.memory_space<hbm>>
        %dma_start3A_688 = tpu.memref_squeeze %dma_start3A_687 : memref<1x4096xf32, #tpu.memory_space<hbm>> -> memref<4096xf32, #tpu.memory_space<hbm>>
        %dma_start3A_689 = arith.constant 4096 : i32
        %dma_start3A_690 = tpu.memref_slice %arg7[%dma_start3A_689] : memref<32768xf32, #tpu.memory_space<vmem>> -> memref<4096xf32, #tpu.memory_space<vmem>>
        %dma_start3A_691 = arith.constant 0 : i32
        %dma_start3A_692 = tpu.memref_slice %arg2[%add3A_683, %dma_start3A_691] : memref<4096x4096xf32, #tpu.memory_space<hbm>> -> memref<1x4096xf32, #tpu.memory_space<hbm>>
        %dma_start3A_693 = tpu.memref_squeeze %dma_start3A_692 : memref<1x4096xf32, #tpu.memory_space<hbm>> -> memref<4096xf32, #tpu.memory_space<hbm>>
        tpu.enqueue_dma source(%dma_start3A_693 : memref<4096xf32, #tpu.memory_space<hbm>>) target(%dma_start3A_690 : memref<4096xf32, #tpu.memory_space<vmem>>) target_semaphore(%arg16 : memref<!tpu.dma_semaphore, #tpu.memory_space<semaphore_mem>>)
        %add3A_694 = arith.constant 2 : i32
        %add3A_695 = arith.addi %add3A_669, %add3A_694 : i32
        %dma_start3A_696 = arith.constant 8192 : i32
        %dma_start3A_697 = tpu.memref_slice %arg7[%dma_start3A_696] : memref<32768xf32, #tpu.memory_space<vmem>> -> memref<4096xf32, #tpu.memory_space<vmem>>
        %dma_start3A_698 = arith.constant 0 : i32
        %dma_start3A_699 = tpu.memref_slice %arg2[%add3A_695, %dma_start3A_698] : memref<4096x4096xf32, #tpu.memory_space<hbm>> -> memref<1x4096xf32, #tpu.memory_space<hbm>>
        %dma_start3A_700 = tpu.memref_squeeze %dma_start3A_699 : memref<1x4096xf32, #tpu.memory_space<hbm>> -> memref<4096xf32, #tpu.memory_space<hbm>>
        %dma_start3A_701 = arith.constant 8192 : i32
        %dma_start3A_702 = tpu.memref_slice %arg7[%dma_start3A_701] : memref<32768xf32, #tpu.memory_space<vmem>> -> memref<4096xf32, #tpu.memory_space<vmem>>
        %dma_start3A_703 = arith.constant 0 : i32
        %dma_start3A_704 = tpu.memref_slice %arg2[%add3A_695, %dma_start3A_703] : memref<4096x4096xf32, #tpu.memory_space<hbm>> -> memref<1x4096xf32, #tpu.memory_space<hbm>>
        %dma_start3A_705 = tpu.memref_squeeze %dma_start3A_704 : memref<1x4096xf32, #tpu.memory_space<hbm>> -> memref<4096xf32, #tpu.memory_space<hbm>>
        tpu.enqueue_dma source(%dma_start3A_705 : memref<4096xf32, #tpu.memory_space<hbm>>) target(%dma_start3A_702 : memref<4096xf32, #tpu.memory_space<vmem>>) target_semaphore(%arg16 : memref<!tpu.dma_semaphore, #tpu.memory_space<semaphore_mem>>)
        %add3A_706 = arith.constant 3 : i32
        %add3A_707 = arith.addi %add3A_669, %add3A_706 : i32
        %dma_start3A_708 = arith.constant 12288 : i32
        %dma_start3A_709 = tpu.memref_slice %arg7[%dma_start3A_708] : memref<32768xf32, #tpu.memory_space<vmem>> -> memref<4096xf32, #tpu.memory_space<vmem>>
        %dma_start3A_710 = arith.constant 0 : i32
        %dma_start3A_711 = tpu.memref_slice %arg2[%add3A_707, %dma_start3A_710] : memref<4096x4096xf32, #tpu.memory_space<hbm>> -> memref<1x4096xf32, #tpu.memory_space<hbm>>
        %dma_start3A_712 = tpu.memref_squeeze %dma_start3A_711 : memref<1x4096xf32, #tpu.memory_space<hbm>> -> memref<4096xf32, #tpu.memory_space<hbm>>
        %dma_start3A_713 = arith.constant 12288 : i32
        %dma_start3A_714 = tpu.memref_slice %arg7[%dma_start3A_713] : memref<32768xf32, #tpu.memory_space<vmem>> -> memref<4096xf32, #tpu.memory_space<vmem>>
        %dma_start3A_715 = arith.constant 0 : i32
        %dma_start3A_716 = tpu.memref_slice %arg2[%add3A_707, %dma_start3A_715] : memref<4096x4096xf32, #tpu.memory_space<hbm>> -> memref<1x4096xf32, #tpu.memory_space<hbm>>
        %dma_start3A_717 = tpu.memref_squeeze %dma_start3A_716 : memref<1x4096xf32, #tpu.memory_space<hbm>> -> memref<4096xf32, #tpu.memory_space<hbm>>
        tpu.enqueue_dma source(%dma_start3A_717 : memref<4096xf32, #tpu.memory_space<hbm>>) target(%dma_start3A_714 : memref<4096xf32, #tpu.memory_space<vmem>>) target_semaphore(%arg16 : memref<!tpu.dma_semaphore, #tpu.memory_space<semaphore_mem>>)
        %add3A_718 = arith.constant 4 : i32
        %add3A_719 = arith.addi %add3A_669, %add3A_718 : i32
        %dma_start3A_720 = arith.constant 16384 : i32
        %dma_start3A_721 = tpu.memref_slice %arg7[%dma_start3A_720] : memref<32768xf32, #tpu.memory_space<vmem>> -> memref<4096xf32, #tpu.memory_space<vmem>>
        %dma_start3A_722 = arith.constant 0 : i32
        %dma_start3A_723 = tpu.memref_slice %arg2[%add3A_719, %dma_start3A_722] : memref<4096x4096xf32, #tpu.memory_space<hbm>> -> memref<1x4096xf32, #tpu.memory_space<hbm>>
        %dma_start3A_724 = tpu.memref_squeeze %dma_start3A_723 : memref<1x4096xf32, #tpu.memory_space<hbm>> -> memref<4096xf32, #tpu.memory_space<hbm>>
        %dma_start3A_725 = arith.constant 16384 : i32
        %dma_start3A_726 = tpu.memref_slice %arg7[%dma_start3A_725] : memref<32768xf32, #tpu.memory_space<vmem>> -> memref<4096xf32, #tpu.memory_space<vmem>>
        %dma_start3A_727 = arith.constant 0 : i32
        %dma_start3A_728 = tpu.memref_slice %arg2[%add3A_719, %dma_start3A_727] : memref<4096x4096xf32, #tpu.memory_space<hbm>> -> memref<1x4096xf32, #tpu.memory_space<hbm>>
        %dma_start3A_729 = tpu.memref_squeeze %dma_start3A_728 : memref<1x4096xf32, #tpu.memory_space<hbm>> -> memref<4096xf32, #tpu.memory_space<hbm>>
        tpu.enqueue_dma source(%dma_start3A_729 : memref<4096xf32, #tpu.memory_space<hbm>>) target(%dma_start3A_726 : memref<4096xf32, #tpu.memory_space<vmem>>) target_semaphore(%arg16 : memref<!tpu.dma_semaphore, #tpu.memory_space<semaphore_mem>>)
        %add3A_730 = arith.constant 5 : i32
        %add3A_731 = arith.addi %add3A_669, %add3A_730 : i32
        %dma_start3A_732 = arith.constant 20480 : i32
        %dma_start3A_733 = tpu.memref_slice %arg7[%dma_start3A_732] : memref<32768xf32, #tpu.memory_space<vmem>> -> memref<4096xf32, #tpu.memory_space<vmem>>
        %dma_start3A_734 = arith.constant 0 : i32
        %dma_start3A_735 = tpu.memref_slice %arg2[%add3A_731, %dma_start3A_734] : memref<4096x4096xf32, #tpu.memory_space<hbm>> -> memref<1x4096xf32, #tpu.memory_space<hbm>>
        %dma_start3A_736 = tpu.memref_squeeze %dma_start3A_735 : memref<1x4096xf32, #tpu.memory_space<hbm>> -> memref<4096xf32, #tpu.memory_space<hbm>>
        %dma_start3A_737 = arith.constant 20480 : i32
        %dma_start3A_738 = tpu.memref_slice %arg7[%dma_start3A_737] : memref<32768xf32, #tpu.memory_space<vmem>> -> memref<4096xf32, #tpu.memory_space<vmem>>
        %dma_start3A_739 = arith.constant 0 : i32
        %dma_start3A_740 = tpu.memref_slice %arg2[%add3A_731, %dma_start3A_739] : memref<4096x4096xf32, #tpu.memory_space<hbm>> -> memref<1x4096xf32, #tpu.memory_space<hbm>>
        %dma_start3A_741 = tpu.memref_squeeze %dma_start3A_740 : memref<1x4096xf32, #tpu.memory_space<hbm>> -> memref<4096xf32, #tpu.memory_space<hbm>>
        tpu.enqueue_dma source(%dma_start3A_741 : memref<4096xf32, #tpu.memory_space<hbm>>) target(%dma_start3A_738 : memref<4096xf32, #tpu.memory_space<vmem>>) target_semaphore(%arg16 : memref<!tpu.dma_semaphore, #tpu.memory_space<semaphore_mem>>)
        %add3A_742 = arith.constant 6 : i32
        %add3A_743 = arith.addi %add3A_669, %add3A_742 : i32
        %dma_start3A_744 = arith.constant 24576 : i32
        %dma_start3A_745 = tpu.memref_slice %arg7[%dma_start3A_744] : memref<32768xf32, #tpu.memory_space<vmem>> -> memref<4096xf32, #tpu.memory_space<vmem>>
        %dma_start3A_746 = arith.constant 0 : i32
        %dma_start3A_747 = tpu.memref_slice %arg2[%add3A_743, %dma_start3A_746] : memref<4096x4096xf32, #tpu.memory_space<hbm>> -> memref<1x4096xf32, #tpu.memory_space<hbm>>
        %dma_start3A_748 = tpu.memref_squeeze %dma_start3A_747 : memref<1x4096xf32, #tpu.memory_space<hbm>> -> memref<4096xf32, #tpu.memory_space<hbm>>
        %dma_start3A_749 = arith.constant 24576 : i32
        %dma_start3A_750 = tpu.memref_slice %arg7[%dma_start3A_749] : memref<32768xf32, #tpu.memory_space<vmem>> -> memref<4096xf32, #tpu.memory_space<vmem>>
        %dma_start3A_751 = arith.constant 0 : i32
        %dma_start3A_752 = tpu.memref_slice %arg2[%add3A_743, %dma_start3A_751] : memref<4096x4096xf32, #tpu.memory_space<hbm>> -> memref<1x4096xf32, #tpu.memory_space<hbm>>
        %dma_start3A_753 = tpu.memref_squeeze %dma_start3A_752 : memref<1x4096xf32, #tpu.memory_space<hbm>> -> memref<4096xf32, #tpu.memory_space<hbm>>
        tpu.enqueue_dma source(%dma_start3A_753 : memref<4096xf32, #tpu.memory_space<hbm>>) target(%dma_start3A_750 : memref<4096xf32, #tpu.memory_space<vmem>>) target_semaphore(%arg16 : memref<!tpu.dma_semaphore, #tpu.memory_space<semaphore_mem>>)
        %add3A_754 = arith.constant 7 : i32
        %add3A_755 = arith.addi %add3A_669, %add3A_754 : i32
        %dma_start3A_756 = arith.constant 28672 : i32
        %dma_start3A_757 = tpu.memref_slice %arg7[%dma_start3A_756] : memref<32768xf32, #tpu.memory_space<vmem>> -> memref<4096xf32, #tpu.memory_space<vmem>>
        %dma_start3A_758 = arith.constant 0 : i32
        %dma_start3A_759 = tpu.memref_slice %arg2[%add3A_755, %dma_start3A_758] : memref<4096x4096xf32, #tpu.memory_space<hbm>> -> memref<1x4096xf32, #tpu.memory_space<hbm>>
        %dma_start3A_760 = tpu.memref_squeeze %dma_start3A_759 : memref<1x4096xf32, #tpu.memory_space<hbm>> -> memref<4096xf32, #tpu.memory_space<hbm>>
        %dma_start3A_761 = arith.constant 28672 : i32
        %dma_start3A_762 = tpu.memref_slice %arg7[%dma_start3A_761] : memref<32768xf32, #tpu.memory_space<vmem>> -> memref<4096xf32, #tpu.memory_space<vmem>>
        %dma_start3A_763 = arith.constant 0 : i32
        %dma_start3A_764 = tpu.memref_slice %arg2[%add3A_755, %dma_start3A_763] : memref<4096x4096xf32, #tpu.memory_space<hbm>> -> memref<1x4096xf32, #tpu.memory_space<hbm>>
        %dma_start3A_765 = tpu.memref_squeeze %dma_start3A_764 : memref<1x4096xf32, #tpu.memory_space<hbm>> -> memref<4096xf32, #tpu.memory_space<hbm>>
        tpu.enqueue_dma source(%dma_start3A_765 : memref<4096xf32, #tpu.memory_space<hbm>>) target(%dma_start3A_762 : memref<4096xf32, #tpu.memory_space<vmem>>) target_semaphore(%arg16 : memref<!tpu.dma_semaphore, #tpu.memory_space<semaphore_mem>>)
      } else {
      }
      %dma_wait3A_277 = arith.constant 0 : i32
      %dma_wait3A_278 = tpu.memref_slice %arg6[%dma_wait3A_277] : memref<32768xf32, #tpu.memory_space<vmem>> -> memref<4096xf32, #tpu.memory_space<vmem>>
      %dma_wait3A_279 = arith.constant 0 : i32
      %dma_wait3A_280 = tpu.memref_slice %arg2[%mul3A_2, %dma_wait3A_279] : memref<4096x4096xf32, #tpu.memory_space<hbm>> -> memref<1x4096xf32, #tpu.memory_space<hbm>>
      %dma_wait3A_281 = tpu.memref_squeeze %dma_wait3A_280 : memref<1x4096xf32, #tpu.memory_space<hbm>> -> memref<4096xf32, #tpu.memory_space<hbm>>
      %dma_wait3A_282 = arith.constant 0 : i32
      %dma_wait3A_283 = tpu.memref_slice %arg6[%dma_wait3A_282] : memref<32768xf32, #tpu.memory_space<vmem>> -> memref<4096xf32, #tpu.memory_space<vmem>>
      %dma_wait3A_284 = arith.constant 0 : i32
      %dma_wait3A_285 = tpu.memref_slice %arg2[%mul3A_2, %dma_wait3A_284] : memref<4096x4096xf32, #tpu.memory_space<hbm>> -> memref<1x4096xf32, #tpu.memory_space<hbm>>
      %dma_wait3A_286 = tpu.memref_squeeze %dma_wait3A_285 : memref<1x4096xf32, #tpu.memory_space<hbm>> -> memref<4096xf32, #tpu.memory_space<hbm>>
      tpu.wait_dma2 semaphore(%arg15 : memref<!tpu.dma_semaphore, #tpu.memory_space<semaphore_mem>>) src(%dma_wait3A_286 : memref<4096xf32, #tpu.memory_space<hbm>>) dst(%dma_wait3A_283 : memref<4096xf32, #tpu.memory_space<vmem>>)
      %dma_wait3A_287 = arith.constant 4096 : i32
      %dma_wait3A_288 = tpu.memref_slice %arg6[%dma_wait3A_287] : memref<32768xf32, #tpu.memory_space<vmem>> -> memref<4096xf32, #tpu.memory_space<vmem>>
      %dma_wait3A_289 = arith.constant 0 : i32
      %dma_wait3A_290 = tpu.memref_slice %arg2[%mul3A_2, %dma_wait3A_289] : memref<4096x4096xf32, #tpu.memory_space<hbm>> -> memref<1x4096xf32, #tpu.memory_space<hbm>>
      %dma_wait3A_291 = tpu.memref_squeeze %dma_wait3A_290 : memref<1x4096xf32, #tpu.memory_space<hbm>> -> memref<4096xf32, #tpu.memory_space<hbm>>
      %dma_wait3A_292 = arith.constant 4096 : i32
      %dma_wait3A_293 = tpu.memref_slice %arg6[%dma_wait3A_292] : memref<32768xf32, #tpu.memory_space<vmem>> -> memref<4096xf32, #tpu.memory_space<vmem>>
      %dma_wait3A_294 = arith.constant 0 : i32
      %dma_wait3A_295 = tpu.memref_slice %arg2[%mul3A_2, %dma_wait3A_294] : memref<4096x4096xf32, #tpu.memory_space<hbm>> -> memref<1x4096xf32, #tpu.memory_space<hbm>>
      %dma_wait3A_296 = tpu.memref_squeeze %dma_wait3A_295 : memref<1x4096xf32, #tpu.memory_space<hbm>> -> memref<4096xf32, #tpu.memory_space<hbm>>
      tpu.wait_dma2 semaphore(%arg15 : memref<!tpu.dma_semaphore, #tpu.memory_space<semaphore_mem>>) src(%dma_wait3A_296 : memref<4096xf32, #tpu.memory_space<hbm>>) dst(%dma_wait3A_293 : memref<4096xf32, #tpu.memory_space<vmem>>)
      %dma_wait3A_297 = arith.constant 8192 : i32
      %dma_wait3A_298 = tpu.memref_slice %arg6[%dma_wait3A_297] : memref<32768xf32, #tpu.memory_space<vmem>> -> memref<4096xf32, #tpu.memory_space<vmem>>
      %dma_wait3A_299 = arith.constant 0 : i32
      %dma_wait3A_300 = tpu.memref_slice %arg2[%mul3A_2, %dma_wait3A_299] : memref<4096x4096xf32, #tpu.memory_space<hbm>> -> memref<1x4096xf32, #tpu.memory_space<hbm>>
      %dma_wait3A_301 = tpu.memref_squeeze %dma_wait3A_300 : memref<1x4096xf32, #tpu.memory_space<hbm>> -> memref<4096xf32, #tpu.memory_space<hbm>>
      %dma_wait3A_302 = arith.constant 8192 : i32
      %dma_wait3A_303 = tpu.memref_slice %arg6[%dma_wait3A_302] : memref<32768xf32, #tpu.memory_space<vmem>> -> memref<4096xf32, #tpu.memory_space<vmem>>
      %dma_wait3A_304 = arith.constant 0 : i32
      %dma_wait3A_305 = tpu.memref_slice %arg2[%mul3A_2, %dma_wait3A_304] : memref<4096x4096xf32, #tpu.memory_space<hbm>> -> memref<1x4096xf32, #tpu.memory_space<hbm>>
      %dma_wait3A_306 = tpu.memref_squeeze %dma_wait3A_305 : memref<1x4096xf32, #tpu.memory_space<hbm>> -> memref<4096xf32, #tpu.memory_space<hbm>>
      tpu.wait_dma2 semaphore(%arg15 : memref<!tpu.dma_semaphore, #tpu.memory_space<semaphore_mem>>) src(%dma_wait3A_306 : memref<4096xf32, #tpu.memory_space<hbm>>) dst(%dma_wait3A_303 : memref<4096xf32, #tpu.memory_space<vmem>>)
      %dma_wait3A_307 = arith.constant 12288 : i32
      %dma_wait3A_308 = tpu.memref_slice %arg6[%dma_wait3A_307] : memref<32768xf32, #tpu.memory_space<vmem>> -> memref<4096xf32, #tpu.memory_space<vmem>>
      %dma_wait3A_309 = arith.constant 0 : i32
      %dma_wait3A_310 = tpu.memref_slice %arg2[%mul3A_2, %dma_wait3A_309] : memref<4096x4096xf32, #tpu.memory_space<hbm>> -> memref<1x4096xf32, #tpu.memory_space<hbm>>
      %dma_wait3A_311 = tpu.memref_squeeze %dma_wait3A_310 : memref<1x4096xf32, #tpu.memory_space<hbm>> -> memref<4096xf32, #tpu.memory_space<hbm>>
      %dma_wait3A_312 = arith.constant 12288 : i32
      %dma_wait3A_313 = tpu.memref_slice %arg6[%dma_wait3A_312] : memref<32768xf32, #tpu.memory_space<vmem>> -> memref<4096xf32, #tpu.memory_space<vmem>>
      %dma_wait3A_314 = arith.constant 0 : i32
      %dma_wait3A_315 = tpu.memref_slice %arg2[%mul3A_2, %dma_wait3A_314] : memref<4096x4096xf32, #tpu.memory_space<hbm>> -> memref<1x4096xf32, #tpu.memory_space<hbm>>
      %dma_wait3A_316 = tpu.memref_squeeze %dma_wait3A_315 : memref<1x4096xf32, #tpu.memory_space<hbm>> -> memref<4096xf32, #tpu.memory_space<hbm>>
      tpu.wait_dma2 semaphore(%arg15 : memref<!tpu.dma_semaphore, #tpu.memory_space<semaphore_mem>>) src(%dma_wait3A_316 : memref<4096xf32, #tpu.memory_space<hbm>>) dst(%dma_wait3A_313 : memref<4096xf32, #tpu.memory_space<vmem>>)
      %dma_wait3A_317 = arith.constant 16384 : i32
      %dma_wait3A_318 = tpu.memref_slice %arg6[%dma_wait3A_317] : memref<32768xf32, #tpu.memory_space<vmem>> -> memref<4096xf32, #tpu.memory_space<vmem>>
      %dma_wait3A_319 = arith.constant 0 : i32
      %dma_wait3A_320 = tpu.memref_slice %arg2[%mul3A_2, %dma_wait3A_319] : memref<4096x4096xf32, #tpu.memory_space<hbm>> -> memref<1x4096xf32, #tpu.memory_space<hbm>>
      %dma_wait3A_321 = tpu.memref_squeeze %dma_wait3A_320 : memref<1x4096xf32, #tpu.memory_space<hbm>> -> memref<4096xf32, #tpu.memory_space<hbm>>
      %dma_wait3A_322 = arith.constant 16384 : i32
      %dma_wait3A_323 = tpu.memref_slice %arg6[%dma_wait3A_322] : memref<32768xf32, #tpu.memory_space<vmem>> -> memref<4096xf32, #tpu.memory_space<vmem>>
      %dma_wait3A_324 = arith.constant 0 : i32
      %dma_wait3A_325 = tpu.memref_slice %arg2[%mul3A_2, %dma_wait3A_324] : memref<4096x4096xf32, #tpu.memory_space<hbm>> -> memref<1x4096xf32, #tpu.memory_space<hbm>>
      %dma_wait3A_326 = tpu.memref_squeeze %dma_wait3A_325 : memref<1x4096xf32, #tpu.memory_space<hbm>> -> memref<4096xf32, #tpu.memory_space<hbm>>
      tpu.wait_dma2 semaphore(%arg15 : memref<!tpu.dma_semaphore, #tpu.memory_space<semaphore_mem>>) src(%dma_wait3A_326 : memref<4096xf32, #tpu.memory_space<hbm>>) dst(%dma_wait3A_323 : memref<4096xf32, #tpu.memory_space<vmem>>)
      %dma_wait3A_327 = arith.constant 20480 : i32
      %dma_wait3A_328 = tpu.memref_slice %arg6[%dma_wait3A_327] : memref<32768xf32, #tpu.memory_space<vmem>> -> memref<4096xf32, #tpu.memory_space<vmem>>
      %dma_wait3A_329 = arith.constant 0 : i32
      %dma_wait3A_330 = tpu.memref_slice %arg2[%mul3A_2, %dma_wait3A_329] : memref<4096x4096xf32, #tpu.memory_space<hbm>> -> memref<1x4096xf32, #tpu.memory_space<hbm>>
      %dma_wait3A_331 = tpu.memref_squeeze %dma_wait3A_330 : memref<1x4096xf32, #tpu.memory_space<hbm>> -> memref<4096xf32, #tpu.memory_space<hbm>>
      %dma_wait3A_332 = arith.constant 20480 : i32
      %dma_wait3A_333 = tpu.memref_slice %arg6[%dma_wait3A_332] : memref<32768xf32, #tpu.memory_space<vmem>> -> memref<4096xf32, #tpu.memory_space<vmem>>
      %dma_wait3A_334 = arith.constant 0 : i32
      %dma_wait3A_335 = tpu.memref_slice %arg2[%mul3A_2, %dma_wait3A_334] : memref<4096x4096xf32, #tpu.memory_space<hbm>> -> memref<1x4096xf32, #tpu.memory_space<hbm>>
      %dma_wait3A_336 = tpu.memref_squeeze %dma_wait3A_335 : memref<1x4096xf32, #tpu.memory_space<hbm>> -> memref<4096xf32, #tpu.memory_space<hbm>>
      tpu.wait_dma2 semaphore(%arg15 : memref<!tpu.dma_semaphore, #tpu.memory_space<semaphore_mem>>) src(%dma_wait3A_336 : memref<4096xf32, #tpu.memory_space<hbm>>) dst(%dma_wait3A_333 : memref<4096xf32, #tpu.memory_space<vmem>>)
      %dma_wait3A_337 = arith.constant 24576 : i32
      %dma_wait3A_338 = tpu.memref_slice %arg6[%dma_wait3A_337] : memref<32768xf32, #tpu.memory_space<vmem>> -> memref<4096xf32, #tpu.memory_space<vmem>>
      %dma_wait3A_339 = arith.constant 0 : i32
      %dma_wait3A_340 = tpu.memref_slice %arg2[%mul3A_2, %dma_wait3A_339] : memref<4096x4096xf32, #tpu.memory_space<hbm>> -> memref<1x4096xf32, #tpu.memory_space<hbm>>
      %dma_wait3A_341 = tpu.memref_squeeze %dma_wait3A_340 : memref<1x4096xf32, #tpu.memory_space<hbm>> -> memref<4096xf32, #tpu.memory_space<hbm>>
      %dma_wait3A_342 = arith.constant 24576 : i32
      %dma_wait3A_343 = tpu.memref_slice %arg6[%dma_wait3A_342] : memref<32768xf32, #tpu.memory_space<vmem>> -> memref<4096xf32, #tpu.memory_space<vmem>>
      %dma_wait3A_344 = arith.constant 0 : i32
      %dma_wait3A_345 = tpu.memref_slice %arg2[%mul3A_2, %dma_wait3A_344] : memref<4096x4096xf32, #tpu.memory_space<hbm>> -> memref<1x4096xf32, #tpu.memory_space<hbm>>
      %dma_wait3A_346 = tpu.memref_squeeze %dma_wait3A_345 : memref<1x4096xf32, #tpu.memory_space<hbm>> -> memref<4096xf32, #tpu.memory_space<hbm>>
      tpu.wait_dma2 semaphore(%arg15 : memref<!tpu.dma_semaphore, #tpu.memory_space<semaphore_mem>>) src(%dma_wait3A_346 : memref<4096xf32, #tpu.memory_space<hbm>>) dst(%dma_wait3A_343 : memref<4096xf32, #tpu.memory_space<vmem>>)
      %dma_wait3A_347 = arith.constant 28672 : i32
      %dma_wait3A_348 = tpu.memref_slice %arg6[%dma_wait3A_347] : memref<32768xf32, #tpu.memory_space<vmem>> -> memref<4096xf32, #tpu.memory_space<vmem>>
      %dma_wait3A_349 = arith.constant 0 : i32
      %dma_wait3A_350 = tpu.memref_slice %arg2[%mul3A_2, %dma_wait3A_349] : memref<4096x4096xf32, #tpu.memory_space<hbm>> -> memref<1x4096xf32, #tpu.memory_space<hbm>>
      %dma_wait3A_351 = tpu.memref_squeeze %dma_wait3A_350 : memref<1x4096xf32, #tpu.memory_space<hbm>> -> memref<4096xf32, #tpu.memory_space<hbm>>
      %dma_wait3A_352 = arith.constant 28672 : i32
      %dma_wait3A_353 = tpu.memref_slice %arg6[%dma_wait3A_352] : memref<32768xf32, #tpu.memory_space<vmem>> -> memref<4096xf32, #tpu.memory_space<vmem>>
      %dma_wait3A_354 = arith.constant 0 : i32
      %dma_wait3A_355 = tpu.memref_slice %arg2[%mul3A_2, %dma_wait3A_354] : memref<4096x4096xf32, #tpu.memory_space<hbm>> -> memref<1x4096xf32, #tpu.memory_space<hbm>>
      %dma_wait3A_356 = tpu.memref_squeeze %dma_wait3A_355 : memref<1x4096xf32, #tpu.memory_space<hbm>> -> memref<4096xf32, #tpu.memory_space<hbm>>
      tpu.wait_dma2 semaphore(%arg15 : memref<!tpu.dma_semaphore, #tpu.memory_space<semaphore_mem>>) src(%dma_wait3A_356 : memref<4096xf32, #tpu.memory_space<hbm>>) dst(%dma_wait3A_353 : memref<4096xf32, #tpu.memory_space<vmem>>)
      %gt3A = arith.constant 0 : i32
      %gt3A_357 = arith.cmpi sgt, %scan3A_270, %gt3A : i32
      %convert_element_type3A_358 = arith.extui %gt3A_357 : i1 to i32
      %cond3A_359 = arith.constant 0 : i32
      %cond3A_360 = arith.cmpi ne, %convert_element_type3A_358, %cond3A_359 : i32
      scf.if %cond3A_360 {
        %dma_wait3A_665 = arith.constant 0 : i32
        %dma_wait3A_666 = tpu.memref_slice %arg8[%dma_wait3A_665] : memref<12288xf32, #tpu.memory_space<vmem>> -> memref<1536xf32, #tpu.memory_space<vmem>>
        %dma_wait3A_667 = arith.constant 0 : i32
        %dma_wait3A_668 = tpu.memref_slice %arg5[%mul3A_2, %dma_wait3A_667] : memref<4096x1536xf32, #tpu.memory_space<hbm>> -> memref<1x1536xf32, #tpu.memory_space<hbm>>
        %dma_wait3A_669 = tpu.memref_squeeze %dma_wait3A_668 : memref<1x1536xf32, #tpu.memory_space<hbm>> -> memref<1536xf32, #tpu.memory_space<hbm>>
        %dma_wait3A_670 = arith.constant 0 : i32
        %dma_wait3A_671 = tpu.memref_slice %arg5[%mul3A_2, %dma_wait3A_670] : memref<4096x1536xf32, #tpu.memory_space<hbm>> -> memref<1x1536xf32, #tpu.memory_space<hbm>>
        %dma_wait3A_672 = tpu.memref_squeeze %dma_wait3A_671 : memref<1x1536xf32, #tpu.memory_space<hbm>> -> memref<1536xf32, #tpu.memory_space<hbm>>
        %dma_wait3A_673 = arith.constant 0 : i32
        %dma_wait3A_674 = tpu.memref_slice %arg8[%dma_wait3A_673] : memref<12288xf32, #tpu.memory_space<vmem>> -> memref<1536xf32, #tpu.memory_space<vmem>>
        tpu.wait_dma2 semaphore(%arg17 : memref<!tpu.dma_semaphore, #tpu.memory_space<semaphore_mem>>) src(%dma_wait3A_674 : memref<1536xf32, #tpu.memory_space<vmem>>) dst(%dma_wait3A_672 : memref<1536xf32, #tpu.memory_space<hbm>>)
        %dma_wait3A_675 = arith.constant 1536 : i32
        %dma_wait3A_676 = tpu.memref_slice %arg8[%dma_wait3A_675] : memref<12288xf32, #tpu.memory_space<vmem>> -> memref<1536xf32, #tpu.memory_space<vmem>>
        %dma_wait3A_677 = arith.constant 0 : i32
        %dma_wait3A_678 = tpu.memref_slice %arg5[%mul3A_2, %dma_wait3A_677] : memref<4096x1536xf32, #tpu.memory_space<hbm>> -> memref<1x1536xf32, #tpu.memory_space<hbm>>
        %dma_wait3A_679 = tpu.memref_squeeze %dma_wait3A_678 : memref<1x1536xf32, #tpu.memory_space<hbm>> -> memref<1536xf32, #tpu.memory_space<hbm>>
        %dma_wait3A_680 = arith.constant 0 : i32
        %dma_wait3A_681 = tpu.memref_slice %arg5[%mul3A_2, %dma_wait3A_680] : memref<4096x1536xf32, #tpu.memory_space<hbm>> -> memref<1x1536xf32, #tpu.memory_space<hbm>>
        %dma_wait3A_682 = tpu.memref_squeeze %dma_wait3A_681 : memref<1x1536xf32, #tpu.memory_space<hbm>> -> memref<1536xf32, #tpu.memory_space<hbm>>
        %dma_wait3A_683 = arith.constant 1536 : i32
        %dma_wait3A_684 = tpu.memref_slice %arg8[%dma_wait3A_683] : memref<12288xf32, #tpu.memory_space<vmem>> -> memref<1536xf32, #tpu.memory_space<vmem>>
        tpu.wait_dma2 semaphore(%arg17 : memref<!tpu.dma_semaphore, #tpu.memory_space<semaphore_mem>>) src(%dma_wait3A_684 : memref<1536xf32, #tpu.memory_space<vmem>>) dst(%dma_wait3A_682 : memref<1536xf32, #tpu.memory_space<hbm>>)
        %dma_wait3A_685 = arith.constant 3072 : i32
        %dma_wait3A_686 = tpu.memref_slice %arg8[%dma_wait3A_685] : memref<12288xf32, #tpu.memory_space<vmem>> -> memref<1536xf32, #tpu.memory_space<vmem>>
        %dma_wait3A_687 = arith.constant 0 : i32
        %dma_wait3A_688 = tpu.memref_slice %arg5[%mul3A_2, %dma_wait3A_687] : memref<4096x1536xf32, #tpu.memory_space<hbm>> -> memref<1x1536xf32, #tpu.memory_space<hbm>>
        %dma_wait3A_689 = tpu.memref_squeeze %dma_wait3A_688 : memref<1x1536xf32, #tpu.memory_space<hbm>> -> memref<1536xf32, #tpu.memory_space<hbm>>
        %dma_wait3A_690 = arith.constant 0 : i32
        %dma_wait3A_691 = tpu.memref_slice %arg5[%mul3A_2, %dma_wait3A_690] : memref<4096x1536xf32, #tpu.memory_space<hbm>> -> memref<1x1536xf32, #tpu.memory_space<hbm>>
        %dma_wait3A_692 = tpu.memref_squeeze %dma_wait3A_691 : memref<1x1536xf32, #tpu.memory_space<hbm>> -> memref<1536xf32, #tpu.memory_space<hbm>>
        %dma_wait3A_693 = arith.constant 3072 : i32
        %dma_wait3A_694 = tpu.memref_slice %arg8[%dma_wait3A_693] : memref<12288xf32, #tpu.memory_space<vmem>> -> memref<1536xf32, #tpu.memory_space<vmem>>
        tpu.wait_dma2 semaphore(%arg17 : memref<!tpu.dma_semaphore, #tpu.memory_space<semaphore_mem>>) src(%dma_wait3A_694 : memref<1536xf32, #tpu.memory_space<vmem>>) dst(%dma_wait3A_692 : memref<1536xf32, #tpu.memory_space<hbm>>)
        %dma_wait3A_695 = arith.constant 4608 : i32
        %dma_wait3A_696 = tpu.memref_slice %arg8[%dma_wait3A_695] : memref<12288xf32, #tpu.memory_space<vmem>> -> memref<1536xf32, #tpu.memory_space<vmem>>
        %dma_wait3A_697 = arith.constant 0 : i32
        %dma_wait3A_698 = tpu.memref_slice %arg5[%mul3A_2, %dma_wait3A_697] : memref<4096x1536xf32, #tpu.memory_space<hbm>> -> memref<1x1536xf32, #tpu.memory_space<hbm>>
        %dma_wait3A_699 = tpu.memref_squeeze %dma_wait3A_698 : memref<1x1536xf32, #tpu.memory_space<hbm>> -> memref<1536xf32, #tpu.memory_space<hbm>>
        %dma_wait3A_700 = arith.constant 0 : i32
        %dma_wait3A_701 = tpu.memref_slice %arg5[%mul3A_2, %dma_wait3A_700] : memref<4096x1536xf32, #tpu.memory_space<hbm>> -> memref<1x1536xf32, #tpu.memory_space<hbm>>
        %dma_wait3A_702 = tpu.memref_squeeze %dma_wait3A_701 : memref<1x1536xf32, #tpu.memory_space<hbm>> -> memref<1536xf32, #tpu.memory_space<hbm>>
        %dma_wait3A_703 = arith.constant 4608 : i32
        %dma_wait3A_704 = tpu.memref_slice %arg8[%dma_wait3A_703] : memref<12288xf32, #tpu.memory_space<vmem>> -> memref<1536xf32, #tpu.memory_space<vmem>>
        tpu.wait_dma2 semaphore(%arg17 : memref<!tpu.dma_semaphore, #tpu.memory_space<semaphore_mem>>) src(%dma_wait3A_704 : memref<1536xf32, #tpu.memory_space<vmem>>) dst(%dma_wait3A_702 : memref<1536xf32, #tpu.memory_space<hbm>>)
        %dma_wait3A_705 = arith.constant 6144 : i32
        %dma_wait3A_706 = tpu.memref_slice %arg8[%dma_wait3A_705] : memref<12288xf32, #tpu.memory_space<vmem>> -> memref<1536xf32, #tpu.memory_space<vmem>>
        %dma_wait3A_707 = arith.constant 0 : i32
        %dma_wait3A_708 = tpu.memref_slice %arg5[%mul3A_2, %dma_wait3A_707] : memref<4096x1536xf32, #tpu.memory_space<hbm>> -> memref<1x1536xf32, #tpu.memory_space<hbm>>
        %dma_wait3A_709 = tpu.memref_squeeze %dma_wait3A_708 : memref<1x1536xf32, #tpu.memory_space<hbm>> -> memref<1536xf32, #tpu.memory_space<hbm>>
        %dma_wait3A_710 = arith.constant 0 : i32
        %dma_wait3A_711 = tpu.memref_slice %arg5[%mul3A_2, %dma_wait3A_710] : memref<4096x1536xf32, #tpu.memory_space<hbm>> -> memref<1x1536xf32, #tpu.memory_space<hbm>>
        %dma_wait3A_712 = tpu.memref_squeeze %dma_wait3A_711 : memref<1x1536xf32, #tpu.memory_space<hbm>> -> memref<1536xf32, #tpu.memory_space<hbm>>
        %dma_wait3A_713 = arith.constant 6144 : i32
        %dma_wait3A_714 = tpu.memref_slice %arg8[%dma_wait3A_713] : memref<12288xf32, #tpu.memory_space<vmem>> -> memref<1536xf32, #tpu.memory_space<vmem>>
        tpu.wait_dma2 semaphore(%arg17 : memref<!tpu.dma_semaphore, #tpu.memory_space<semaphore_mem>>) src(%dma_wait3A_714 : memref<1536xf32, #tpu.memory_space<vmem>>) dst(%dma_wait3A_712 : memref<1536xf32, #tpu.memory_space<hbm>>)
        %dma_wait3A_715 = arith.constant 7680 : i32
        %dma_wait3A_716 = tpu.memref_slice %arg8[%dma_wait3A_715] : memref<12288xf32, #tpu.memory_space<vmem>> -> memref<1536xf32, #tpu.memory_space<vmem>>
        %dma_wait3A_717 = arith.constant 0 : i32
        %dma_wait3A_718 = tpu.memref_slice %arg5[%mul3A_2, %dma_wait3A_717] : memref<4096x1536xf32, #tpu.memory_space<hbm>> -> memref<1x1536xf32, #tpu.memory_space<hbm>>
        %dma_wait3A_719 = tpu.memref_squeeze %dma_wait3A_718 : memref<1x1536xf32, #tpu.memory_space<hbm>> -> memref<1536xf32, #tpu.memory_space<hbm>>
        %dma_wait3A_720 = arith.constant 0 : i32
        %dma_wait3A_721 = tpu.memref_slice %arg5[%mul3A_2, %dma_wait3A_720] : memref<4096x1536xf32, #tpu.memory_space<hbm>> -> memref<1x1536xf32, #tpu.memory_space<hbm>>
        %dma_wait3A_722 = tpu.memref_squeeze %dma_wait3A_721 : memref<1x1536xf32, #tpu.memory_space<hbm>> -> memref<1536xf32, #tpu.memory_space<hbm>>
        %dma_wait3A_723 = arith.constant 7680 : i32
        %dma_wait3A_724 = tpu.memref_slice %arg8[%dma_wait3A_723] : memref<12288xf32, #tpu.memory_space<vmem>> -> memref<1536xf32, #tpu.memory_space<vmem>>
        tpu.wait_dma2 semaphore(%arg17 : memref<!tpu.dma_semaphore, #tpu.memory_space<semaphore_mem>>) src(%dma_wait3A_724 : memref<1536xf32, #tpu.memory_space<vmem>>) dst(%dma_wait3A_722 : memref<1536xf32, #tpu.memory_space<hbm>>)
        %dma_wait3A_725 = arith.constant 9216 : i32
        %dma_wait3A_726 = tpu.memref_slice %arg8[%dma_wait3A_725] : memref<12288xf32, #tpu.memory_space<vmem>> -> memref<1536xf32, #tpu.memory_space<vmem>>
        %dma_wait3A_727 = arith.constant 0 : i32
        %dma_wait3A_728 = tpu.memref_slice %arg5[%mul3A_2, %dma_wait3A_727] : memref<4096x1536xf32, #tpu.memory_space<hbm>> -> memref<1x1536xf32, #tpu.memory_space<hbm>>
        %dma_wait3A_729 = tpu.memref_squeeze %dma_wait3A_728 : memref<1x1536xf32, #tpu.memory_space<hbm>> -> memref<1536xf32, #tpu.memory_space<hbm>>
        %dma_wait3A_730 = arith.constant 0 : i32
        %dma_wait3A_731 = tpu.memref_slice %arg5[%mul3A_2, %dma_wait3A_730] : memref<4096x1536xf32, #tpu.memory_space<hbm>> -> memref<1x1536xf32, #tpu.memory_space<hbm>>
        %dma_wait3A_732 = tpu.memref_squeeze %dma_wait3A_731 : memref<1x1536xf32, #tpu.memory_space<hbm>> -> memref<1536xf32, #tpu.memory_space<hbm>>
        %dma_wait3A_733 = arith.constant 9216 : i32
        %dma_wait3A_734 = tpu.memref_slice %arg8[%dma_wait3A_733] : memref<12288xf32, #tpu.memory_space<vmem>> -> memref<1536xf32, #tpu.memory_space<vmem>>
        tpu.wait_dma2 semaphore(%arg17 : memref<!tpu.dma_semaphore, #tpu.memory_space<semaphore_mem>>) src(%dma_wait3A_734 : memref<1536xf32, #tpu.memory_space<vmem>>) dst(%dma_wait3A_732 : memref<1536xf32, #tpu.memory_space<hbm>>)
        %dma_wait3A_735 = arith.constant 10752 : i32
        %dma_wait3A_736 = tpu.memref_slice %arg8[%dma_wait3A_735] : memref<12288xf32, #tpu.memory_space<vmem>> -> memref<1536xf32, #tpu.memory_space<vmem>>
        %dma_wait3A_737 = arith.constant 0 : i32
        %dma_wait3A_738 = tpu.memref_slice %arg5[%mul3A_2, %dma_wait3A_737] : memref<4096x1536xf32, #tpu.memory_space<hbm>> -> memref<1x1536xf32, #tpu.memory_space<hbm>>
        %dma_wait3A_739 = tpu.memref_squeeze %dma_wait3A_738 : memref<1x1536xf32, #tpu.memory_space<hbm>> -> memref<1536xf32, #tpu.memory_space<hbm>>
        %dma_wait3A_740 = arith.constant 0 : i32
        %dma_wait3A_741 = tpu.memref_slice %arg5[%mul3A_2, %dma_wait3A_740] : memref<4096x1536xf32, #tpu.memory_space<hbm>> -> memref<1x1536xf32, #tpu.memory_space<hbm>>
        %dma_wait3A_742 = tpu.memref_squeeze %dma_wait3A_741 : memref<1x1536xf32, #tpu.memory_space<hbm>> -> memref<1536xf32, #tpu.memory_space<hbm>>
        %dma_wait3A_743 = arith.constant 10752 : i32
        %dma_wait3A_744 = tpu.memref_slice %arg8[%dma_wait3A_743] : memref<12288xf32, #tpu.memory_space<vmem>> -> memref<1536xf32, #tpu.memory_space<vmem>>
        tpu.wait_dma2 semaphore(%arg17 : memref<!tpu.dma_semaphore, #tpu.memory_space<semaphore_mem>>) src(%dma_wait3A_744 : memref<1536xf32, #tpu.memory_space<vmem>>) dst(%dma_wait3A_742 : memref<1536xf32, #tpu.memory_space<hbm>>)
      } else {
      }
      %scan3A_361 = arith.constant 0 : i32
      %scan3A_362 = arith.constant 0 : i32
      %scan3A_363 = arith.constant 32 : i32
      %scan3A_364 = arith.addi %scan3A_362, %scan3A_363 : i32
      %scan3A_365 = arith.constant 1 : i32
      scf.for %scan3A_665 = %scan3A_362 to %scan3A_364 step %scan3A_365  : i32 {
        %mul3A_666 = arith.constant 16 : i32
        %mul3A_667 = arith.muli %scan3A_665, %mul3A_666 : i32
        %get3A = arith.index_cast %mul3A_667 : i32 to index
        %get3A_668 = tpu.vector_load %arg12[%get3A] {strides = array<i32>} : memref<512xi32, #tpu.memory_space<vmem>>, vector<16xi32>,
        %get3A_669 = arith.index_cast %mul3A_667 : i32 to index
        %get3A_670 = tpu.vector_load %arg13[%get3A_669] {strides = array<i32>} : memref<512xi32, #tpu.memory_space<vmem>>, vector<16xi32>,
        %add3A_671 = arith.constant 0 : i32
        %add3A_672 = arith.addi %add3A_671, %mul3A_667 : i32
        %get3A_673 = arith.index_cast %add3A_672 : i32 to index
        %get3A_674 = tpu.vector_load %arg14[%get3A_673] {strides = array<i32>} : memref<2048xf32, #tpu.memory_space<vmem>>, vector<16xf32>,
        %add3A_675 = arith.constant 512 : i32
        %add3A_676 = arith.addi %add3A_675, %mul3A_667 : i32
        %get3A_677 = arith.index_cast %add3A_676 : i32 to index
        %get3A_678 = tpu.vector_load %arg14[%get3A_677] {strides = array<i32>} : memref<2048xf32, #tpu.memory_space<vmem>>, vector<16xf32>,
        %add3A_679 = arith.constant 1024 : i32
        %add3A_680 = arith.addi %add3A_679, %mul3A_667 : i32
        %get3A_681 = arith.index_cast %add3A_680 : i32 to index
        %get3A_682 = tpu.vector_load %arg14[%get3A_681] {strides = array<i32>} : memref<2048xf32, #tpu.memory_space<vmem>>, vector<16xf32>,
        %add3A_683 = arith.constant 1536 : i32
        %add3A_684 = arith.addi %add3A_683, %mul3A_667 : i32
        %get3A_685 = arith.index_cast %add3A_684 : i32 to index
        %get3A_686 = tpu.vector_load %arg14[%get3A_685] {strides = array<i32>} : memref<2048xf32, #tpu.memory_space<vmem>>, vector<16xf32>,
        %add3A_687 = arith.constant 0 : i32
        %add3A_688 = vector.broadcast %add3A_687 : i32 to vector<16xi32>
        %add3A_689 = arith.addi %get3A_668, %add3A_688 : vector<16xi32>
        %add3A_690 = arith.constant 1 : i32
        %add3A_691 = vector.broadcast %add3A_690 : i32 to vector<16xi32>
        %add3A_692 = arith.addi %get3A_668, %add3A_691 : vector<16xi32>
        %add3A_693 = arith.constant 2 : i32
        %add3A_694 = vector.broadcast %add3A_693 : i32 to vector<16xi32>
        %add3A_695 = arith.addi %get3A_668, %add3A_694 : vector<16xi32>
        %add3A_696 = arith.constant 3 : i32
        %add3A_697 = vector.broadcast %add3A_696 : i32 to vector<16xi32>
        %add3A_698 = arith.addi %get3A_668, %add3A_697 : vector<16xi32>
        %add3A_699 = arith.constant 4 : i32
        %add3A_700 = vector.broadcast %add3A_699 : i32 to vector<16xi32>
        %add3A_701 = arith.addi %get3A_668, %add3A_700 : vector<16xi32>
        %add3A_702 = arith.constant 5 : i32
        %add3A_703 = vector.broadcast %add3A_702 : i32 to vector<16xi32>
        %add3A_704 = arith.addi %get3A_668, %add3A_703 : vector<16xi32>
        %add3A_705 = arith.constant 6 : i32
        %add3A_706 = vector.broadcast %add3A_705 : i32 to vector<16xi32>
        %add3A_707 = arith.addi %get3A_668, %add3A_706 : vector<16xi32>
        %add3A_708 = arith.constant 7 : i32
        %add3A_709 = vector.broadcast %add3A_708 : i32 to vector<16xi32>
        %add3A_710 = arith.addi %get3A_668, %add3A_709 : vector<16xi32>
        %add3A_711 = arith.constant 8 : i32
        %add3A_712 = vector.broadcast %add3A_711 : i32 to vector<16xi32>
        %add3A_713 = arith.addi %get3A_668, %add3A_712 : vector<16xi32>
        %add3A_714 = arith.constant 9 : i32
        %add3A_715 = vector.broadcast %add3A_714 : i32 to vector<16xi32>
        %add3A_716 = arith.addi %get3A_668, %add3A_715 : vector<16xi32>
        %add3A_717 = arith.constant 10 : i32
        %add3A_718 = vector.broadcast %add3A_717 : i32 to vector<16xi32>
        %add3A_719 = arith.addi %get3A_668, %add3A_718 : vector<16xi32>
        %add3A_720 = arith.constant 11 : i32
        %add3A_721 = vector.broadcast %add3A_720 : i32 to vector<16xi32>
        %add3A_722 = arith.addi %get3A_668, %add3A_721 : vector<16xi32>
        %add3A_723 = arith.constant 12 : i32
        %add3A_724 = vector.broadcast %add3A_723 : i32 to vector<16xi32>
        %add3A_725 = arith.addi %get3A_668, %add3A_724 : vector<16xi32>
        %add3A_726 = arith.constant 13 : i32
        %add3A_727 = vector.broadcast %add3A_726 : i32 to vector<16xi32>
        %add3A_728 = arith.addi %get3A_668, %add3A_727 : vector<16xi32>
        %add3A_729 = arith.constant 14 : i32
        %add3A_730 = vector.broadcast %add3A_729 : i32 to vector<16xi32>
        %add3A_731 = arith.addi %get3A_668, %add3A_730 : vector<16xi32>
        %add3A_732 = arith.constant 15 : i32
        %add3A_733 = vector.broadcast %add3A_732 : i32 to vector<16xi32>
        %add3A_734 = arith.addi %get3A_668, %add3A_733 : vector<16xi32>
        %add3A_735 = arith.constant 0 : i32
        %add3A_736 = vector.broadcast %add3A_735 : i32 to vector<16xi32>
        %add3A_737 = arith.addi %get3A_670, %add3A_736 : vector<16xi32>
        %add3A_738 = arith.constant 1 : i32
        %add3A_739 = vector.broadcast %add3A_738 : i32 to vector<16xi32>
        %add3A_740 = arith.addi %get3A_670, %add3A_739 : vector<16xi32>
        %add3A_741 = arith.constant 2 : i32
        %add3A_742 = vector.broadcast %add3A_741 : i32 to vector<16xi32>
        %add3A_743 = arith.addi %get3A_670, %add3A_742 : vector<16xi32>
        %add3A_744 = arith.constant 0 : i32
        %add3A_745 = vector.broadcast %add3A_744 : i32 to vector<16xi32>
        %add3A_746 = arith.addi %add3A_689, %add3A_745 : vector<16xi32>
        %gather3A = tpu.vector_load_idx %arg6[%add3A_746] : memref<32768xf32, #tpu.memory_space<vmem>>[vector<16xi32>], vector<16xf32>,
        %mul3A_747 = arith.mulf %gather3A, %get3A_674 : vector<16xf32>
        %add3A_748 = arith.constant 0 : i32
        %add3A_749 = vector.broadcast %add3A_748 : i32 to vector<16xi32>
        %add3A_750 = arith.addi %add3A_692, %add3A_749 : vector<16xi32>
        %gather3A_751 = tpu.vector_load_idx %arg6[%add3A_750] : memref<32768xf32, #tpu.memory_space<vmem>>[vector<16xi32>], vector<16xf32>,
        %mul3A_752 = arith.mulf %gather3A_751, %get3A_674 : vector<16xf32>
        %add3A_753 = arith.constant 0 : i32
        %add3A_754 = vector.broadcast %add3A_753 : i32 to vector<16xi32>
        %add3A_755 = arith.addi %add3A_695, %add3A_754 : vector<16xi32>
        %gather3A_756 = tpu.vector_load_idx %arg6[%add3A_755] : memref<32768xf32, #tpu.memory_space<vmem>>[vector<16xi32>], vector<16xf32>,
        %mul3A_757 = arith.mulf %gather3A_756, %get3A_674 : vector<16xf32>
        %add3A_758 = arith.constant 0 : i32
        %add3A_759 = vector.broadcast %add3A_758 : i32 to vector<16xi32>
        %add3A_760 = arith.addi %add3A_698, %add3A_759 : vector<16xi32>
        %gather3A_761 = tpu.vector_load_idx %arg6[%add3A_760] : memref<32768xf32, #tpu.memory_space<vmem>>[vector<16xi32>], vector<16xf32>,
        %mul3A_762 = arith.mulf %gather3A_761, %get3A_674 : vector<16xf32>
        %add3A_763 = arith.constant 0 : i32
        %add3A_764 = vector.broadcast %add3A_763 : i32 to vector<16xi32>
        %add3A_765 = arith.addi %add3A_701, %add3A_764 : vector<16xi32>
        %gather3A_766 = tpu.vector_load_idx %arg6[%add3A_765] : memref<32768xf32, #tpu.memory_space<vmem>>[vector<16xi32>], vector<16xf32>,
        %mul3A_767 = arith.mulf %gather3A_766, %get3A_678 : vector<16xf32>
        %add3A_768 = arith.addf %mul3A_747, %mul3A_767 : vector<16xf32>
        %add3A_769 = arith.constant 0 : i32
        %add3A_770 = vector.broadcast %add3A_769 : i32 to vector<16xi32>
        %add3A_771 = arith.addi %add3A_704, %add3A_770 : vector<16xi32>
        %gather3A_772 = tpu.vector_load_idx %arg6[%add3A_771] : memref<32768xf32, #tpu.memory_space<vmem>>[vector<16xi32>], vector<16xf32>,
        %mul3A_773 = arith.mulf %gather3A_772, %get3A_678 : vector<16xf32>
        %add3A_774 = arith.addf %mul3A_752, %mul3A_773 : vector<16xf32>
        %add3A_775 = arith.constant 0 : i32
        %add3A_776 = vector.broadcast %add3A_775 : i32 to vector<16xi32>
        %add3A_777 = arith.addi %add3A_707, %add3A_776 : vector<16xi32>
        %gather3A_778 = tpu.vector_load_idx %arg6[%add3A_777] : memref<32768xf32, #tpu.memory_space<vmem>>[vector<16xi32>], vector<16xf32>,
        %mul3A_779 = arith.mulf %gather3A_778, %get3A_678 : vector<16xf32>
        %add3A_780 = arith.addf %mul3A_757, %mul3A_779 : vector<16xf32>
        %add3A_781 = arith.constant 0 : i32
        %add3A_782 = vector.broadcast %add3A_781 : i32 to vector<16xi32>
        %add3A_783 = arith.addi %add3A_710, %add3A_782 : vector<16xi32>
        %gather3A_784 = tpu.vector_load_idx %arg6[%add3A_783] : memref<32768xf32, #tpu.memory_space<vmem>>[vector<16xi32>], vector<16xf32>,
        %mul3A_785 = arith.mulf %gather3A_784, %get3A_678 : vector<16xf32>
        %add3A_786 = arith.addf %mul3A_762, %mul3A_785 : vector<16xf32>
        %add3A_787 = arith.constant 0 : i32
        %add3A_788 = vector.broadcast %add3A_787 : i32 to vector<16xi32>
        %add3A_789 = arith.addi %add3A_713, %add3A_788 : vector<16xi32>
        %gather3A_790 = tpu.vector_load_idx %arg6[%add3A_789] : memref<32768xf32, #tpu.memory_space<vmem>>[vector<16xi32>], vector<16xf32>,
        %mul3A_791 = arith.mulf %gather3A_790, %get3A_682 : vector<16xf32>
        %add3A_792 = arith.addf %add3A_768, %mul3A_791 : vector<16xf32>
        %add3A_793 = arith.constant 0 : i32
        %add3A_794 = vector.broadcast %add3A_793 : i32 to vector<16xi32>
        %add3A_795 = arith.addi %add3A_716, %add3A_794 : vector<16xi32>
        %gather3A_796 = tpu.vector_load_idx %arg6[%add3A_795] : memref<32768xf32, #tpu.memory_space<vmem>>[vector<16xi32>], vector<16xf32>,
        %mul3A_797 = arith.mulf %gather3A_796, %get3A_682 : vector<16xf32>
        %add3A_798 = arith.addf %add3A_774, %mul3A_797 : vector<16xf32>
        %add3A_799 = arith.constant 0 : i32
        %add3A_800 = vector.broadcast %add3A_799 : i32 to vector<16xi32>
        %add3A_801 = arith.addi %add3A_719, %add3A_800 : vector<16xi32>
        %gather3A_802 = tpu.vector_load_idx %arg6[%add3A_801] : memref<32768xf32, #tpu.memory_space<vmem>>[vector<16xi32>], vector<16xf32>,
        %mul3A_803 = arith.mulf %gather3A_802, %get3A_682 : vector<16xf32>
        %add3A_804 = arith.addf %add3A_780, %mul3A_803 : vector<16xf32>
        %add3A_805 = arith.constant 0 : i32
        %add3A_806 = vector.broadcast %add3A_805 : i32 to vector<16xi32>
        %add3A_807 = arith.addi %add3A_722, %add3A_806 : vector<16xi32>
        %gather3A_808 = tpu.vector_load_idx %arg6[%add3A_807] : memref<32768xf32, #tpu.memory_space<vmem>>[vector<16xi32>], vector<16xf32>,
        %mul3A_809 = arith.mulf %gather3A_808, %get3A_682 : vector<16xf32>
        %add3A_810 = arith.addf %add3A_786, %mul3A_809 : vector<16xf32>
        %add3A_811 = arith.constant 0 : i32
        %add3A_812 = vector.broadcast %add3A_811 : i32 to vector<16xi32>
        %add3A_813 = arith.addi %add3A_725, %add3A_812 : vector<16xi32>
        %gather3A_814 = tpu.vector_load_idx %arg6[%add3A_813] : memref<32768xf32, #tpu.memory_space<vmem>>[vector<16xi32>], vector<16xf32>,
        %mul3A_815 = arith.mulf %gather3A_814, %get3A_686 : vector<16xf32>
        %add3A_816 = arith.addf %add3A_792, %mul3A_815 : vector<16xf32>
        %add3A_817 = arith.constant 0 : i32
        %add3A_818 = vector.broadcast %add3A_817 : i32 to vector<16xi32>
        %add3A_819 = arith.addi %add3A_728, %add3A_818 : vector<16xi32>
        %gather3A_820 = tpu.vector_load_idx %arg6[%add3A_819] : memref<32768xf32, #tpu.memory_space<vmem>>[vector<16xi32>], vector<16xf32>,
        %mul3A_821 = arith.mulf %gather3A_820, %get3A_686 : vector<16xf32>
        %add3A_822 = arith.addf %add3A_798, %mul3A_821 : vector<16xf32>
        %add3A_823 = arith.constant 0 : i32
        %add3A_824 = vector.broadcast %add3A_823 : i32 to vector<16xi32>
        %add3A_825 = arith.addi %add3A_731, %add3A_824 : vector<16xi32>
        %gather3A_826 = tpu.vector_load_idx %arg6[%add3A_825] : memref<32768xf32, #tpu.memory_space<vmem>>[vector<16xi32>], vector<16xf32>,
        %mul3A_827 = arith.mulf %gather3A_826, %get3A_686 : vector<16xf32>
        %add3A_828 = arith.addf %add3A_804, %mul3A_827 : vector<16xf32>
        %add3A_829 = arith.constant 0 : i32
        %add3A_830 = vector.broadcast %add3A_829 : i32 to vector<16xi32>
        %add3A_831 = arith.addi %add3A_734, %add3A_830 : vector<16xi32>
        %gather3A_832 = tpu.vector_load_idx %arg6[%add3A_831] : memref<32768xf32, #tpu.memory_space<vmem>>[vector<16xi32>], vector<16xf32>,
        %mul3A_833 = arith.mulf %gather3A_832, %get3A_686 : vector<16xf32>
        %add3A_834 = arith.addf %add3A_810, %mul3A_833 : vector<16xf32>
        %div3A = arith.constant 1.000000e+00 : f32
        %div3A_835 = vector.broadcast %div3A : f32 to vector<16xf32>
        %div3A_836 = arith.divf %div3A_835, %add3A_834 : vector<16xf32>
        %add3A_837 = arith.constant 0 : i32
        %add3A_838 = vector.broadcast %add3A_837 : i32 to vector<16xi32>
        %add3A_839 = arith.addi %add3A_737, %add3A_838 : vector<16xi32>
        %mul3A_840 = arith.mulf %add3A_816, %div3A_836 : vector<16xf32>
        tpu.vector_store_idx %arg8[%add3A_839], %mul3A_840 : memref<12288xf32, #tpu.memory_space<vmem>>[vector<16xi32>], vector<16xf32>,
        %add3A_841 = arith.constant 0 : i32
        %add3A_842 = vector.broadcast %add3A_841 : i32 to vector<16xi32>
        %add3A_843 = arith.addi %add3A_740, %add3A_842 : vector<16xi32>
        %mul3A_844 = arith.mulf %add3A_822, %div3A_836 : vector<16xf32>
        tpu.vector_store_idx %arg8[%add3A_843], %mul3A_844 : memref<12288xf32, #tpu.memory_space<vmem>>[vector<16xi32>], vector<16xf32>,
        %add3A_845 = arith.constant 0 : i32
        %add3A_846 = vector.broadcast %add3A_845 : i32 to vector<16xi32>
        %add3A_847 = arith.addi %add3A_743, %add3A_846 : vector<16xi32>
        %mul3A_848 = arith.mulf %add3A_828, %div3A_836 : vector<16xf32>
        tpu.vector_store_idx %arg8[%add3A_847], %mul3A_848 : memref<12288xf32, #tpu.memory_space<vmem>>[vector<16xi32>], vector<16xf32>,
        %add3A_849 = arith.constant 4096 : i32
        %add3A_850 = vector.broadcast %add3A_849 : i32 to vector<16xi32>
        %add3A_851 = arith.addi %add3A_689, %add3A_850 : vector<16xi32>
        %gather3A_852 = tpu.vector_load_idx %arg6[%add3A_851] : memref<32768xf32, #tpu.memory_space<vmem>>[vector<16xi32>], vector<16xf32>,
        %mul3A_853 = arith.mulf %gather3A_852, %get3A_674 : vector<16xf32>
        %add3A_854 = arith.constant 4096 : i32
        %add3A_855 = vector.broadcast %add3A_854 : i32 to vector<16xi32>
        %add3A_856 = arith.addi %add3A_692, %add3A_855 : vector<16xi32>
        %gather3A_857 = tpu.vector_load_idx %arg6[%add3A_856] : memref<32768xf32, #tpu.memory_space<vmem>>[vector<16xi32>], vector<16xf32>,
        %mul3A_858 = arith.mulf %gather3A_857, %get3A_674 : vector<16xf32>
        %add3A_859 = arith.constant 4096 : i32
        %add3A_860 = vector.broadcast %add3A_859 : i32 to vector<16xi32>
        %add3A_861 = arith.addi %add3A_695, %add3A_860 : vector<16xi32>
        %gather3A_862 = tpu.vector_load_idx %arg6[%add3A_861] : memref<32768xf32, #tpu.memory_space<vmem>>[vector<16xi32>], vector<16xf32>,
        %mul3A_863 = arith.mulf %gather3A_862, %get3A_674 : vector<16xf32>
        %add3A_864 = arith.constant 4096 : i32
        %add3A_865 = vector.broadcast %add3A_864 : i32 to vector<16xi32>
        %add3A_866 = arith.addi %add3A_698, %add3A_865 : vector<16xi32>
        %gather3A_867 = tpu.vector_load_idx %arg6[%add3A_866] : memref<32768xf32, #tpu.memory_space<vmem>>[vector<16xi32>], vector<16xf32>,
        %mul3A_868 = arith.mulf %gather3A_867, %get3A_674 : vector<16xf32>
        %add3A_869 = arith.constant 4096 : i32
        %add3A_870 = vector.broadcast %add3A_869 : i32 to vector<16xi32>
        %add3A_871 = arith.addi %add3A_701, %add3A_870 : vector<16xi32>
        %gather3A_872 = tpu.vector_load_idx %arg6[%add3A_871] : memref<32768xf32, #tpu.memory_space<vmem>>[vector<16xi32>], vector<16xf32>,
        %mul3A_873 = arith.mulf %gather3A_872, %get3A_678 : vector<16xf32>
        %add3A_874 = arith.addf %mul3A_853, %mul3A_873 : vector<16xf32>
        %add3A_875 = arith.constant 4096 : i32
        %add3A_876 = vector.broadcast %add3A_875 : i32 to vector<16xi32>
        %add3A_877 = arith.addi %add3A_704, %add3A_876 : vector<16xi32>
        %gather3A_878 = tpu.vector_load_idx %arg6[%add3A_877] : memref<32768xf32, #tpu.memory_space<vmem>>[vector<16xi32>], vector<16xf32>,
        %mul3A_879 = arith.mulf %gather3A_878, %get3A_678 : vector<16xf32>
        %add3A_880 = arith.addf %mul3A_858, %mul3A_879 : vector<16xf32>
        %add3A_881 = arith.constant 4096 : i32
        %add3A_882 = vector.broadcast %add3A_881 : i32 to vector<16xi32>
        %add3A_883 = arith.addi %add3A_707, %add3A_882 : vector<16xi32>
        %gather3A_884 = tpu.vector_load_idx %arg6[%add3A_883] : memref<32768xf32, #tpu.memory_space<vmem>>[vector<16xi32>], vector<16xf32>,
        %mul3A_885 = arith.mulf %gather3A_884, %get3A_678 : vector<16xf32>
        %add3A_886 = arith.addf %mul3A_863, %mul3A_885 : vector<16xf32>
        %add3A_887 = arith.constant 4096 : i32
        %add3A_888 = vector.broadcast %add3A_887 : i32 to vector<16xi32>
        %add3A_889 = arith.addi %add3A_710, %add3A_888 : vector<16xi32>
        %gather3A_890 = tpu.vector_load_idx %arg6[%add3A_889] : memref<32768xf32, #tpu.memory_space<vmem>>[vector<16xi32>], vector<16xf32>,
        %mul3A_891 = arith.mulf %gather3A_890, %get3A_678 : vector<16xf32>
        %add3A_892 = arith.addf %mul3A_868, %mul3A_891 : vector<16xf32>
        %add3A_893 = arith.constant 4096 : i32
        %add3A_894 = vector.broadcast %add3A_893 : i32 to vector<16xi32>
        %add3A_895 = arith.addi %add3A_713, %add3A_894 : vector<16xi32>
        %gather3A_896 = tpu.vector_load_idx %arg6[%add3A_895] : memref<32768xf32, #tpu.memory_space<vmem>>[vector<16xi32>], vector<16xf32>,
        %mul3A_897 = arith.mulf %gather3A_896, %get3A_682 : vector<16xf32>
        %add3A_898 = arith.addf %add3A_874, %mul3A_897 : vector<16xf32>
        %add3A_899 = arith.constant 4096 : i32
        %add3A_900 = vector.broadcast %add3A_899 : i32 to vector<16xi32>
        %add3A_901 = arith.addi %add3A_716, %add3A_900 : vector<16xi32>
        %gather3A_902 = tpu.vector_load_idx %arg6[%add3A_901] : memref<32768xf32, #tpu.memory_space<vmem>>[vector<16xi32>], vector<16xf32>,
        %mul3A_903 = arith.mulf %gather3A_902, %get3A_682 : vector<16xf32>
        %add3A_904 = arith.addf %add3A_880, %mul3A_903 : vector<16xf32>
        %add3A_905 = arith.constant 4096 : i32
        %add3A_906 = vector.broadcast %add3A_905 : i32 to vector<16xi32>
        %add3A_907 = arith.addi %add3A_719, %add3A_906 : vector<16xi32>
        %gather3A_908 = tpu.vector_load_idx %arg6[%add3A_907] : memref<32768xf32, #tpu.memory_space<vmem>>[vector<16xi32>], vector<16xf32>,
        %mul3A_909 = arith.mulf %gather3A_908, %get3A_682 : vector<16xf32>
        %add3A_910 = arith.addf %add3A_886, %mul3A_909 : vector<16xf32>
        %add3A_911 = arith.constant 4096 : i32
        %add3A_912 = vector.broadcast %add3A_911 : i32 to vector<16xi32>
        %add3A_913 = arith.addi %add3A_722, %add3A_912 : vector<16xi32>
        %gather3A_914 = tpu.vector_load_idx %arg6[%add3A_913] : memref<32768xf32, #tpu.memory_space<vmem>>[vector<16xi32>], vector<16xf32>,
        %mul3A_915 = arith.mulf %gather3A_914, %get3A_682 : vector<16xf32>
        %add3A_916 = arith.addf %add3A_892, %mul3A_915 : vector<16xf32>
        %add3A_917 = arith.constant 4096 : i32
        %add3A_918 = vector.broadcast %add3A_917 : i32 to vector<16xi32>
        %add3A_919 = arith.addi %add3A_725, %add3A_918 : vector<16xi32>
        %gather3A_920 = tpu.vector_load_idx %arg6[%add3A_919] : memref<32768xf32, #tpu.memory_space<vmem>>[vector<16xi32>], vector<16xf32>,
        %mul3A_921 = arith.mulf %gather3A_920, %get3A_686 : vector<16xf32>
        %add3A_922 = arith.addf %add3A_898, %mul3A_921 : vector<16xf32>
        %add3A_923 = arith.constant 4096 : i32
        %add3A_924 = vector.broadcast %add3A_923 : i32 to vector<16xi32>
        %add3A_925 = arith.addi %add3A_728, %add3A_924 : vector<16xi32>
        %gather3A_926 = tpu.vector_load_idx %arg6[%add3A_925] : memref<32768xf32, #tpu.memory_space<vmem>>[vector<16xi32>], vector<16xf32>,
        %mul3A_927 = arith.mulf %gather3A_926, %get3A_686 : vector<16xf32>
        %add3A_928 = arith.addf %add3A_904, %mul3A_927 : vector<16xf32>
        %add3A_929 = arith.constant 4096 : i32
        %add3A_930 = vector.broadcast %add3A_929 : i32 to vector<16xi32>
        %add3A_931 = arith.addi %add3A_731, %add3A_930 : vector<16xi32>
        %gather3A_932 = tpu.vector_load_idx %arg6[%add3A_931] : memref<32768xf32, #tpu.memory_space<vmem>>[vector<16xi32>], vector<16xf32>,
        %mul3A_933 = arith.mulf %gather3A_932, %get3A_686 : vector<16xf32>
        %add3A_934 = arith.addf %add3A_910, %mul3A_933 : vector<16xf32>
        %add3A_935 = arith.constant 4096 : i32
        %add3A_936 = vector.broadcast %add3A_935 : i32 to vector<16xi32>
        %add3A_937 = arith.addi %add3A_734, %add3A_936 : vector<16xi32>
        %gather3A_938 = tpu.vector_load_idx %arg6[%add3A_937] : memref<32768xf32, #tpu.memory_space<vmem>>[vector<16xi32>], vector<16xf32>,
        %mul3A_939 = arith.mulf %gather3A_938, %get3A_686 : vector<16xf32>
        %add3A_940 = arith.addf %add3A_916, %mul3A_939 : vector<16xf32>
        %div3A_941 = arith.constant 1.000000e+00 : f32
        %div3A_942 = vector.broadcast %div3A_941 : f32 to vector<16xf32>
        %div3A_943 = arith.divf %div3A_942, %add3A_940 : vector<16xf32>
        %add3A_944 = arith.constant 1536 : i32
        %add3A_945 = vector.broadcast %add3A_944 : i32 to vector<16xi32>
        %add3A_946 = arith.addi %add3A_737, %add3A_945 : vector<16xi32>
        %mul3A_947 = arith.mulf %add3A_922, %div3A_943 : vector<16xf32>
        tpu.vector_store_idx %arg8[%add3A_946], %mul3A_947 : memref<12288xf32, #tpu.memory_space<vmem>>[vector<16xi32>], vector<16xf32>,
        %add3A_948 = arith.constant 1536 : i32
        %add3A_949 = vector.broadcast %add3A_948 : i32 to vector<16xi32>
        %add3A_950 = arith.addi %add3A_740, %add3A_949 : vector<16xi32>
        %mul3A_951 = arith.mulf %add3A_928, %div3A_943 : vector<16xf32>
        tpu.vector_store_idx %arg8[%add3A_950], %mul3A_951 : memref<12288xf32, #tpu.memory_space<vmem>>[vector<16xi32>], vector<16xf32>,
        %add3A_952 = arith.constant 1536 : i32
        %add3A_953 = vector.broadcast %add3A_952 : i32 to vector<16xi32>
        %add3A_954 = arith.addi %add3A_743, %add3A_953 : vector<16xi32>
        %mul3A_955 = arith.mulf %add3A_934, %div3A_943 : vector<16xf32>
        tpu.vector_store_idx %arg8[%add3A_954], %mul3A_955 : memref<12288xf32, #tpu.memory_space<vmem>>[vector<16xi32>], vector<16xf32>,
        %add3A_956 = arith.constant 8192 : i32
        %add3A_957 = vector.broadcast %add3A_956 : i32 to vector<16xi32>
        %add3A_958 = arith.addi %add3A_689, %add3A_957 : vector<16xi32>
        %gather3A_959 = tpu.vector_load_idx %arg6[%add3A_958] : memref<32768xf32, #tpu.memory_space<vmem>>[vector<16xi32>], vector<16xf32>,
        %mul3A_960 = arith.mulf %gather3A_959, %get3A_674 : vector<16xf32>
        %add3A_961 = arith.constant 8192 : i32
        %add3A_962 = vector.broadcast %add3A_961 : i32 to vector<16xi32>
        %add3A_963 = arith.addi %add3A_692, %add3A_962 : vector<16xi32>
        %gather3A_964 = tpu.vector_load_idx %arg6[%add3A_963] : memref<32768xf32, #tpu.memory_space<vmem>>[vector<16xi32>], vector<16xf32>,
        %mul3A_965 = arith.mulf %gather3A_964, %get3A_674 : vector<16xf32>
        %add3A_966 = arith.constant 8192 : i32
        %add3A_967 = vector.broadcast %add3A_966 : i32 to vector<16xi32>
        %add3A_968 = arith.addi %add3A_695, %add3A_967 : vector<16xi32>
        %gather3A_969 = tpu.vector_load_idx %arg6[%add3A_968] : memref<32768xf32, #tpu.memory_space<vmem>>[vector<16xi32>], vector<16xf32>,
        %mul3A_970 = arith.mulf %gather3A_969, %get3A_674 : vector<16xf32>
        %add3A_971 = arith.constant 8192 : i32
        %add3A_972 = vector.broadcast %add3A_971 : i32 to vector<16xi32>
        %add3A_973 = arith.addi %add3A_698, %add3A_972 : vector<16xi32>
        %gather3A_974 = tpu.vector_load_idx %arg6[%add3A_973] : memref<32768xf32, #tpu.memory_space<vmem>>[vector<16xi32>], vector<16xf32>,
        %mul3A_975 = arith.mulf %gather3A_974, %get3A_674 : vector<16xf32>
        %add3A_976 = arith.constant 8192 : i32
        %add3A_977 = vector.broadcast %add3A_976 : i32 to vector<16xi32>
        %add3A_978 = arith.addi %add3A_701, %add3A_977 : vector<16xi32>
        %gather3A_979 = tpu.vector_load_idx %arg6[%add3A_978] : memref<32768xf32, #tpu.memory_space<vmem>>[vector<16xi32>], vector<16xf32>,
        %mul3A_980 = arith.mulf %gather3A_979, %get3A_678 : vector<16xf32>
        %add3A_981 = arith.addf %mul3A_960, %mul3A_980 : vector<16xf32>
        %add3A_982 = arith.constant 8192 : i32
        %add3A_983 = vector.broadcast %add3A_982 : i32 to vector<16xi32>
        %add3A_984 = arith.addi %add3A_704, %add3A_983 : vector<16xi32>
        %gather3A_985 = tpu.vector_load_idx %arg6[%add3A_984] : memref<32768xf32, #tpu.memory_space<vmem>>[vector<16xi32>], vector<16xf32>,
        %mul3A_986 = arith.mulf %gather3A_985, %get3A_678 : vector<16xf32>
        %add3A_987 = arith.addf %mul3A_965, %mul3A_986 : vector<16xf32>
        %add3A_988 = arith.constant 8192 : i32
        %add3A_989 = vector.broadcast %add3A_988 : i32 to vector<16xi32>
        %add3A_990 = arith.addi %add3A_707, %add3A_989 : vector<16xi32>
        %gather3A_991 = tpu.vector_load_idx %arg6[%add3A_990] : memref<32768xf32, #tpu.memory_space<vmem>>[vector<16xi32>], vector<16xf32>,
        %mul3A_992 = arith.mulf %gather3A_991, %get3A_678 : vector<16xf32>
        %add3A_993 = arith.addf %mul3A_970, %mul3A_992 : vector<16xf32>
        %add3A_994 = arith.constant 8192 : i32
        %add3A_995 = vector.broadcast %add3A_994 : i32 to vector<16xi32>
        %add3A_996 = arith.addi %add3A_710, %add3A_995 : vector<16xi32>
        %gather3A_997 = tpu.vector_load_idx %arg6[%add3A_996] : memref<32768xf32, #tpu.memory_space<vmem>>[vector<16xi32>], vector<16xf32>,
        %mul3A_998 = arith.mulf %gather3A_997, %get3A_678 : vector<16xf32>
        %add3A_999 = arith.addf %mul3A_975, %mul3A_998 : vector<16xf32>
        %add3A_1000 = arith.constant 8192 : i32
        %add3A_1001 = vector.broadcast %add3A_1000 : i32 to vector<16xi32>
        %add3A_1002 = arith.addi %add3A_713, %add3A_1001 : vector<16xi32>
        %gather3A_1003 = tpu.vector_load_idx %arg6[%add3A_1002] : memref<32768xf32, #tpu.memory_space<vmem>>[vector<16xi32>], vector<16xf32>,
        %mul3A_1004 = arith.mulf %gather3A_1003, %get3A_682 : vector<16xf32>
        %add3A_1005 = arith.addf %add3A_981, %mul3A_1004 : vector<16xf32>
        %add3A_1006 = arith.constant 8192 : i32
        %add3A_1007 = vector.broadcast %add3A_1006 : i32 to vector<16xi32>
        %add3A_1008 = arith.addi %add3A_716, %add3A_1007 : vector<16xi32>
        %gather3A_1009 = tpu.vector_load_idx %arg6[%add3A_1008] : memref<32768xf32, #tpu.memory_space<vmem>>[vector<16xi32>], vector<16xf32>,
        %mul3A_1010 = arith.mulf %gather3A_1009, %get3A_682 : vector<16xf32>
        %add3A_1011 = arith.addf %add3A_987, %mul3A_1010 : vector<16xf32>
        %add3A_1012 = arith.constant 8192 : i32
        %add3A_1013 = vector.broadcast %add3A_1012 : i32 to vector<16xi32>
        %add3A_1014 = arith.addi %add3A_719, %add3A_1013 : vector<16xi32>
        %gather3A_1015 = tpu.vector_load_idx %arg6[%add3A_1014] : memref<32768xf32, #tpu.memory_space<vmem>>[vector<16xi32>], vector<16xf32>,
        %mul3A_1016 = arith.mulf %gather3A_1015, %get3A_682 : vector<16xf32>
        %add3A_1017 = arith.addf %add3A_993, %mul3A_1016 : vector<16xf32>
        %add3A_1018 = arith.constant 8192 : i32
        %add3A_1019 = vector.broadcast %add3A_1018 : i32 to vector<16xi32>
        %add3A_1020 = arith.addi %add3A_722, %add3A_1019 : vector<16xi32>
        %gather3A_1021 = tpu.vector_load_idx %arg6[%add3A_1020] : memref<32768xf32, #tpu.memory_space<vmem>>[vector<16xi32>], vector<16xf32>,
        %mul3A_1022 = arith.mulf %gather3A_1021, %get3A_682 : vector<16xf32>
        %add3A_1023 = arith.addf %add3A_999, %mul3A_1022 : vector<16xf32>
        %add3A_1024 = arith.constant 8192 : i32
        %add3A_1025 = vector.broadcast %add3A_1024 : i32 to vector<16xi32>
        %add3A_1026 = arith.addi %add3A_725, %add3A_1025 : vector<16xi32>
        %gather3A_1027 = tpu.vector_load_idx %arg6[%add3A_1026] : memref<32768xf32, #tpu.memory_space<vmem>>[vector<16xi32>], vector<16xf32>,
        %mul3A_1028 = arith.mulf %gather3A_1027, %get3A_686 : vector<16xf32>
        %add3A_1029 = arith.addf %add3A_1005, %mul3A_1028 : vector<16xf32>
        %add3A_1030 = arith.constant 8192 : i32
        %add3A_1031 = vector.broadcast %add3A_1030 : i32 to vector<16xi32>
        %add3A_1032 = arith.addi %add3A_728, %add3A_1031 : vector<16xi32>
        %gather3A_1033 = tpu.vector_load_idx %arg6[%add3A_1032] : memref<32768xf32, #tpu.memory_space<vmem>>[vector<16xi32>], vector<16xf32>,
        %mul3A_1034 = arith.mulf %gather3A_1033, %get3A_686 : vector<16xf32>
        %add3A_1035 = arith.addf %add3A_1011, %mul3A_1034 : vector<16xf32>
        %add3A_1036 = arith.constant 8192 : i32
        %add3A_1037 = vector.broadcast %add3A_1036 : i32 to vector<16xi32>
        %add3A_1038 = arith.addi %add3A_731, %add3A_1037 : vector<16xi32>
        %gather3A_1039 = tpu.vector_load_idx %arg6[%add3A_1038] : memref<32768xf32, #tpu.memory_space<vmem>>[vector<16xi32>], vector<16xf32>,
        %mul3A_1040 = arith.mulf %gather3A_1039, %get3A_686 : vector<16xf32>
        %add3A_1041 = arith.addf %add3A_1017, %mul3A_1040 : vector<16xf32>
        %add3A_1042 = arith.constant 8192 : i32
        %add3A_1043 = vector.broadcast %add3A_1042 : i32 to vector<16xi32>
        %add3A_1044 = arith.addi %add3A_734, %add3A_1043 : vector<16xi32>
        %gather3A_1045 = tpu.vector_load_idx %arg6[%add3A_1044] : memref<32768xf32, #tpu.memory_space<vmem>>[vector<16xi32>], vector<16xf32>,
        %mul3A_1046 = arith.mulf %gather3A_1045, %get3A_686 : vector<16xf32>
        %add3A_1047 = arith.addf %add3A_1023, %mul3A_1046 : vector<16xf32>
        %div3A_1048 = arith.constant 1.000000e+00 : f32
        %div3A_1049 = vector.broadcast %div3A_1048 : f32 to vector<16xf32>
        %div3A_1050 = arith.divf %div3A_1049, %add3A_1047 : vector<16xf32>
        %add3A_1051 = arith.constant 3072 : i32
        %add3A_1052 = vector.broadcast %add3A_1051 : i32 to vector<16xi32>
        %add3A_1053 = arith.addi %add3A_737, %add3A_1052 : vector<16xi32>
        %mul3A_1054 = arith.mulf %add3A_1029, %div3A_1050 : vector<16xf32>
        tpu.vector_store_idx %arg8[%add3A_1053], %mul3A_1054 : memref<12288xf32, #tpu.memory_space<vmem>>[vector<16xi32>], vector<16xf32>,
        %add3A_1055 = arith.constant 3072 : i32
        %add3A_1056 = vector.broadcast %add3A_1055 : i32 to vector<16xi32>
        %add3A_1057 = arith.addi %add3A_740, %add3A_1056 : vector<16xi32>
        %mul3A_1058 = arith.mulf %add3A_1035, %div3A_1050 : vector<16xf32>
        tpu.vector_store_idx %arg8[%add3A_1057], %mul3A_1058 : memref<12288xf32, #tpu.memory_space<vmem>>[vector<16xi32>], vector<16xf32>,
        %add3A_1059 = arith.constant 3072 : i32
        %add3A_1060 = vector.broadcast %add3A_1059 : i32 to vector<16xi32>
        %add3A_1061 = arith.addi %add3A_743, %add3A_1060 : vector<16xi32>
        %mul3A_1062 = arith.mulf %add3A_1041, %div3A_1050 : vector<16xf32>
        tpu.vector_store_idx %arg8[%add3A_1061], %mul3A_1062 : memref<12288xf32, #tpu.memory_space<vmem>>[vector<16xi32>], vector<16xf32>,
        %add3A_1063 = arith.constant 12288 : i32
        %add3A_1064 = vector.broadcast %add3A_1063 : i32 to vector<16xi32>
        %add3A_1065 = arith.addi %add3A_689, %add3A_1064 : vector<16xi32>
        %gather3A_1066 = tpu.vector_load_idx %arg6[%add3A_1065] : memref<32768xf32, #tpu.memory_space<vmem>>[vector<16xi32>], vector<16xf32>,
        %mul3A_1067 = arith.mulf %gather3A_1066, %get3A_674 : vector<16xf32>
        %add3A_1068 = arith.constant 12288 : i32
        %add3A_1069 = vector.broadcast %add3A_1068 : i32 to vector<16xi32>
        %add3A_1070 = arith.addi %add3A_692, %add3A_1069 : vector<16xi32>
        %gather3A_1071 = tpu.vector_load_idx %arg6[%add3A_1070] : memref<32768xf32, #tpu.memory_space<vmem>>[vector<16xi32>], vector<16xf32>,
        %mul3A_1072 = arith.mulf %gather3A_1071, %get3A_674 : vector<16xf32>
        %add3A_1073 = arith.constant 12288 : i32
        %add3A_1074 = vector.broadcast %add3A_1073 : i32 to vector<16xi32>
        %add3A_1075 = arith.addi %add3A_695, %add3A_1074 : vector<16xi32>
        %gather3A_1076 = tpu.vector_load_idx %arg6[%add3A_1075] : memref<32768xf32, #tpu.memory_space<vmem>>[vector<16xi32>], vector<16xf32>,
        %mul3A_1077 = arith.mulf %gather3A_1076, %get3A_674 : vector<16xf32>
        %add3A_1078 = arith.constant 12288 : i32
        %add3A_1079 = vector.broadcast %add3A_1078 : i32 to vector<16xi32>
        %add3A_1080 = arith.addi %add3A_698, %add3A_1079 : vector<16xi32>
        %gather3A_1081 = tpu.vector_load_idx %arg6[%add3A_1080] : memref<32768xf32, #tpu.memory_space<vmem>>[vector<16xi32>], vector<16xf32>,
        %mul3A_1082 = arith.mulf %gather3A_1081, %get3A_674 : vector<16xf32>
        %add3A_1083 = arith.constant 12288 : i32
        %add3A_1084 = vector.broadcast %add3A_1083 : i32 to vector<16xi32>
        %add3A_1085 = arith.addi %add3A_701, %add3A_1084 : vector<16xi32>
        %gather3A_1086 = tpu.vector_load_idx %arg6[%add3A_1085] : memref<32768xf32, #tpu.memory_space<vmem>>[vector<16xi32>], vector<16xf32>,
        %mul3A_1087 = arith.mulf %gather3A_1086, %get3A_678 : vector<16xf32>
        %add3A_1088 = arith.addf %mul3A_1067, %mul3A_1087 : vector<16xf32>
        %add3A_1089 = arith.constant 12288 : i32
        %add3A_1090 = vector.broadcast %add3A_1089 : i32 to vector<16xi32>
        %add3A_1091 = arith.addi %add3A_704, %add3A_1090 : vector<16xi32>
        %gather3A_1092 = tpu.vector_load_idx %arg6[%add3A_1091] : memref<32768xf32, #tpu.memory_space<vmem>>[vector<16xi32>], vector<16xf32>,
        %mul3A_1093 = arith.mulf %gather3A_1092, %get3A_678 : vector<16xf32>
        %add3A_1094 = arith.addf %mul3A_1072, %mul3A_1093 : vector<16xf32>
        %add3A_1095 = arith.constant 12288 : i32
        %add3A_1096 = vector.broadcast %add3A_1095 : i32 to vector<16xi32>
        %add3A_1097 = arith.addi %add3A_707, %add3A_1096 : vector<16xi32>
        %gather3A_1098 = tpu.vector_load_idx %arg6[%add3A_1097] : memref<32768xf32, #tpu.memory_space<vmem>>[vector<16xi32>], vector<16xf32>,
        %mul3A_1099 = arith.mulf %gather3A_1098, %get3A_678 : vector<16xf32>
        %add3A_1100 = arith.addf %mul3A_1077, %mul3A_1099 : vector<16xf32>
        %add3A_1101 = arith.constant 12288 : i32
        %add3A_1102 = vector.broadcast %add3A_1101 : i32 to vector<16xi32>
        %add3A_1103 = arith.addi %add3A_710, %add3A_1102 : vector<16xi32>
        %gather3A_1104 = tpu.vector_load_idx %arg6[%add3A_1103] : memref<32768xf32, #tpu.memory_space<vmem>>[vector<16xi32>], vector<16xf32>,
        %mul3A_1105 = arith.mulf %gather3A_1104, %get3A_678 : vector<16xf32>
        %add3A_1106 = arith.addf %mul3A_1082, %mul3A_1105 : vector<16xf32>
        %add3A_1107 = arith.constant 12288 : i32
        %add3A_1108 = vector.broadcast %add3A_1107 : i32 to vector<16xi32>
        %add3A_1109 = arith.addi %add3A_713, %add3A_1108 : vector<16xi32>
        %gather3A_1110 = tpu.vector_load_idx %arg6[%add3A_1109] : memref<32768xf32, #tpu.memory_space<vmem>>[vector<16xi32>], vector<16xf32>,
        %mul3A_1111 = arith.mulf %gather3A_1110, %get3A_682 : vector<16xf32>
        %add3A_1112 = arith.addf %add3A_1088, %mul3A_1111 : vector<16xf32>
        %add3A_1113 = arith.constant 12288 : i32
        %add3A_1114 = vector.broadcast %add3A_1113 : i32 to vector<16xi32>
        %add3A_1115 = arith.addi %add3A_716, %add3A_1114 : vector<16xi32>
        %gather3A_1116 = tpu.vector_load_idx %arg6[%add3A_1115] : memref<32768xf32, #tpu.memory_space<vmem>>[vector<16xi32>], vector<16xf32>,
        %mul3A_1117 = arith.mulf %gather3A_1116, %get3A_682 : vector<16xf32>
        %add3A_1118 = arith.addf %add3A_1094, %mul3A_1117 : vector<16xf32>
        %add3A_1119 = arith.constant 12288 : i32
        %add3A_1120 = vector.broadcast %add3A_1119 : i32 to vector<16xi32>
        %add3A_1121 = arith.addi %add3A_719, %add3A_1120 : vector<16xi32>
        %gather3A_1122 = tpu.vector_load_idx %arg6[%add3A_1121] : memref<32768xf32, #tpu.memory_space<vmem>>[vector<16xi32>], vector<16xf32>,
        %mul3A_1123 = arith.mulf %gather3A_1122, %get3A_682 : vector<16xf32>
        %add3A_1124 = arith.addf %add3A_1100, %mul3A_1123 : vector<16xf32>
        %add3A_1125 = arith.constant 12288 : i32
        %add3A_1126 = vector.broadcast %add3A_1125 : i32 to vector<16xi32>
        %add3A_1127 = arith.addi %add3A_722, %add3A_1126 : vector<16xi32>
        %gather3A_1128 = tpu.vector_load_idx %arg6[%add3A_1127] : memref<32768xf32, #tpu.memory_space<vmem>>[vector<16xi32>], vector<16xf32>,
        %mul3A_1129 = arith.mulf %gather3A_1128, %get3A_682 : vector<16xf32>
        %add3A_1130 = arith.addf %add3A_1106, %mul3A_1129 : vector<16xf32>
        %add3A_1131 = arith.constant 12288 : i32
        %add3A_1132 = vector.broadcast %add3A_1131 : i32 to vector<16xi32>
        %add3A_1133 = arith.addi %add3A_725, %add3A_1132 : vector<16xi32>
        %gather3A_1134 = tpu.vector_load_idx %arg6[%add3A_1133] : memref<32768xf32, #tpu.memory_space<vmem>>[vector<16xi32>], vector<16xf32>,
        %mul3A_1135 = arith.mulf %gather3A_1134, %get3A_686 : vector<16xf32>
        %add3A_1136 = arith.addf %add3A_1112, %mul3A_1135 : vector<16xf32>
        %add3A_1137 = arith.constant 12288 : i32
        %add3A_1138 = vector.broadcast %add3A_1137 : i32 to vector<16xi32>
        %add3A_1139 = arith.addi %add3A_728, %add3A_1138 : vector<16xi32>
        %gather3A_1140 = tpu.vector_load_idx %arg6[%add3A_1139] : memref<32768xf32, #tpu.memory_space<vmem>>[vector<16xi32>], vector<16xf32>,
        %mul3A_1141 = arith.mulf %gather3A_1140, %get3A_686 : vector<16xf32>
        %add3A_1142 = arith.addf %add3A_1118, %mul3A_1141 : vector<16xf32>
        %add3A_1143 = arith.constant 12288 : i32
        %add3A_1144 = vector.broadcast %add3A_1143 : i32 to vector<16xi32>
        %add3A_1145 = arith.addi %add3A_731, %add3A_1144 : vector<16xi32>
        %gather3A_1146 = tpu.vector_load_idx %arg6[%add3A_1145] : memref<32768xf32, #tpu.memory_space<vmem>>[vector<16xi32>], vector<16xf32>,
        %mul3A_1147 = arith.mulf %gather3A_1146, %get3A_686 : vector<16xf32>
        %add3A_1148 = arith.addf %add3A_1124, %mul3A_1147 : vector<16xf32>
        %add3A_1149 = arith.constant 12288 : i32
        %add3A_1150 = vector.broadcast %add3A_1149 : i32 to vector<16xi32>
        %add3A_1151 = arith.addi %add3A_734, %add3A_1150 : vector<16xi32>
        %gather3A_1152 = tpu.vector_load_idx %arg6[%add3A_1151] : memref<32768xf32, #tpu.memory_space<vmem>>[vector<16xi32>], vector<16xf32>,
        %mul3A_1153 = arith.mulf %gather3A_1152, %get3A_686 : vector<16xf32>
        %add3A_1154 = arith.addf %add3A_1130, %mul3A_1153 : vector<16xf32>
        %div3A_1155 = arith.constant 1.000000e+00 : f32
        %div3A_1156 = vector.broadcast %div3A_1155 : f32 to vector<16xf32>
        %div3A_1157 = arith.divf %div3A_1156, %add3A_1154 : vector<16xf32>
        %add3A_1158 = arith.constant 4608 : i32
        %add3A_1159 = vector.broadcast %add3A_1158 : i32 to vector<16xi32>
        %add3A_1160 = arith.addi %add3A_737, %add3A_1159 : vector<16xi32>
        %mul3A_1161 = arith.mulf %add3A_1136, %div3A_1157 : vector<16xf32>
        tpu.vector_store_idx %arg8[%add3A_1160], %mul3A_1161 : memref<12288xf32, #tpu.memory_space<vmem>>[vector<16xi32>], vector<16xf32>,
        %add3A_1162 = arith.constant 4608 : i32
        %add3A_1163 = vector.broadcast %add3A_1162 : i32 to vector<16xi32>
        %add3A_1164 = arith.addi %add3A_740, %add3A_1163 : vector<16xi32>
        %mul3A_1165 = arith.mulf %add3A_1142, %div3A_1157 : vector<16xf32>
        tpu.vector_store_idx %arg8[%add3A_1164], %mul3A_1165 : memref<12288xf32, #tpu.memory_space<vmem>>[vector<16xi32>], vector<16xf32>,
        %add3A_1166 = arith.constant 4608 : i32
        %add3A_1167 = vector.broadcast %add3A_1166 : i32 to vector<16xi32>
        %add3A_1168 = arith.addi %add3A_743, %add3A_1167 : vector<16xi32>
        %mul3A_1169 = arith.mulf %add3A_1148, %div3A_1157 : vector<16xf32>
        tpu.vector_store_idx %arg8[%add3A_1168], %mul3A_1169 : memref<12288xf32, #tpu.memory_space<vmem>>[vector<16xi32>], vector<16xf32>,
        %add3A_1170 = arith.constant 16384 : i32
        %add3A_1171 = vector.broadcast %add3A_1170 : i32 to vector<16xi32>
        %add3A_1172 = arith.addi %add3A_689, %add3A_1171 : vector<16xi32>
        %gather3A_1173 = tpu.vector_load_idx %arg6[%add3A_1172] : memref<32768xf32, #tpu.memory_space<vmem>>[vector<16xi32>], vector<16xf32>,
        %mul3A_1174 = arith.mulf %gather3A_1173, %get3A_674 : vector<16xf32>
        %add3A_1175 = arith.constant 16384 : i32
        %add3A_1176 = vector.broadcast %add3A_1175 : i32 to vector<16xi32>
        %add3A_1177 = arith.addi %add3A_692, %add3A_1176 : vector<16xi32>
        %gather3A_1178 = tpu.vector_load_idx %arg6[%add3A_1177] : memref<32768xf32, #tpu.memory_space<vmem>>[vector<16xi32>], vector<16xf32>,
        %mul3A_1179 = arith.mulf %gather3A_1178, %get3A_674 : vector<16xf32>
        %add3A_1180 = arith.constant 16384 : i32
        %add3A_1181 = vector.broadcast %add3A_1180 : i32 to vector<16xi32>
        %add3A_1182 = arith.addi %add3A_695, %add3A_1181 : vector<16xi32>
        %gather3A_1183 = tpu.vector_load_idx %arg6[%add3A_1182] : memref<32768xf32, #tpu.memory_space<vmem>>[vector<16xi32>], vector<16xf32>,
        %mul3A_1184 = arith.mulf %gather3A_1183, %get3A_674 : vector<16xf32>
        %add3A_1185 = arith.constant 16384 : i32
        %add3A_1186 = vector.broadcast %add3A_1185 : i32 to vector<16xi32>
        %add3A_1187 = arith.addi %add3A_698, %add3A_1186 : vector<16xi32>
        %gather3A_1188 = tpu.vector_load_idx %arg6[%add3A_1187] : memref<32768xf32, #tpu.memory_space<vmem>>[vector<16xi32>], vector<16xf32>,
        %mul3A_1189 = arith.mulf %gather3A_1188, %get3A_674 : vector<16xf32>
        %add3A_1190 = arith.constant 16384 : i32
        %add3A_1191 = vector.broadcast %add3A_1190 : i32 to vector<16xi32>
        %add3A_1192 = arith.addi %add3A_701, %add3A_1191 : vector<16xi32>
        %gather3A_1193 = tpu.vector_load_idx %arg6[%add3A_1192] : memref<32768xf32, #tpu.memory_space<vmem>>[vector<16xi32>], vector<16xf32>,
        %mul3A_1194 = arith.mulf %gather3A_1193, %get3A_678 : vector<16xf32>
        %add3A_1195 = arith.addf %mul3A_1174, %mul3A_1194 : vector<16xf32>
        %add3A_1196 = arith.constant 16384 : i32
        %add3A_1197 = vector.broadcast %add3A_1196 : i32 to vector<16xi32>
        %add3A_1198 = arith.addi %add3A_704, %add3A_1197 : vector<16xi32>
        %gather3A_1199 = tpu.vector_load_idx %arg6[%add3A_1198] : memref<32768xf32, #tpu.memory_space<vmem>>[vector<16xi32>], vector<16xf32>,
        %mul3A_1200 = arith.mulf %gather3A_1199, %get3A_678 : vector<16xf32>
        %add3A_1201 = arith.addf %mul3A_1179, %mul3A_1200 : vector<16xf32>
        %add3A_1202 = arith.constant 16384 : i32
        %add3A_1203 = vector.broadcast %add3A_1202 : i32 to vector<16xi32>
        %add3A_1204 = arith.addi %add3A_707, %add3A_1203 : vector<16xi32>
        %gather3A_1205 = tpu.vector_load_idx %arg6[%add3A_1204] : memref<32768xf32, #tpu.memory_space<vmem>>[vector<16xi32>], vector<16xf32>,
        %mul3A_1206 = arith.mulf %gather3A_1205, %get3A_678 : vector<16xf32>
        %add3A_1207 = arith.addf %mul3A_1184, %mul3A_1206 : vector<16xf32>
        %add3A_1208 = arith.constant 16384 : i32
        %add3A_1209 = vector.broadcast %add3A_1208 : i32 to vector<16xi32>
        %add3A_1210 = arith.addi %add3A_710, %add3A_1209 : vector<16xi32>
        %gather3A_1211 = tpu.vector_load_idx %arg6[%add3A_1210] : memref<32768xf32, #tpu.memory_space<vmem>>[vector<16xi32>], vector<16xf32>,
        %mul3A_1212 = arith.mulf %gather3A_1211, %get3A_678 : vector<16xf32>
        %add3A_1213 = arith.addf %mul3A_1189, %mul3A_1212 : vector<16xf32>
        %add3A_1214 = arith.constant 16384 : i32
        %add3A_1215 = vector.broadcast %add3A_1214 : i32 to vector<16xi32>
        %add3A_1216 = arith.addi %add3A_713, %add3A_1215 : vector<16xi32>
        %gather3A_1217 = tpu.vector_load_idx %arg6[%add3A_1216] : memref<32768xf32, #tpu.memory_space<vmem>>[vector<16xi32>], vector<16xf32>,
        %mul3A_1218 = arith.mulf %gather3A_1217, %get3A_682 : vector<16xf32>
        %add3A_1219 = arith.addf %add3A_1195, %mul3A_1218 : vector<16xf32>
        %add3A_1220 = arith.constant 16384 : i32
        %add3A_1221 = vector.broadcast %add3A_1220 : i32 to vector<16xi32>
        %add3A_1222 = arith.addi %add3A_716, %add3A_1221 : vector<16xi32>
        %gather3A_1223 = tpu.vector_load_idx %arg6[%add3A_1222] : memref<32768xf32, #tpu.memory_space<vmem>>[vector<16xi32>], vector<16xf32>,
        %mul3A_1224 = arith.mulf %gather3A_1223, %get3A_682 : vector<16xf32>
        %add3A_1225 = arith.addf %add3A_1201, %mul3A_1224 : vector<16xf32>
        %add3A_1226 = arith.constant 16384 : i32
        %add3A_1227 = vector.broadcast %add3A_1226 : i32 to vector<16xi32>
        %add3A_1228 = arith.addi %add3A_719, %add3A_1227 : vector<16xi32>
        %gather3A_1229 = tpu.vector_load_idx %arg6[%add3A_1228] : memref<32768xf32, #tpu.memory_space<vmem>>[vector<16xi32>], vector<16xf32>,
        %mul3A_1230 = arith.mulf %gather3A_1229, %get3A_682 : vector<16xf32>
        %add3A_1231 = arith.addf %add3A_1207, %mul3A_1230 : vector<16xf32>
        %add3A_1232 = arith.constant 16384 : i32
        %add3A_1233 = vector.broadcast %add3A_1232 : i32 to vector<16xi32>
        %add3A_1234 = arith.addi %add3A_722, %add3A_1233 : vector<16xi32>
        %gather3A_1235 = tpu.vector_load_idx %arg6[%add3A_1234] : memref<32768xf32, #tpu.memory_space<vmem>>[vector<16xi32>], vector<16xf32>,
        %mul3A_1236 = arith.mulf %gather3A_1235, %get3A_682 : vector<16xf32>
        %add3A_1237 = arith.addf %add3A_1213, %mul3A_1236 : vector<16xf32>
        %add3A_1238 = arith.constant 16384 : i32
        %add3A_1239 = vector.broadcast %add3A_1238 : i32 to vector<16xi32>
        %add3A_1240 = arith.addi %add3A_725, %add3A_1239 : vector<16xi32>
        %gather3A_1241 = tpu.vector_load_idx %arg6[%add3A_1240] : memref<32768xf32, #tpu.memory_space<vmem>>[vector<16xi32>], vector<16xf32>,
        %mul3A_1242 = arith.mulf %gather3A_1241, %get3A_686 : vector<16xf32>
        %add3A_1243 = arith.addf %add3A_1219, %mul3A_1242 : vector<16xf32>
        %add3A_1244 = arith.constant 16384 : i32
        %add3A_1245 = vector.broadcast %add3A_1244 : i32 to vector<16xi32>
        %add3A_1246 = arith.addi %add3A_728, %add3A_1245 : vector<16xi32>
        %gather3A_1247 = tpu.vector_load_idx %arg6[%add3A_1246] : memref<32768xf32, #tpu.memory_space<vmem>>[vector<16xi32>], vector<16xf32>,
        %mul3A_1248 = arith.mulf %gather3A_1247, %get3A_686 : vector<16xf32>
        %add3A_1249 = arith.addf %add3A_1225, %mul3A_1248 : vector<16xf32>
        %add3A_1250 = arith.constant 16384 : i32
        %add3A_1251 = vector.broadcast %add3A_1250 : i32 to vector<16xi32>
        %add3A_1252 = arith.addi %add3A_731, %add3A_1251 : vector<16xi32>
        %gather3A_1253 = tpu.vector_load_idx %arg6[%add3A_1252] : memref<32768xf32, #tpu.memory_space<vmem>>[vector<16xi32>], vector<16xf32>,
        %mul3A_1254 = arith.mulf %gather3A_1253, %get3A_686 : vector<16xf32>
        %add3A_1255 = arith.addf %add3A_1231, %mul3A_1254 : vector<16xf32>
        %add3A_1256 = arith.constant 16384 : i32
        %add3A_1257 = vector.broadcast %add3A_1256 : i32 to vector<16xi32>
        %add3A_1258 = arith.addi %add3A_734, %add3A_1257 : vector<16xi32>
        %gather3A_1259 = tpu.vector_load_idx %arg6[%add3A_1258] : memref<32768xf32, #tpu.memory_space<vmem>>[vector<16xi32>], vector<16xf32>,
        %mul3A_1260 = arith.mulf %gather3A_1259, %get3A_686 : vector<16xf32>
        %add3A_1261 = arith.addf %add3A_1237, %mul3A_1260 : vector<16xf32>
        %div3A_1262 = arith.constant 1.000000e+00 : f32
        %div3A_1263 = vector.broadcast %div3A_1262 : f32 to vector<16xf32>
        %div3A_1264 = arith.divf %div3A_1263, %add3A_1261 : vector<16xf32>
        %add3A_1265 = arith.constant 6144 : i32
        %add3A_1266 = vector.broadcast %add3A_1265 : i32 to vector<16xi32>
        %add3A_1267 = arith.addi %add3A_737, %add3A_1266 : vector<16xi32>
        %mul3A_1268 = arith.mulf %add3A_1243, %div3A_1264 : vector<16xf32>
        tpu.vector_store_idx %arg8[%add3A_1267], %mul3A_1268 : memref<12288xf32, #tpu.memory_space<vmem>>[vector<16xi32>], vector<16xf32>,
        %add3A_1269 = arith.constant 6144 : i32
        %add3A_1270 = vector.broadcast %add3A_1269 : i32 to vector<16xi32>
        %add3A_1271 = arith.addi %add3A_740, %add3A_1270 : vector<16xi32>
        %mul3A_1272 = arith.mulf %add3A_1249, %div3A_1264 : vector<16xf32>
        tpu.vector_store_idx %arg8[%add3A_1271], %mul3A_1272 : memref<12288xf32, #tpu.memory_space<vmem>>[vector<16xi32>], vector<16xf32>,
        %add3A_1273 = arith.constant 6144 : i32
        %add3A_1274 = vector.broadcast %add3A_1273 : i32 to vector<16xi32>
        %add3A_1275 = arith.addi %add3A_743, %add3A_1274 : vector<16xi32>
        %mul3A_1276 = arith.mulf %add3A_1255, %div3A_1264 : vector<16xf32>
        tpu.vector_store_idx %arg8[%add3A_1275], %mul3A_1276 : memref<12288xf32, #tpu.memory_space<vmem>>[vector<16xi32>], vector<16xf32>,
        %add3A_1277 = arith.constant 20480 : i32
        %add3A_1278 = vector.broadcast %add3A_1277 : i32 to vector<16xi32>
        %add3A_1279 = arith.addi %add3A_689, %add3A_1278 : vector<16xi32>
        %gather3A_1280 = tpu.vector_load_idx %arg6[%add3A_1279] : memref<32768xf32, #tpu.memory_space<vmem>>[vector<16xi32>], vector<16xf32>,
        %mul3A_1281 = arith.mulf %gather3A_1280, %get3A_674 : vector<16xf32>
        %add3A_1282 = arith.constant 20480 : i32
        %add3A_1283 = vector.broadcast %add3A_1282 : i32 to vector<16xi32>
        %add3A_1284 = arith.addi %add3A_692, %add3A_1283 : vector<16xi32>
        %gather3A_1285 = tpu.vector_load_idx %arg6[%add3A_1284] : memref<32768xf32, #tpu.memory_space<vmem>>[vector<16xi32>], vector<16xf32>,
        %mul3A_1286 = arith.mulf %gather3A_1285, %get3A_674 : vector<16xf32>
        %add3A_1287 = arith.constant 20480 : i32
        %add3A_1288 = vector.broadcast %add3A_1287 : i32 to vector<16xi32>
        %add3A_1289 = arith.addi %add3A_695, %add3A_1288 : vector<16xi32>
        %gather3A_1290 = tpu.vector_load_idx %arg6[%add3A_1289] : memref<32768xf32, #tpu.memory_space<vmem>>[vector<16xi32>], vector<16xf32>,
        %mul3A_1291 = arith.mulf %gather3A_1290, %get3A_674 : vector<16xf32>
        %add3A_1292 = arith.constant 20480 : i32
        %add3A_1293 = vector.broadcast %add3A_1292 : i32 to vector<16xi32>
        %add3A_1294 = arith.addi %add3A_698, %add3A_1293 : vector<16xi32>
        %gather3A_1295 = tpu.vector_load_idx %arg6[%add3A_1294] : memref<32768xf32, #tpu.memory_space<vmem>>[vector<16xi32>], vector<16xf32>,
        %mul3A_1296 = arith.mulf %gather3A_1295, %get3A_674 : vector<16xf32>
        %add3A_1297 = arith.constant 20480 : i32
        %add3A_1298 = vector.broadcast %add3A_1297 : i32 to vector<16xi32>
        %add3A_1299 = arith.addi %add3A_701, %add3A_1298 : vector<16xi32>
        %gather3A_1300 = tpu.vector_load_idx %arg6[%add3A_1299] : memref<32768xf32, #tpu.memory_space<vmem>>[vector<16xi32>], vector<16xf32>,
        %mul3A_1301 = arith.mulf %gather3A_1300, %get3A_678 : vector<16xf32>
        %add3A_1302 = arith.addf %mul3A_1281, %mul3A_1301 : vector<16xf32>
        %add3A_1303 = arith.constant 20480 : i32
        %add3A_1304 = vector.broadcast %add3A_1303 : i32 to vector<16xi32>
        %add3A_1305 = arith.addi %add3A_704, %add3A_1304 : vector<16xi32>
        %gather3A_1306 = tpu.vector_load_idx %arg6[%add3A_1305] : memref<32768xf32, #tpu.memory_space<vmem>>[vector<16xi32>], vector<16xf32>,
        %mul3A_1307 = arith.mulf %gather3A_1306, %get3A_678 : vector<16xf32>
        %add3A_1308 = arith.addf %mul3A_1286, %mul3A_1307 : vector<16xf32>
        %add3A_1309 = arith.constant 20480 : i32
        %add3A_1310 = vector.broadcast %add3A_1309 : i32 to vector<16xi32>
        %add3A_1311 = arith.addi %add3A_707, %add3A_1310 : vector<16xi32>
        %gather3A_1312 = tpu.vector_load_idx %arg6[%add3A_1311] : memref<32768xf32, #tpu.memory_space<vmem>>[vector<16xi32>], vector<16xf32>,
        %mul3A_1313 = arith.mulf %gather3A_1312, %get3A_678 : vector<16xf32>
        %add3A_1314 = arith.addf %mul3A_1291, %mul3A_1313 : vector<16xf32>
        %add3A_1315 = arith.constant 20480 : i32
        %add3A_1316 = vector.broadcast %add3A_1315 : i32 to vector<16xi32>
        %add3A_1317 = arith.addi %add3A_710, %add3A_1316 : vector<16xi32>
        %gather3A_1318 = tpu.vector_load_idx %arg6[%add3A_1317] : memref<32768xf32, #tpu.memory_space<vmem>>[vector<16xi32>], vector<16xf32>,
        %mul3A_1319 = arith.mulf %gather3A_1318, %get3A_678 : vector<16xf32>
        %add3A_1320 = arith.addf %mul3A_1296, %mul3A_1319 : vector<16xf32>
        %add3A_1321 = arith.constant 20480 : i32
        %add3A_1322 = vector.broadcast %add3A_1321 : i32 to vector<16xi32>
        %add3A_1323 = arith.addi %add3A_713, %add3A_1322 : vector<16xi32>
        %gather3A_1324 = tpu.vector_load_idx %arg6[%add3A_1323] : memref<32768xf32, #tpu.memory_space<vmem>>[vector<16xi32>], vector<16xf32>,
        %mul3A_1325 = arith.mulf %gather3A_1324, %get3A_682 : vector<16xf32>
        %add3A_1326 = arith.addf %add3A_1302, %mul3A_1325 : vector<16xf32>
        %add3A_1327 = arith.constant 20480 : i32
        %add3A_1328 = vector.broadcast %add3A_1327 : i32 to vector<16xi32>
        %add3A_1329 = arith.addi %add3A_716, %add3A_1328 : vector<16xi32>
        %gather3A_1330 = tpu.vector_load_idx %arg6[%add3A_1329] : memref<32768xf32, #tpu.memory_space<vmem>>[vector<16xi32>], vector<16xf32>,
        %mul3A_1331 = arith.mulf %gather3A_1330, %get3A_682 : vector<16xf32>
        %add3A_1332 = arith.addf %add3A_1308, %mul3A_1331 : vector<16xf32>
        %add3A_1333 = arith.constant 20480 : i32
        %add3A_1334 = vector.broadcast %add3A_1333 : i32 to vector<16xi32>
        %add3A_1335 = arith.addi %add3A_719, %add3A_1334 : vector<16xi32>
        %gather3A_1336 = tpu.vector_load_idx %arg6[%add3A_1335] : memref<32768xf32, #tpu.memory_space<vmem>>[vector<16xi32>], vector<16xf32>,
        %mul3A_1337 = arith.mulf %gather3A_1336, %get3A_682 : vector<16xf32>
        %add3A_1338 = arith.addf %add3A_1314, %mul3A_1337 : vector<16xf32>
        %add3A_1339 = arith.constant 20480 : i32
        %add3A_1340 = vector.broadcast %add3A_1339 : i32 to vector<16xi32>
        %add3A_1341 = arith.addi %add3A_722, %add3A_1340 : vector<16xi32>
        %gather3A_1342 = tpu.vector_load_idx %arg6[%add3A_1341] : memref<32768xf32, #tpu.memory_space<vmem>>[vector<16xi32>], vector<16xf32>,
        %mul3A_1343 = arith.mulf %gather3A_1342, %get3A_682 : vector<16xf32>
        %add3A_1344 = arith.addf %add3A_1320, %mul3A_1343 : vector<16xf32>
        %add3A_1345 = arith.constant 20480 : i32
        %add3A_1346 = vector.broadcast %add3A_1345 : i32 to vector<16xi32>
        %add3A_1347 = arith.addi %add3A_725, %add3A_1346 : vector<16xi32>
        %gather3A_1348 = tpu.vector_load_idx %arg6[%add3A_1347] : memref<32768xf32, #tpu.memory_space<vmem>>[vector<16xi32>], vector<16xf32>,
        %mul3A_1349 = arith.mulf %gather3A_1348, %get3A_686 : vector<16xf32>
        %add3A_1350 = arith.addf %add3A_1326, %mul3A_1349 : vector<16xf32>
        %add3A_1351 = arith.constant 20480 : i32
        %add3A_1352 = vector.broadcast %add3A_1351 : i32 to vector<16xi32>
        %add3A_1353 = arith.addi %add3A_728, %add3A_1352 : vector<16xi32>
        %gather3A_1354 = tpu.vector_load_idx %arg6[%add3A_1353] : memref<32768xf32, #tpu.memory_space<vmem>>[vector<16xi32>], vector<16xf32>,
        %mul3A_1355 = arith.mulf %gather3A_1354, %get3A_686 : vector<16xf32>
        %add3A_1356 = arith.addf %add3A_1332, %mul3A_1355 : vector<16xf32>
        %add3A_1357 = arith.constant 20480 : i32
        %add3A_1358 = vector.broadcast %add3A_1357 : i32 to vector<16xi32>
        %add3A_1359 = arith.addi %add3A_731, %add3A_1358 : vector<16xi32>
        %gather3A_1360 = tpu.vector_load_idx %arg6[%add3A_1359] : memref<32768xf32, #tpu.memory_space<vmem>>[vector<16xi32>], vector<16xf32>,
        %mul3A_1361 = arith.mulf %gather3A_1360, %get3A_686 : vector<16xf32>
        %add3A_1362 = arith.addf %add3A_1338, %mul3A_1361 : vector<16xf32>
        %add3A_1363 = arith.constant 20480 : i32
        %add3A_1364 = vector.broadcast %add3A_1363 : i32 to vector<16xi32>
        %add3A_1365 = arith.addi %add3A_734, %add3A_1364 : vector<16xi32>
        %gather3A_1366 = tpu.vector_load_idx %arg6[%add3A_1365] : memref<32768xf32, #tpu.memory_space<vmem>>[vector<16xi32>], vector<16xf32>,
        %mul3A_1367 = arith.mulf %gather3A_1366, %get3A_686 : vector<16xf32>
        %add3A_1368 = arith.addf %add3A_1344, %mul3A_1367 : vector<16xf32>
        %div3A_1369 = arith.constant 1.000000e+00 : f32
        %div3A_1370 = vector.broadcast %div3A_1369 : f32 to vector<16xf32>
        %div3A_1371 = arith.divf %div3A_1370, %add3A_1368 : vector<16xf32>
        %add3A_1372 = arith.constant 7680 : i32
        %add3A_1373 = vector.broadcast %add3A_1372 : i32 to vector<16xi32>
        %add3A_1374 = arith.addi %add3A_737, %add3A_1373 : vector<16xi32>
        %mul3A_1375 = arith.mulf %add3A_1350, %div3A_1371 : vector<16xf32>
        tpu.vector_store_idx %arg8[%add3A_1374], %mul3A_1375 : memref<12288xf32, #tpu.memory_space<vmem>>[vector<16xi32>], vector<16xf32>,
        %add3A_1376 = arith.constant 7680 : i32
        %add3A_1377 = vector.broadcast %add3A_1376 : i32 to vector<16xi32>
        %add3A_1378 = arith.addi %add3A_740, %add3A_1377 : vector<16xi32>
        %mul3A_1379 = arith.mulf %add3A_1356, %div3A_1371 : vector<16xf32>
        tpu.vector_store_idx %arg8[%add3A_1378], %mul3A_1379 : memref<12288xf32, #tpu.memory_space<vmem>>[vector<16xi32>], vector<16xf32>,
        %add3A_1380 = arith.constant 7680 : i32
        %add3A_1381 = vector.broadcast %add3A_1380 : i32 to vector<16xi32>
        %add3A_1382 = arith.addi %add3A_743, %add3A_1381 : vector<16xi32>
        %mul3A_1383 = arith.mulf %add3A_1362, %div3A_1371 : vector<16xf32>
        tpu.vector_store_idx %arg8[%add3A_1382], %mul3A_1383 : memref<12288xf32, #tpu.memory_space<vmem>>[vector<16xi32>], vector<16xf32>,
        %add3A_1384 = arith.constant 24576 : i32
        %add3A_1385 = vector.broadcast %add3A_1384 : i32 to vector<16xi32>
        %add3A_1386 = arith.addi %add3A_689, %add3A_1385 : vector<16xi32>
        %gather3A_1387 = tpu.vector_load_idx %arg6[%add3A_1386] : memref<32768xf32, #tpu.memory_space<vmem>>[vector<16xi32>], vector<16xf32>,
        %mul3A_1388 = arith.mulf %gather3A_1387, %get3A_674 : vector<16xf32>
        %add3A_1389 = arith.constant 24576 : i32
        %add3A_1390 = vector.broadcast %add3A_1389 : i32 to vector<16xi32>
        %add3A_1391 = arith.addi %add3A_692, %add3A_1390 : vector<16xi32>
        %gather3A_1392 = tpu.vector_load_idx %arg6[%add3A_1391] : memref<32768xf32, #tpu.memory_space<vmem>>[vector<16xi32>], vector<16xf32>,
        %mul3A_1393 = arith.mulf %gather3A_1392, %get3A_674 : vector<16xf32>
        %add3A_1394 = arith.constant 24576 : i32
        %add3A_1395 = vector.broadcast %add3A_1394 : i32 to vector<16xi32>
        %add3A_1396 = arith.addi %add3A_695, %add3A_1395 : vector<16xi32>
        %gather3A_1397 = tpu.vector_load_idx %arg6[%add3A_1396] : memref<32768xf32, #tpu.memory_space<vmem>>[vector<16xi32>], vector<16xf32>,
        %mul3A_1398 = arith.mulf %gather3A_1397, %get3A_674 : vector<16xf32>
        %add3A_1399 = arith.constant 24576 : i32
        %add3A_1400 = vector.broadcast %add3A_1399 : i32 to vector<16xi32>
        %add3A_1401 = arith.addi %add3A_698, %add3A_1400 : vector<16xi32>
        %gather3A_1402 = tpu.vector_load_idx %arg6[%add3A_1401] : memref<32768xf32, #tpu.memory_space<vmem>>[vector<16xi32>], vector<16xf32>,
        %mul3A_1403 = arith.mulf %gather3A_1402, %get3A_674 : vector<16xf32>
        %add3A_1404 = arith.constant 24576 : i32
        %add3A_1405 = vector.broadcast %add3A_1404 : i32 to vector<16xi32>
        %add3A_1406 = arith.addi %add3A_701, %add3A_1405 : vector<16xi32>
        %gather3A_1407 = tpu.vector_load_idx %arg6[%add3A_1406] : memref<32768xf32, #tpu.memory_space<vmem>>[vector<16xi32>], vector<16xf32>,
        %mul3A_1408 = arith.mulf %gather3A_1407, %get3A_678 : vector<16xf32>
        %add3A_1409 = arith.addf %mul3A_1388, %mul3A_1408 : vector<16xf32>
        %add3A_1410 = arith.constant 24576 : i32
        %add3A_1411 = vector.broadcast %add3A_1410 : i32 to vector<16xi32>
        %add3A_1412 = arith.addi %add3A_704, %add3A_1411 : vector<16xi32>
        %gather3A_1413 = tpu.vector_load_idx %arg6[%add3A_1412] : memref<32768xf32, #tpu.memory_space<vmem>>[vector<16xi32>], vector<16xf32>,
        %mul3A_1414 = arith.mulf %gather3A_1413, %get3A_678 : vector<16xf32>
        %add3A_1415 = arith.addf %mul3A_1393, %mul3A_1414 : vector<16xf32>
        %add3A_1416 = arith.constant 24576 : i32
        %add3A_1417 = vector.broadcast %add3A_1416 : i32 to vector<16xi32>
        %add3A_1418 = arith.addi %add3A_707, %add3A_1417 : vector<16xi32>
        %gather3A_1419 = tpu.vector_load_idx %arg6[%add3A_1418] : memref<32768xf32, #tpu.memory_space<vmem>>[vector<16xi32>], vector<16xf32>,
        %mul3A_1420 = arith.mulf %gather3A_1419, %get3A_678 : vector<16xf32>
        %add3A_1421 = arith.addf %mul3A_1398, %mul3A_1420 : vector<16xf32>
        %add3A_1422 = arith.constant 24576 : i32
        %add3A_1423 = vector.broadcast %add3A_1422 : i32 to vector<16xi32>
        %add3A_1424 = arith.addi %add3A_710, %add3A_1423 : vector<16xi32>
        %gather3A_1425 = tpu.vector_load_idx %arg6[%add3A_1424] : memref<32768xf32, #tpu.memory_space<vmem>>[vector<16xi32>], vector<16xf32>,
        %mul3A_1426 = arith.mulf %gather3A_1425, %get3A_678 : vector<16xf32>
        %add3A_1427 = arith.addf %mul3A_1403, %mul3A_1426 : vector<16xf32>
        %add3A_1428 = arith.constant 24576 : i32
        %add3A_1429 = vector.broadcast %add3A_1428 : i32 to vector<16xi32>
        %add3A_1430 = arith.addi %add3A_713, %add3A_1429 : vector<16xi32>
        %gather3A_1431 = tpu.vector_load_idx %arg6[%add3A_1430] : memref<32768xf32, #tpu.memory_space<vmem>>[vector<16xi32>], vector<16xf32>,
        %mul3A_1432 = arith.mulf %gather3A_1431, %get3A_682 : vector<16xf32>
        %add3A_1433 = arith.addf %add3A_1409, %mul3A_1432 : vector<16xf32>
        %add3A_1434 = arith.constant 24576 : i32
        %add3A_1435 = vector.broadcast %add3A_1434 : i32 to vector<16xi32>
        %add3A_1436 = arith.addi %add3A_716, %add3A_1435 : vector<16xi32>
        %gather3A_1437 = tpu.vector_load_idx %arg6[%add3A_1436] : memref<32768xf32, #tpu.memory_space<vmem>>[vector<16xi32>], vector<16xf32>,
        %mul3A_1438 = arith.mulf %gather3A_1437, %get3A_682 : vector<16xf32>
        %add3A_1439 = arith.addf %add3A_1415, %mul3A_1438 : vector<16xf32>
        %add3A_1440 = arith.constant 24576 : i32
        %add3A_1441 = vector.broadcast %add3A_1440 : i32 to vector<16xi32>
        %add3A_1442 = arith.addi %add3A_719, %add3A_1441 : vector<16xi32>
        %gather3A_1443 = tpu.vector_load_idx %arg6[%add3A_1442] : memref<32768xf32, #tpu.memory_space<vmem>>[vector<16xi32>], vector<16xf32>,
        %mul3A_1444 = arith.mulf %gather3A_1443, %get3A_682 : vector<16xf32>
        %add3A_1445 = arith.addf %add3A_1421, %mul3A_1444 : vector<16xf32>
        %add3A_1446 = arith.constant 24576 : i32
        %add3A_1447 = vector.broadcast %add3A_1446 : i32 to vector<16xi32>
        %add3A_1448 = arith.addi %add3A_722, %add3A_1447 : vector<16xi32>
        %gather3A_1449 = tpu.vector_load_idx %arg6[%add3A_1448] : memref<32768xf32, #tpu.memory_space<vmem>>[vector<16xi32>], vector<16xf32>,
        %mul3A_1450 = arith.mulf %gather3A_1449, %get3A_682 : vector<16xf32>
        %add3A_1451 = arith.addf %add3A_1427, %mul3A_1450 : vector<16xf32>
        %add3A_1452 = arith.constant 24576 : i32
        %add3A_1453 = vector.broadcast %add3A_1452 : i32 to vector<16xi32>
        %add3A_1454 = arith.addi %add3A_725, %add3A_1453 : vector<16xi32>
        %gather3A_1455 = tpu.vector_load_idx %arg6[%add3A_1454] : memref<32768xf32, #tpu.memory_space<vmem>>[vector<16xi32>], vector<16xf32>,
        %mul3A_1456 = arith.mulf %gather3A_1455, %get3A_686 : vector<16xf32>
        %add3A_1457 = arith.addf %add3A_1433, %mul3A_1456 : vector<16xf32>
        %add3A_1458 = arith.constant 24576 : i32
        %add3A_1459 = vector.broadcast %add3A_1458 : i32 to vector<16xi32>
        %add3A_1460 = arith.addi %add3A_728, %add3A_1459 : vector<16xi32>
        %gather3A_1461 = tpu.vector_load_idx %arg6[%add3A_1460] : memref<32768xf32, #tpu.memory_space<vmem>>[vector<16xi32>], vector<16xf32>,
        %mul3A_1462 = arith.mulf %gather3A_1461, %get3A_686 : vector<16xf32>
        %add3A_1463 = arith.addf %add3A_1439, %mul3A_1462 : vector<16xf32>
        %add3A_1464 = arith.constant 24576 : i32
        %add3A_1465 = vector.broadcast %add3A_1464 : i32 to vector<16xi32>
        %add3A_1466 = arith.addi %add3A_731, %add3A_1465 : vector<16xi32>
        %gather3A_1467 = tpu.vector_load_idx %arg6[%add3A_1466] : memref<32768xf32, #tpu.memory_space<vmem>>[vector<16xi32>], vector<16xf32>,
        %mul3A_1468 = arith.mulf %gather3A_1467, %get3A_686 : vector<16xf32>
        %add3A_1469 = arith.addf %add3A_1445, %mul3A_1468 : vector<16xf32>
        %add3A_1470 = arith.constant 24576 : i32
        %add3A_1471 = vector.broadcast %add3A_1470 : i32 to vector<16xi32>
        %add3A_1472 = arith.addi %add3A_734, %add3A_1471 : vector<16xi32>
        %gather3A_1473 = tpu.vector_load_idx %arg6[%add3A_1472] : memref<32768xf32, #tpu.memory_space<vmem>>[vector<16xi32>], vector<16xf32>,
        %mul3A_1474 = arith.mulf %gather3A_1473, %get3A_686 : vector<16xf32>
        %add3A_1475 = arith.addf %add3A_1451, %mul3A_1474 : vector<16xf32>
        %div3A_1476 = arith.constant 1.000000e+00 : f32
        %div3A_1477 = vector.broadcast %div3A_1476 : f32 to vector<16xf32>
        %div3A_1478 = arith.divf %div3A_1477, %add3A_1475 : vector<16xf32>
        %add3A_1479 = arith.constant 9216 : i32
        %add3A_1480 = vector.broadcast %add3A_1479 : i32 to vector<16xi32>
        %add3A_1481 = arith.addi %add3A_737, %add3A_1480 : vector<16xi32>
        %mul3A_1482 = arith.mulf %add3A_1457, %div3A_1478 : vector<16xf32>
        tpu.vector_store_idx %arg8[%add3A_1481], %mul3A_1482 : memref<12288xf32, #tpu.memory_space<vmem>>[vector<16xi32>], vector<16xf32>,
        %add3A_1483 = arith.constant 9216 : i32
        %add3A_1484 = vector.broadcast %add3A_1483 : i32 to vector<16xi32>
        %add3A_1485 = arith.addi %add3A_740, %add3A_1484 : vector<16xi32>
        %mul3A_1486 = arith.mulf %add3A_1463, %div3A_1478 : vector<16xf32>
        tpu.vector_store_idx %arg8[%add3A_1485], %mul3A_1486 : memref<12288xf32, #tpu.memory_space<vmem>>[vector<16xi32>], vector<16xf32>,
        %add3A_1487 = arith.constant 9216 : i32
        %add3A_1488 = vector.broadcast %add3A_1487 : i32 to vector<16xi32>
        %add3A_1489 = arith.addi %add3A_743, %add3A_1488 : vector<16xi32>
        %mul3A_1490 = arith.mulf %add3A_1469, %div3A_1478 : vector<16xf32>
        tpu.vector_store_idx %arg8[%add3A_1489], %mul3A_1490 : memref<12288xf32, #tpu.memory_space<vmem>>[vector<16xi32>], vector<16xf32>,
        %add3A_1491 = arith.constant 28672 : i32
        %add3A_1492 = vector.broadcast %add3A_1491 : i32 to vector<16xi32>
        %add3A_1493 = arith.addi %add3A_689, %add3A_1492 : vector<16xi32>
        %gather3A_1494 = tpu.vector_load_idx %arg6[%add3A_1493] : memref<32768xf32, #tpu.memory_space<vmem>>[vector<16xi32>], vector<16xf32>,
        %mul3A_1495 = arith.mulf %gather3A_1494, %get3A_674 : vector<16xf32>
        %add3A_1496 = arith.constant 28672 : i32
        %add3A_1497 = vector.broadcast %add3A_1496 : i32 to vector<16xi32>
        %add3A_1498 = arith.addi %add3A_692, %add3A_1497 : vector<16xi32>
        %gather3A_1499 = tpu.vector_load_idx %arg6[%add3A_1498] : memref<32768xf32, #tpu.memory_space<vmem>>[vector<16xi32>], vector<16xf32>,
        %mul3A_1500 = arith.mulf %gather3A_1499, %get3A_674 : vector<16xf32>
        %add3A_1501 = arith.constant 28672 : i32
        %add3A_1502 = vector.broadcast %add3A_1501 : i32 to vector<16xi32>
        %add3A_1503 = arith.addi %add3A_695, %add3A_1502 : vector<16xi32>
        %gather3A_1504 = tpu.vector_load_idx %arg6[%add3A_1503] : memref<32768xf32, #tpu.memory_space<vmem>>[vector<16xi32>], vector<16xf32>,
        %mul3A_1505 = arith.mulf %gather3A_1504, %get3A_674 : vector<16xf32>
        %add3A_1506 = arith.constant 28672 : i32
        %add3A_1507 = vector.broadcast %add3A_1506 : i32 to vector<16xi32>
        %add3A_1508 = arith.addi %add3A_698, %add3A_1507 : vector<16xi32>
        %gather3A_1509 = tpu.vector_load_idx %arg6[%add3A_1508] : memref<32768xf32, #tpu.memory_space<vmem>>[vector<16xi32>], vector<16xf32>,
        %mul3A_1510 = arith.mulf %gather3A_1509, %get3A_674 : vector<16xf32>
        %add3A_1511 = arith.constant 28672 : i32
        %add3A_1512 = vector.broadcast %add3A_1511 : i32 to vector<16xi32>
        %add3A_1513 = arith.addi %add3A_701, %add3A_1512 : vector<16xi32>
        %gather3A_1514 = tpu.vector_load_idx %arg6[%add3A_1513] : memref<32768xf32, #tpu.memory_space<vmem>>[vector<16xi32>], vector<16xf32>,
        %mul3A_1515 = arith.mulf %gather3A_1514, %get3A_678 : vector<16xf32>
        %add3A_1516 = arith.addf %mul3A_1495, %mul3A_1515 : vector<16xf32>
        %add3A_1517 = arith.constant 28672 : i32
        %add3A_1518 = vector.broadcast %add3A_1517 : i32 to vector<16xi32>
        %add3A_1519 = arith.addi %add3A_704, %add3A_1518 : vector<16xi32>
        %gather3A_1520 = tpu.vector_load_idx %arg6[%add3A_1519] : memref<32768xf32, #tpu.memory_space<vmem>>[vector<16xi32>], vector<16xf32>,
        %mul3A_1521 = arith.mulf %gather3A_1520, %get3A_678 : vector<16xf32>
        %add3A_1522 = arith.addf %mul3A_1500, %mul3A_1521 : vector<16xf32>
        %add3A_1523 = arith.constant 28672 : i32
        %add3A_1524 = vector.broadcast %add3A_1523 : i32 to vector<16xi32>
        %add3A_1525 = arith.addi %add3A_707, %add3A_1524 : vector<16xi32>
        %gather3A_1526 = tpu.vector_load_idx %arg6[%add3A_1525] : memref<32768xf32, #tpu.memory_space<vmem>>[vector<16xi32>], vector<16xf32>,
        %mul3A_1527 = arith.mulf %gather3A_1526, %get3A_678 : vector<16xf32>
        %add3A_1528 = arith.addf %mul3A_1505, %mul3A_1527 : vector<16xf32>
        %add3A_1529 = arith.constant 28672 : i32
        %add3A_1530 = vector.broadcast %add3A_1529 : i32 to vector<16xi32>
        %add3A_1531 = arith.addi %add3A_710, %add3A_1530 : vector<16xi32>
        %gather3A_1532 = tpu.vector_load_idx %arg6[%add3A_1531] : memref<32768xf32, #tpu.memory_space<vmem>>[vector<16xi32>], vector<16xf32>,
        %mul3A_1533 = arith.mulf %gather3A_1532, %get3A_678 : vector<16xf32>
        %add3A_1534 = arith.addf %mul3A_1510, %mul3A_1533 : vector<16xf32>
        %add3A_1535 = arith.constant 28672 : i32
        %add3A_1536 = vector.broadcast %add3A_1535 : i32 to vector<16xi32>
        %add3A_1537 = arith.addi %add3A_713, %add3A_1536 : vector<16xi32>
        %gather3A_1538 = tpu.vector_load_idx %arg6[%add3A_1537] : memref<32768xf32, #tpu.memory_space<vmem>>[vector<16xi32>], vector<16xf32>,
        %mul3A_1539 = arith.mulf %gather3A_1538, %get3A_682 : vector<16xf32>
        %add3A_1540 = arith.addf %add3A_1516, %mul3A_1539 : vector<16xf32>
        %add3A_1541 = arith.constant 28672 : i32
        %add3A_1542 = vector.broadcast %add3A_1541 : i32 to vector<16xi32>
        %add3A_1543 = arith.addi %add3A_716, %add3A_1542 : vector<16xi32>
        %gather3A_1544 = tpu.vector_load_idx %arg6[%add3A_1543] : memref<32768xf32, #tpu.memory_space<vmem>>[vector<16xi32>], vector<16xf32>,
        %mul3A_1545 = arith.mulf %gather3A_1544, %get3A_682 : vector<16xf32>
        %add3A_1546 = arith.addf %add3A_1522, %mul3A_1545 : vector<16xf32>
        %add3A_1547 = arith.constant 28672 : i32
        %add3A_1548 = vector.broadcast %add3A_1547 : i32 to vector<16xi32>
        %add3A_1549 = arith.addi %add3A_719, %add3A_1548 : vector<16xi32>
        %gather3A_1550 = tpu.vector_load_idx %arg6[%add3A_1549] : memref<32768xf32, #tpu.memory_space<vmem>>[vector<16xi32>], vector<16xf32>,
        %mul3A_1551 = arith.mulf %gather3A_1550, %get3A_682 : vector<16xf32>
        %add3A_1552 = arith.addf %add3A_1528, %mul3A_1551 : vector<16xf32>
        %add3A_1553 = arith.constant 28672 : i32
        %add3A_1554 = vector.broadcast %add3A_1553 : i32 to vector<16xi32>
        %add3A_1555 = arith.addi %add3A_722, %add3A_1554 : vector<16xi32>
        %gather3A_1556 = tpu.vector_load_idx %arg6[%add3A_1555] : memref<32768xf32, #tpu.memory_space<vmem>>[vector<16xi32>], vector<16xf32>,
        %mul3A_1557 = arith.mulf %gather3A_1556, %get3A_682 : vector<16xf32>
        %add3A_1558 = arith.addf %add3A_1534, %mul3A_1557 : vector<16xf32>
        %add3A_1559 = arith.constant 28672 : i32
        %add3A_1560 = vector.broadcast %add3A_1559 : i32 to vector<16xi32>
        %add3A_1561 = arith.addi %add3A_725, %add3A_1560 : vector<16xi32>
        %gather3A_1562 = tpu.vector_load_idx %arg6[%add3A_1561] : memref<32768xf32, #tpu.memory_space<vmem>>[vector<16xi32>], vector<16xf32>,
        %mul3A_1563 = arith.mulf %gather3A_1562, %get3A_686 : vector<16xf32>
        %add3A_1564 = arith.addf %add3A_1540, %mul3A_1563 : vector<16xf32>
        %add3A_1565 = arith.constant 28672 : i32
        %add3A_1566 = vector.broadcast %add3A_1565 : i32 to vector<16xi32>
        %add3A_1567 = arith.addi %add3A_728, %add3A_1566 : vector<16xi32>
        %gather3A_1568 = tpu.vector_load_idx %arg6[%add3A_1567] : memref<32768xf32, #tpu.memory_space<vmem>>[vector<16xi32>], vector<16xf32>,
        %mul3A_1569 = arith.mulf %gather3A_1568, %get3A_686 : vector<16xf32>
        %add3A_1570 = arith.addf %add3A_1546, %mul3A_1569 : vector<16xf32>
        %add3A_1571 = arith.constant 28672 : i32
        %add3A_1572 = vector.broadcast %add3A_1571 : i32 to vector<16xi32>
        %add3A_1573 = arith.addi %add3A_731, %add3A_1572 : vector<16xi32>
        %gather3A_1574 = tpu.vector_load_idx %arg6[%add3A_1573] : memref<32768xf32, #tpu.memory_space<vmem>>[vector<16xi32>], vector<16xf32>,
        %mul3A_1575 = arith.mulf %gather3A_1574, %get3A_686 : vector<16xf32>
        %add3A_1576 = arith.addf %add3A_1552, %mul3A_1575 : vector<16xf32>
        %add3A_1577 = arith.constant 28672 : i32
        %add3A_1578 = vector.broadcast %add3A_1577 : i32 to vector<16xi32>
        %add3A_1579 = arith.addi %add3A_734, %add3A_1578 : vector<16xi32>
        %gather3A_1580 = tpu.vector_load_idx %arg6[%add3A_1579] : memref<32768xf32, #tpu.memory_space<vmem>>[vector<16xi32>], vector<16xf32>,
        %mul3A_1581 = arith.mulf %gather3A_1580, %get3A_686 : vector<16xf32>
        %add3A_1582 = arith.addf %add3A_1558, %mul3A_1581 : vector<16xf32>
        %div3A_1583 = arith.constant 1.000000e+00 : f32
        %div3A_1584 = vector.broadcast %div3A_1583 : f32 to vector<16xf32>
        %div3A_1585 = arith.divf %div3A_1584, %add3A_1582 : vector<16xf32>
        %add3A_1586 = arith.constant 10752 : i32
        %add3A_1587 = vector.broadcast %add3A_1586 : i32 to vector<16xi32>
        %add3A_1588 = arith.addi %add3A_737, %add3A_1587 : vector<16xi32>
        %mul3A_1589 = arith.mulf %add3A_1564, %div3A_1585 : vector<16xf32>
        tpu.vector_store_idx %arg8[%add3A_1588], %mul3A_1589 : memref<12288xf32, #tpu.memory_space<vmem>>[vector<16xi32>], vector<16xf32>,
        %add3A_1590 = arith.constant 10752 : i32
        %add3A_1591 = vector.broadcast %add3A_1590 : i32 to vector<16xi32>
        %add3A_1592 = arith.addi %add3A_740, %add3A_1591 : vector<16xi32>
        %mul3A_1593 = arith.mulf %add3A_1570, %div3A_1585 : vector<16xf32>
        tpu.vector_store_idx %arg8[%add3A_1592], %mul3A_1593 : memref<12288xf32, #tpu.memory_space<vmem>>[vector<16xi32>], vector<16xf32>,
        %add3A_1594 = arith.constant 10752 : i32
        %add3A_1595 = vector.broadcast %add3A_1594 : i32 to vector<16xi32>
        %add3A_1596 = arith.addi %add3A_743, %add3A_1595 : vector<16xi32>
        %mul3A_1597 = arith.mulf %add3A_1576, %div3A_1585 : vector<16xf32>
        tpu.vector_store_idx %arg8[%add3A_1596], %mul3A_1597 : memref<12288xf32, #tpu.memory_space<vmem>>[vector<16xi32>], vector<16xf32>,
      }
      %scan3A_366 = arith.constant 32 : i32
      %mul3A_367 = arith.constant 8 : i32
      %mul3A_368 = arith.muli %mul3A_272, %mul3A_367 : i32
      %add3A_369 = arith.addi %mul3A_2, %mul3A_368 : i32
      %add3A_370 = arith.constant 0 : i32
      %add3A_371 = arith.addi %add3A_369, %add3A_370 : i32
      %dma_start3A_372 = arith.constant 0 : i32
      %dma_start3A_373 = tpu.memref_slice %arg8[%dma_start3A_372] : memref<12288xf32, #tpu.memory_space<vmem>> -> memref<1536xf32, #tpu.memory_space<vmem>>
      %dma_start3A_374 = arith.constant 0 : i32
      %dma_start3A_375 = tpu.memref_slice %arg5[%add3A_371, %dma_start3A_374] : memref<4096x1536xf32, #tpu.memory_space<hbm>> -> memref<1x1536xf32, #tpu.memory_space<hbm>>
      %dma_start3A_376 = tpu.memref_squeeze %dma_start3A_375 : memref<1x1536xf32, #tpu.memory_space<hbm>> -> memref<1536xf32, #tpu.memory_space<hbm>>
      %dma_start3A_377 = arith.constant 0 : i32
      %dma_start3A_378 = tpu.memref_slice %arg5[%add3A_371, %dma_start3A_377] : memref<4096x1536xf32, #tpu.memory_space<hbm>> -> memref<1x1536xf32, #tpu.memory_space<hbm>>
      %dma_start3A_379 = tpu.memref_squeeze %dma_start3A_378 : memref<1x1536xf32, #tpu.memory_space<hbm>> -> memref<1536xf32, #tpu.memory_space<hbm>>
      %dma_start3A_380 = arith.constant 0 : i32
      %dma_start3A_381 = tpu.memref_slice %arg8[%dma_start3A_380] : memref<12288xf32, #tpu.memory_space<vmem>> -> memref<1536xf32, #tpu.memory_space<vmem>>
      tpu.enqueue_dma source(%dma_start3A_381 : memref<1536xf32, #tpu.memory_space<vmem>>) target(%dma_start3A_379 : memref<1536xf32, #tpu.memory_space<hbm>>) target_semaphore(%arg17 : memref<!tpu.dma_semaphore, #tpu.memory_space<semaphore_mem>>)
      %add3A_382 = arith.constant 1 : i32
      %add3A_383 = arith.addi %add3A_369, %add3A_382 : i32
      %dma_start3A_384 = arith.constant 1536 : i32
      %dma_start3A_385 = tpu.memref_slice %arg8[%dma_start3A_384] : memref<12288xf32, #tpu.memory_space<vmem>> -> memref<1536xf32, #tpu.memory_space<vmem>>
      %dma_start3A_386 = arith.constant 0 : i32
      %dma_start3A_387 = tpu.memref_slice %arg5[%add3A_383, %dma_start3A_386] : memref<4096x1536xf32, #tpu.memory_space<hbm>> -> memref<1x1536xf32, #tpu.memory_space<hbm>>
      %dma_start3A_388 = tpu.memref_squeeze %dma_start3A_387 : memref<1x1536xf32, #tpu.memory_space<hbm>> -> memref<1536xf32, #tpu.memory_space<hbm>>
      %dma_start3A_389 = arith.constant 0 : i32
      %dma_start3A_390 = tpu.memref_slice %arg5[%add3A_383, %dma_start3A_389] : memref<4096x1536xf32, #tpu.memory_space<hbm>> -> memref<1x1536xf32, #tpu.memory_space<hbm>>
      %dma_start3A_391 = tpu.memref_squeeze %dma_start3A_390 : memref<1x1536xf32, #tpu.memory_space<hbm>> -> memref<1536xf32, #tpu.memory_space<hbm>>
      %dma_start3A_392 = arith.constant 1536 : i32
      %dma_start3A_393 = tpu.memref_slice %arg8[%dma_start3A_392] : memref<12288xf32, #tpu.memory_space<vmem>> -> memref<1536xf32, #tpu.memory_space<vmem>>
      tpu.enqueue_dma source(%dma_start3A_393 : memref<1536xf32, #tpu.memory_space<vmem>>) target(%dma_start3A_391 : memref<1536xf32, #tpu.memory_space<hbm>>) target_semaphore(%arg17 : memref<!tpu.dma_semaphore, #tpu.memory_space<semaphore_mem>>)
      %add3A_394 = arith.constant 2 : i32
      %add3A_395 = arith.addi %add3A_369, %add3A_394 : i32
      %dma_start3A_396 = arith.constant 3072 : i32
      %dma_start3A_397 = tpu.memref_slice %arg8[%dma_start3A_396] : memref<12288xf32, #tpu.memory_space<vmem>> -> memref<1536xf32, #tpu.memory_space<vmem>>
      %dma_start3A_398 = arith.constant 0 : i32
      %dma_start3A_399 = tpu.memref_slice %arg5[%add3A_395, %dma_start3A_398] : memref<4096x1536xf32, #tpu.memory_space<hbm>> -> memref<1x1536xf32, #tpu.memory_space<hbm>>
      %dma_start3A_400 = tpu.memref_squeeze %dma_start3A_399 : memref<1x1536xf32, #tpu.memory_space<hbm>> -> memref<1536xf32, #tpu.memory_space<hbm>>
      %dma_start3A_401 = arith.constant 0 : i32
      %dma_start3A_402 = tpu.memref_slice %arg5[%add3A_395, %dma_start3A_401] : memref<4096x1536xf32, #tpu.memory_space<hbm>> -> memref<1x1536xf32, #tpu.memory_space<hbm>>
      %dma_start3A_403 = tpu.memref_squeeze %dma_start3A_402 : memref<1x1536xf32, #tpu.memory_space<hbm>> -> memref<1536xf32, #tpu.memory_space<hbm>>
      %dma_start3A_404 = arith.constant 3072 : i32
      %dma_start3A_405 = tpu.memref_slice %arg8[%dma_start3A_404] : memref<12288xf32, #tpu.memory_space<vmem>> -> memref<1536xf32, #tpu.memory_space<vmem>>
      tpu.enqueue_dma source(%dma_start3A_405 : memref<1536xf32, #tpu.memory_space<vmem>>) target(%dma_start3A_403 : memref<1536xf32, #tpu.memory_space<hbm>>) target_semaphore(%arg17 : memref<!tpu.dma_semaphore, #tpu.memory_space<semaphore_mem>>)
      %add3A_406 = arith.constant 3 : i32
      %add3A_407 = arith.addi %add3A_369, %add3A_406 : i32
      %dma_start3A_408 = arith.constant 4608 : i32
      %dma_start3A_409 = tpu.memref_slice %arg8[%dma_start3A_408] : memref<12288xf32, #tpu.memory_space<vmem>> -> memref<1536xf32, #tpu.memory_space<vmem>>
      %dma_start3A_410 = arith.constant 0 : i32
      %dma_start3A_411 = tpu.memref_slice %arg5[%add3A_407, %dma_start3A_410] : memref<4096x1536xf32, #tpu.memory_space<hbm>> -> memref<1x1536xf32, #tpu.memory_space<hbm>>
      %dma_start3A_412 = tpu.memref_squeeze %dma_start3A_411 : memref<1x1536xf32, #tpu.memory_space<hbm>> -> memref<1536xf32, #tpu.memory_space<hbm>>
      %dma_start3A_413 = arith.constant 0 : i32
      %dma_start3A_414 = tpu.memref_slice %arg5[%add3A_407, %dma_start3A_413] : memref<4096x1536xf32, #tpu.memory_space<hbm>> -> memref<1x1536xf32, #tpu.memory_space<hbm>>
      %dma_start3A_415 = tpu.memref_squeeze %dma_start3A_414 : memref<1x1536xf32, #tpu.memory_space<hbm>> -> memref<1536xf32, #tpu.memory_space<hbm>>
      %dma_start3A_416 = arith.constant 4608 : i32
      %dma_start3A_417 = tpu.memref_slice %arg8[%dma_start3A_416] : memref<12288xf32, #tpu.memory_space<vmem>> -> memref<1536xf32, #tpu.memory_space<vmem>>
      tpu.enqueue_dma source(%dma_start3A_417 : memref<1536xf32, #tpu.memory_space<vmem>>) target(%dma_start3A_415 : memref<1536xf32, #tpu.memory_space<hbm>>) target_semaphore(%arg17 : memref<!tpu.dma_semaphore, #tpu.memory_space<semaphore_mem>>)
      %add3A_418 = arith.constant 4 : i32
      %add3A_419 = arith.addi %add3A_369, %add3A_418 : i32
      %dma_start3A_420 = arith.constant 6144 : i32
      %dma_start3A_421 = tpu.memref_slice %arg8[%dma_start3A_420] : memref<12288xf32, #tpu.memory_space<vmem>> -> memref<1536xf32, #tpu.memory_space<vmem>>
      %dma_start3A_422 = arith.constant 0 : i32
      %dma_start3A_423 = tpu.memref_slice %arg5[%add3A_419, %dma_start3A_422] : memref<4096x1536xf32, #tpu.memory_space<hbm>> -> memref<1x1536xf32, #tpu.memory_space<hbm>>
      %dma_start3A_424 = tpu.memref_squeeze %dma_start3A_423 : memref<1x1536xf32, #tpu.memory_space<hbm>> -> memref<1536xf32, #tpu.memory_space<hbm>>
      %dma_start3A_425 = arith.constant 0 : i32
      %dma_start3A_426 = tpu.memref_slice %arg5[%add3A_419, %dma_start3A_425] : memref<4096x1536xf32, #tpu.memory_space<hbm>> -> memref<1x1536xf32, #tpu.memory_space<hbm>>
      %dma_start3A_427 = tpu.memref_squeeze %dma_start3A_426 : memref<1x1536xf32, #tpu.memory_space<hbm>> -> memref<1536xf32, #tpu.memory_space<hbm>>
      %dma_start3A_428 = arith.constant 6144 : i32
      %dma_start3A_429 = tpu.memref_slice %arg8[%dma_start3A_428] : memref<12288xf32, #tpu.memory_space<vmem>> -> memref<1536xf32, #tpu.memory_space<vmem>>
      tpu.enqueue_dma source(%dma_start3A_429 : memref<1536xf32, #tpu.memory_space<vmem>>) target(%dma_start3A_427 : memref<1536xf32, #tpu.memory_space<hbm>>) target_semaphore(%arg17 : memref<!tpu.dma_semaphore, #tpu.memory_space<semaphore_mem>>)
      %add3A_430 = arith.constant 5 : i32
      %add3A_431 = arith.addi %add3A_369, %add3A_430 : i32
      %dma_start3A_432 = arith.constant 7680 : i32
      %dma_start3A_433 = tpu.memref_slice %arg8[%dma_start3A_432] : memref<12288xf32, #tpu.memory_space<vmem>> -> memref<1536xf32, #tpu.memory_space<vmem>>
      %dma_start3A_434 = arith.constant 0 : i32
      %dma_start3A_435 = tpu.memref_slice %arg5[%add3A_431, %dma_start3A_434] : memref<4096x1536xf32, #tpu.memory_space<hbm>> -> memref<1x1536xf32, #tpu.memory_space<hbm>>
      %dma_start3A_436 = tpu.memref_squeeze %dma_start3A_435 : memref<1x1536xf32, #tpu.memory_space<hbm>> -> memref<1536xf32, #tpu.memory_space<hbm>>
      %dma_start3A_437 = arith.constant 0 : i32
      %dma_start3A_438 = tpu.memref_slice %arg5[%add3A_431, %dma_start3A_437] : memref<4096x1536xf32, #tpu.memory_space<hbm>> -> memref<1x1536xf32, #tpu.memory_space<hbm>>
      %dma_start3A_439 = tpu.memref_squeeze %dma_start3A_438 : memref<1x1536xf32, #tpu.memory_space<hbm>> -> memref<1536xf32, #tpu.memory_space<hbm>>
      %dma_start3A_440 = arith.constant 7680 : i32
      %dma_start3A_441 = tpu.memref_slice %arg8[%dma_start3A_440] : memref<12288xf32, #tpu.memory_space<vmem>> -> memref<1536xf32, #tpu.memory_space<vmem>>
      tpu.enqueue_dma source(%dma_start3A_441 : memref<1536xf32, #tpu.memory_space<vmem>>) target(%dma_start3A_439 : memref<1536xf32, #tpu.memory_space<hbm>>) target_semaphore(%arg17 : memref<!tpu.dma_semaphore, #tpu.memory_space<semaphore_mem>>)
      %add3A_442 = arith.constant 6 : i32
      %add3A_443 = arith.addi %add3A_369, %add3A_442 : i32
      %dma_start3A_444 = arith.constant 9216 : i32
      %dma_start3A_445 = tpu.memref_slice %arg8[%dma_start3A_444] : memref<12288xf32, #tpu.memory_space<vmem>> -> memref<1536xf32, #tpu.memory_space<vmem>>
      %dma_start3A_446 = arith.constant 0 : i32
      %dma_start3A_447 = tpu.memref_slice %arg5[%add3A_443, %dma_start3A_446] : memref<4096x1536xf32, #tpu.memory_space<hbm>> -> memref<1x1536xf32, #tpu.memory_space<hbm>>
      %dma_start3A_448 = tpu.memref_squeeze %dma_start3A_447 : memref<1x1536xf32, #tpu.memory_space<hbm>> -> memref<1536xf32, #tpu.memory_space<hbm>>
      %dma_start3A_449 = arith.constant 0 : i32
      %dma_start3A_450 = tpu.memref_slice %arg5[%add3A_443, %dma_start3A_449] : memref<4096x1536xf32, #tpu.memory_space<hbm>> -> memref<1x1536xf32, #tpu.memory_space<hbm>>
      %dma_start3A_451 = tpu.memref_squeeze %dma_start3A_450 : memref<1x1536xf32, #tpu.memory_space<hbm>> -> memref<1536xf32, #tpu.memory_space<hbm>>
      %dma_start3A_452 = arith.constant 9216 : i32
      %dma_start3A_453 = tpu.memref_slice %arg8[%dma_start3A_452] : memref<12288xf32, #tpu.memory_space<vmem>> -> memref<1536xf32, #tpu.memory_space<vmem>>
      tpu.enqueue_dma source(%dma_start3A_453 : memref<1536xf32, #tpu.memory_space<vmem>>) target(%dma_start3A_451 : memref<1536xf32, #tpu.memory_space<hbm>>) target_semaphore(%arg17 : memref<!tpu.dma_semaphore, #tpu.memory_space<semaphore_mem>>)
      %add3A_454 = arith.constant 7 : i32
      %add3A_455 = arith.addi %add3A_369, %add3A_454 : i32
      %dma_start3A_456 = arith.constant 10752 : i32
      %dma_start3A_457 = tpu.memref_slice %arg8[%dma_start3A_456] : memref<12288xf32, #tpu.memory_space<vmem>> -> memref<1536xf32, #tpu.memory_space<vmem>>
      %dma_start3A_458 = arith.constant 0 : i32
      %dma_start3A_459 = tpu.memref_slice %arg5[%add3A_455, %dma_start3A_458] : memref<4096x1536xf32, #tpu.memory_space<hbm>> -> memref<1x1536xf32, #tpu.memory_space<hbm>>
      %dma_start3A_460 = tpu.memref_squeeze %dma_start3A_459 : memref<1x1536xf32, #tpu.memory_space<hbm>> -> memref<1536xf32, #tpu.memory_space<hbm>>
      %dma_start3A_461 = arith.constant 0 : i32
      %dma_start3A_462 = tpu.memref_slice %arg5[%add3A_455, %dma_start3A_461] : memref<4096x1536xf32, #tpu.memory_space<hbm>> -> memref<1x1536xf32, #tpu.memory_space<hbm>>
      %dma_start3A_463 = tpu.memref_squeeze %dma_start3A_462 : memref<1x1536xf32, #tpu.memory_space<hbm>> -> memref<1536xf32, #tpu.memory_space<hbm>>
      %dma_start3A_464 = arith.constant 10752 : i32
      %dma_start3A_465 = tpu.memref_slice %arg8[%dma_start3A_464] : memref<12288xf32, #tpu.memory_space<vmem>> -> memref<1536xf32, #tpu.memory_space<vmem>>
      tpu.enqueue_dma source(%dma_start3A_465 : memref<1536xf32, #tpu.memory_space<vmem>>) target(%dma_start3A_463 : memref<1536xf32, #tpu.memory_space<hbm>>) target_semaphore(%arg17 : memref<!tpu.dma_semaphore, #tpu.memory_space<semaphore_mem>>)
      %add3A_466 = arith.constant 2 : i32
      %add3A_467 = arith.addi %mul3A_272, %add3A_466 : i32
      %lt3A_468 = arith.constant 16 : i32
      %lt3A_469 = arith.cmpi slt, %add3A_467, %lt3A_468 : i32
      %convert_element_type3A_470 = arith.extui %lt3A_469 : i1 to i32
      %cond3A_471 = arith.constant 0 : i32
      %cond3A_472 = arith.cmpi ne, %convert_element_type3A_470, %cond3A_471 : i32
      scf.if %cond3A_472 {
        %add3A_665 = arith.constant 2 : i32
        %add3A_666 = arith.addi %mul3A_272, %add3A_665 : i32
        %mul3A_667 = arith.constant 8 : i32
        %mul3A_668 = arith.muli %add3A_666, %mul3A_667 : i32
        %add3A_669 = arith.addi %mul3A_2, %mul3A_668 : i32
        %add3A_670 = arith.constant 0 : i32
        %add3A_671 = arith.addi %add3A_669, %add3A_670 : i32
        %dma_start3A_672 = arith.constant 0 : i32
        %dma_start3A_673 = tpu.memref_slice %arg6[%dma_start3A_672] : memref<32768xf32, #tpu.memory_space<vmem>> -> memref<4096xf32, #tpu.memory_space<vmem>>
        %dma_start3A_674 = arith.constant 0 : i32
        %dma_start3A_675 = tpu.memref_slice %arg2[%add3A_671, %dma_start3A_674] : memref<4096x4096xf32, #tpu.memory_space<hbm>> -> memref<1x4096xf32, #tpu.memory_space<hbm>>
        %dma_start3A_676 = tpu.memref_squeeze %dma_start3A_675 : memref<1x4096xf32, #tpu.memory_space<hbm>> -> memref<4096xf32, #tpu.memory_space<hbm>>
        %dma_start3A_677 = arith.constant 0 : i32
        %dma_start3A_678 = tpu.memref_slice %arg6[%dma_start3A_677] : memref<32768xf32, #tpu.memory_space<vmem>> -> memref<4096xf32, #tpu.memory_space<vmem>>
        %dma_start3A_679 = arith.constant 0 : i32
        %dma_start3A_680 = tpu.memref_slice %arg2[%add3A_671, %dma_start3A_679] : memref<4096x4096xf32, #tpu.memory_space<hbm>> -> memref<1x4096xf32, #tpu.memory_space<hbm>>
        %dma_start3A_681 = tpu.memref_squeeze %dma_start3A_680 : memref<1x4096xf32, #tpu.memory_space<hbm>> -> memref<4096xf32, #tpu.memory_space<hbm>>
        tpu.enqueue_dma source(%dma_start3A_681 : memref<4096xf32, #tpu.memory_space<hbm>>) target(%dma_start3A_678 : memref<4096xf32, #tpu.memory_space<vmem>>) target_semaphore(%arg15 : memref<!tpu.dma_semaphore, #tpu.memory_space<semaphore_mem>>)
        %add3A_682 = arith.constant 1 : i32
        %add3A_683 = arith.addi %add3A_669, %add3A_682 : i32
        %dma_start3A_684 = arith.constant 4096 : i32
        %dma_start3A_685 = tpu.memref_slice %arg6[%dma_start3A_684] : memref<32768xf32, #tpu.memory_space<vmem>> -> memref<4096xf32, #tpu.memory_space<vmem>>
        %dma_start3A_686 = arith.constant 0 : i32
        %dma_start3A_687 = tpu.memref_slice %arg2[%add3A_683, %dma_start3A_686] : memref<4096x4096xf32, #tpu.memory_space<hbm>> -> memref<1x4096xf32, #tpu.memory_space<hbm>>
        %dma_start3A_688 = tpu.memref_squeeze %dma_start3A_687 : memref<1x4096xf32, #tpu.memory_space<hbm>> -> memref<4096xf32, #tpu.memory_space<hbm>>
        %dma_start3A_689 = arith.constant 4096 : i32
        %dma_start3A_690 = tpu.memref_slice %arg6[%dma_start3A_689] : memref<32768xf32, #tpu.memory_space<vmem>> -> memref<4096xf32, #tpu.memory_space<vmem>>
        %dma_start3A_691 = arith.constant 0 : i32
        %dma_start3A_692 = tpu.memref_slice %arg2[%add3A_683, %dma_start3A_691] : memref<4096x4096xf32, #tpu.memory_space<hbm>> -> memref<1x4096xf32, #tpu.memory_space<hbm>>
        %dma_start3A_693 = tpu.memref_squeeze %dma_start3A_692 : memref<1x4096xf32, #tpu.memory_space<hbm>> -> memref<4096xf32, #tpu.memory_space<hbm>>
        tpu.enqueue_dma source(%dma_start3A_693 : memref<4096xf32, #tpu.memory_space<hbm>>) target(%dma_start3A_690 : memref<4096xf32, #tpu.memory_space<vmem>>) target_semaphore(%arg15 : memref<!tpu.dma_semaphore, #tpu.memory_space<semaphore_mem>>)
        %add3A_694 = arith.constant 2 : i32
        %add3A_695 = arith.addi %add3A_669, %add3A_694 : i32
        %dma_start3A_696 = arith.constant 8192 : i32
        %dma_start3A_697 = tpu.memref_slice %arg6[%dma_start3A_696] : memref<32768xf32, #tpu.memory_space<vmem>> -> memref<4096xf32, #tpu.memory_space<vmem>>
        %dma_start3A_698 = arith.constant 0 : i32
        %dma_start3A_699 = tpu.memref_slice %arg2[%add3A_695, %dma_start3A_698] : memref<4096x4096xf32, #tpu.memory_space<hbm>> -> memref<1x4096xf32, #tpu.memory_space<hbm>>
        %dma_start3A_700 = tpu.memref_squeeze %dma_start3A_699 : memref<1x4096xf32, #tpu.memory_space<hbm>> -> memref<4096xf32, #tpu.memory_space<hbm>>
        %dma_start3A_701 = arith.constant 8192 : i32
        %dma_start3A_702 = tpu.memref_slice %arg6[%dma_start3A_701] : memref<32768xf32, #tpu.memory_space<vmem>> -> memref<4096xf32, #tpu.memory_space<vmem>>
        %dma_start3A_703 = arith.constant 0 : i32
        %dma_start3A_704 = tpu.memref_slice %arg2[%add3A_695, %dma_start3A_703] : memref<4096x4096xf32, #tpu.memory_space<hbm>> -> memref<1x4096xf32, #tpu.memory_space<hbm>>
        %dma_start3A_705 = tpu.memref_squeeze %dma_start3A_704 : memref<1x4096xf32, #tpu.memory_space<hbm>> -> memref<4096xf32, #tpu.memory_space<hbm>>
        tpu.enqueue_dma source(%dma_start3A_705 : memref<4096xf32, #tpu.memory_space<hbm>>) target(%dma_start3A_702 : memref<4096xf32, #tpu.memory_space<vmem>>) target_semaphore(%arg15 : memref<!tpu.dma_semaphore, #tpu.memory_space<semaphore_mem>>)
        %add3A_706 = arith.constant 3 : i32
        %add3A_707 = arith.addi %add3A_669, %add3A_706 : i32
        %dma_start3A_708 = arith.constant 12288 : i32
        %dma_start3A_709 = tpu.memref_slice %arg6[%dma_start3A_708] : memref<32768xf32, #tpu.memory_space<vmem>> -> memref<4096xf32, #tpu.memory_space<vmem>>
        %dma_start3A_710 = arith.constant 0 : i32
        %dma_start3A_711 = tpu.memref_slice %arg2[%add3A_707, %dma_start3A_710] : memref<4096x4096xf32, #tpu.memory_space<hbm>> -> memref<1x4096xf32, #tpu.memory_space<hbm>>
        %dma_start3A_712 = tpu.memref_squeeze %dma_start3A_711 : memref<1x4096xf32, #tpu.memory_space<hbm>> -> memref<4096xf32, #tpu.memory_space<hbm>>
        %dma_start3A_713 = arith.constant 12288 : i32
        %dma_start3A_714 = tpu.memref_slice %arg6[%dma_start3A_713] : memref<32768xf32, #tpu.memory_space<vmem>> -> memref<4096xf32, #tpu.memory_space<vmem>>
        %dma_start3A_715 = arith.constant 0 : i32
        %dma_start3A_716 = tpu.memref_slice %arg2[%add3A_707, %dma_start3A_715] : memref<4096x4096xf32, #tpu.memory_space<hbm>> -> memref<1x4096xf32, #tpu.memory_space<hbm>>
        %dma_start3A_717 = tpu.memref_squeeze %dma_start3A_716 : memref<1x4096xf32, #tpu.memory_space<hbm>> -> memref<4096xf32, #tpu.memory_space<hbm>>
        tpu.enqueue_dma source(%dma_start3A_717 : memref<4096xf32, #tpu.memory_space<hbm>>) target(%dma_start3A_714 : memref<4096xf32, #tpu.memory_space<vmem>>) target_semaphore(%arg15 : memref<!tpu.dma_semaphore, #tpu.memory_space<semaphore_mem>>)
        %add3A_718 = arith.constant 4 : i32
        %add3A_719 = arith.addi %add3A_669, %add3A_718 : i32
        %dma_start3A_720 = arith.constant 16384 : i32
        %dma_start3A_721 = tpu.memref_slice %arg6[%dma_start3A_720] : memref<32768xf32, #tpu.memory_space<vmem>> -> memref<4096xf32, #tpu.memory_space<vmem>>
        %dma_start3A_722 = arith.constant 0 : i32
        %dma_start3A_723 = tpu.memref_slice %arg2[%add3A_719, %dma_start3A_722] : memref<4096x4096xf32, #tpu.memory_space<hbm>> -> memref<1x4096xf32, #tpu.memory_space<hbm>>
        %dma_start3A_724 = tpu.memref_squeeze %dma_start3A_723 : memref<1x4096xf32, #tpu.memory_space<hbm>> -> memref<4096xf32, #tpu.memory_space<hbm>>
        %dma_start3A_725 = arith.constant 16384 : i32
        %dma_start3A_726 = tpu.memref_slice %arg6[%dma_start3A_725] : memref<32768xf32, #tpu.memory_space<vmem>> -> memref<4096xf32, #tpu.memory_space<vmem>>
        %dma_start3A_727 = arith.constant 0 : i32
        %dma_start3A_728 = tpu.memref_slice %arg2[%add3A_719, %dma_start3A_727] : memref<4096x4096xf32, #tpu.memory_space<hbm>> -> memref<1x4096xf32, #tpu.memory_space<hbm>>
        %dma_start3A_729 = tpu.memref_squeeze %dma_start3A_728 : memref<1x4096xf32, #tpu.memory_space<hbm>> -> memref<4096xf32, #tpu.memory_space<hbm>>
        tpu.enqueue_dma source(%dma_start3A_729 : memref<4096xf32, #tpu.memory_space<hbm>>) target(%dma_start3A_726 : memref<4096xf32, #tpu.memory_space<vmem>>) target_semaphore(%arg15 : memref<!tpu.dma_semaphore, #tpu.memory_space<semaphore_mem>>)
        %add3A_730 = arith.constant 5 : i32
        %add3A_731 = arith.addi %add3A_669, %add3A_730 : i32
        %dma_start3A_732 = arith.constant 20480 : i32
        %dma_start3A_733 = tpu.memref_slice %arg6[%dma_start3A_732] : memref<32768xf32, #tpu.memory_space<vmem>> -> memref<4096xf32, #tpu.memory_space<vmem>>
        %dma_start3A_734 = arith.constant 0 : i32
        %dma_start3A_735 = tpu.memref_slice %arg2[%add3A_731, %dma_start3A_734] : memref<4096x4096xf32, #tpu.memory_space<hbm>> -> memref<1x4096xf32, #tpu.memory_space<hbm>>
        %dma_start3A_736 = tpu.memref_squeeze %dma_start3A_735 : memref<1x4096xf32, #tpu.memory_space<hbm>> -> memref<4096xf32, #tpu.memory_space<hbm>>
        %dma_start3A_737 = arith.constant 20480 : i32
        %dma_start3A_738 = tpu.memref_slice %arg6[%dma_start3A_737] : memref<32768xf32, #tpu.memory_space<vmem>> -> memref<4096xf32, #tpu.memory_space<vmem>>
        %dma_start3A_739 = arith.constant 0 : i32
        %dma_start3A_740 = tpu.memref_slice %arg2[%add3A_731, %dma_start3A_739] : memref<4096x4096xf32, #tpu.memory_space<hbm>> -> memref<1x4096xf32, #tpu.memory_space<hbm>>
        %dma_start3A_741 = tpu.memref_squeeze %dma_start3A_740 : memref<1x4096xf32, #tpu.memory_space<hbm>> -> memref<4096xf32, #tpu.memory_space<hbm>>
        tpu.enqueue_dma source(%dma_start3A_741 : memref<4096xf32, #tpu.memory_space<hbm>>) target(%dma_start3A_738 : memref<4096xf32, #tpu.memory_space<vmem>>) target_semaphore(%arg15 : memref<!tpu.dma_semaphore, #tpu.memory_space<semaphore_mem>>)
        %add3A_742 = arith.constant 6 : i32
        %add3A_743 = arith.addi %add3A_669, %add3A_742 : i32
        %dma_start3A_744 = arith.constant 24576 : i32
        %dma_start3A_745 = tpu.memref_slice %arg6[%dma_start3A_744] : memref<32768xf32, #tpu.memory_space<vmem>> -> memref<4096xf32, #tpu.memory_space<vmem>>
        %dma_start3A_746 = arith.constant 0 : i32
        %dma_start3A_747 = tpu.memref_slice %arg2[%add3A_743, %dma_start3A_746] : memref<4096x4096xf32, #tpu.memory_space<hbm>> -> memref<1x4096xf32, #tpu.memory_space<hbm>>
        %dma_start3A_748 = tpu.memref_squeeze %dma_start3A_747 : memref<1x4096xf32, #tpu.memory_space<hbm>> -> memref<4096xf32, #tpu.memory_space<hbm>>
        %dma_start3A_749 = arith.constant 24576 : i32
        %dma_start3A_750 = tpu.memref_slice %arg6[%dma_start3A_749] : memref<32768xf32, #tpu.memory_space<vmem>> -> memref<4096xf32, #tpu.memory_space<vmem>>
        %dma_start3A_751 = arith.constant 0 : i32
        %dma_start3A_752 = tpu.memref_slice %arg2[%add3A_743, %dma_start3A_751] : memref<4096x4096xf32, #tpu.memory_space<hbm>> -> memref<1x4096xf32, #tpu.memory_space<hbm>>
        %dma_start3A_753 = tpu.memref_squeeze %dma_start3A_752 : memref<1x4096xf32, #tpu.memory_space<hbm>> -> memref<4096xf32, #tpu.memory_space<hbm>>
        tpu.enqueue_dma source(%dma_start3A_753 : memref<4096xf32, #tpu.memory_space<hbm>>) target(%dma_start3A_750 : memref<4096xf32, #tpu.memory_space<vmem>>) target_semaphore(%arg15 : memref<!tpu.dma_semaphore, #tpu.memory_space<semaphore_mem>>)
        %add3A_754 = arith.constant 7 : i32
        %add3A_755 = arith.addi %add3A_669, %add3A_754 : i32
        %dma_start3A_756 = arith.constant 28672 : i32
        %dma_start3A_757 = tpu.memref_slice %arg6[%dma_start3A_756] : memref<32768xf32, #tpu.memory_space<vmem>> -> memref<4096xf32, #tpu.memory_space<vmem>>
        %dma_start3A_758 = arith.constant 0 : i32
        %dma_start3A_759 = tpu.memref_slice %arg2[%add3A_755, %dma_start3A_758] : memref<4096x4096xf32, #tpu.memory_space<hbm>> -> memref<1x4096xf32, #tpu.memory_space<hbm>>
        %dma_start3A_760 = tpu.memref_squeeze %dma_start3A_759 : memref<1x4096xf32, #tpu.memory_space<hbm>> -> memref<4096xf32, #tpu.memory_space<hbm>>
        %dma_start3A_761 = arith.constant 28672 : i32
        %dma_start3A_762 = tpu.memref_slice %arg6[%dma_start3A_761] : memref<32768xf32, #tpu.memory_space<vmem>> -> memref<4096xf32, #tpu.memory_space<vmem>>
        %dma_start3A_763 = arith.constant 0 : i32
        %dma_start3A_764 = tpu.memref_slice %arg2[%add3A_755, %dma_start3A_763] : memref<4096x4096xf32, #tpu.memory_space<hbm>> -> memref<1x4096xf32, #tpu.memory_space<hbm>>
        %dma_start3A_765 = tpu.memref_squeeze %dma_start3A_764 : memref<1x4096xf32, #tpu.memory_space<hbm>> -> memref<4096xf32, #tpu.memory_space<hbm>>
        tpu.enqueue_dma source(%dma_start3A_765 : memref<4096xf32, #tpu.memory_space<hbm>>) target(%dma_start3A_762 : memref<4096xf32, #tpu.memory_space<vmem>>) target_semaphore(%arg15 : memref<!tpu.dma_semaphore, #tpu.memory_space<semaphore_mem>>)
      } else {
      }
      %dma_wait3A_473 = arith.constant 0 : i32
      %dma_wait3A_474 = tpu.memref_slice %arg7[%dma_wait3A_473] : memref<32768xf32, #tpu.memory_space<vmem>> -> memref<4096xf32, #tpu.memory_space<vmem>>
      %dma_wait3A_475 = arith.constant 0 : i32
      %dma_wait3A_476 = tpu.memref_slice %arg2[%mul3A_2, %dma_wait3A_475] : memref<4096x4096xf32, #tpu.memory_space<hbm>> -> memref<1x4096xf32, #tpu.memory_space<hbm>>
      %dma_wait3A_477 = tpu.memref_squeeze %dma_wait3A_476 : memref<1x4096xf32, #tpu.memory_space<hbm>> -> memref<4096xf32, #tpu.memory_space<hbm>>
      %dma_wait3A_478 = arith.constant 0 : i32
      %dma_wait3A_479 = tpu.memref_slice %arg7[%dma_wait3A_478] : memref<32768xf32, #tpu.memory_space<vmem>> -> memref<4096xf32, #tpu.memory_space<vmem>>
      %dma_wait3A_480 = arith.constant 0 : i32
      %dma_wait3A_481 = tpu.memref_slice %arg2[%mul3A_2, %dma_wait3A_480] : memref<4096x4096xf32, #tpu.memory_space<hbm>> -> memref<1x4096xf32, #tpu.memory_space<hbm>>
      %dma_wait3A_482 = tpu.memref_squeeze %dma_wait3A_481 : memref<1x4096xf32, #tpu.memory_space<hbm>> -> memref<4096xf32, #tpu.memory_space<hbm>>
      tpu.wait_dma2 semaphore(%arg16 : memref<!tpu.dma_semaphore, #tpu.memory_space<semaphore_mem>>) src(%dma_wait3A_482 : memref<4096xf32, #tpu.memory_space<hbm>>) dst(%dma_wait3A_479 : memref<4096xf32, #tpu.memory_space<vmem>>)
      %dma_wait3A_483 = arith.constant 4096 : i32
      %dma_wait3A_484 = tpu.memref_slice %arg7[%dma_wait3A_483] : memref<32768xf32, #tpu.memory_space<vmem>> -> memref<4096xf32, #tpu.memory_space<vmem>>
      %dma_wait3A_485 = arith.constant 0 : i32
      %dma_wait3A_486 = tpu.memref_slice %arg2[%mul3A_2, %dma_wait3A_485] : memref<4096x4096xf32, #tpu.memory_space<hbm>> -> memref<1x4096xf32, #tpu.memory_space<hbm>>
      %dma_wait3A_487 = tpu.memref_squeeze %dma_wait3A_486 : memref<1x4096xf32, #tpu.memory_space<hbm>> -> memref<4096xf32, #tpu.memory_space<hbm>>
      %dma_wait3A_488 = arith.constant 4096 : i32
      %dma_wait3A_489 = tpu.memref_slice %arg7[%dma_wait3A_488] : memref<32768xf32, #tpu.memory_space<vmem>> -> memref<4096xf32, #tpu.memory_space<vmem>>
      %dma_wait3A_490 = arith.constant 0 : i32
      %dma_wait3A_491 = tpu.memref_slice %arg2[%mul3A_2, %dma_wait3A_490] : memref<4096x4096xf32, #tpu.memory_space<hbm>> -> memref<1x4096xf32, #tpu.memory_space<hbm>>
      %dma_wait3A_492 = tpu.memref_squeeze %dma_wait3A_491 : memref<1x4096xf32, #tpu.memory_space<hbm>> -> memref<4096xf32, #tpu.memory_space<hbm>>
      tpu.wait_dma2 semaphore(%arg16 : memref<!tpu.dma_semaphore, #tpu.memory_space<semaphore_mem>>) src(%dma_wait3A_492 : memref<4096xf32, #tpu.memory_space<hbm>>) dst(%dma_wait3A_489 : memref<4096xf32, #tpu.memory_space<vmem>>)
      %dma_wait3A_493 = arith.constant 8192 : i32
      %dma_wait3A_494 = tpu.memref_slice %arg7[%dma_wait3A_493] : memref<32768xf32, #tpu.memory_space<vmem>> -> memref<4096xf32, #tpu.memory_space<vmem>>
      %dma_wait3A_495 = arith.constant 0 : i32
      %dma_wait3A_496 = tpu.memref_slice %arg2[%mul3A_2, %dma_wait3A_495] : memref<4096x4096xf32, #tpu.memory_space<hbm>> -> memref<1x4096xf32, #tpu.memory_space<hbm>>
      %dma_wait3A_497 = tpu.memref_squeeze %dma_wait3A_496 : memref<1x4096xf32, #tpu.memory_space<hbm>> -> memref<4096xf32, #tpu.memory_space<hbm>>
      %dma_wait3A_498 = arith.constant 8192 : i32
      %dma_wait3A_499 = tpu.memref_slice %arg7[%dma_wait3A_498] : memref<32768xf32, #tpu.memory_space<vmem>> -> memref<4096xf32, #tpu.memory_space<vmem>>
      %dma_wait3A_500 = arith.constant 0 : i32
      %dma_wait3A_501 = tpu.memref_slice %arg2[%mul3A_2, %dma_wait3A_500] : memref<4096x4096xf32, #tpu.memory_space<hbm>> -> memref<1x4096xf32, #tpu.memory_space<hbm>>
      %dma_wait3A_502 = tpu.memref_squeeze %dma_wait3A_501 : memref<1x4096xf32, #tpu.memory_space<hbm>> -> memref<4096xf32, #tpu.memory_space<hbm>>
      tpu.wait_dma2 semaphore(%arg16 : memref<!tpu.dma_semaphore, #tpu.memory_space<semaphore_mem>>) src(%dma_wait3A_502 : memref<4096xf32, #tpu.memory_space<hbm>>) dst(%dma_wait3A_499 : memref<4096xf32, #tpu.memory_space<vmem>>)
      %dma_wait3A_503 = arith.constant 12288 : i32
      %dma_wait3A_504 = tpu.memref_slice %arg7[%dma_wait3A_503] : memref<32768xf32, #tpu.memory_space<vmem>> -> memref<4096xf32, #tpu.memory_space<vmem>>
      %dma_wait3A_505 = arith.constant 0 : i32
      %dma_wait3A_506 = tpu.memref_slice %arg2[%mul3A_2, %dma_wait3A_505] : memref<4096x4096xf32, #tpu.memory_space<hbm>> -> memref<1x4096xf32, #tpu.memory_space<hbm>>
      %dma_wait3A_507 = tpu.memref_squeeze %dma_wait3A_506 : memref<1x4096xf32, #tpu.memory_space<hbm>> -> memref<4096xf32, #tpu.memory_space<hbm>>
      %dma_wait3A_508 = arith.constant 12288 : i32
      %dma_wait3A_509 = tpu.memref_slice %arg7[%dma_wait3A_508] : memref<32768xf32, #tpu.memory_space<vmem>> -> memref<4096xf32, #tpu.memory_space<vmem>>
      %dma_wait3A_510 = arith.constant 0 : i32
      %dma_wait3A_511 = tpu.memref_slice %arg2[%mul3A_2, %dma_wait3A_510] : memref<4096x4096xf32, #tpu.memory_space<hbm>> -> memref<1x4096xf32, #tpu.memory_space<hbm>>
      %dma_wait3A_512 = tpu.memref_squeeze %dma_wait3A_511 : memref<1x4096xf32, #tpu.memory_space<hbm>> -> memref<4096xf32, #tpu.memory_space<hbm>>
      tpu.wait_dma2 semaphore(%arg16 : memref<!tpu.dma_semaphore, #tpu.memory_space<semaphore_mem>>) src(%dma_wait3A_512 : memref<4096xf32, #tpu.memory_space<hbm>>) dst(%dma_wait3A_509 : memref<4096xf32, #tpu.memory_space<vmem>>)
      %dma_wait3A_513 = arith.constant 16384 : i32
      %dma_wait3A_514 = tpu.memref_slice %arg7[%dma_wait3A_513] : memref<32768xf32, #tpu.memory_space<vmem>> -> memref<4096xf32, #tpu.memory_space<vmem>>
      %dma_wait3A_515 = arith.constant 0 : i32
      %dma_wait3A_516 = tpu.memref_slice %arg2[%mul3A_2, %dma_wait3A_515] : memref<4096x4096xf32, #tpu.memory_space<hbm>> -> memref<1x4096xf32, #tpu.memory_space<hbm>>
      %dma_wait3A_517 = tpu.memref_squeeze %dma_wait3A_516 : memref<1x4096xf32, #tpu.memory_space<hbm>> -> memref<4096xf32, #tpu.memory_space<hbm>>
      %dma_wait3A_518 = arith.constant 16384 : i32
      %dma_wait3A_519 = tpu.memref_slice %arg7[%dma_wait3A_518] : memref<32768xf32, #tpu.memory_space<vmem>> -> memref<4096xf32, #tpu.memory_space<vmem>>
      %dma_wait3A_520 = arith.constant 0 : i32
      %dma_wait3A_521 = tpu.memref_slice %arg2[%mul3A_2, %dma_wait3A_520] : memref<4096x4096xf32, #tpu.memory_space<hbm>> -> memref<1x4096xf32, #tpu.memory_space<hbm>>
      %dma_wait3A_522 = tpu.memref_squeeze %dma_wait3A_521 : memref<1x4096xf32, #tpu.memory_space<hbm>> -> memref<4096xf32, #tpu.memory_space<hbm>>
      tpu.wait_dma2 semaphore(%arg16 : memref<!tpu.dma_semaphore, #tpu.memory_space<semaphore_mem>>) src(%dma_wait3A_522 : memref<4096xf32, #tpu.memory_space<hbm>>) dst(%dma_wait3A_519 : memref<4096xf32, #tpu.memory_space<vmem>>)
      %dma_wait3A_523 = arith.constant 20480 : i32
      %dma_wait3A_524 = tpu.memref_slice %arg7[%dma_wait3A_523] : memref<32768xf32, #tpu.memory_space<vmem>> -> memref<4096xf32, #tpu.memory_space<vmem>>
      %dma_wait3A_525 = arith.constant 0 : i32
      %dma_wait3A_526 = tpu.memref_slice %arg2[%mul3A_2, %dma_wait3A_525] : memref<4096x4096xf32, #tpu.memory_space<hbm>> -> memref<1x4096xf32, #tpu.memory_space<hbm>>
      %dma_wait3A_527 = tpu.memref_squeeze %dma_wait3A_526 : memref<1x4096xf32, #tpu.memory_space<hbm>> -> memref<4096xf32, #tpu.memory_space<hbm>>
      %dma_wait3A_528 = arith.constant 20480 : i32
      %dma_wait3A_529 = tpu.memref_slice %arg7[%dma_wait3A_528] : memref<32768xf32, #tpu.memory_space<vmem>> -> memref<4096xf32, #tpu.memory_space<vmem>>
      %dma_wait3A_530 = arith.constant 0 : i32
      %dma_wait3A_531 = tpu.memref_slice %arg2[%mul3A_2, %dma_wait3A_530] : memref<4096x4096xf32, #tpu.memory_space<hbm>> -> memref<1x4096xf32, #tpu.memory_space<hbm>>
      %dma_wait3A_532 = tpu.memref_squeeze %dma_wait3A_531 : memref<1x4096xf32, #tpu.memory_space<hbm>> -> memref<4096xf32, #tpu.memory_space<hbm>>
      tpu.wait_dma2 semaphore(%arg16 : memref<!tpu.dma_semaphore, #tpu.memory_space<semaphore_mem>>) src(%dma_wait3A_532 : memref<4096xf32, #tpu.memory_space<hbm>>) dst(%dma_wait3A_529 : memref<4096xf32, #tpu.memory_space<vmem>>)
      %dma_wait3A_533 = arith.constant 24576 : i32
      %dma_wait3A_534 = tpu.memref_slice %arg7[%dma_wait3A_533] : memref<32768xf32, #tpu.memory_space<vmem>> -> memref<4096xf32, #tpu.memory_space<vmem>>
      %dma_wait3A_535 = arith.constant 0 : i32
      %dma_wait3A_536 = tpu.memref_slice %arg2[%mul3A_2, %dma_wait3A_535] : memref<4096x4096xf32, #tpu.memory_space<hbm>> -> memref<1x4096xf32, #tpu.memory_space<hbm>>
      %dma_wait3A_537 = tpu.memref_squeeze %dma_wait3A_536 : memref<1x4096xf32, #tpu.memory_space<hbm>> -> memref<4096xf32, #tpu.memory_space<hbm>>
      %dma_wait3A_538 = arith.constant 24576 : i32
      %dma_wait3A_539 = tpu.memref_slice %arg7[%dma_wait3A_538] : memref<32768xf32, #tpu.memory_space<vmem>> -> memref<4096xf32, #tpu.memory_space<vmem>>
      %dma_wait3A_540 = arith.constant 0 : i32
      %dma_wait3A_541 = tpu.memref_slice %arg2[%mul3A_2, %dma_wait3A_540] : memref<4096x4096xf32, #tpu.memory_space<hbm>> -> memref<1x4096xf32, #tpu.memory_space<hbm>>
      %dma_wait3A_542 = tpu.memref_squeeze %dma_wait3A_541 : memref<1x4096xf32, #tpu.memory_space<hbm>> -> memref<4096xf32, #tpu.memory_space<hbm>>
      tpu.wait_dma2 semaphore(%arg16 : memref<!tpu.dma_semaphore, #tpu.memory_space<semaphore_mem>>) src(%dma_wait3A_542 : memref<4096xf32, #tpu.memory_space<hbm>>) dst(%dma_wait3A_539 : memref<4096xf32, #tpu.memory_space<vmem>>)
      %dma_wait3A_543 = arith.constant 28672 : i32
      %dma_wait3A_544 = tpu.memref_slice %arg7[%dma_wait3A_543] : memref<32768xf32, #tpu.memory_space<vmem>> -> memref<4096xf32, #tpu.memory_space<vmem>>
      %dma_wait3A_545 = arith.constant 0 : i32
      %dma_wait3A_546 = tpu.memref_slice %arg2[%mul3A_2, %dma_wait3A_545] : memref<4096x4096xf32, #tpu.memory_space<hbm>> -> memref<1x4096xf32, #tpu.memory_space<hbm>>
      %dma_wait3A_547 = tpu.memref_squeeze %dma_wait3A_546 : memref<1x4096xf32, #tpu.memory_space<hbm>> -> memref<4096xf32, #tpu.memory_space<hbm>>
      %dma_wait3A_548 = arith.constant 28672 : i32
      %dma_wait3A_549 = tpu.memref_slice %arg7[%dma_wait3A_548] : memref<32768xf32, #tpu.memory_space<vmem>> -> memref<4096xf32, #tpu.memory_space<vmem>>
      %dma_wait3A_550 = arith.constant 0 : i32
      %dma_wait3A_551 = tpu.memref_slice %arg2[%mul3A_2, %dma_wait3A_550] : memref<4096x4096xf32, #tpu.memory_space<hbm>> -> memref<1x4096xf32, #tpu.memory_space<hbm>>
      %dma_wait3A_552 = tpu.memref_squeeze %dma_wait3A_551 : memref<1x4096xf32, #tpu.memory_space<hbm>> -> memref<4096xf32, #tpu.memory_space<hbm>>
      tpu.wait_dma2 semaphore(%arg16 : memref<!tpu.dma_semaphore, #tpu.memory_space<semaphore_mem>>) src(%dma_wait3A_552 : memref<4096xf32, #tpu.memory_space<hbm>>) dst(%dma_wait3A_549 : memref<4096xf32, #tpu.memory_space<vmem>>)
      %gt3A_553 = arith.constant 0 : i32
      %gt3A_554 = arith.cmpi sgt, %scan3A_270, %gt3A_553 : i32
      %convert_element_type3A_555 = arith.extui %gt3A_554 : i1 to i32
      %cond3A_556 = arith.constant 0 : i32
      %cond3A_557 = arith.cmpi ne, %convert_element_type3A_555, %cond3A_556 : i32
      scf.if %cond3A_557 {
        %dma_wait3A_665 = arith.constant 0 : i32
        %dma_wait3A_666 = tpu.memref_slice %arg9[%dma_wait3A_665] : memref<12288xf32, #tpu.memory_space<vmem>> -> memref<1536xf32, #tpu.memory_space<vmem>>
        %dma_wait3A_667 = arith.constant 0 : i32
        %dma_wait3A_668 = tpu.memref_slice %arg5[%mul3A_2, %dma_wait3A_667] : memref<4096x1536xf32, #tpu.memory_space<hbm>> -> memref<1x1536xf32, #tpu.memory_space<hbm>>
        %dma_wait3A_669 = tpu.memref_squeeze %dma_wait3A_668 : memref<1x1536xf32, #tpu.memory_space<hbm>> -> memref<1536xf32, #tpu.memory_space<hbm>>
        %dma_wait3A_670 = arith.constant 0 : i32
        %dma_wait3A_671 = tpu.memref_slice %arg5[%mul3A_2, %dma_wait3A_670] : memref<4096x1536xf32, #tpu.memory_space<hbm>> -> memref<1x1536xf32, #tpu.memory_space<hbm>>
        %dma_wait3A_672 = tpu.memref_squeeze %dma_wait3A_671 : memref<1x1536xf32, #tpu.memory_space<hbm>> -> memref<1536xf32, #tpu.memory_space<hbm>>
        %dma_wait3A_673 = arith.constant 0 : i32
        %dma_wait3A_674 = tpu.memref_slice %arg9[%dma_wait3A_673] : memref<12288xf32, #tpu.memory_space<vmem>> -> memref<1536xf32, #tpu.memory_space<vmem>>
        tpu.wait_dma2 semaphore(%arg18 : memref<!tpu.dma_semaphore, #tpu.memory_space<semaphore_mem>>) src(%dma_wait3A_674 : memref<1536xf32, #tpu.memory_space<vmem>>) dst(%dma_wait3A_672 : memref<1536xf32, #tpu.memory_space<hbm>>)
        %dma_wait3A_675 = arith.constant 1536 : i32
        %dma_wait3A_676 = tpu.memref_slice %arg9[%dma_wait3A_675] : memref<12288xf32, #tpu.memory_space<vmem>> -> memref<1536xf32, #tpu.memory_space<vmem>>
        %dma_wait3A_677 = arith.constant 0 : i32
        %dma_wait3A_678 = tpu.memref_slice %arg5[%mul3A_2, %dma_wait3A_677] : memref<4096x1536xf32, #tpu.memory_space<hbm>> -> memref<1x1536xf32, #tpu.memory_space<hbm>>
        %dma_wait3A_679 = tpu.memref_squeeze %dma_wait3A_678 : memref<1x1536xf32, #tpu.memory_space<hbm>> -> memref<1536xf32, #tpu.memory_space<hbm>>
        %dma_wait3A_680 = arith.constant 0 : i32
        %dma_wait3A_681 = tpu.memref_slice %arg5[%mul3A_2, %dma_wait3A_680] : memref<4096x1536xf32, #tpu.memory_space<hbm>> -> memref<1x1536xf32, #tpu.memory_space<hbm>>
        %dma_wait3A_682 = tpu.memref_squeeze %dma_wait3A_681 : memref<1x1536xf32, #tpu.memory_space<hbm>> -> memref<1536xf32, #tpu.memory_space<hbm>>
        %dma_wait3A_683 = arith.constant 1536 : i32
        %dma_wait3A_684 = tpu.memref_slice %arg9[%dma_wait3A_683] : memref<12288xf32, #tpu.memory_space<vmem>> -> memref<1536xf32, #tpu.memory_space<vmem>>
        tpu.wait_dma2 semaphore(%arg18 : memref<!tpu.dma_semaphore, #tpu.memory_space<semaphore_mem>>) src(%dma_wait3A_684 : memref<1536xf32, #tpu.memory_space<vmem>>) dst(%dma_wait3A_682 : memref<1536xf32, #tpu.memory_space<hbm>>)
        %dma_wait3A_685 = arith.constant 3072 : i32
        %dma_wait3A_686 = tpu.memref_slice %arg9[%dma_wait3A_685] : memref<12288xf32, #tpu.memory_space<vmem>> -> memref<1536xf32, #tpu.memory_space<vmem>>
        %dma_wait3A_687 = arith.constant 0 : i32
        %dma_wait3A_688 = tpu.memref_slice %arg5[%mul3A_2, %dma_wait3A_687] : memref<4096x1536xf32, #tpu.memory_space<hbm>> -> memref<1x1536xf32, #tpu.memory_space<hbm>>
        %dma_wait3A_689 = tpu.memref_squeeze %dma_wait3A_688 : memref<1x1536xf32, #tpu.memory_space<hbm>> -> memref<1536xf32, #tpu.memory_space<hbm>>
        %dma_wait3A_690 = arith.constant 0 : i32
        %dma_wait3A_691 = tpu.memref_slice %arg5[%mul3A_2, %dma_wait3A_690] : memref<4096x1536xf32, #tpu.memory_space<hbm>> -> memref<1x1536xf32, #tpu.memory_space<hbm>>
        %dma_wait3A_692 = tpu.memref_squeeze %dma_wait3A_691 : memref<1x1536xf32, #tpu.memory_space<hbm>> -> memref<1536xf32, #tpu.memory_space<hbm>>
        %dma_wait3A_693 = arith.constant 3072 : i32
        %dma_wait3A_694 = tpu.memref_slice %arg9[%dma_wait3A_693] : memref<12288xf32, #tpu.memory_space<vmem>> -> memref<1536xf32, #tpu.memory_space<vmem>>
        tpu.wait_dma2 semaphore(%arg18 : memref<!tpu.dma_semaphore, #tpu.memory_space<semaphore_mem>>) src(%dma_wait3A_694 : memref<1536xf32, #tpu.memory_space<vmem>>) dst(%dma_wait3A_692 : memref<1536xf32, #tpu.memory_space<hbm>>)
        %dma_wait3A_695 = arith.constant 4608 : i32
        %dma_wait3A_696 = tpu.memref_slice %arg9[%dma_wait3A_695] : memref<12288xf32, #tpu.memory_space<vmem>> -> memref<1536xf32, #tpu.memory_space<vmem>>
        %dma_wait3A_697 = arith.constant 0 : i32
        %dma_wait3A_698 = tpu.memref_slice %arg5[%mul3A_2, %dma_wait3A_697] : memref<4096x1536xf32, #tpu.memory_space<hbm>> -> memref<1x1536xf32, #tpu.memory_space<hbm>>
        %dma_wait3A_699 = tpu.memref_squeeze %dma_wait3A_698 : memref<1x1536xf32, #tpu.memory_space<hbm>> -> memref<1536xf32, #tpu.memory_space<hbm>>
        %dma_wait3A_700 = arith.constant 0 : i32
        %dma_wait3A_701 = tpu.memref_slice %arg5[%mul3A_2, %dma_wait3A_700] : memref<4096x1536xf32, #tpu.memory_space<hbm>> -> memref<1x1536xf32, #tpu.memory_space<hbm>>
        %dma_wait3A_702 = tpu.memref_squeeze %dma_wait3A_701 : memref<1x1536xf32, #tpu.memory_space<hbm>> -> memref<1536xf32, #tpu.memory_space<hbm>>
        %dma_wait3A_703 = arith.constant 4608 : i32
        %dma_wait3A_704 = tpu.memref_slice %arg9[%dma_wait3A_703] : memref<12288xf32, #tpu.memory_space<vmem>> -> memref<1536xf32, #tpu.memory_space<vmem>>
        tpu.wait_dma2 semaphore(%arg18 : memref<!tpu.dma_semaphore, #tpu.memory_space<semaphore_mem>>) src(%dma_wait3A_704 : memref<1536xf32, #tpu.memory_space<vmem>>) dst(%dma_wait3A_702 : memref<1536xf32, #tpu.memory_space<hbm>>)
        %dma_wait3A_705 = arith.constant 6144 : i32
        %dma_wait3A_706 = tpu.memref_slice %arg9[%dma_wait3A_705] : memref<12288xf32, #tpu.memory_space<vmem>> -> memref<1536xf32, #tpu.memory_space<vmem>>
        %dma_wait3A_707 = arith.constant 0 : i32
        %dma_wait3A_708 = tpu.memref_slice %arg5[%mul3A_2, %dma_wait3A_707] : memref<4096x1536xf32, #tpu.memory_space<hbm>> -> memref<1x1536xf32, #tpu.memory_space<hbm>>
        %dma_wait3A_709 = tpu.memref_squeeze %dma_wait3A_708 : memref<1x1536xf32, #tpu.memory_space<hbm>> -> memref<1536xf32, #tpu.memory_space<hbm>>
        %dma_wait3A_710 = arith.constant 0 : i32
        %dma_wait3A_711 = tpu.memref_slice %arg5[%mul3A_2, %dma_wait3A_710] : memref<4096x1536xf32, #tpu.memory_space<hbm>> -> memref<1x1536xf32, #tpu.memory_space<hbm>>
        %dma_wait3A_712 = tpu.memref_squeeze %dma_wait3A_711 : memref<1x1536xf32, #tpu.memory_space<hbm>> -> memref<1536xf32, #tpu.memory_space<hbm>>
        %dma_wait3A_713 = arith.constant 6144 : i32
        %dma_wait3A_714 = tpu.memref_slice %arg9[%dma_wait3A_713] : memref<12288xf32, #tpu.memory_space<vmem>> -> memref<1536xf32, #tpu.memory_space<vmem>>
        tpu.wait_dma2 semaphore(%arg18 : memref<!tpu.dma_semaphore, #tpu.memory_space<semaphore_mem>>) src(%dma_wait3A_714 : memref<1536xf32, #tpu.memory_space<vmem>>) dst(%dma_wait3A_712 : memref<1536xf32, #tpu.memory_space<hbm>>)
        %dma_wait3A_715 = arith.constant 7680 : i32
        %dma_wait3A_716 = tpu.memref_slice %arg9[%dma_wait3A_715] : memref<12288xf32, #tpu.memory_space<vmem>> -> memref<1536xf32, #tpu.memory_space<vmem>>
        %dma_wait3A_717 = arith.constant 0 : i32
        %dma_wait3A_718 = tpu.memref_slice %arg5[%mul3A_2, %dma_wait3A_717] : memref<4096x1536xf32, #tpu.memory_space<hbm>> -> memref<1x1536xf32, #tpu.memory_space<hbm>>
        %dma_wait3A_719 = tpu.memref_squeeze %dma_wait3A_718 : memref<1x1536xf32, #tpu.memory_space<hbm>> -> memref<1536xf32, #tpu.memory_space<hbm>>
        %dma_wait3A_720 = arith.constant 0 : i32
        %dma_wait3A_721 = tpu.memref_slice %arg5[%mul3A_2, %dma_wait3A_720] : memref<4096x1536xf32, #tpu.memory_space<hbm>> -> memref<1x1536xf32, #tpu.memory_space<hbm>>
        %dma_wait3A_722 = tpu.memref_squeeze %dma_wait3A_721 : memref<1x1536xf32, #tpu.memory_space<hbm>> -> memref<1536xf32, #tpu.memory_space<hbm>>
        %dma_wait3A_723 = arith.constant 7680 : i32
        %dma_wait3A_724 = tpu.memref_slice %arg9[%dma_wait3A_723] : memref<12288xf32, #tpu.memory_space<vmem>> -> memref<1536xf32, #tpu.memory_space<vmem>>
        tpu.wait_dma2 semaphore(%arg18 : memref<!tpu.dma_semaphore, #tpu.memory_space<semaphore_mem>>) src(%dma_wait3A_724 : memref<1536xf32, #tpu.memory_space<vmem>>) dst(%dma_wait3A_722 : memref<1536xf32, #tpu.memory_space<hbm>>)
        %dma_wait3A_725 = arith.constant 9216 : i32
        %dma_wait3A_726 = tpu.memref_slice %arg9[%dma_wait3A_725] : memref<12288xf32, #tpu.memory_space<vmem>> -> memref<1536xf32, #tpu.memory_space<vmem>>
        %dma_wait3A_727 = arith.constant 0 : i32
        %dma_wait3A_728 = tpu.memref_slice %arg5[%mul3A_2, %dma_wait3A_727] : memref<4096x1536xf32, #tpu.memory_space<hbm>> -> memref<1x1536xf32, #tpu.memory_space<hbm>>
        %dma_wait3A_729 = tpu.memref_squeeze %dma_wait3A_728 : memref<1x1536xf32, #tpu.memory_space<hbm>> -> memref<1536xf32, #tpu.memory_space<hbm>>
        %dma_wait3A_730 = arith.constant 0 : i32
        %dma_wait3A_731 = tpu.memref_slice %arg5[%mul3A_2, %dma_wait3A_730] : memref<4096x1536xf32, #tpu.memory_space<hbm>> -> memref<1x1536xf32, #tpu.memory_space<hbm>>
        %dma_wait3A_732 = tpu.memref_squeeze %dma_wait3A_731 : memref<1x1536xf32, #tpu.memory_space<hbm>> -> memref<1536xf32, #tpu.memory_space<hbm>>
        %dma_wait3A_733 = arith.constant 9216 : i32
        %dma_wait3A_734 = tpu.memref_slice %arg9[%dma_wait3A_733] : memref<12288xf32, #tpu.memory_space<vmem>> -> memref<1536xf32, #tpu.memory_space<vmem>>
        tpu.wait_dma2 semaphore(%arg18 : memref<!tpu.dma_semaphore, #tpu.memory_space<semaphore_mem>>) src(%dma_wait3A_734 : memref<1536xf32, #tpu.memory_space<vmem>>) dst(%dma_wait3A_732 : memref<1536xf32, #tpu.memory_space<hbm>>)
        %dma_wait3A_735 = arith.constant 10752 : i32
        %dma_wait3A_736 = tpu.memref_slice %arg9[%dma_wait3A_735] : memref<12288xf32, #tpu.memory_space<vmem>> -> memref<1536xf32, #tpu.memory_space<vmem>>
        %dma_wait3A_737 = arith.constant 0 : i32
        %dma_wait3A_738 = tpu.memref_slice %arg5[%mul3A_2, %dma_wait3A_737] : memref<4096x1536xf32, #tpu.memory_space<hbm>> -> memref<1x1536xf32, #tpu.memory_space<hbm>>
        %dma_wait3A_739 = tpu.memref_squeeze %dma_wait3A_738 : memref<1x1536xf32, #tpu.memory_space<hbm>> -> memref<1536xf32, #tpu.memory_space<hbm>>
        %dma_wait3A_740 = arith.constant 0 : i32
        %dma_wait3A_741 = tpu.memref_slice %arg5[%mul3A_2, %dma_wait3A_740] : memref<4096x1536xf32, #tpu.memory_space<hbm>> -> memref<1x1536xf32, #tpu.memory_space<hbm>>
        %dma_wait3A_742 = tpu.memref_squeeze %dma_wait3A_741 : memref<1x1536xf32, #tpu.memory_space<hbm>> -> memref<1536xf32, #tpu.memory_space<hbm>>
        %dma_wait3A_743 = arith.constant 10752 : i32
        %dma_wait3A_744 = tpu.memref_slice %arg9[%dma_wait3A_743] : memref<12288xf32, #tpu.memory_space<vmem>> -> memref<1536xf32, #tpu.memory_space<vmem>>
        tpu.wait_dma2 semaphore(%arg18 : memref<!tpu.dma_semaphore, #tpu.memory_space<semaphore_mem>>) src(%dma_wait3A_744 : memref<1536xf32, #tpu.memory_space<vmem>>) dst(%dma_wait3A_742 : memref<1536xf32, #tpu.memory_space<hbm>>)
      } else {
      }
      %scan3A_558 = arith.constant 0 : i32
      %scan3A_559 = arith.constant 0 : i32
      %scan3A_560 = arith.constant 32 : i32
      %scan3A_561 = arith.addi %scan3A_559, %scan3A_560 : i32
      %scan3A_562 = arith.constant 1 : i32
      scf.for %scan3A_665 = %scan3A_559 to %scan3A_561 step %scan3A_562  : i32 {
        %mul3A_666 = arith.constant 16 : i32
        %mul3A_667 = arith.muli %scan3A_665, %mul3A_666 : i32
        %get3A = arith.index_cast %mul3A_667 : i32 to index
        %get3A_668 = tpu.vector_load %arg12[%get3A] {strides = array<i32>} : memref<512xi32, #tpu.memory_space<vmem>>, vector<16xi32>,
        %get3A_669 = arith.index_cast %mul3A_667 : i32 to index
        %get3A_670 = tpu.vector_load %arg13[%get3A_669] {strides = array<i32>} : memref<512xi32, #tpu.memory_space<vmem>>, vector<16xi32>,
        %add3A_671 = arith.constant 0 : i32
        %add3A_672 = arith.addi %add3A_671, %mul3A_667 : i32
        %get3A_673 = arith.index_cast %add3A_672 : i32 to index
        %get3A_674 = tpu.vector_load %arg14[%get3A_673] {strides = array<i32>} : memref<2048xf32, #tpu.memory_space<vmem>>, vector<16xf32>,
        %add3A_675 = arith.constant 512 : i32
        %add3A_676 = arith.addi %add3A_675, %mul3A_667 : i32
        %get3A_677 = arith.index_cast %add3A_676 : i32 to index
        %get3A_678 = tpu.vector_load %arg14[%get3A_677] {strides = array<i32>} : memref<2048xf32, #tpu.memory_space<vmem>>, vector<16xf32>,
        %add3A_679 = arith.constant 1024 : i32
        %add3A_680 = arith.addi %add3A_679, %mul3A_667 : i32
        %get3A_681 = arith.index_cast %add3A_680 : i32 to index
        %get3A_682 = tpu.vector_load %arg14[%get3A_681] {strides = array<i32>} : memref<2048xf32, #tpu.memory_space<vmem>>, vector<16xf32>,
        %add3A_683 = arith.constant 1536 : i32
        %add3A_684 = arith.addi %add3A_683, %mul3A_667 : i32
        %get3A_685 = arith.index_cast %add3A_684 : i32 to index
        %get3A_686 = tpu.vector_load %arg14[%get3A_685] {strides = array<i32>} : memref<2048xf32, #tpu.memory_space<vmem>>, vector<16xf32>,
        %add3A_687 = arith.constant 0 : i32
        %add3A_688 = vector.broadcast %add3A_687 : i32 to vector<16xi32>
        %add3A_689 = arith.addi %get3A_668, %add3A_688 : vector<16xi32>
        %add3A_690 = arith.constant 1 : i32
        %add3A_691 = vector.broadcast %add3A_690 : i32 to vector<16xi32>
        %add3A_692 = arith.addi %get3A_668, %add3A_691 : vector<16xi32>
        %add3A_693 = arith.constant 2 : i32
        %add3A_694 = vector.broadcast %add3A_693 : i32 to vector<16xi32>
        %add3A_695 = arith.addi %get3A_668, %add3A_694 : vector<16xi32>
        %add3A_696 = arith.constant 3 : i32
        %add3A_697 = vector.broadcast %add3A_696 : i32 to vector<16xi32>
        %add3A_698 = arith.addi %get3A_668, %add3A_697 : vector<16xi32>
        %add3A_699 = arith.constant 4 : i32
        %add3A_700 = vector.broadcast %add3A_699 : i32 to vector<16xi32>
        %add3A_701 = arith.addi %get3A_668, %add3A_700 : vector<16xi32>
        %add3A_702 = arith.constant 5 : i32
        %add3A_703 = vector.broadcast %add3A_702 : i32 to vector<16xi32>
        %add3A_704 = arith.addi %get3A_668, %add3A_703 : vector<16xi32>
        %add3A_705 = arith.constant 6 : i32
        %add3A_706 = vector.broadcast %add3A_705 : i32 to vector<16xi32>
        %add3A_707 = arith.addi %get3A_668, %add3A_706 : vector<16xi32>
        %add3A_708 = arith.constant 7 : i32
        %add3A_709 = vector.broadcast %add3A_708 : i32 to vector<16xi32>
        %add3A_710 = arith.addi %get3A_668, %add3A_709 : vector<16xi32>
        %add3A_711 = arith.constant 8 : i32
        %add3A_712 = vector.broadcast %add3A_711 : i32 to vector<16xi32>
        %add3A_713 = arith.addi %get3A_668, %add3A_712 : vector<16xi32>
        %add3A_714 = arith.constant 9 : i32
        %add3A_715 = vector.broadcast %add3A_714 : i32 to vector<16xi32>
        %add3A_716 = arith.addi %get3A_668, %add3A_715 : vector<16xi32>
        %add3A_717 = arith.constant 10 : i32
        %add3A_718 = vector.broadcast %add3A_717 : i32 to vector<16xi32>
        %add3A_719 = arith.addi %get3A_668, %add3A_718 : vector<16xi32>
        %add3A_720 = arith.constant 11 : i32
        %add3A_721 = vector.broadcast %add3A_720 : i32 to vector<16xi32>
        %add3A_722 = arith.addi %get3A_668, %add3A_721 : vector<16xi32>
        %add3A_723 = arith.constant 12 : i32
        %add3A_724 = vector.broadcast %add3A_723 : i32 to vector<16xi32>
        %add3A_725 = arith.addi %get3A_668, %add3A_724 : vector<16xi32>
        %add3A_726 = arith.constant 13 : i32
        %add3A_727 = vector.broadcast %add3A_726 : i32 to vector<16xi32>
        %add3A_728 = arith.addi %get3A_668, %add3A_727 : vector<16xi32>
        %add3A_729 = arith.constant 14 : i32
        %add3A_730 = vector.broadcast %add3A_729 : i32 to vector<16xi32>
        %add3A_731 = arith.addi %get3A_668, %add3A_730 : vector<16xi32>
        %add3A_732 = arith.constant 15 : i32
        %add3A_733 = vector.broadcast %add3A_732 : i32 to vector<16xi32>
        %add3A_734 = arith.addi %get3A_668, %add3A_733 : vector<16xi32>
        %add3A_735 = arith.constant 0 : i32
        %add3A_736 = vector.broadcast %add3A_735 : i32 to vector<16xi32>
        %add3A_737 = arith.addi %get3A_670, %add3A_736 : vector<16xi32>
        %add3A_738 = arith.constant 1 : i32
        %add3A_739 = vector.broadcast %add3A_738 : i32 to vector<16xi32>
        %add3A_740 = arith.addi %get3A_670, %add3A_739 : vector<16xi32>
        %add3A_741 = arith.constant 2 : i32
        %add3A_742 = vector.broadcast %add3A_741 : i32 to vector<16xi32>
        %add3A_743 = arith.addi %get3A_670, %add3A_742 : vector<16xi32>
        %add3A_744 = arith.constant 0 : i32
        %add3A_745 = vector.broadcast %add3A_744 : i32 to vector<16xi32>
        %add3A_746 = arith.addi %add3A_689, %add3A_745 : vector<16xi32>
        %gather3A = tpu.vector_load_idx %arg7[%add3A_746] : memref<32768xf32, #tpu.memory_space<vmem>>[vector<16xi32>], vector<16xf32>,
        %mul3A_747 = arith.mulf %gather3A, %get3A_674 : vector<16xf32>
        %add3A_748 = arith.constant 0 : i32
        %add3A_749 = vector.broadcast %add3A_748 : i32 to vector<16xi32>
        %add3A_750 = arith.addi %add3A_692, %add3A_749 : vector<16xi32>
        %gather3A_751 = tpu.vector_load_idx %arg7[%add3A_750] : memref<32768xf32, #tpu.memory_space<vmem>>[vector<16xi32>], vector<16xf32>,
        %mul3A_752 = arith.mulf %gather3A_751, %get3A_674 : vector<16xf32>
        %add3A_753 = arith.constant 0 : i32
        %add3A_754 = vector.broadcast %add3A_753 : i32 to vector<16xi32>
        %add3A_755 = arith.addi %add3A_695, %add3A_754 : vector<16xi32>
        %gather3A_756 = tpu.vector_load_idx %arg7[%add3A_755] : memref<32768xf32, #tpu.memory_space<vmem>>[vector<16xi32>], vector<16xf32>,
        %mul3A_757 = arith.mulf %gather3A_756, %get3A_674 : vector<16xf32>
        %add3A_758 = arith.constant 0 : i32
        %add3A_759 = vector.broadcast %add3A_758 : i32 to vector<16xi32>
        %add3A_760 = arith.addi %add3A_698, %add3A_759 : vector<16xi32>
        %gather3A_761 = tpu.vector_load_idx %arg7[%add3A_760] : memref<32768xf32, #tpu.memory_space<vmem>>[vector<16xi32>], vector<16xf32>,
        %mul3A_762 = arith.mulf %gather3A_761, %get3A_674 : vector<16xf32>
        %add3A_763 = arith.constant 0 : i32
        %add3A_764 = vector.broadcast %add3A_763 : i32 to vector<16xi32>
        %add3A_765 = arith.addi %add3A_701, %add3A_764 : vector<16xi32>
        %gather3A_766 = tpu.vector_load_idx %arg7[%add3A_765] : memref<32768xf32, #tpu.memory_space<vmem>>[vector<16xi32>], vector<16xf32>,
        %mul3A_767 = arith.mulf %gather3A_766, %get3A_678 : vector<16xf32>
        %add3A_768 = arith.addf %mul3A_747, %mul3A_767 : vector<16xf32>
        %add3A_769 = arith.constant 0 : i32
        %add3A_770 = vector.broadcast %add3A_769 : i32 to vector<16xi32>
        %add3A_771 = arith.addi %add3A_704, %add3A_770 : vector<16xi32>
        %gather3A_772 = tpu.vector_load_idx %arg7[%add3A_771] : memref<32768xf32, #tpu.memory_space<vmem>>[vector<16xi32>], vector<16xf32>,
        %mul3A_773 = arith.mulf %gather3A_772, %get3A_678 : vector<16xf32>
        %add3A_774 = arith.addf %mul3A_752, %mul3A_773 : vector<16xf32>
        %add3A_775 = arith.constant 0 : i32
        %add3A_776 = vector.broadcast %add3A_775 : i32 to vector<16xi32>
        %add3A_777 = arith.addi %add3A_707, %add3A_776 : vector<16xi32>
        %gather3A_778 = tpu.vector_load_idx %arg7[%add3A_777] : memref<32768xf32, #tpu.memory_space<vmem>>[vector<16xi32>], vector<16xf32>,
        %mul3A_779 = arith.mulf %gather3A_778, %get3A_678 : vector<16xf32>
        %add3A_780 = arith.addf %mul3A_757, %mul3A_779 : vector<16xf32>
        %add3A_781 = arith.constant 0 : i32
        %add3A_782 = vector.broadcast %add3A_781 : i32 to vector<16xi32>
        %add3A_783 = arith.addi %add3A_710, %add3A_782 : vector<16xi32>
        %gather3A_784 = tpu.vector_load_idx %arg7[%add3A_783] : memref<32768xf32, #tpu.memory_space<vmem>>[vector<16xi32>], vector<16xf32>,
        %mul3A_785 = arith.mulf %gather3A_784, %get3A_678 : vector<16xf32>
        %add3A_786 = arith.addf %mul3A_762, %mul3A_785 : vector<16xf32>
        %add3A_787 = arith.constant 0 : i32
        %add3A_788 = vector.broadcast %add3A_787 : i32 to vector<16xi32>
        %add3A_789 = arith.addi %add3A_713, %add3A_788 : vector<16xi32>
        %gather3A_790 = tpu.vector_load_idx %arg7[%add3A_789] : memref<32768xf32, #tpu.memory_space<vmem>>[vector<16xi32>], vector<16xf32>,
        %mul3A_791 = arith.mulf %gather3A_790, %get3A_682 : vector<16xf32>
        %add3A_792 = arith.addf %add3A_768, %mul3A_791 : vector<16xf32>
        %add3A_793 = arith.constant 0 : i32
        %add3A_794 = vector.broadcast %add3A_793 : i32 to vector<16xi32>
        %add3A_795 = arith.addi %add3A_716, %add3A_794 : vector<16xi32>
        %gather3A_796 = tpu.vector_load_idx %arg7[%add3A_795] : memref<32768xf32, #tpu.memory_space<vmem>>[vector<16xi32>], vector<16xf32>,
        %mul3A_797 = arith.mulf %gather3A_796, %get3A_682 : vector<16xf32>
        %add3A_798 = arith.addf %add3A_774, %mul3A_797 : vector<16xf32>
        %add3A_799 = arith.constant 0 : i32
        %add3A_800 = vector.broadcast %add3A_799 : i32 to vector<16xi32>
        %add3A_801 = arith.addi %add3A_719, %add3A_800 : vector<16xi32>
        %gather3A_802 = tpu.vector_load_idx %arg7[%add3A_801] : memref<32768xf32, #tpu.memory_space<vmem>>[vector<16xi32>], vector<16xf32>,
        %mul3A_803 = arith.mulf %gather3A_802, %get3A_682 : vector<16xf32>
        %add3A_804 = arith.addf %add3A_780, %mul3A_803 : vector<16xf32>
        %add3A_805 = arith.constant 0 : i32
        %add3A_806 = vector.broadcast %add3A_805 : i32 to vector<16xi32>
        %add3A_807 = arith.addi %add3A_722, %add3A_806 : vector<16xi32>
        %gather3A_808 = tpu.vector_load_idx %arg7[%add3A_807] : memref<32768xf32, #tpu.memory_space<vmem>>[vector<16xi32>], vector<16xf32>,
        %mul3A_809 = arith.mulf %gather3A_808, %get3A_682 : vector<16xf32>
        %add3A_810 = arith.addf %add3A_786, %mul3A_809 : vector<16xf32>
        %add3A_811 = arith.constant 0 : i32
        %add3A_812 = vector.broadcast %add3A_811 : i32 to vector<16xi32>
        %add3A_813 = arith.addi %add3A_725, %add3A_812 : vector<16xi32>
        %gather3A_814 = tpu.vector_load_idx %arg7[%add3A_813] : memref<32768xf32, #tpu.memory_space<vmem>>[vector<16xi32>], vector<16xf32>,
        %mul3A_815 = arith.mulf %gather3A_814, %get3A_686 : vector<16xf32>
        %add3A_816 = arith.addf %add3A_792, %mul3A_815 : vector<16xf32>
        %add3A_817 = arith.constant 0 : i32
        %add3A_818 = vector.broadcast %add3A_817 : i32 to vector<16xi32>
        %add3A_819 = arith.addi %add3A_728, %add3A_818 : vector<16xi32>
        %gather3A_820 = tpu.vector_load_idx %arg7[%add3A_819] : memref<32768xf32, #tpu.memory_space<vmem>>[vector<16xi32>], vector<16xf32>,
        %mul3A_821 = arith.mulf %gather3A_820, %get3A_686 : vector<16xf32>
        %add3A_822 = arith.addf %add3A_798, %mul3A_821 : vector<16xf32>
        %add3A_823 = arith.constant 0 : i32
        %add3A_824 = vector.broadcast %add3A_823 : i32 to vector<16xi32>
        %add3A_825 = arith.addi %add3A_731, %add3A_824 : vector<16xi32>
        %gather3A_826 = tpu.vector_load_idx %arg7[%add3A_825] : memref<32768xf32, #tpu.memory_space<vmem>>[vector<16xi32>], vector<16xf32>,
        %mul3A_827 = arith.mulf %gather3A_826, %get3A_686 : vector<16xf32>
        %add3A_828 = arith.addf %add3A_804, %mul3A_827 : vector<16xf32>
        %add3A_829 = arith.constant 0 : i32
        %add3A_830 = vector.broadcast %add3A_829 : i32 to vector<16xi32>
        %add3A_831 = arith.addi %add3A_734, %add3A_830 : vector<16xi32>
        %gather3A_832 = tpu.vector_load_idx %arg7[%add3A_831] : memref<32768xf32, #tpu.memory_space<vmem>>[vector<16xi32>], vector<16xf32>,
        %mul3A_833 = arith.mulf %gather3A_832, %get3A_686 : vector<16xf32>
        %add3A_834 = arith.addf %add3A_810, %mul3A_833 : vector<16xf32>
        %div3A = arith.constant 1.000000e+00 : f32
        %div3A_835 = vector.broadcast %div3A : f32 to vector<16xf32>
        %div3A_836 = arith.divf %div3A_835, %add3A_834 : vector<16xf32>
        %add3A_837 = arith.constant 0 : i32
        %add3A_838 = vector.broadcast %add3A_837 : i32 to vector<16xi32>
        %add3A_839 = arith.addi %add3A_737, %add3A_838 : vector<16xi32>
        %mul3A_840 = arith.mulf %add3A_816, %div3A_836 : vector<16xf32>
        tpu.vector_store_idx %arg9[%add3A_839], %mul3A_840 : memref<12288xf32, #tpu.memory_space<vmem>>[vector<16xi32>], vector<16xf32>,
        %add3A_841 = arith.constant 0 : i32
        %add3A_842 = vector.broadcast %add3A_841 : i32 to vector<16xi32>
        %add3A_843 = arith.addi %add3A_740, %add3A_842 : vector<16xi32>
        %mul3A_844 = arith.mulf %add3A_822, %div3A_836 : vector<16xf32>
        tpu.vector_store_idx %arg9[%add3A_843], %mul3A_844 : memref<12288xf32, #tpu.memory_space<vmem>>[vector<16xi32>], vector<16xf32>,
        %add3A_845 = arith.constant 0 : i32
        %add3A_846 = vector.broadcast %add3A_845 : i32 to vector<16xi32>
        %add3A_847 = arith.addi %add3A_743, %add3A_846 : vector<16xi32>
        %mul3A_848 = arith.mulf %add3A_828, %div3A_836 : vector<16xf32>
        tpu.vector_store_idx %arg9[%add3A_847], %mul3A_848 : memref<12288xf32, #tpu.memory_space<vmem>>[vector<16xi32>], vector<16xf32>,
        %add3A_849 = arith.constant 4096 : i32
        %add3A_850 = vector.broadcast %add3A_849 : i32 to vector<16xi32>
        %add3A_851 = arith.addi %add3A_689, %add3A_850 : vector<16xi32>
        %gather3A_852 = tpu.vector_load_idx %arg7[%add3A_851] : memref<32768xf32, #tpu.memory_space<vmem>>[vector<16xi32>], vector<16xf32>,
        %mul3A_853 = arith.mulf %gather3A_852, %get3A_674 : vector<16xf32>
        %add3A_854 = arith.constant 4096 : i32
        %add3A_855 = vector.broadcast %add3A_854 : i32 to vector<16xi32>
        %add3A_856 = arith.addi %add3A_692, %add3A_855 : vector<16xi32>
        %gather3A_857 = tpu.vector_load_idx %arg7[%add3A_856] : memref<32768xf32, #tpu.memory_space<vmem>>[vector<16xi32>], vector<16xf32>,
        %mul3A_858 = arith.mulf %gather3A_857, %get3A_674 : vector<16xf32>
        %add3A_859 = arith.constant 4096 : i32
        %add3A_860 = vector.broadcast %add3A_859 : i32 to vector<16xi32>
        %add3A_861 = arith.addi %add3A_695, %add3A_860 : vector<16xi32>
        %gather3A_862 = tpu.vector_load_idx %arg7[%add3A_861] : memref<32768xf32, #tpu.memory_space<vmem>>[vector<16xi32>], vector<16xf32>,
        %mul3A_863 = arith.mulf %gather3A_862, %get3A_674 : vector<16xf32>
        %add3A_864 = arith.constant 4096 : i32
        %add3A_865 = vector.broadcast %add3A_864 : i32 to vector<16xi32>
        %add3A_866 = arith.addi %add3A_698, %add3A_865 : vector<16xi32>
        %gather3A_867 = tpu.vector_load_idx %arg7[%add3A_866] : memref<32768xf32, #tpu.memory_space<vmem>>[vector<16xi32>], vector<16xf32>,
        %mul3A_868 = arith.mulf %gather3A_867, %get3A_674 : vector<16xf32>
        %add3A_869 = arith.constant 4096 : i32
        %add3A_870 = vector.broadcast %add3A_869 : i32 to vector<16xi32>
        %add3A_871 = arith.addi %add3A_701, %add3A_870 : vector<16xi32>
        %gather3A_872 = tpu.vector_load_idx %arg7[%add3A_871] : memref<32768xf32, #tpu.memory_space<vmem>>[vector<16xi32>], vector<16xf32>,
        %mul3A_873 = arith.mulf %gather3A_872, %get3A_678 : vector<16xf32>
        %add3A_874 = arith.addf %mul3A_853, %mul3A_873 : vector<16xf32>
        %add3A_875 = arith.constant 4096 : i32
        %add3A_876 = vector.broadcast %add3A_875 : i32 to vector<16xi32>
        %add3A_877 = arith.addi %add3A_704, %add3A_876 : vector<16xi32>
        %gather3A_878 = tpu.vector_load_idx %arg7[%add3A_877] : memref<32768xf32, #tpu.memory_space<vmem>>[vector<16xi32>], vector<16xf32>,
        %mul3A_879 = arith.mulf %gather3A_878, %get3A_678 : vector<16xf32>
        %add3A_880 = arith.addf %mul3A_858, %mul3A_879 : vector<16xf32>
        %add3A_881 = arith.constant 4096 : i32
        %add3A_882 = vector.broadcast %add3A_881 : i32 to vector<16xi32>
        %add3A_883 = arith.addi %add3A_707, %add3A_882 : vector<16xi32>
        %gather3A_884 = tpu.vector_load_idx %arg7[%add3A_883] : memref<32768xf32, #tpu.memory_space<vmem>>[vector<16xi32>], vector<16xf32>,
        %mul3A_885 = arith.mulf %gather3A_884, %get3A_678 : vector<16xf32>
        %add3A_886 = arith.addf %mul3A_863, %mul3A_885 : vector<16xf32>
        %add3A_887 = arith.constant 4096 : i32
        %add3A_888 = vector.broadcast %add3A_887 : i32 to vector<16xi32>
        %add3A_889 = arith.addi %add3A_710, %add3A_888 : vector<16xi32>
        %gather3A_890 = tpu.vector_load_idx %arg7[%add3A_889] : memref<32768xf32, #tpu.memory_space<vmem>>[vector<16xi32>], vector<16xf32>,
        %mul3A_891 = arith.mulf %gather3A_890, %get3A_678 : vector<16xf32>
        %add3A_892 = arith.addf %mul3A_868, %mul3A_891 : vector<16xf32>
        %add3A_893 = arith.constant 4096 : i32
        %add3A_894 = vector.broadcast %add3A_893 : i32 to vector<16xi32>
        %add3A_895 = arith.addi %add3A_713, %add3A_894 : vector<16xi32>
        %gather3A_896 = tpu.vector_load_idx %arg7[%add3A_895] : memref<32768xf32, #tpu.memory_space<vmem>>[vector<16xi32>], vector<16xf32>,
        %mul3A_897 = arith.mulf %gather3A_896, %get3A_682 : vector<16xf32>
        %add3A_898 = arith.addf %add3A_874, %mul3A_897 : vector<16xf32>
        %add3A_899 = arith.constant 4096 : i32
        %add3A_900 = vector.broadcast %add3A_899 : i32 to vector<16xi32>
        %add3A_901 = arith.addi %add3A_716, %add3A_900 : vector<16xi32>
        %gather3A_902 = tpu.vector_load_idx %arg7[%add3A_901] : memref<32768xf32, #tpu.memory_space<vmem>>[vector<16xi32>], vector<16xf32>,
        %mul3A_903 = arith.mulf %gather3A_902, %get3A_682 : vector<16xf32>
        %add3A_904 = arith.addf %add3A_880, %mul3A_903 : vector<16xf32>
        %add3A_905 = arith.constant 4096 : i32
        %add3A_906 = vector.broadcast %add3A_905 : i32 to vector<16xi32>
        %add3A_907 = arith.addi %add3A_719, %add3A_906 : vector<16xi32>
        %gather3A_908 = tpu.vector_load_idx %arg7[%add3A_907] : memref<32768xf32, #tpu.memory_space<vmem>>[vector<16xi32>], vector<16xf32>,
        %mul3A_909 = arith.mulf %gather3A_908, %get3A_682 : vector<16xf32>
        %add3A_910 = arith.addf %add3A_886, %mul3A_909 : vector<16xf32>
        %add3A_911 = arith.constant 4096 : i32
        %add3A_912 = vector.broadcast %add3A_911 : i32 to vector<16xi32>
        %add3A_913 = arith.addi %add3A_722, %add3A_912 : vector<16xi32>
        %gather3A_914 = tpu.vector_load_idx %arg7[%add3A_913] : memref<32768xf32, #tpu.memory_space<vmem>>[vector<16xi32>], vector<16xf32>,
        %mul3A_915 = arith.mulf %gather3A_914, %get3A_682 : vector<16xf32>
        %add3A_916 = arith.addf %add3A_892, %mul3A_915 : vector<16xf32>
        %add3A_917 = arith.constant 4096 : i32
        %add3A_918 = vector.broadcast %add3A_917 : i32 to vector<16xi32>
        %add3A_919 = arith.addi %add3A_725, %add3A_918 : vector<16xi32>
        %gather3A_920 = tpu.vector_load_idx %arg7[%add3A_919] : memref<32768xf32, #tpu.memory_space<vmem>>[vector<16xi32>], vector<16xf32>,
        %mul3A_921 = arith.mulf %gather3A_920, %get3A_686 : vector<16xf32>
        %add3A_922 = arith.addf %add3A_898, %mul3A_921 : vector<16xf32>
        %add3A_923 = arith.constant 4096 : i32
        %add3A_924 = vector.broadcast %add3A_923 : i32 to vector<16xi32>
        %add3A_925 = arith.addi %add3A_728, %add3A_924 : vector<16xi32>
        %gather3A_926 = tpu.vector_load_idx %arg7[%add3A_925] : memref<32768xf32, #tpu.memory_space<vmem>>[vector<16xi32>], vector<16xf32>,
        %mul3A_927 = arith.mulf %gather3A_926, %get3A_686 : vector<16xf32>
        %add3A_928 = arith.addf %add3A_904, %mul3A_927 : vector<16xf32>
        %add3A_929 = arith.constant 4096 : i32
        %add3A_930 = vector.broadcast %add3A_929 : i32 to vector<16xi32>
        %add3A_931 = arith.addi %add3A_731, %add3A_930 : vector<16xi32>
        %gather3A_932 = tpu.vector_load_idx %arg7[%add3A_931] : memref<32768xf32, #tpu.memory_space<vmem>>[vector<16xi32>], vector<16xf32>,
        %mul3A_933 = arith.mulf %gather3A_932, %get3A_686 : vector<16xf32>
        %add3A_934 = arith.addf %add3A_910, %mul3A_933 : vector<16xf32>
        %add3A_935 = arith.constant 4096 : i32
        %add3A_936 = vector.broadcast %add3A_935 : i32 to vector<16xi32>
        %add3A_937 = arith.addi %add3A_734, %add3A_936 : vector<16xi32>
        %gather3A_938 = tpu.vector_load_idx %arg7[%add3A_937] : memref<32768xf32, #tpu.memory_space<vmem>>[vector<16xi32>], vector<16xf32>,
        %mul3A_939 = arith.mulf %gather3A_938, %get3A_686 : vector<16xf32>
        %add3A_940 = arith.addf %add3A_916, %mul3A_939 : vector<16xf32>
        %div3A_941 = arith.constant 1.000000e+00 : f32
        %div3A_942 = vector.broadcast %div3A_941 : f32 to vector<16xf32>
        %div3A_943 = arith.divf %div3A_942, %add3A_940 : vector<16xf32>
        %add3A_944 = arith.constant 1536 : i32
        %add3A_945 = vector.broadcast %add3A_944 : i32 to vector<16xi32>
        %add3A_946 = arith.addi %add3A_737, %add3A_945 : vector<16xi32>
        %mul3A_947 = arith.mulf %add3A_922, %div3A_943 : vector<16xf32>
        tpu.vector_store_idx %arg9[%add3A_946], %mul3A_947 : memref<12288xf32, #tpu.memory_space<vmem>>[vector<16xi32>], vector<16xf32>,
        %add3A_948 = arith.constant 1536 : i32
        %add3A_949 = vector.broadcast %add3A_948 : i32 to vector<16xi32>
        %add3A_950 = arith.addi %add3A_740, %add3A_949 : vector<16xi32>
        %mul3A_951 = arith.mulf %add3A_928, %div3A_943 : vector<16xf32>
        tpu.vector_store_idx %arg9[%add3A_950], %mul3A_951 : memref<12288xf32, #tpu.memory_space<vmem>>[vector<16xi32>], vector<16xf32>,
        %add3A_952 = arith.constant 1536 : i32
        %add3A_953 = vector.broadcast %add3A_952 : i32 to vector<16xi32>
        %add3A_954 = arith.addi %add3A_743, %add3A_953 : vector<16xi32>
        %mul3A_955 = arith.mulf %add3A_934, %div3A_943 : vector<16xf32>
        tpu.vector_store_idx %arg9[%add3A_954], %mul3A_955 : memref<12288xf32, #tpu.memory_space<vmem>>[vector<16xi32>], vector<16xf32>,
        %add3A_956 = arith.constant 8192 : i32
        %add3A_957 = vector.broadcast %add3A_956 : i32 to vector<16xi32>
        %add3A_958 = arith.addi %add3A_689, %add3A_957 : vector<16xi32>
        %gather3A_959 = tpu.vector_load_idx %arg7[%add3A_958] : memref<32768xf32, #tpu.memory_space<vmem>>[vector<16xi32>], vector<16xf32>,
        %mul3A_960 = arith.mulf %gather3A_959, %get3A_674 : vector<16xf32>
        %add3A_961 = arith.constant 8192 : i32
        %add3A_962 = vector.broadcast %add3A_961 : i32 to vector<16xi32>
        %add3A_963 = arith.addi %add3A_692, %add3A_962 : vector<16xi32>
        %gather3A_964 = tpu.vector_load_idx %arg7[%add3A_963] : memref<32768xf32, #tpu.memory_space<vmem>>[vector<16xi32>], vector<16xf32>,
        %mul3A_965 = arith.mulf %gather3A_964, %get3A_674 : vector<16xf32>
        %add3A_966 = arith.constant 8192 : i32
        %add3A_967 = vector.broadcast %add3A_966 : i32 to vector<16xi32>
        %add3A_968 = arith.addi %add3A_695, %add3A_967 : vector<16xi32>
        %gather3A_969 = tpu.vector_load_idx %arg7[%add3A_968] : memref<32768xf32, #tpu.memory_space<vmem>>[vector<16xi32>], vector<16xf32>,
        %mul3A_970 = arith.mulf %gather3A_969, %get3A_674 : vector<16xf32>
        %add3A_971 = arith.constant 8192 : i32
        %add3A_972 = vector.broadcast %add3A_971 : i32 to vector<16xi32>
        %add3A_973 = arith.addi %add3A_698, %add3A_972 : vector<16xi32>
        %gather3A_974 = tpu.vector_load_idx %arg7[%add3A_973] : memref<32768xf32, #tpu.memory_space<vmem>>[vector<16xi32>], vector<16xf32>,
        %mul3A_975 = arith.mulf %gather3A_974, %get3A_674 : vector<16xf32>
        %add3A_976 = arith.constant 8192 : i32
        %add3A_977 = vector.broadcast %add3A_976 : i32 to vector<16xi32>
        %add3A_978 = arith.addi %add3A_701, %add3A_977 : vector<16xi32>
        %gather3A_979 = tpu.vector_load_idx %arg7[%add3A_978] : memref<32768xf32, #tpu.memory_space<vmem>>[vector<16xi32>], vector<16xf32>,
        %mul3A_980 = arith.mulf %gather3A_979, %get3A_678 : vector<16xf32>
        %add3A_981 = arith.addf %mul3A_960, %mul3A_980 : vector<16xf32>
        %add3A_982 = arith.constant 8192 : i32
        %add3A_983 = vector.broadcast %add3A_982 : i32 to vector<16xi32>
        %add3A_984 = arith.addi %add3A_704, %add3A_983 : vector<16xi32>
        %gather3A_985 = tpu.vector_load_idx %arg7[%add3A_984] : memref<32768xf32, #tpu.memory_space<vmem>>[vector<16xi32>], vector<16xf32>,
        %mul3A_986 = arith.mulf %gather3A_985, %get3A_678 : vector<16xf32>
        %add3A_987 = arith.addf %mul3A_965, %mul3A_986 : vector<16xf32>
        %add3A_988 = arith.constant 8192 : i32
        %add3A_989 = vector.broadcast %add3A_988 : i32 to vector<16xi32>
        %add3A_990 = arith.addi %add3A_707, %add3A_989 : vector<16xi32>
        %gather3A_991 = tpu.vector_load_idx %arg7[%add3A_990] : memref<32768xf32, #tpu.memory_space<vmem>>[vector<16xi32>], vector<16xf32>,
        %mul3A_992 = arith.mulf %gather3A_991, %get3A_678 : vector<16xf32>
        %add3A_993 = arith.addf %mul3A_970, %mul3A_992 : vector<16xf32>
        %add3A_994 = arith.constant 8192 : i32
        %add3A_995 = vector.broadcast %add3A_994 : i32 to vector<16xi32>
        %add3A_996 = arith.addi %add3A_710, %add3A_995 : vector<16xi32>
        %gather3A_997 = tpu.vector_load_idx %arg7[%add3A_996] : memref<32768xf32, #tpu.memory_space<vmem>>[vector<16xi32>], vector<16xf32>,
        %mul3A_998 = arith.mulf %gather3A_997, %get3A_678 : vector<16xf32>
        %add3A_999 = arith.addf %mul3A_975, %mul3A_998 : vector<16xf32>
        %add3A_1000 = arith.constant 8192 : i32
        %add3A_1001 = vector.broadcast %add3A_1000 : i32 to vector<16xi32>
        %add3A_1002 = arith.addi %add3A_713, %add3A_1001 : vector<16xi32>
        %gather3A_1003 = tpu.vector_load_idx %arg7[%add3A_1002] : memref<32768xf32, #tpu.memory_space<vmem>>[vector<16xi32>], vector<16xf32>,
        %mul3A_1004 = arith.mulf %gather3A_1003, %get3A_682 : vector<16xf32>
        %add3A_1005 = arith.addf %add3A_981, %mul3A_1004 : vector<16xf32>
        %add3A_1006 = arith.constant 8192 : i32
        %add3A_1007 = vector.broadcast %add3A_1006 : i32 to vector<16xi32>
        %add3A_1008 = arith.addi %add3A_716, %add3A_1007 : vector<16xi32>
        %gather3A_1009 = tpu.vector_load_idx %arg7[%add3A_1008] : memref<32768xf32, #tpu.memory_space<vmem>>[vector<16xi32>], vector<16xf32>,
        %mul3A_1010 = arith.mulf %gather3A_1009, %get3A_682 : vector<16xf32>
        %add3A_1011 = arith.addf %add3A_987, %mul3A_1010 : vector<16xf32>
        %add3A_1012 = arith.constant 8192 : i32
        %add3A_1013 = vector.broadcast %add3A_1012 : i32 to vector<16xi32>
        %add3A_1014 = arith.addi %add3A_719, %add3A_1013 : vector<16xi32>
        %gather3A_1015 = tpu.vector_load_idx %arg7[%add3A_1014] : memref<32768xf32, #tpu.memory_space<vmem>>[vector<16xi32>], vector<16xf32>,
        %mul3A_1016 = arith.mulf %gather3A_1015, %get3A_682 : vector<16xf32>
        %add3A_1017 = arith.addf %add3A_993, %mul3A_1016 : vector<16xf32>
        %add3A_1018 = arith.constant 8192 : i32
        %add3A_1019 = vector.broadcast %add3A_1018 : i32 to vector<16xi32>
        %add3A_1020 = arith.addi %add3A_722, %add3A_1019 : vector<16xi32>
        %gather3A_1021 = tpu.vector_load_idx %arg7[%add3A_1020] : memref<32768xf32, #tpu.memory_space<vmem>>[vector<16xi32>], vector<16xf32>,
        %mul3A_1022 = arith.mulf %gather3A_1021, %get3A_682 : vector<16xf32>
        %add3A_1023 = arith.addf %add3A_999, %mul3A_1022 : vector<16xf32>
        %add3A_1024 = arith.constant 8192 : i32
        %add3A_1025 = vector.broadcast %add3A_1024 : i32 to vector<16xi32>
        %add3A_1026 = arith.addi %add3A_725, %add3A_1025 : vector<16xi32>
        %gather3A_1027 = tpu.vector_load_idx %arg7[%add3A_1026] : memref<32768xf32, #tpu.memory_space<vmem>>[vector<16xi32>], vector<16xf32>,
        %mul3A_1028 = arith.mulf %gather3A_1027, %get3A_686 : vector<16xf32>
        %add3A_1029 = arith.addf %add3A_1005, %mul3A_1028 : vector<16xf32>
        %add3A_1030 = arith.constant 8192 : i32
        %add3A_1031 = vector.broadcast %add3A_1030 : i32 to vector<16xi32>
        %add3A_1032 = arith.addi %add3A_728, %add3A_1031 : vector<16xi32>
        %gather3A_1033 = tpu.vector_load_idx %arg7[%add3A_1032] : memref<32768xf32, #tpu.memory_space<vmem>>[vector<16xi32>], vector<16xf32>,
        %mul3A_1034 = arith.mulf %gather3A_1033, %get3A_686 : vector<16xf32>
        %add3A_1035 = arith.addf %add3A_1011, %mul3A_1034 : vector<16xf32>
        %add3A_1036 = arith.constant 8192 : i32
        %add3A_1037 = vector.broadcast %add3A_1036 : i32 to vector<16xi32>
        %add3A_1038 = arith.addi %add3A_731, %add3A_1037 : vector<16xi32>
        %gather3A_1039 = tpu.vector_load_idx %arg7[%add3A_1038] : memref<32768xf32, #tpu.memory_space<vmem>>[vector<16xi32>], vector<16xf32>,
        %mul3A_1040 = arith.mulf %gather3A_1039, %get3A_686 : vector<16xf32>
        %add3A_1041 = arith.addf %add3A_1017, %mul3A_1040 : vector<16xf32>
        %add3A_1042 = arith.constant 8192 : i32
        %add3A_1043 = vector.broadcast %add3A_1042 : i32 to vector<16xi32>
        %add3A_1044 = arith.addi %add3A_734, %add3A_1043 : vector<16xi32>
        %gather3A_1045 = tpu.vector_load_idx %arg7[%add3A_1044] : memref<32768xf32, #tpu.memory_space<vmem>>[vector<16xi32>], vector<16xf32>,
        %mul3A_1046 = arith.mulf %gather3A_1045, %get3A_686 : vector<16xf32>
        %add3A_1047 = arith.addf %add3A_1023, %mul3A_1046 : vector<16xf32>
        %div3A_1048 = arith.constant 1.000000e+00 : f32
        %div3A_1049 = vector.broadcast %div3A_1048 : f32 to vector<16xf32>
        %div3A_1050 = arith.divf %div3A_1049, %add3A_1047 : vector<16xf32>
        %add3A_1051 = arith.constant 3072 : i32
        %add3A_1052 = vector.broadcast %add3A_1051 : i32 to vector<16xi32>
        %add3A_1053 = arith.addi %add3A_737, %add3A_1052 : vector<16xi32>
        %mul3A_1054 = arith.mulf %add3A_1029, %div3A_1050 : vector<16xf32>
        tpu.vector_store_idx %arg9[%add3A_1053], %mul3A_1054 : memref<12288xf32, #tpu.memory_space<vmem>>[vector<16xi32>], vector<16xf32>,
        %add3A_1055 = arith.constant 3072 : i32
        %add3A_1056 = vector.broadcast %add3A_1055 : i32 to vector<16xi32>
        %add3A_1057 = arith.addi %add3A_740, %add3A_1056 : vector<16xi32>
        %mul3A_1058 = arith.mulf %add3A_1035, %div3A_1050 : vector<16xf32>
        tpu.vector_store_idx %arg9[%add3A_1057], %mul3A_1058 : memref<12288xf32, #tpu.memory_space<vmem>>[vector<16xi32>], vector<16xf32>,
        %add3A_1059 = arith.constant 3072 : i32
        %add3A_1060 = vector.broadcast %add3A_1059 : i32 to vector<16xi32>
        %add3A_1061 = arith.addi %add3A_743, %add3A_1060 : vector<16xi32>
        %mul3A_1062 = arith.mulf %add3A_1041, %div3A_1050 : vector<16xf32>
        tpu.vector_store_idx %arg9[%add3A_1061], %mul3A_1062 : memref<12288xf32, #tpu.memory_space<vmem>>[vector<16xi32>], vector<16xf32>,
        %add3A_1063 = arith.constant 12288 : i32
        %add3A_1064 = vector.broadcast %add3A_1063 : i32 to vector<16xi32>
        %add3A_1065 = arith.addi %add3A_689, %add3A_1064 : vector<16xi32>
        %gather3A_1066 = tpu.vector_load_idx %arg7[%add3A_1065] : memref<32768xf32, #tpu.memory_space<vmem>>[vector<16xi32>], vector<16xf32>,
        %mul3A_1067 = arith.mulf %gather3A_1066, %get3A_674 : vector<16xf32>
        %add3A_1068 = arith.constant 12288 : i32
        %add3A_1069 = vector.broadcast %add3A_1068 : i32 to vector<16xi32>
        %add3A_1070 = arith.addi %add3A_692, %add3A_1069 : vector<16xi32>
        %gather3A_1071 = tpu.vector_load_idx %arg7[%add3A_1070] : memref<32768xf32, #tpu.memory_space<vmem>>[vector<16xi32>], vector<16xf32>,
        %mul3A_1072 = arith.mulf %gather3A_1071, %get3A_674 : vector<16xf32>
        %add3A_1073 = arith.constant 12288 : i32
        %add3A_1074 = vector.broadcast %add3A_1073 : i32 to vector<16xi32>
        %add3A_1075 = arith.addi %add3A_695, %add3A_1074 : vector<16xi32>
        %gather3A_1076 = tpu.vector_load_idx %arg7[%add3A_1075] : memref<32768xf32, #tpu.memory_space<vmem>>[vector<16xi32>], vector<16xf32>,
        %mul3A_1077 = arith.mulf %gather3A_1076, %get3A_674 : vector<16xf32>
        %add3A_1078 = arith.constant 12288 : i32
        %add3A_1079 = vector.broadcast %add3A_1078 : i32 to vector<16xi32>
        %add3A_1080 = arith.addi %add3A_698, %add3A_1079 : vector<16xi32>
        %gather3A_1081 = tpu.vector_load_idx %arg7[%add3A_1080] : memref<32768xf32, #tpu.memory_space<vmem>>[vector<16xi32>], vector<16xf32>,
        %mul3A_1082 = arith.mulf %gather3A_1081, %get3A_674 : vector<16xf32>
        %add3A_1083 = arith.constant 12288 : i32
        %add3A_1084 = vector.broadcast %add3A_1083 : i32 to vector<16xi32>
        %add3A_1085 = arith.addi %add3A_701, %add3A_1084 : vector<16xi32>
        %gather3A_1086 = tpu.vector_load_idx %arg7[%add3A_1085] : memref<32768xf32, #tpu.memory_space<vmem>>[vector<16xi32>], vector<16xf32>,
        %mul3A_1087 = arith.mulf %gather3A_1086, %get3A_678 : vector<16xf32>
        %add3A_1088 = arith.addf %mul3A_1067, %mul3A_1087 : vector<16xf32>
        %add3A_1089 = arith.constant 12288 : i32
        %add3A_1090 = vector.broadcast %add3A_1089 : i32 to vector<16xi32>
        %add3A_1091 = arith.addi %add3A_704, %add3A_1090 : vector<16xi32>
        %gather3A_1092 = tpu.vector_load_idx %arg7[%add3A_1091] : memref<32768xf32, #tpu.memory_space<vmem>>[vector<16xi32>], vector<16xf32>,
        %mul3A_1093 = arith.mulf %gather3A_1092, %get3A_678 : vector<16xf32>
        %add3A_1094 = arith.addf %mul3A_1072, %mul3A_1093 : vector<16xf32>
        %add3A_1095 = arith.constant 12288 : i32
        %add3A_1096 = vector.broadcast %add3A_1095 : i32 to vector<16xi32>
        %add3A_1097 = arith.addi %add3A_707, %add3A_1096 : vector<16xi32>
        %gather3A_1098 = tpu.vector_load_idx %arg7[%add3A_1097] : memref<32768xf32, #tpu.memory_space<vmem>>[vector<16xi32>], vector<16xf32>,
        %mul3A_1099 = arith.mulf %gather3A_1098, %get3A_678 : vector<16xf32>
        %add3A_1100 = arith.addf %mul3A_1077, %mul3A_1099 : vector<16xf32>
        %add3A_1101 = arith.constant 12288 : i32
        %add3A_1102 = vector.broadcast %add3A_1101 : i32 to vector<16xi32>
        %add3A_1103 = arith.addi %add3A_710, %add3A_1102 : vector<16xi32>
        %gather3A_1104 = tpu.vector_load_idx %arg7[%add3A_1103] : memref<32768xf32, #tpu.memory_space<vmem>>[vector<16xi32>], vector<16xf32>,
        %mul3A_1105 = arith.mulf %gather3A_1104, %get3A_678 : vector<16xf32>
        %add3A_1106 = arith.addf %mul3A_1082, %mul3A_1105 : vector<16xf32>
        %add3A_1107 = arith.constant 12288 : i32
        %add3A_1108 = vector.broadcast %add3A_1107 : i32 to vector<16xi32>
        %add3A_1109 = arith.addi %add3A_713, %add3A_1108 : vector<16xi32>
        %gather3A_1110 = tpu.vector_load_idx %arg7[%add3A_1109] : memref<32768xf32, #tpu.memory_space<vmem>>[vector<16xi32>], vector<16xf32>,
        %mul3A_1111 = arith.mulf %gather3A_1110, %get3A_682 : vector<16xf32>
        %add3A_1112 = arith.addf %add3A_1088, %mul3A_1111 : vector<16xf32>
        %add3A_1113 = arith.constant 12288 : i32
        %add3A_1114 = vector.broadcast %add3A_1113 : i32 to vector<16xi32>
        %add3A_1115 = arith.addi %add3A_716, %add3A_1114 : vector<16xi32>
        %gather3A_1116 = tpu.vector_load_idx %arg7[%add3A_1115] : memref<32768xf32, #tpu.memory_space<vmem>>[vector<16xi32>], vector<16xf32>,
        %mul3A_1117 = arith.mulf %gather3A_1116, %get3A_682 : vector<16xf32>
        %add3A_1118 = arith.addf %add3A_1094, %mul3A_1117 : vector<16xf32>
        %add3A_1119 = arith.constant 12288 : i32
        %add3A_1120 = vector.broadcast %add3A_1119 : i32 to vector<16xi32>
        %add3A_1121 = arith.addi %add3A_719, %add3A_1120 : vector<16xi32>
        %gather3A_1122 = tpu.vector_load_idx %arg7[%add3A_1121] : memref<32768xf32, #tpu.memory_space<vmem>>[vector<16xi32>], vector<16xf32>,
        %mul3A_1123 = arith.mulf %gather3A_1122, %get3A_682 : vector<16xf32>
        %add3A_1124 = arith.addf %add3A_1100, %mul3A_1123 : vector<16xf32>
        %add3A_1125 = arith.constant 12288 : i32
        %add3A_1126 = vector.broadcast %add3A_1125 : i32 to vector<16xi32>
        %add3A_1127 = arith.addi %add3A_722, %add3A_1126 : vector<16xi32>
        %gather3A_1128 = tpu.vector_load_idx %arg7[%add3A_1127] : memref<32768xf32, #tpu.memory_space<vmem>>[vector<16xi32>], vector<16xf32>,
        %mul3A_1129 = arith.mulf %gather3A_1128, %get3A_682 : vector<16xf32>
        %add3A_1130 = arith.addf %add3A_1106, %mul3A_1129 : vector<16xf32>
        %add3A_1131 = arith.constant 12288 : i32
        %add3A_1132 = vector.broadcast %add3A_1131 : i32 to vector<16xi32>
        %add3A_1133 = arith.addi %add3A_725, %add3A_1132 : vector<16xi32>
        %gather3A_1134 = tpu.vector_load_idx %arg7[%add3A_1133] : memref<32768xf32, #tpu.memory_space<vmem>>[vector<16xi32>], vector<16xf32>,
        %mul3A_1135 = arith.mulf %gather3A_1134, %get3A_686 : vector<16xf32>
        %add3A_1136 = arith.addf %add3A_1112, %mul3A_1135 : vector<16xf32>
        %add3A_1137 = arith.constant 12288 : i32
        %add3A_1138 = vector.broadcast %add3A_1137 : i32 to vector<16xi32>
        %add3A_1139 = arith.addi %add3A_728, %add3A_1138 : vector<16xi32>
        %gather3A_1140 = tpu.vector_load_idx %arg7[%add3A_1139] : memref<32768xf32, #tpu.memory_space<vmem>>[vector<16xi32>], vector<16xf32>,
        %mul3A_1141 = arith.mulf %gather3A_1140, %get3A_686 : vector<16xf32>
        %add3A_1142 = arith.addf %add3A_1118, %mul3A_1141 : vector<16xf32>
        %add3A_1143 = arith.constant 12288 : i32
        %add3A_1144 = vector.broadcast %add3A_1143 : i32 to vector<16xi32>
        %add3A_1145 = arith.addi %add3A_731, %add3A_1144 : vector<16xi32>
        %gather3A_1146 = tpu.vector_load_idx %arg7[%add3A_1145] : memref<32768xf32, #tpu.memory_space<vmem>>[vector<16xi32>], vector<16xf32>,
        %mul3A_1147 = arith.mulf %gather3A_1146, %get3A_686 : vector<16xf32>
        %add3A_1148 = arith.addf %add3A_1124, %mul3A_1147 : vector<16xf32>
        %add3A_1149 = arith.constant 12288 : i32
        %add3A_1150 = vector.broadcast %add3A_1149 : i32 to vector<16xi32>
        %add3A_1151 = arith.addi %add3A_734, %add3A_1150 : vector<16xi32>
        %gather3A_1152 = tpu.vector_load_idx %arg7[%add3A_1151] : memref<32768xf32, #tpu.memory_space<vmem>>[vector<16xi32>], vector<16xf32>,
        %mul3A_1153 = arith.mulf %gather3A_1152, %get3A_686 : vector<16xf32>
        %add3A_1154 = arith.addf %add3A_1130, %mul3A_1153 : vector<16xf32>
        %div3A_1155 = arith.constant 1.000000e+00 : f32
        %div3A_1156 = vector.broadcast %div3A_1155 : f32 to vector<16xf32>
        %div3A_1157 = arith.divf %div3A_1156, %add3A_1154 : vector<16xf32>
        %add3A_1158 = arith.constant 4608 : i32
        %add3A_1159 = vector.broadcast %add3A_1158 : i32 to vector<16xi32>
        %add3A_1160 = arith.addi %add3A_737, %add3A_1159 : vector<16xi32>
        %mul3A_1161 = arith.mulf %add3A_1136, %div3A_1157 : vector<16xf32>
        tpu.vector_store_idx %arg9[%add3A_1160], %mul3A_1161 : memref<12288xf32, #tpu.memory_space<vmem>>[vector<16xi32>], vector<16xf32>,
        %add3A_1162 = arith.constant 4608 : i32
        %add3A_1163 = vector.broadcast %add3A_1162 : i32 to vector<16xi32>
        %add3A_1164 = arith.addi %add3A_740, %add3A_1163 : vector<16xi32>
        %mul3A_1165 = arith.mulf %add3A_1142, %div3A_1157 : vector<16xf32>
        tpu.vector_store_idx %arg9[%add3A_1164], %mul3A_1165 : memref<12288xf32, #tpu.memory_space<vmem>>[vector<16xi32>], vector<16xf32>,
        %add3A_1166 = arith.constant 4608 : i32
        %add3A_1167 = vector.broadcast %add3A_1166 : i32 to vector<16xi32>
        %add3A_1168 = arith.addi %add3A_743, %add3A_1167 : vector<16xi32>
        %mul3A_1169 = arith.mulf %add3A_1148, %div3A_1157 : vector<16xf32>
        tpu.vector_store_idx %arg9[%add3A_1168], %mul3A_1169 : memref<12288xf32, #tpu.memory_space<vmem>>[vector<16xi32>], vector<16xf32>,
        %add3A_1170 = arith.constant 16384 : i32
        %add3A_1171 = vector.broadcast %add3A_1170 : i32 to vector<16xi32>
        %add3A_1172 = arith.addi %add3A_689, %add3A_1171 : vector<16xi32>
        %gather3A_1173 = tpu.vector_load_idx %arg7[%add3A_1172] : memref<32768xf32, #tpu.memory_space<vmem>>[vector<16xi32>], vector<16xf32>,
        %mul3A_1174 = arith.mulf %gather3A_1173, %get3A_674 : vector<16xf32>
        %add3A_1175 = arith.constant 16384 : i32
        %add3A_1176 = vector.broadcast %add3A_1175 : i32 to vector<16xi32>
        %add3A_1177 = arith.addi %add3A_692, %add3A_1176 : vector<16xi32>
        %gather3A_1178 = tpu.vector_load_idx %arg7[%add3A_1177] : memref<32768xf32, #tpu.memory_space<vmem>>[vector<16xi32>], vector<16xf32>,
        %mul3A_1179 = arith.mulf %gather3A_1178, %get3A_674 : vector<16xf32>
        %add3A_1180 = arith.constant 16384 : i32
        %add3A_1181 = vector.broadcast %add3A_1180 : i32 to vector<16xi32>
        %add3A_1182 = arith.addi %add3A_695, %add3A_1181 : vector<16xi32>
        %gather3A_1183 = tpu.vector_load_idx %arg7[%add3A_1182] : memref<32768xf32, #tpu.memory_space<vmem>>[vector<16xi32>], vector<16xf32>,
        %mul3A_1184 = arith.mulf %gather3A_1183, %get3A_674 : vector<16xf32>
        %add3A_1185 = arith.constant 16384 : i32
        %add3A_1186 = vector.broadcast %add3A_1185 : i32 to vector<16xi32>
        %add3A_1187 = arith.addi %add3A_698, %add3A_1186 : vector<16xi32>
        %gather3A_1188 = tpu.vector_load_idx %arg7[%add3A_1187] : memref<32768xf32, #tpu.memory_space<vmem>>[vector<16xi32>], vector<16xf32>,
        %mul3A_1189 = arith.mulf %gather3A_1188, %get3A_674 : vector<16xf32>
        %add3A_1190 = arith.constant 16384 : i32
        %add3A_1191 = vector.broadcast %add3A_1190 : i32 to vector<16xi32>
        %add3A_1192 = arith.addi %add3A_701, %add3A_1191 : vector<16xi32>
        %gather3A_1193 = tpu.vector_load_idx %arg7[%add3A_1192] : memref<32768xf32, #tpu.memory_space<vmem>>[vector<16xi32>], vector<16xf32>,
        %mul3A_1194 = arith.mulf %gather3A_1193, %get3A_678 : vector<16xf32>
        %add3A_1195 = arith.addf %mul3A_1174, %mul3A_1194 : vector<16xf32>
        %add3A_1196 = arith.constant 16384 : i32
        %add3A_1197 = vector.broadcast %add3A_1196 : i32 to vector<16xi32>
        %add3A_1198 = arith.addi %add3A_704, %add3A_1197 : vector<16xi32>
        %gather3A_1199 = tpu.vector_load_idx %arg7[%add3A_1198] : memref<32768xf32, #tpu.memory_space<vmem>>[vector<16xi32>], vector<16xf32>,
        %mul3A_1200 = arith.mulf %gather3A_1199, %get3A_678 : vector<16xf32>
        %add3A_1201 = arith.addf %mul3A_1179, %mul3A_1200 : vector<16xf32>
        %add3A_1202 = arith.constant 16384 : i32
        %add3A_1203 = vector.broadcast %add3A_1202 : i32 to vector<16xi32>
        %add3A_1204 = arith.addi %add3A_707, %add3A_1203 : vector<16xi32>
        %gather3A_1205 = tpu.vector_load_idx %arg7[%add3A_1204] : memref<32768xf32, #tpu.memory_space<vmem>>[vector<16xi32>], vector<16xf32>,
        %mul3A_1206 = arith.mulf %gather3A_1205, %get3A_678 : vector<16xf32>
        %add3A_1207 = arith.addf %mul3A_1184, %mul3A_1206 : vector<16xf32>
        %add3A_1208 = arith.constant 16384 : i32
        %add3A_1209 = vector.broadcast %add3A_1208 : i32 to vector<16xi32>
        %add3A_1210 = arith.addi %add3A_710, %add3A_1209 : vector<16xi32>
        %gather3A_1211 = tpu.vector_load_idx %arg7[%add3A_1210] : memref<32768xf32, #tpu.memory_space<vmem>>[vector<16xi32>], vector<16xf32>,
        %mul3A_1212 = arith.mulf %gather3A_1211, %get3A_678 : vector<16xf32>
        %add3A_1213 = arith.addf %mul3A_1189, %mul3A_1212 : vector<16xf32>
        %add3A_1214 = arith.constant 16384 : i32
        %add3A_1215 = vector.broadcast %add3A_1214 : i32 to vector<16xi32>
        %add3A_1216 = arith.addi %add3A_713, %add3A_1215 : vector<16xi32>
        %gather3A_1217 = tpu.vector_load_idx %arg7[%add3A_1216] : memref<32768xf32, #tpu.memory_space<vmem>>[vector<16xi32>], vector<16xf32>,
        %mul3A_1218 = arith.mulf %gather3A_1217, %get3A_682 : vector<16xf32>
        %add3A_1219 = arith.addf %add3A_1195, %mul3A_1218 : vector<16xf32>
        %add3A_1220 = arith.constant 16384 : i32
        %add3A_1221 = vector.broadcast %add3A_1220 : i32 to vector<16xi32>
        %add3A_1222 = arith.addi %add3A_716, %add3A_1221 : vector<16xi32>
        %gather3A_1223 = tpu.vector_load_idx %arg7[%add3A_1222] : memref<32768xf32, #tpu.memory_space<vmem>>[vector<16xi32>], vector<16xf32>,
        %mul3A_1224 = arith.mulf %gather3A_1223, %get3A_682 : vector<16xf32>
        %add3A_1225 = arith.addf %add3A_1201, %mul3A_1224 : vector<16xf32>
        %add3A_1226 = arith.constant 16384 : i32
        %add3A_1227 = vector.broadcast %add3A_1226 : i32 to vector<16xi32>
        %add3A_1228 = arith.addi %add3A_719, %add3A_1227 : vector<16xi32>
        %gather3A_1229 = tpu.vector_load_idx %arg7[%add3A_1228] : memref<32768xf32, #tpu.memory_space<vmem>>[vector<16xi32>], vector<16xf32>,
        %mul3A_1230 = arith.mulf %gather3A_1229, %get3A_682 : vector<16xf32>
        %add3A_1231 = arith.addf %add3A_1207, %mul3A_1230 : vector<16xf32>
        %add3A_1232 = arith.constant 16384 : i32
        %add3A_1233 = vector.broadcast %add3A_1232 : i32 to vector<16xi32>
        %add3A_1234 = arith.addi %add3A_722, %add3A_1233 : vector<16xi32>
        %gather3A_1235 = tpu.vector_load_idx %arg7[%add3A_1234] : memref<32768xf32, #tpu.memory_space<vmem>>[vector<16xi32>], vector<16xf32>,
        %mul3A_1236 = arith.mulf %gather3A_1235, %get3A_682 : vector<16xf32>
        %add3A_1237 = arith.addf %add3A_1213, %mul3A_1236 : vector<16xf32>
        %add3A_1238 = arith.constant 16384 : i32
        %add3A_1239 = vector.broadcast %add3A_1238 : i32 to vector<16xi32>
        %add3A_1240 = arith.addi %add3A_725, %add3A_1239 : vector<16xi32>
        %gather3A_1241 = tpu.vector_load_idx %arg7[%add3A_1240] : memref<32768xf32, #tpu.memory_space<vmem>>[vector<16xi32>], vector<16xf32>,
        %mul3A_1242 = arith.mulf %gather3A_1241, %get3A_686 : vector<16xf32>
        %add3A_1243 = arith.addf %add3A_1219, %mul3A_1242 : vector<16xf32>
        %add3A_1244 = arith.constant 16384 : i32
        %add3A_1245 = vector.broadcast %add3A_1244 : i32 to vector<16xi32>
        %add3A_1246 = arith.addi %add3A_728, %add3A_1245 : vector<16xi32>
        %gather3A_1247 = tpu.vector_load_idx %arg7[%add3A_1246] : memref<32768xf32, #tpu.memory_space<vmem>>[vector<16xi32>], vector<16xf32>,
        %mul3A_1248 = arith.mulf %gather3A_1247, %get3A_686 : vector<16xf32>
        %add3A_1249 = arith.addf %add3A_1225, %mul3A_1248 : vector<16xf32>
        %add3A_1250 = arith.constant 16384 : i32
        %add3A_1251 = vector.broadcast %add3A_1250 : i32 to vector<16xi32>
        %add3A_1252 = arith.addi %add3A_731, %add3A_1251 : vector<16xi32>
        %gather3A_1253 = tpu.vector_load_idx %arg7[%add3A_1252] : memref<32768xf32, #tpu.memory_space<vmem>>[vector<16xi32>], vector<16xf32>,
        %mul3A_1254 = arith.mulf %gather3A_1253, %get3A_686 : vector<16xf32>
        %add3A_1255 = arith.addf %add3A_1231, %mul3A_1254 : vector<16xf32>
        %add3A_1256 = arith.constant 16384 : i32
        %add3A_1257 = vector.broadcast %add3A_1256 : i32 to vector<16xi32>
        %add3A_1258 = arith.addi %add3A_734, %add3A_1257 : vector<16xi32>
        %gather3A_1259 = tpu.vector_load_idx %arg7[%add3A_1258] : memref<32768xf32, #tpu.memory_space<vmem>>[vector<16xi32>], vector<16xf32>,
        %mul3A_1260 = arith.mulf %gather3A_1259, %get3A_686 : vector<16xf32>
        %add3A_1261 = arith.addf %add3A_1237, %mul3A_1260 : vector<16xf32>
        %div3A_1262 = arith.constant 1.000000e+00 : f32
        %div3A_1263 = vector.broadcast %div3A_1262 : f32 to vector<16xf32>
        %div3A_1264 = arith.divf %div3A_1263, %add3A_1261 : vector<16xf32>
        %add3A_1265 = arith.constant 6144 : i32
        %add3A_1266 = vector.broadcast %add3A_1265 : i32 to vector<16xi32>
        %add3A_1267 = arith.addi %add3A_737, %add3A_1266 : vector<16xi32>
        %mul3A_1268 = arith.mulf %add3A_1243, %div3A_1264 : vector<16xf32>
        tpu.vector_store_idx %arg9[%add3A_1267], %mul3A_1268 : memref<12288xf32, #tpu.memory_space<vmem>>[vector<16xi32>], vector<16xf32>,
        %add3A_1269 = arith.constant 6144 : i32
        %add3A_1270 = vector.broadcast %add3A_1269 : i32 to vector<16xi32>
        %add3A_1271 = arith.addi %add3A_740, %add3A_1270 : vector<16xi32>
        %mul3A_1272 = arith.mulf %add3A_1249, %div3A_1264 : vector<16xf32>
        tpu.vector_store_idx %arg9[%add3A_1271], %mul3A_1272 : memref<12288xf32, #tpu.memory_space<vmem>>[vector<16xi32>], vector<16xf32>,
        %add3A_1273 = arith.constant 6144 : i32
        %add3A_1274 = vector.broadcast %add3A_1273 : i32 to vector<16xi32>
        %add3A_1275 = arith.addi %add3A_743, %add3A_1274 : vector<16xi32>
        %mul3A_1276 = arith.mulf %add3A_1255, %div3A_1264 : vector<16xf32>
        tpu.vector_store_idx %arg9[%add3A_1275], %mul3A_1276 : memref<12288xf32, #tpu.memory_space<vmem>>[vector<16xi32>], vector<16xf32>,
        %add3A_1277 = arith.constant 20480 : i32
        %add3A_1278 = vector.broadcast %add3A_1277 : i32 to vector<16xi32>
        %add3A_1279 = arith.addi %add3A_689, %add3A_1278 : vector<16xi32>
        %gather3A_1280 = tpu.vector_load_idx %arg7[%add3A_1279] : memref<32768xf32, #tpu.memory_space<vmem>>[vector<16xi32>], vector<16xf32>,
        %mul3A_1281 = arith.mulf %gather3A_1280, %get3A_674 : vector<16xf32>
        %add3A_1282 = arith.constant 20480 : i32
        %add3A_1283 = vector.broadcast %add3A_1282 : i32 to vector<16xi32>
        %add3A_1284 = arith.addi %add3A_692, %add3A_1283 : vector<16xi32>
        %gather3A_1285 = tpu.vector_load_idx %arg7[%add3A_1284] : memref<32768xf32, #tpu.memory_space<vmem>>[vector<16xi32>], vector<16xf32>,
        %mul3A_1286 = arith.mulf %gather3A_1285, %get3A_674 : vector<16xf32>
        %add3A_1287 = arith.constant 20480 : i32
        %add3A_1288 = vector.broadcast %add3A_1287 : i32 to vector<16xi32>
        %add3A_1289 = arith.addi %add3A_695, %add3A_1288 : vector<16xi32>
        %gather3A_1290 = tpu.vector_load_idx %arg7[%add3A_1289] : memref<32768xf32, #tpu.memory_space<vmem>>[vector<16xi32>], vector<16xf32>,
        %mul3A_1291 = arith.mulf %gather3A_1290, %get3A_674 : vector<16xf32>
        %add3A_1292 = arith.constant 20480 : i32
        %add3A_1293 = vector.broadcast %add3A_1292 : i32 to vector<16xi32>
        %add3A_1294 = arith.addi %add3A_698, %add3A_1293 : vector<16xi32>
        %gather3A_1295 = tpu.vector_load_idx %arg7[%add3A_1294] : memref<32768xf32, #tpu.memory_space<vmem>>[vector<16xi32>], vector<16xf32>,
        %mul3A_1296 = arith.mulf %gather3A_1295, %get3A_674 : vector<16xf32>
        %add3A_1297 = arith.constant 20480 : i32
        %add3A_1298 = vector.broadcast %add3A_1297 : i32 to vector<16xi32>
        %add3A_1299 = arith.addi %add3A_701, %add3A_1298 : vector<16xi32>
        %gather3A_1300 = tpu.vector_load_idx %arg7[%add3A_1299] : memref<32768xf32, #tpu.memory_space<vmem>>[vector<16xi32>], vector<16xf32>,
        %mul3A_1301 = arith.mulf %gather3A_1300, %get3A_678 : vector<16xf32>
        %add3A_1302 = arith.addf %mul3A_1281, %mul3A_1301 : vector<16xf32>
        %add3A_1303 = arith.constant 20480 : i32
        %add3A_1304 = vector.broadcast %add3A_1303 : i32 to vector<16xi32>
        %add3A_1305 = arith.addi %add3A_704, %add3A_1304 : vector<16xi32>
        %gather3A_1306 = tpu.vector_load_idx %arg7[%add3A_1305] : memref<32768xf32, #tpu.memory_space<vmem>>[vector<16xi32>], vector<16xf32>,
        %mul3A_1307 = arith.mulf %gather3A_1306, %get3A_678 : vector<16xf32>
        %add3A_1308 = arith.addf %mul3A_1286, %mul3A_1307 : vector<16xf32>
        %add3A_1309 = arith.constant 20480 : i32
        %add3A_1310 = vector.broadcast %add3A_1309 : i32 to vector<16xi32>
        %add3A_1311 = arith.addi %add3A_707, %add3A_1310 : vector<16xi32>
        %gather3A_1312 = tpu.vector_load_idx %arg7[%add3A_1311] : memref<32768xf32, #tpu.memory_space<vmem>>[vector<16xi32>], vector<16xf32>,
        %mul3A_1313 = arith.mulf %gather3A_1312, %get3A_678 : vector<16xf32>
        %add3A_1314 = arith.addf %mul3A_1291, %mul3A_1313 : vector<16xf32>
        %add3A_1315 = arith.constant 20480 : i32
        %add3A_1316 = vector.broadcast %add3A_1315 : i32 to vector<16xi32>
        %add3A_1317 = arith.addi %add3A_710, %add3A_1316 : vector<16xi32>
        %gather3A_1318 = tpu.vector_load_idx %arg7[%add3A_1317] : memref<32768xf32, #tpu.memory_space<vmem>>[vector<16xi32>], vector<16xf32>,
        %mul3A_1319 = arith.mulf %gather3A_1318, %get3A_678 : vector<16xf32>
        %add3A_1320 = arith.addf %mul3A_1296, %mul3A_1319 : vector<16xf32>
        %add3A_1321 = arith.constant 20480 : i32
        %add3A_1322 = vector.broadcast %add3A_1321 : i32 to vector<16xi32>
        %add3A_1323 = arith.addi %add3A_713, %add3A_1322 : vector<16xi32>
        %gather3A_1324 = tpu.vector_load_idx %arg7[%add3A_1323] : memref<32768xf32, #tpu.memory_space<vmem>>[vector<16xi32>], vector<16xf32>,
        %mul3A_1325 = arith.mulf %gather3A_1324, %get3A_682 : vector<16xf32>
        %add3A_1326 = arith.addf %add3A_1302, %mul3A_1325 : vector<16xf32>
        %add3A_1327 = arith.constant 20480 : i32
        %add3A_1328 = vector.broadcast %add3A_1327 : i32 to vector<16xi32>
        %add3A_1329 = arith.addi %add3A_716, %add3A_1328 : vector<16xi32>
        %gather3A_1330 = tpu.vector_load_idx %arg7[%add3A_1329] : memref<32768xf32, #tpu.memory_space<vmem>>[vector<16xi32>], vector<16xf32>,
        %mul3A_1331 = arith.mulf %gather3A_1330, %get3A_682 : vector<16xf32>
        %add3A_1332 = arith.addf %add3A_1308, %mul3A_1331 : vector<16xf32>
        %add3A_1333 = arith.constant 20480 : i32
        %add3A_1334 = vector.broadcast %add3A_1333 : i32 to vector<16xi32>
        %add3A_1335 = arith.addi %add3A_719, %add3A_1334 : vector<16xi32>
        %gather3A_1336 = tpu.vector_load_idx %arg7[%add3A_1335] : memref<32768xf32, #tpu.memory_space<vmem>>[vector<16xi32>], vector<16xf32>,
        %mul3A_1337 = arith.mulf %gather3A_1336, %get3A_682 : vector<16xf32>
        %add3A_1338 = arith.addf %add3A_1314, %mul3A_1337 : vector<16xf32>
        %add3A_1339 = arith.constant 20480 : i32
        %add3A_1340 = vector.broadcast %add3A_1339 : i32 to vector<16xi32>
        %add3A_1341 = arith.addi %add3A_722, %add3A_1340 : vector<16xi32>
        %gather3A_1342 = tpu.vector_load_idx %arg7[%add3A_1341] : memref<32768xf32, #tpu.memory_space<vmem>>[vector<16xi32>], vector<16xf32>,
        %mul3A_1343 = arith.mulf %gather3A_1342, %get3A_682 : vector<16xf32>
        %add3A_1344 = arith.addf %add3A_1320, %mul3A_1343 : vector<16xf32>
        %add3A_1345 = arith.constant 20480 : i32
        %add3A_1346 = vector.broadcast %add3A_1345 : i32 to vector<16xi32>
        %add3A_1347 = arith.addi %add3A_725, %add3A_1346 : vector<16xi32>
        %gather3A_1348 = tpu.vector_load_idx %arg7[%add3A_1347] : memref<32768xf32, #tpu.memory_space<vmem>>[vector<16xi32>], vector<16xf32>,
        %mul3A_1349 = arith.mulf %gather3A_1348, %get3A_686 : vector<16xf32>
        %add3A_1350 = arith.addf %add3A_1326, %mul3A_1349 : vector<16xf32>
        %add3A_1351 = arith.constant 20480 : i32
        %add3A_1352 = vector.broadcast %add3A_1351 : i32 to vector<16xi32>
        %add3A_1353 = arith.addi %add3A_728, %add3A_1352 : vector<16xi32>
        %gather3A_1354 = tpu.vector_load_idx %arg7[%add3A_1353] : memref<32768xf32, #tpu.memory_space<vmem>>[vector<16xi32>], vector<16xf32>,
        %mul3A_1355 = arith.mulf %gather3A_1354, %get3A_686 : vector<16xf32>
        %add3A_1356 = arith.addf %add3A_1332, %mul3A_1355 : vector<16xf32>
        %add3A_1357 = arith.constant 20480 : i32
        %add3A_1358 = vector.broadcast %add3A_1357 : i32 to vector<16xi32>
        %add3A_1359 = arith.addi %add3A_731, %add3A_1358 : vector<16xi32>
        %gather3A_1360 = tpu.vector_load_idx %arg7[%add3A_1359] : memref<32768xf32, #tpu.memory_space<vmem>>[vector<16xi32>], vector<16xf32>,
        %mul3A_1361 = arith.mulf %gather3A_1360, %get3A_686 : vector<16xf32>
        %add3A_1362 = arith.addf %add3A_1338, %mul3A_1361 : vector<16xf32>
        %add3A_1363 = arith.constant 20480 : i32
        %add3A_1364 = vector.broadcast %add3A_1363 : i32 to vector<16xi32>
        %add3A_1365 = arith.addi %add3A_734, %add3A_1364 : vector<16xi32>
        %gather3A_1366 = tpu.vector_load_idx %arg7[%add3A_1365] : memref<32768xf32, #tpu.memory_space<vmem>>[vector<16xi32>], vector<16xf32>,
        %mul3A_1367 = arith.mulf %gather3A_1366, %get3A_686 : vector<16xf32>
        %add3A_1368 = arith.addf %add3A_1344, %mul3A_1367 : vector<16xf32>
        %div3A_1369 = arith.constant 1.000000e+00 : f32
        %div3A_1370 = vector.broadcast %div3A_1369 : f32 to vector<16xf32>
        %div3A_1371 = arith.divf %div3A_1370, %add3A_1368 : vector<16xf32>
        %add3A_1372 = arith.constant 7680 : i32
        %add3A_1373 = vector.broadcast %add3A_1372 : i32 to vector<16xi32>
        %add3A_1374 = arith.addi %add3A_737, %add3A_1373 : vector<16xi32>
        %mul3A_1375 = arith.mulf %add3A_1350, %div3A_1371 : vector<16xf32>
        tpu.vector_store_idx %arg9[%add3A_1374], %mul3A_1375 : memref<12288xf32, #tpu.memory_space<vmem>>[vector<16xi32>], vector<16xf32>,
        %add3A_1376 = arith.constant 7680 : i32
        %add3A_1377 = vector.broadcast %add3A_1376 : i32 to vector<16xi32>
        %add3A_1378 = arith.addi %add3A_740, %add3A_1377 : vector<16xi32>
        %mul3A_1379 = arith.mulf %add3A_1356, %div3A_1371 : vector<16xf32>
        tpu.vector_store_idx %arg9[%add3A_1378], %mul3A_1379 : memref<12288xf32, #tpu.memory_space<vmem>>[vector<16xi32>], vector<16xf32>,
        %add3A_1380 = arith.constant 7680 : i32
        %add3A_1381 = vector.broadcast %add3A_1380 : i32 to vector<16xi32>
        %add3A_1382 = arith.addi %add3A_743, %add3A_1381 : vector<16xi32>
        %mul3A_1383 = arith.mulf %add3A_1362, %div3A_1371 : vector<16xf32>
        tpu.vector_store_idx %arg9[%add3A_1382], %mul3A_1383 : memref<12288xf32, #tpu.memory_space<vmem>>[vector<16xi32>], vector<16xf32>,
        %add3A_1384 = arith.constant 24576 : i32
        %add3A_1385 = vector.broadcast %add3A_1384 : i32 to vector<16xi32>
        %add3A_1386 = arith.addi %add3A_689, %add3A_1385 : vector<16xi32>
        %gather3A_1387 = tpu.vector_load_idx %arg7[%add3A_1386] : memref<32768xf32, #tpu.memory_space<vmem>>[vector<16xi32>], vector<16xf32>,
        %mul3A_1388 = arith.mulf %gather3A_1387, %get3A_674 : vector<16xf32>
        %add3A_1389 = arith.constant 24576 : i32
        %add3A_1390 = vector.broadcast %add3A_1389 : i32 to vector<16xi32>
        %add3A_1391 = arith.addi %add3A_692, %add3A_1390 : vector<16xi32>
        %gather3A_1392 = tpu.vector_load_idx %arg7[%add3A_1391] : memref<32768xf32, #tpu.memory_space<vmem>>[vector<16xi32>], vector<16xf32>,
        %mul3A_1393 = arith.mulf %gather3A_1392, %get3A_674 : vector<16xf32>
        %add3A_1394 = arith.constant 24576 : i32
        %add3A_1395 = vector.broadcast %add3A_1394 : i32 to vector<16xi32>
        %add3A_1396 = arith.addi %add3A_695, %add3A_1395 : vector<16xi32>
        %gather3A_1397 = tpu.vector_load_idx %arg7[%add3A_1396] : memref<32768xf32, #tpu.memory_space<vmem>>[vector<16xi32>], vector<16xf32>,
        %mul3A_1398 = arith.mulf %gather3A_1397, %get3A_674 : vector<16xf32>
        %add3A_1399 = arith.constant 24576 : i32
        %add3A_1400 = vector.broadcast %add3A_1399 : i32 to vector<16xi32>
        %add3A_1401 = arith.addi %add3A_698, %add3A_1400 : vector<16xi32>
        %gather3A_1402 = tpu.vector_load_idx %arg7[%add3A_1401] : memref<32768xf32, #tpu.memory_space<vmem>>[vector<16xi32>], vector<16xf32>,
        %mul3A_1403 = arith.mulf %gather3A_1402, %get3A_674 : vector<16xf32>
        %add3A_1404 = arith.constant 24576 : i32
        %add3A_1405 = vector.broadcast %add3A_1404 : i32 to vector<16xi32>
        %add3A_1406 = arith.addi %add3A_701, %add3A_1405 : vector<16xi32>
        %gather3A_1407 = tpu.vector_load_idx %arg7[%add3A_1406] : memref<32768xf32, #tpu.memory_space<vmem>>[vector<16xi32>], vector<16xf32>,
        %mul3A_1408 = arith.mulf %gather3A_1407, %get3A_678 : vector<16xf32>
        %add3A_1409 = arith.addf %mul3A_1388, %mul3A_1408 : vector<16xf32>
        %add3A_1410 = arith.constant 24576 : i32
        %add3A_1411 = vector.broadcast %add3A_1410 : i32 to vector<16xi32>
        %add3A_1412 = arith.addi %add3A_704, %add3A_1411 : vector<16xi32>
        %gather3A_1413 = tpu.vector_load_idx %arg7[%add3A_1412] : memref<32768xf32, #tpu.memory_space<vmem>>[vector<16xi32>], vector<16xf32>,
        %mul3A_1414 = arith.mulf %gather3A_1413, %get3A_678 : vector<16xf32>
        %add3A_1415 = arith.addf %mul3A_1393, %mul3A_1414 : vector<16xf32>
        %add3A_1416 = arith.constant 24576 : i32
        %add3A_1417 = vector.broadcast %add3A_1416 : i32 to vector<16xi32>
        %add3A_1418 = arith.addi %add3A_707, %add3A_1417 : vector<16xi32>
        %gather3A_1419 = tpu.vector_load_idx %arg7[%add3A_1418] : memref<32768xf32, #tpu.memory_space<vmem>>[vector<16xi32>], vector<16xf32>,
        %mul3A_1420 = arith.mulf %gather3A_1419, %get3A_678 : vector<16xf32>
        %add3A_1421 = arith.addf %mul3A_1398, %mul3A_1420 : vector<16xf32>
        %add3A_1422 = arith.constant 24576 : i32
        %add3A_1423 = vector.broadcast %add3A_1422 : i32 to vector<16xi32>
        %add3A_1424 = arith.addi %add3A_710, %add3A_1423 : vector<16xi32>
        %gather3A_1425 = tpu.vector_load_idx %arg7[%add3A_1424] : memref<32768xf32, #tpu.memory_space<vmem>>[vector<16xi32>], vector<16xf32>,
        %mul3A_1426 = arith.mulf %gather3A_1425, %get3A_678 : vector<16xf32>
        %add3A_1427 = arith.addf %mul3A_1403, %mul3A_1426 : vector<16xf32>
        %add3A_1428 = arith.constant 24576 : i32
        %add3A_1429 = vector.broadcast %add3A_1428 : i32 to vector<16xi32>
        %add3A_1430 = arith.addi %add3A_713, %add3A_1429 : vector<16xi32>
        %gather3A_1431 = tpu.vector_load_idx %arg7[%add3A_1430] : memref<32768xf32, #tpu.memory_space<vmem>>[vector<16xi32>], vector<16xf32>,
        %mul3A_1432 = arith.mulf %gather3A_1431, %get3A_682 : vector<16xf32>
        %add3A_1433 = arith.addf %add3A_1409, %mul3A_1432 : vector<16xf32>
        %add3A_1434 = arith.constant 24576 : i32
        %add3A_1435 = vector.broadcast %add3A_1434 : i32 to vector<16xi32>
        %add3A_1436 = arith.addi %add3A_716, %add3A_1435 : vector<16xi32>
        %gather3A_1437 = tpu.vector_load_idx %arg7[%add3A_1436] : memref<32768xf32, #tpu.memory_space<vmem>>[vector<16xi32>], vector<16xf32>,
        %mul3A_1438 = arith.mulf %gather3A_1437, %get3A_682 : vector<16xf32>
        %add3A_1439 = arith.addf %add3A_1415, %mul3A_1438 : vector<16xf32>
        %add3A_1440 = arith.constant 24576 : i32
        %add3A_1441 = vector.broadcast %add3A_1440 : i32 to vector<16xi32>
        %add3A_1442 = arith.addi %add3A_719, %add3A_1441 : vector<16xi32>
        %gather3A_1443 = tpu.vector_load_idx %arg7[%add3A_1442] : memref<32768xf32, #tpu.memory_space<vmem>>[vector<16xi32>], vector<16xf32>,
        %mul3A_1444 = arith.mulf %gather3A_1443, %get3A_682 : vector<16xf32>
        %add3A_1445 = arith.addf %add3A_1421, %mul3A_1444 : vector<16xf32>
        %add3A_1446 = arith.constant 24576 : i32
        %add3A_1447 = vector.broadcast %add3A_1446 : i32 to vector<16xi32>
        %add3A_1448 = arith.addi %add3A_722, %add3A_1447 : vector<16xi32>
        %gather3A_1449 = tpu.vector_load_idx %arg7[%add3A_1448] : memref<32768xf32, #tpu.memory_space<vmem>>[vector<16xi32>], vector<16xf32>,
        %mul3A_1450 = arith.mulf %gather3A_1449, %get3A_682 : vector<16xf32>
        %add3A_1451 = arith.addf %add3A_1427, %mul3A_1450 : vector<16xf32>
        %add3A_1452 = arith.constant 24576 : i32
        %add3A_1453 = vector.broadcast %add3A_1452 : i32 to vector<16xi32>
        %add3A_1454 = arith.addi %add3A_725, %add3A_1453 : vector<16xi32>
        %gather3A_1455 = tpu.vector_load_idx %arg7[%add3A_1454] : memref<32768xf32, #tpu.memory_space<vmem>>[vector<16xi32>], vector<16xf32>,
        %mul3A_1456 = arith.mulf %gather3A_1455, %get3A_686 : vector<16xf32>
        %add3A_1457 = arith.addf %add3A_1433, %mul3A_1456 : vector<16xf32>
        %add3A_1458 = arith.constant 24576 : i32
        %add3A_1459 = vector.broadcast %add3A_1458 : i32 to vector<16xi32>
        %add3A_1460 = arith.addi %add3A_728, %add3A_1459 : vector<16xi32>
        %gather3A_1461 = tpu.vector_load_idx %arg7[%add3A_1460] : memref<32768xf32, #tpu.memory_space<vmem>>[vector<16xi32>], vector<16xf32>,
        %mul3A_1462 = arith.mulf %gather3A_1461, %get3A_686 : vector<16xf32>
        %add3A_1463 = arith.addf %add3A_1439, %mul3A_1462 : vector<16xf32>
        %add3A_1464 = arith.constant 24576 : i32
        %add3A_1465 = vector.broadcast %add3A_1464 : i32 to vector<16xi32>
        %add3A_1466 = arith.addi %add3A_731, %add3A_1465 : vector<16xi32>
        %gather3A_1467 = tpu.vector_load_idx %arg7[%add3A_1466] : memref<32768xf32, #tpu.memory_space<vmem>>[vector<16xi32>], vector<16xf32>,
        %mul3A_1468 = arith.mulf %gather3A_1467, %get3A_686 : vector<16xf32>
        %add3A_1469 = arith.addf %add3A_1445, %mul3A_1468 : vector<16xf32>
        %add3A_1470 = arith.constant 24576 : i32
        %add3A_1471 = vector.broadcast %add3A_1470 : i32 to vector<16xi32>
        %add3A_1472 = arith.addi %add3A_734, %add3A_1471 : vector<16xi32>
        %gather3A_1473 = tpu.vector_load_idx %arg7[%add3A_1472] : memref<32768xf32, #tpu.memory_space<vmem>>[vector<16xi32>], vector<16xf32>,
        %mul3A_1474 = arith.mulf %gather3A_1473, %get3A_686 : vector<16xf32>
        %add3A_1475 = arith.addf %add3A_1451, %mul3A_1474 : vector<16xf32>
        %div3A_1476 = arith.constant 1.000000e+00 : f32
        %div3A_1477 = vector.broadcast %div3A_1476 : f32 to vector<16xf32>
        %div3A_1478 = arith.divf %div3A_1477, %add3A_1475 : vector<16xf32>
        %add3A_1479 = arith.constant 9216 : i32
        %add3A_1480 = vector.broadcast %add3A_1479 : i32 to vector<16xi32>
        %add3A_1481 = arith.addi %add3A_737, %add3A_1480 : vector<16xi32>
        %mul3A_1482 = arith.mulf %add3A_1457, %div3A_1478 : vector<16xf32>
        tpu.vector_store_idx %arg9[%add3A_1481], %mul3A_1482 : memref<12288xf32, #tpu.memory_space<vmem>>[vector<16xi32>], vector<16xf32>,
        %add3A_1483 = arith.constant 9216 : i32
        %add3A_1484 = vector.broadcast %add3A_1483 : i32 to vector<16xi32>
        %add3A_1485 = arith.addi %add3A_740, %add3A_1484 : vector<16xi32>
        %mul3A_1486 = arith.mulf %add3A_1463, %div3A_1478 : vector<16xf32>
        tpu.vector_store_idx %arg9[%add3A_1485], %mul3A_1486 : memref<12288xf32, #tpu.memory_space<vmem>>[vector<16xi32>], vector<16xf32>,
        %add3A_1487 = arith.constant 9216 : i32
        %add3A_1488 = vector.broadcast %add3A_1487 : i32 to vector<16xi32>
        %add3A_1489 = arith.addi %add3A_743, %add3A_1488 : vector<16xi32>
        %mul3A_1490 = arith.mulf %add3A_1469, %div3A_1478 : vector<16xf32>
        tpu.vector_store_idx %arg9[%add3A_1489], %mul3A_1490 : memref<12288xf32, #tpu.memory_space<vmem>>[vector<16xi32>], vector<16xf32>,
        %add3A_1491 = arith.constant 28672 : i32
        %add3A_1492 = vector.broadcast %add3A_1491 : i32 to vector<16xi32>
        %add3A_1493 = arith.addi %add3A_689, %add3A_1492 : vector<16xi32>
        %gather3A_1494 = tpu.vector_load_idx %arg7[%add3A_1493] : memref<32768xf32, #tpu.memory_space<vmem>>[vector<16xi32>], vector<16xf32>,
        %mul3A_1495 = arith.mulf %gather3A_1494, %get3A_674 : vector<16xf32>
        %add3A_1496 = arith.constant 28672 : i32
        %add3A_1497 = vector.broadcast %add3A_1496 : i32 to vector<16xi32>
        %add3A_1498 = arith.addi %add3A_692, %add3A_1497 : vector<16xi32>
        %gather3A_1499 = tpu.vector_load_idx %arg7[%add3A_1498] : memref<32768xf32, #tpu.memory_space<vmem>>[vector<16xi32>], vector<16xf32>,
        %mul3A_1500 = arith.mulf %gather3A_1499, %get3A_674 : vector<16xf32>
        %add3A_1501 = arith.constant 28672 : i32
        %add3A_1502 = vector.broadcast %add3A_1501 : i32 to vector<16xi32>
        %add3A_1503 = arith.addi %add3A_695, %add3A_1502 : vector<16xi32>
        %gather3A_1504 = tpu.vector_load_idx %arg7[%add3A_1503] : memref<32768xf32, #tpu.memory_space<vmem>>[vector<16xi32>], vector<16xf32>,
        %mul3A_1505 = arith.mulf %gather3A_1504, %get3A_674 : vector<16xf32>
        %add3A_1506 = arith.constant 28672 : i32
        %add3A_1507 = vector.broadcast %add3A_1506 : i32 to vector<16xi32>
        %add3A_1508 = arith.addi %add3A_698, %add3A_1507 : vector<16xi32>
        %gather3A_1509 = tpu.vector_load_idx %arg7[%add3A_1508] : memref<32768xf32, #tpu.memory_space<vmem>>[vector<16xi32>], vector<16xf32>,
        %mul3A_1510 = arith.mulf %gather3A_1509, %get3A_674 : vector<16xf32>
        %add3A_1511 = arith.constant 28672 : i32
        %add3A_1512 = vector.broadcast %add3A_1511 : i32 to vector<16xi32>
        %add3A_1513 = arith.addi %add3A_701, %add3A_1512 : vector<16xi32>
        %gather3A_1514 = tpu.vector_load_idx %arg7[%add3A_1513] : memref<32768xf32, #tpu.memory_space<vmem>>[vector<16xi32>], vector<16xf32>,
        %mul3A_1515 = arith.mulf %gather3A_1514, %get3A_678 : vector<16xf32>
        %add3A_1516 = arith.addf %mul3A_1495, %mul3A_1515 : vector<16xf32>
        %add3A_1517 = arith.constant 28672 : i32
        %add3A_1518 = vector.broadcast %add3A_1517 : i32 to vector<16xi32>
        %add3A_1519 = arith.addi %add3A_704, %add3A_1518 : vector<16xi32>
        %gather3A_1520 = tpu.vector_load_idx %arg7[%add3A_1519] : memref<32768xf32, #tpu.memory_space<vmem>>[vector<16xi32>], vector<16xf32>,
        %mul3A_1521 = arith.mulf %gather3A_1520, %get3A_678 : vector<16xf32>
        %add3A_1522 = arith.addf %mul3A_1500, %mul3A_1521 : vector<16xf32>
        %add3A_1523 = arith.constant 28672 : i32
        %add3A_1524 = vector.broadcast %add3A_1523 : i32 to vector<16xi32>
        %add3A_1525 = arith.addi %add3A_707, %add3A_1524 : vector<16xi32>
        %gather3A_1526 = tpu.vector_load_idx %arg7[%add3A_1525] : memref<32768xf32, #tpu.memory_space<vmem>>[vector<16xi32>], vector<16xf32>,
        %mul3A_1527 = arith.mulf %gather3A_1526, %get3A_678 : vector<16xf32>
        %add3A_1528 = arith.addf %mul3A_1505, %mul3A_1527 : vector<16xf32>
        %add3A_1529 = arith.constant 28672 : i32
        %add3A_1530 = vector.broadcast %add3A_1529 : i32 to vector<16xi32>
        %add3A_1531 = arith.addi %add3A_710, %add3A_1530 : vector<16xi32>
        %gather3A_1532 = tpu.vector_load_idx %arg7[%add3A_1531] : memref<32768xf32, #tpu.memory_space<vmem>>[vector<16xi32>], vector<16xf32>,
        %mul3A_1533 = arith.mulf %gather3A_1532, %get3A_678 : vector<16xf32>
        %add3A_1534 = arith.addf %mul3A_1510, %mul3A_1533 : vector<16xf32>
        %add3A_1535 = arith.constant 28672 : i32
        %add3A_1536 = vector.broadcast %add3A_1535 : i32 to vector<16xi32>
        %add3A_1537 = arith.addi %add3A_713, %add3A_1536 : vector<16xi32>
        %gather3A_1538 = tpu.vector_load_idx %arg7[%add3A_1537] : memref<32768xf32, #tpu.memory_space<vmem>>[vector<16xi32>], vector<16xf32>,
        %mul3A_1539 = arith.mulf %gather3A_1538, %get3A_682 : vector<16xf32>
        %add3A_1540 = arith.addf %add3A_1516, %mul3A_1539 : vector<16xf32>
        %add3A_1541 = arith.constant 28672 : i32
        %add3A_1542 = vector.broadcast %add3A_1541 : i32 to vector<16xi32>
        %add3A_1543 = arith.addi %add3A_716, %add3A_1542 : vector<16xi32>
        %gather3A_1544 = tpu.vector_load_idx %arg7[%add3A_1543] : memref<32768xf32, #tpu.memory_space<vmem>>[vector<16xi32>], vector<16xf32>,
        %mul3A_1545 = arith.mulf %gather3A_1544, %get3A_682 : vector<16xf32>
        %add3A_1546 = arith.addf %add3A_1522, %mul3A_1545 : vector<16xf32>
        %add3A_1547 = arith.constant 28672 : i32
        %add3A_1548 = vector.broadcast %add3A_1547 : i32 to vector<16xi32>
        %add3A_1549 = arith.addi %add3A_719, %add3A_1548 : vector<16xi32>
        %gather3A_1550 = tpu.vector_load_idx %arg7[%add3A_1549] : memref<32768xf32, #tpu.memory_space<vmem>>[vector<16xi32>], vector<16xf32>,
        %mul3A_1551 = arith.mulf %gather3A_1550, %get3A_682 : vector<16xf32>
        %add3A_1552 = arith.addf %add3A_1528, %mul3A_1551 : vector<16xf32>
        %add3A_1553 = arith.constant 28672 : i32
        %add3A_1554 = vector.broadcast %add3A_1553 : i32 to vector<16xi32>
        %add3A_1555 = arith.addi %add3A_722, %add3A_1554 : vector<16xi32>
        %gather3A_1556 = tpu.vector_load_idx %arg7[%add3A_1555] : memref<32768xf32, #tpu.memory_space<vmem>>[vector<16xi32>], vector<16xf32>,
        %mul3A_1557 = arith.mulf %gather3A_1556, %get3A_682 : vector<16xf32>
        %add3A_1558 = arith.addf %add3A_1534, %mul3A_1557 : vector<16xf32>
        %add3A_1559 = arith.constant 28672 : i32
        %add3A_1560 = vector.broadcast %add3A_1559 : i32 to vector<16xi32>
        %add3A_1561 = arith.addi %add3A_725, %add3A_1560 : vector<16xi32>
        %gather3A_1562 = tpu.vector_load_idx %arg7[%add3A_1561] : memref<32768xf32, #tpu.memory_space<vmem>>[vector<16xi32>], vector<16xf32>,
        %mul3A_1563 = arith.mulf %gather3A_1562, %get3A_686 : vector<16xf32>
        %add3A_1564 = arith.addf %add3A_1540, %mul3A_1563 : vector<16xf32>
        %add3A_1565 = arith.constant 28672 : i32
        %add3A_1566 = vector.broadcast %add3A_1565 : i32 to vector<16xi32>
        %add3A_1567 = arith.addi %add3A_728, %add3A_1566 : vector<16xi32>
        %gather3A_1568 = tpu.vector_load_idx %arg7[%add3A_1567] : memref<32768xf32, #tpu.memory_space<vmem>>[vector<16xi32>], vector<16xf32>,
        %mul3A_1569 = arith.mulf %gather3A_1568, %get3A_686 : vector<16xf32>
        %add3A_1570 = arith.addf %add3A_1546, %mul3A_1569 : vector<16xf32>
        %add3A_1571 = arith.constant 28672 : i32
        %add3A_1572 = vector.broadcast %add3A_1571 : i32 to vector<16xi32>
        %add3A_1573 = arith.addi %add3A_731, %add3A_1572 : vector<16xi32>
        %gather3A_1574 = tpu.vector_load_idx %arg7[%add3A_1573] : memref<32768xf32, #tpu.memory_space<vmem>>[vector<16xi32>], vector<16xf32>,
        %mul3A_1575 = arith.mulf %gather3A_1574, %get3A_686 : vector<16xf32>
        %add3A_1576 = arith.addf %add3A_1552, %mul3A_1575 : vector<16xf32>
        %add3A_1577 = arith.constant 28672 : i32
        %add3A_1578 = vector.broadcast %add3A_1577 : i32 to vector<16xi32>
        %add3A_1579 = arith.addi %add3A_734, %add3A_1578 : vector<16xi32>
        %gather3A_1580 = tpu.vector_load_idx %arg7[%add3A_1579] : memref<32768xf32, #tpu.memory_space<vmem>>[vector<16xi32>], vector<16xf32>,
        %mul3A_1581 = arith.mulf %gather3A_1580, %get3A_686 : vector<16xf32>
        %add3A_1582 = arith.addf %add3A_1558, %mul3A_1581 : vector<16xf32>
        %div3A_1583 = arith.constant 1.000000e+00 : f32
        %div3A_1584 = vector.broadcast %div3A_1583 : f32 to vector<16xf32>
        %div3A_1585 = arith.divf %div3A_1584, %add3A_1582 : vector<16xf32>
        %add3A_1586 = arith.constant 10752 : i32
        %add3A_1587 = vector.broadcast %add3A_1586 : i32 to vector<16xi32>
        %add3A_1588 = arith.addi %add3A_737, %add3A_1587 : vector<16xi32>
        %mul3A_1589 = arith.mulf %add3A_1564, %div3A_1585 : vector<16xf32>
        tpu.vector_store_idx %arg9[%add3A_1588], %mul3A_1589 : memref<12288xf32, #tpu.memory_space<vmem>>[vector<16xi32>], vector<16xf32>,
        %add3A_1590 = arith.constant 10752 : i32
        %add3A_1591 = vector.broadcast %add3A_1590 : i32 to vector<16xi32>
        %add3A_1592 = arith.addi %add3A_740, %add3A_1591 : vector<16xi32>
        %mul3A_1593 = arith.mulf %add3A_1570, %div3A_1585 : vector<16xf32>
        tpu.vector_store_idx %arg9[%add3A_1592], %mul3A_1593 : memref<12288xf32, #tpu.memory_space<vmem>>[vector<16xi32>], vector<16xf32>,
        %add3A_1594 = arith.constant 10752 : i32
        %add3A_1595 = vector.broadcast %add3A_1594 : i32 to vector<16xi32>
        %add3A_1596 = arith.addi %add3A_743, %add3A_1595 : vector<16xi32>
        %mul3A_1597 = arith.mulf %add3A_1576, %div3A_1585 : vector<16xf32>
        tpu.vector_store_idx %arg9[%add3A_1596], %mul3A_1597 : memref<12288xf32, #tpu.memory_space<vmem>>[vector<16xi32>], vector<16xf32>,
      }
      %scan3A_563 = arith.constant 32 : i32
      %add3A_564 = arith.constant 1 : i32
      %add3A_565 = arith.addi %mul3A_272, %add3A_564 : i32
      %mul3A_566 = arith.constant 8 : i32
      %mul3A_567 = arith.muli %add3A_565, %mul3A_566 : i32
      %add3A_568 = arith.addi %mul3A_2, %mul3A_567 : i32
      %add3A_569 = arith.constant 0 : i32
      %add3A_570 = arith.addi %add3A_568, %add3A_569 : i32
      %dma_start3A_571 = arith.constant 0 : i32
      %dma_start3A_572 = tpu.memref_slice %arg9[%dma_start3A_571] : memref<12288xf32, #tpu.memory_space<vmem>> -> memref<1536xf32, #tpu.memory_space<vmem>>
      %dma_start3A_573 = arith.constant 0 : i32
      %dma_start3A_574 = tpu.memref_slice %arg5[%add3A_570, %dma_start3A_573] : memref<4096x1536xf32, #tpu.memory_space<hbm>> -> memref<1x1536xf32, #tpu.memory_space<hbm>>
      %dma_start3A_575 = tpu.memref_squeeze %dma_start3A_574 : memref<1x1536xf32, #tpu.memory_space<hbm>> -> memref<1536xf32, #tpu.memory_space<hbm>>
      %dma_start3A_576 = arith.constant 0 : i32
      %dma_start3A_577 = tpu.memref_slice %arg5[%add3A_570, %dma_start3A_576] : memref<4096x1536xf32, #tpu.memory_space<hbm>> -> memref<1x1536xf32, #tpu.memory_space<hbm>>
      %dma_start3A_578 = tpu.memref_squeeze %dma_start3A_577 : memref<1x1536xf32, #tpu.memory_space<hbm>> -> memref<1536xf32, #tpu.memory_space<hbm>>
      %dma_start3A_579 = arith.constant 0 : i32
      %dma_start3A_580 = tpu.memref_slice %arg9[%dma_start3A_579] : memref<12288xf32, #tpu.memory_space<vmem>> -> memref<1536xf32, #tpu.memory_space<vmem>>
      tpu.enqueue_dma source(%dma_start3A_580 : memref<1536xf32, #tpu.memory_space<vmem>>) target(%dma_start3A_578 : memref<1536xf32, #tpu.memory_space<hbm>>) target_semaphore(%arg18 : memref<!tpu.dma_semaphore, #tpu.memory_space<semaphore_mem>>)
      %add3A_581 = arith.constant 1 : i32
      %add3A_582 = arith.addi %add3A_568, %add3A_581 : i32
      %dma_start3A_583 = arith.constant 1536 : i32
      %dma_start3A_584 = tpu.memref_slice %arg9[%dma_start3A_583] : memref<12288xf32, #tpu.memory_space<vmem>> -> memref<1536xf32, #tpu.memory_space<vmem>>
      %dma_start3A_585 = arith.constant 0 : i32
      %dma_start3A_586 = tpu.memref_slice %arg5[%add3A_582, %dma_start3A_585] : memref<4096x1536xf32, #tpu.memory_space<hbm>> -> memref<1x1536xf32, #tpu.memory_space<hbm>>
      %dma_start3A_587 = tpu.memref_squeeze %dma_start3A_586 : memref<1x1536xf32, #tpu.memory_space<hbm>> -> memref<1536xf32, #tpu.memory_space<hbm>>
      %dma_start3A_588 = arith.constant 0 : i32
      %dma_start3A_589 = tpu.memref_slice %arg5[%add3A_582, %dma_start3A_588] : memref<4096x1536xf32, #tpu.memory_space<hbm>> -> memref<1x1536xf32, #tpu.memory_space<hbm>>
      %dma_start3A_590 = tpu.memref_squeeze %dma_start3A_589 : memref<1x1536xf32, #tpu.memory_space<hbm>> -> memref<1536xf32, #tpu.memory_space<hbm>>
      %dma_start3A_591 = arith.constant 1536 : i32
      %dma_start3A_592 = tpu.memref_slice %arg9[%dma_start3A_591] : memref<12288xf32, #tpu.memory_space<vmem>> -> memref<1536xf32, #tpu.memory_space<vmem>>
      tpu.enqueue_dma source(%dma_start3A_592 : memref<1536xf32, #tpu.memory_space<vmem>>) target(%dma_start3A_590 : memref<1536xf32, #tpu.memory_space<hbm>>) target_semaphore(%arg18 : memref<!tpu.dma_semaphore, #tpu.memory_space<semaphore_mem>>)
      %add3A_593 = arith.constant 2 : i32
      %add3A_594 = arith.addi %add3A_568, %add3A_593 : i32
      %dma_start3A_595 = arith.constant 3072 : i32
      %dma_start3A_596 = tpu.memref_slice %arg9[%dma_start3A_595] : memref<12288xf32, #tpu.memory_space<vmem>> -> memref<1536xf32, #tpu.memory_space<vmem>>
      %dma_start3A_597 = arith.constant 0 : i32
      %dma_start3A_598 = tpu.memref_slice %arg5[%add3A_594, %dma_start3A_597] : memref<4096x1536xf32, #tpu.memory_space<hbm>> -> memref<1x1536xf32, #tpu.memory_space<hbm>>
      %dma_start3A_599 = tpu.memref_squeeze %dma_start3A_598 : memref<1x1536xf32, #tpu.memory_space<hbm>> -> memref<1536xf32, #tpu.memory_space<hbm>>
      %dma_start3A_600 = arith.constant 0 : i32
      %dma_start3A_601 = tpu.memref_slice %arg5[%add3A_594, %dma_start3A_600] : memref<4096x1536xf32, #tpu.memory_space<hbm>> -> memref<1x1536xf32, #tpu.memory_space<hbm>>
      %dma_start3A_602 = tpu.memref_squeeze %dma_start3A_601 : memref<1x1536xf32, #tpu.memory_space<hbm>> -> memref<1536xf32, #tpu.memory_space<hbm>>
      %dma_start3A_603 = arith.constant 3072 : i32
      %dma_start3A_604 = tpu.memref_slice %arg9[%dma_start3A_603] : memref<12288xf32, #tpu.memory_space<vmem>> -> memref<1536xf32, #tpu.memory_space<vmem>>
      tpu.enqueue_dma source(%dma_start3A_604 : memref<1536xf32, #tpu.memory_space<vmem>>) target(%dma_start3A_602 : memref<1536xf32, #tpu.memory_space<hbm>>) target_semaphore(%arg18 : memref<!tpu.dma_semaphore, #tpu.memory_space<semaphore_mem>>)
      %add3A_605 = arith.constant 3 : i32
      %add3A_606 = arith.addi %add3A_568, %add3A_605 : i32
      %dma_start3A_607 = arith.constant 4608 : i32
      %dma_start3A_608 = tpu.memref_slice %arg9[%dma_start3A_607] : memref<12288xf32, #tpu.memory_space<vmem>> -> memref<1536xf32, #tpu.memory_space<vmem>>
      %dma_start3A_609 = arith.constant 0 : i32
      %dma_start3A_610 = tpu.memref_slice %arg5[%add3A_606, %dma_start3A_609] : memref<4096x1536xf32, #tpu.memory_space<hbm>> -> memref<1x1536xf32, #tpu.memory_space<hbm>>
      %dma_start3A_611 = tpu.memref_squeeze %dma_start3A_610 : memref<1x1536xf32, #tpu.memory_space<hbm>> -> memref<1536xf32, #tpu.memory_space<hbm>>
      %dma_start3A_612 = arith.constant 0 : i32
      %dma_start3A_613 = tpu.memref_slice %arg5[%add3A_606, %dma_start3A_612] : memref<4096x1536xf32, #tpu.memory_space<hbm>> -> memref<1x1536xf32, #tpu.memory_space<hbm>>
      %dma_start3A_614 = tpu.memref_squeeze %dma_start3A_613 : memref<1x1536xf32, #tpu.memory_space<hbm>> -> memref<1536xf32, #tpu.memory_space<hbm>>
      %dma_start3A_615 = arith.constant 4608 : i32
      %dma_start3A_616 = tpu.memref_slice %arg9[%dma_start3A_615] : memref<12288xf32, #tpu.memory_space<vmem>> -> memref<1536xf32, #tpu.memory_space<vmem>>
      tpu.enqueue_dma source(%dma_start3A_616 : memref<1536xf32, #tpu.memory_space<vmem>>) target(%dma_start3A_614 : memref<1536xf32, #tpu.memory_space<hbm>>) target_semaphore(%arg18 : memref<!tpu.dma_semaphore, #tpu.memory_space<semaphore_mem>>)
      %add3A_617 = arith.constant 4 : i32
      %add3A_618 = arith.addi %add3A_568, %add3A_617 : i32
      %dma_start3A_619 = arith.constant 6144 : i32
      %dma_start3A_620 = tpu.memref_slice %arg9[%dma_start3A_619] : memref<12288xf32, #tpu.memory_space<vmem>> -> memref<1536xf32, #tpu.memory_space<vmem>>
      %dma_start3A_621 = arith.constant 0 : i32
      %dma_start3A_622 = tpu.memref_slice %arg5[%add3A_618, %dma_start3A_621] : memref<4096x1536xf32, #tpu.memory_space<hbm>> -> memref<1x1536xf32, #tpu.memory_space<hbm>>
      %dma_start3A_623 = tpu.memref_squeeze %dma_start3A_622 : memref<1x1536xf32, #tpu.memory_space<hbm>> -> memref<1536xf32, #tpu.memory_space<hbm>>
      %dma_start3A_624 = arith.constant 0 : i32
      %dma_start3A_625 = tpu.memref_slice %arg5[%add3A_618, %dma_start3A_624] : memref<4096x1536xf32, #tpu.memory_space<hbm>> -> memref<1x1536xf32, #tpu.memory_space<hbm>>
      %dma_start3A_626 = tpu.memref_squeeze %dma_start3A_625 : memref<1x1536xf32, #tpu.memory_space<hbm>> -> memref<1536xf32, #tpu.memory_space<hbm>>
      %dma_start3A_627 = arith.constant 6144 : i32
      %dma_start3A_628 = tpu.memref_slice %arg9[%dma_start3A_627] : memref<12288xf32, #tpu.memory_space<vmem>> -> memref<1536xf32, #tpu.memory_space<vmem>>
      tpu.enqueue_dma source(%dma_start3A_628 : memref<1536xf32, #tpu.memory_space<vmem>>) target(%dma_start3A_626 : memref<1536xf32, #tpu.memory_space<hbm>>) target_semaphore(%arg18 : memref<!tpu.dma_semaphore, #tpu.memory_space<semaphore_mem>>)
      %add3A_629 = arith.constant 5 : i32
      %add3A_630 = arith.addi %add3A_568, %add3A_629 : i32
      %dma_start3A_631 = arith.constant 7680 : i32
      %dma_start3A_632 = tpu.memref_slice %arg9[%dma_start3A_631] : memref<12288xf32, #tpu.memory_space<vmem>> -> memref<1536xf32, #tpu.memory_space<vmem>>
      %dma_start3A_633 = arith.constant 0 : i32
      %dma_start3A_634 = tpu.memref_slice %arg5[%add3A_630, %dma_start3A_633] : memref<4096x1536xf32, #tpu.memory_space<hbm>> -> memref<1x1536xf32, #tpu.memory_space<hbm>>
      %dma_start3A_635 = tpu.memref_squeeze %dma_start3A_634 : memref<1x1536xf32, #tpu.memory_space<hbm>> -> memref<1536xf32, #tpu.memory_space<hbm>>
      %dma_start3A_636 = arith.constant 0 : i32
      %dma_start3A_637 = tpu.memref_slice %arg5[%add3A_630, %dma_start3A_636] : memref<4096x1536xf32, #tpu.memory_space<hbm>> -> memref<1x1536xf32, #tpu.memory_space<hbm>>
      %dma_start3A_638 = tpu.memref_squeeze %dma_start3A_637 : memref<1x1536xf32, #tpu.memory_space<hbm>> -> memref<1536xf32, #tpu.memory_space<hbm>>
      %dma_start3A_639 = arith.constant 7680 : i32
      %dma_start3A_640 = tpu.memref_slice %arg9[%dma_start3A_639] : memref<12288xf32, #tpu.memory_space<vmem>> -> memref<1536xf32, #tpu.memory_space<vmem>>
      tpu.enqueue_dma source(%dma_start3A_640 : memref<1536xf32, #tpu.memory_space<vmem>>) target(%dma_start3A_638 : memref<1536xf32, #tpu.memory_space<hbm>>) target_semaphore(%arg18 : memref<!tpu.dma_semaphore, #tpu.memory_space<semaphore_mem>>)
      %add3A_641 = arith.constant 6 : i32
      %add3A_642 = arith.addi %add3A_568, %add3A_641 : i32
      %dma_start3A_643 = arith.constant 9216 : i32
      %dma_start3A_644 = tpu.memref_slice %arg9[%dma_start3A_643] : memref<12288xf32, #tpu.memory_space<vmem>> -> memref<1536xf32, #tpu.memory_space<vmem>>
      %dma_start3A_645 = arith.constant 0 : i32
      %dma_start3A_646 = tpu.memref_slice %arg5[%add3A_642, %dma_start3A_645] : memref<4096x1536xf32, #tpu.memory_space<hbm>> -> memref<1x1536xf32, #tpu.memory_space<hbm>>
      %dma_start3A_647 = tpu.memref_squeeze %dma_start3A_646 : memref<1x1536xf32, #tpu.memory_space<hbm>> -> memref<1536xf32, #tpu.memory_space<hbm>>
      %dma_start3A_648 = arith.constant 0 : i32
      %dma_start3A_649 = tpu.memref_slice %arg5[%add3A_642, %dma_start3A_648] : memref<4096x1536xf32, #tpu.memory_space<hbm>> -> memref<1x1536xf32, #tpu.memory_space<hbm>>
      %dma_start3A_650 = tpu.memref_squeeze %dma_start3A_649 : memref<1x1536xf32, #tpu.memory_space<hbm>> -> memref<1536xf32, #tpu.memory_space<hbm>>
      %dma_start3A_651 = arith.constant 9216 : i32
      %dma_start3A_652 = tpu.memref_slice %arg9[%dma_start3A_651] : memref<12288xf32, #tpu.memory_space<vmem>> -> memref<1536xf32, #tpu.memory_space<vmem>>
      tpu.enqueue_dma source(%dma_start3A_652 : memref<1536xf32, #tpu.memory_space<vmem>>) target(%dma_start3A_650 : memref<1536xf32, #tpu.memory_space<hbm>>) target_semaphore(%arg18 : memref<!tpu.dma_semaphore, #tpu.memory_space<semaphore_mem>>)
      %add3A_653 = arith.constant 7 : i32
      %add3A_654 = arith.addi %add3A_568, %add3A_653 : i32
      %dma_start3A_655 = arith.constant 10752 : i32
      %dma_start3A_656 = tpu.memref_slice %arg9[%dma_start3A_655] : memref<12288xf32, #tpu.memory_space<vmem>> -> memref<1536xf32, #tpu.memory_space<vmem>>
      %dma_start3A_657 = arith.constant 0 : i32
      %dma_start3A_658 = tpu.memref_slice %arg5[%add3A_654, %dma_start3A_657] : memref<4096x1536xf32, #tpu.memory_space<hbm>> -> memref<1x1536xf32, #tpu.memory_space<hbm>>
      %dma_start3A_659 = tpu.memref_squeeze %dma_start3A_658 : memref<1x1536xf32, #tpu.memory_space<hbm>> -> memref<1536xf32, #tpu.memory_space<hbm>>
      %dma_start3A_660 = arith.constant 0 : i32
      %dma_start3A_661 = tpu.memref_slice %arg5[%add3A_654, %dma_start3A_660] : memref<4096x1536xf32, #tpu.memory_space<hbm>> -> memref<1x1536xf32, #tpu.memory_space<hbm>>
      %dma_start3A_662 = tpu.memref_squeeze %dma_start3A_661 : memref<1x1536xf32, #tpu.memory_space<hbm>> -> memref<1536xf32, #tpu.memory_space<hbm>>
      %dma_start3A_663 = arith.constant 10752 : i32
      %dma_start3A_664 = tpu.memref_slice %arg9[%dma_start3A_663] : memref<12288xf32, #tpu.memory_space<vmem>> -> memref<1536xf32, #tpu.memory_space<vmem>>
      tpu.enqueue_dma source(%dma_start3A_664 : memref<1536xf32, #tpu.memory_space<vmem>>) target(%dma_start3A_662 : memref<1536xf32, #tpu.memory_space<hbm>>) target_semaphore(%arg18 : memref<!tpu.dma_semaphore, #tpu.memory_space<semaphore_mem>>)
    }
    %scan3A_110 = arith.constant 8 : i32
    %dma_wait3A = arith.constant 0 : i32
    %dma_wait3A_111 = tpu.memref_slice %arg8[%dma_wait3A] : memref<12288xf32, #tpu.memory_space<vmem>> -> memref<1536xf32, #tpu.memory_space<vmem>>
    %dma_wait3A_112 = arith.constant 0 : i32
    %dma_wait3A_113 = tpu.memref_slice %arg5[%mul3A_2, %dma_wait3A_112] : memref<4096x1536xf32, #tpu.memory_space<hbm>> -> memref<1x1536xf32, #tpu.memory_space<hbm>>
    %dma_wait3A_114 = tpu.memref_squeeze %dma_wait3A_113 : memref<1x1536xf32, #tpu.memory_space<hbm>> -> memref<1536xf32, #tpu.memory_space<hbm>>
    %dma_wait3A_115 = arith.constant 0 : i32
    %dma_wait3A_116 = tpu.memref_slice %arg5[%mul3A_2, %dma_wait3A_115] : memref<4096x1536xf32, #tpu.memory_space<hbm>> -> memref<1x1536xf32, #tpu.memory_space<hbm>>
    %dma_wait3A_117 = tpu.memref_squeeze %dma_wait3A_116 : memref<1x1536xf32, #tpu.memory_space<hbm>> -> memref<1536xf32, #tpu.memory_space<hbm>>
    %dma_wait3A_118 = arith.constant 0 : i32
    %dma_wait3A_119 = tpu.memref_slice %arg8[%dma_wait3A_118] : memref<12288xf32, #tpu.memory_space<vmem>> -> memref<1536xf32, #tpu.memory_space<vmem>>
    tpu.wait_dma2 semaphore(%arg17 : memref<!tpu.dma_semaphore, #tpu.memory_space<semaphore_mem>>) src(%dma_wait3A_119 : memref<1536xf32, #tpu.memory_space<vmem>>) dst(%dma_wait3A_117 : memref<1536xf32, #tpu.memory_space<hbm>>)
    %dma_wait3A_120 = arith.constant 1536 : i32
    %dma_wait3A_121 = tpu.memref_slice %arg8[%dma_wait3A_120] : memref<12288xf32, #tpu.memory_space<vmem>> -> memref<1536xf32, #tpu.memory_space<vmem>>
    %dma_wait3A_122 = arith.constant 0 : i32
    %dma_wait3A_123 = tpu.memref_slice %arg5[%mul3A_2, %dma_wait3A_122] : memref<4096x1536xf32, #tpu.memory_space<hbm>> -> memref<1x1536xf32, #tpu.memory_space<hbm>>
    %dma_wait3A_124 = tpu.memref_squeeze %dma_wait3A_123 : memref<1x1536xf32, #tpu.memory_space<hbm>> -> memref<1536xf32, #tpu.memory_space<hbm>>
    %dma_wait3A_125 = arith.constant 0 : i32
    %dma_wait3A_126 = tpu.memref_slice %arg5[%mul3A_2, %dma_wait3A_125] : memref<4096x1536xf32, #tpu.memory_space<hbm>> -> memref<1x1536xf32, #tpu.memory_space<hbm>>
    %dma_wait3A_127 = tpu.memref_squeeze %dma_wait3A_126 : memref<1x1536xf32, #tpu.memory_space<hbm>> -> memref<1536xf32, #tpu.memory_space<hbm>>
    %dma_wait3A_128 = arith.constant 1536 : i32
    %dma_wait3A_129 = tpu.memref_slice %arg8[%dma_wait3A_128] : memref<12288xf32, #tpu.memory_space<vmem>> -> memref<1536xf32, #tpu.memory_space<vmem>>
    tpu.wait_dma2 semaphore(%arg17 : memref<!tpu.dma_semaphore, #tpu.memory_space<semaphore_mem>>) src(%dma_wait3A_129 : memref<1536xf32, #tpu.memory_space<vmem>>) dst(%dma_wait3A_127 : memref<1536xf32, #tpu.memory_space<hbm>>)
    %dma_wait3A_130 = arith.constant 3072 : i32
    %dma_wait3A_131 = tpu.memref_slice %arg8[%dma_wait3A_130] : memref<12288xf32, #tpu.memory_space<vmem>> -> memref<1536xf32, #tpu.memory_space<vmem>>
    %dma_wait3A_132 = arith.constant 0 : i32
    %dma_wait3A_133 = tpu.memref_slice %arg5[%mul3A_2, %dma_wait3A_132] : memref<4096x1536xf32, #tpu.memory_space<hbm>> -> memref<1x1536xf32, #tpu.memory_space<hbm>>
    %dma_wait3A_134 = tpu.memref_squeeze %dma_wait3A_133 : memref<1x1536xf32, #tpu.memory_space<hbm>> -> memref<1536xf32, #tpu.memory_space<hbm>>
    %dma_wait3A_135 = arith.constant 0 : i32
    %dma_wait3A_136 = tpu.memref_slice %arg5[%mul3A_2, %dma_wait3A_135] : memref<4096x1536xf32, #tpu.memory_space<hbm>> -> memref<1x1536xf32, #tpu.memory_space<hbm>>
    %dma_wait3A_137 = tpu.memref_squeeze %dma_wait3A_136 : memref<1x1536xf32, #tpu.memory_space<hbm>> -> memref<1536xf32, #tpu.memory_space<hbm>>
    %dma_wait3A_138 = arith.constant 3072 : i32
    %dma_wait3A_139 = tpu.memref_slice %arg8[%dma_wait3A_138] : memref<12288xf32, #tpu.memory_space<vmem>> -> memref<1536xf32, #tpu.memory_space<vmem>>
    tpu.wait_dma2 semaphore(%arg17 : memref<!tpu.dma_semaphore, #tpu.memory_space<semaphore_mem>>) src(%dma_wait3A_139 : memref<1536xf32, #tpu.memory_space<vmem>>) dst(%dma_wait3A_137 : memref<1536xf32, #tpu.memory_space<hbm>>)
    %dma_wait3A_140 = arith.constant 4608 : i32
    %dma_wait3A_141 = tpu.memref_slice %arg8[%dma_wait3A_140] : memref<12288xf32, #tpu.memory_space<vmem>> -> memref<1536xf32, #tpu.memory_space<vmem>>
    %dma_wait3A_142 = arith.constant 0 : i32
    %dma_wait3A_143 = tpu.memref_slice %arg5[%mul3A_2, %dma_wait3A_142] : memref<4096x1536xf32, #tpu.memory_space<hbm>> -> memref<1x1536xf32, #tpu.memory_space<hbm>>
    %dma_wait3A_144 = tpu.memref_squeeze %dma_wait3A_143 : memref<1x1536xf32, #tpu.memory_space<hbm>> -> memref<1536xf32, #tpu.memory_space<hbm>>
    %dma_wait3A_145 = arith.constant 0 : i32
    %dma_wait3A_146 = tpu.memref_slice %arg5[%mul3A_2, %dma_wait3A_145] : memref<4096x1536xf32, #tpu.memory_space<hbm>> -> memref<1x1536xf32, #tpu.memory_space<hbm>>
    %dma_wait3A_147 = tpu.memref_squeeze %dma_wait3A_146 : memref<1x1536xf32, #tpu.memory_space<hbm>> -> memref<1536xf32, #tpu.memory_space<hbm>>
    %dma_wait3A_148 = arith.constant 4608 : i32
    %dma_wait3A_149 = tpu.memref_slice %arg8[%dma_wait3A_148] : memref<12288xf32, #tpu.memory_space<vmem>> -> memref<1536xf32, #tpu.memory_space<vmem>>
    tpu.wait_dma2 semaphore(%arg17 : memref<!tpu.dma_semaphore, #tpu.memory_space<semaphore_mem>>) src(%dma_wait3A_149 : memref<1536xf32, #tpu.memory_space<vmem>>) dst(%dma_wait3A_147 : memref<1536xf32, #tpu.memory_space<hbm>>)
    %dma_wait3A_150 = arith.constant 6144 : i32
    %dma_wait3A_151 = tpu.memref_slice %arg8[%dma_wait3A_150] : memref<12288xf32, #tpu.memory_space<vmem>> -> memref<1536xf32, #tpu.memory_space<vmem>>
    %dma_wait3A_152 = arith.constant 0 : i32
    %dma_wait3A_153 = tpu.memref_slice %arg5[%mul3A_2, %dma_wait3A_152] : memref<4096x1536xf32, #tpu.memory_space<hbm>> -> memref<1x1536xf32, #tpu.memory_space<hbm>>
    %dma_wait3A_154 = tpu.memref_squeeze %dma_wait3A_153 : memref<1x1536xf32, #tpu.memory_space<hbm>> -> memref<1536xf32, #tpu.memory_space<hbm>>
    %dma_wait3A_155 = arith.constant 0 : i32
    %dma_wait3A_156 = tpu.memref_slice %arg5[%mul3A_2, %dma_wait3A_155] : memref<4096x1536xf32, #tpu.memory_space<hbm>> -> memref<1x1536xf32, #tpu.memory_space<hbm>>
    %dma_wait3A_157 = tpu.memref_squeeze %dma_wait3A_156 : memref<1x1536xf32, #tpu.memory_space<hbm>> -> memref<1536xf32, #tpu.memory_space<hbm>>
    %dma_wait3A_158 = arith.constant 6144 : i32
    %dma_wait3A_159 = tpu.memref_slice %arg8[%dma_wait3A_158] : memref<12288xf32, #tpu.memory_space<vmem>> -> memref<1536xf32, #tpu.memory_space<vmem>>
    tpu.wait_dma2 semaphore(%arg17 : memref<!tpu.dma_semaphore, #tpu.memory_space<semaphore_mem>>) src(%dma_wait3A_159 : memref<1536xf32, #tpu.memory_space<vmem>>) dst(%dma_wait3A_157 : memref<1536xf32, #tpu.memory_space<hbm>>)
    %dma_wait3A_160 = arith.constant 7680 : i32
    %dma_wait3A_161 = tpu.memref_slice %arg8[%dma_wait3A_160] : memref<12288xf32, #tpu.memory_space<vmem>> -> memref<1536xf32, #tpu.memory_space<vmem>>
    %dma_wait3A_162 = arith.constant 0 : i32
    %dma_wait3A_163 = tpu.memref_slice %arg5[%mul3A_2, %dma_wait3A_162] : memref<4096x1536xf32, #tpu.memory_space<hbm>> -> memref<1x1536xf32, #tpu.memory_space<hbm>>
    %dma_wait3A_164 = tpu.memref_squeeze %dma_wait3A_163 : memref<1x1536xf32, #tpu.memory_space<hbm>> -> memref<1536xf32, #tpu.memory_space<hbm>>
    %dma_wait3A_165 = arith.constant 0 : i32
    %dma_wait3A_166 = tpu.memref_slice %arg5[%mul3A_2, %dma_wait3A_165] : memref<4096x1536xf32, #tpu.memory_space<hbm>> -> memref<1x1536xf32, #tpu.memory_space<hbm>>
    %dma_wait3A_167 = tpu.memref_squeeze %dma_wait3A_166 : memref<1x1536xf32, #tpu.memory_space<hbm>> -> memref<1536xf32, #tpu.memory_space<hbm>>
    %dma_wait3A_168 = arith.constant 7680 : i32
    %dma_wait3A_169 = tpu.memref_slice %arg8[%dma_wait3A_168] : memref<12288xf32, #tpu.memory_space<vmem>> -> memref<1536xf32, #tpu.memory_space<vmem>>
    tpu.wait_dma2 semaphore(%arg17 : memref<!tpu.dma_semaphore, #tpu.memory_space<semaphore_mem>>) src(%dma_wait3A_169 : memref<1536xf32, #tpu.memory_space<vmem>>) dst(%dma_wait3A_167 : memref<1536xf32, #tpu.memory_space<hbm>>)
    %dma_wait3A_170 = arith.constant 9216 : i32
    %dma_wait3A_171 = tpu.memref_slice %arg8[%dma_wait3A_170] : memref<12288xf32, #tpu.memory_space<vmem>> -> memref<1536xf32, #tpu.memory_space<vmem>>
    %dma_wait3A_172 = arith.constant 0 : i32
    %dma_wait3A_173 = tpu.memref_slice %arg5[%mul3A_2, %dma_wait3A_172] : memref<4096x1536xf32, #tpu.memory_space<hbm>> -> memref<1x1536xf32, #tpu.memory_space<hbm>>
    %dma_wait3A_174 = tpu.memref_squeeze %dma_wait3A_173 : memref<1x1536xf32, #tpu.memory_space<hbm>> -> memref<1536xf32, #tpu.memory_space<hbm>>
    %dma_wait3A_175 = arith.constant 0 : i32
    %dma_wait3A_176 = tpu.memref_slice %arg5[%mul3A_2, %dma_wait3A_175] : memref<4096x1536xf32, #tpu.memory_space<hbm>> -> memref<1x1536xf32, #tpu.memory_space<hbm>>
    %dma_wait3A_177 = tpu.memref_squeeze %dma_wait3A_176 : memref<1x1536xf32, #tpu.memory_space<hbm>> -> memref<1536xf32, #tpu.memory_space<hbm>>
    %dma_wait3A_178 = arith.constant 9216 : i32
    %dma_wait3A_179 = tpu.memref_slice %arg8[%dma_wait3A_178] : memref<12288xf32, #tpu.memory_space<vmem>> -> memref<1536xf32, #tpu.memory_space<vmem>>
    tpu.wait_dma2 semaphore(%arg17 : memref<!tpu.dma_semaphore, #tpu.memory_space<semaphore_mem>>) src(%dma_wait3A_179 : memref<1536xf32, #tpu.memory_space<vmem>>) dst(%dma_wait3A_177 : memref<1536xf32, #tpu.memory_space<hbm>>)
    %dma_wait3A_180 = arith.constant 10752 : i32
    %dma_wait3A_181 = tpu.memref_slice %arg8[%dma_wait3A_180] : memref<12288xf32, #tpu.memory_space<vmem>> -> memref<1536xf32, #tpu.memory_space<vmem>>
    %dma_wait3A_182 = arith.constant 0 : i32
    %dma_wait3A_183 = tpu.memref_slice %arg5[%mul3A_2, %dma_wait3A_182] : memref<4096x1536xf32, #tpu.memory_space<hbm>> -> memref<1x1536xf32, #tpu.memory_space<hbm>>
    %dma_wait3A_184 = tpu.memref_squeeze %dma_wait3A_183 : memref<1x1536xf32, #tpu.memory_space<hbm>> -> memref<1536xf32, #tpu.memory_space<hbm>>
    %dma_wait3A_185 = arith.constant 0 : i32
    %dma_wait3A_186 = tpu.memref_slice %arg5[%mul3A_2, %dma_wait3A_185] : memref<4096x1536xf32, #tpu.memory_space<hbm>> -> memref<1x1536xf32, #tpu.memory_space<hbm>>
    %dma_wait3A_187 = tpu.memref_squeeze %dma_wait3A_186 : memref<1x1536xf32, #tpu.memory_space<hbm>> -> memref<1536xf32, #tpu.memory_space<hbm>>
    %dma_wait3A_188 = arith.constant 10752 : i32
    %dma_wait3A_189 = tpu.memref_slice %arg8[%dma_wait3A_188] : memref<12288xf32, #tpu.memory_space<vmem>> -> memref<1536xf32, #tpu.memory_space<vmem>>
    tpu.wait_dma2 semaphore(%arg17 : memref<!tpu.dma_semaphore, #tpu.memory_space<semaphore_mem>>) src(%dma_wait3A_189 : memref<1536xf32, #tpu.memory_space<vmem>>) dst(%dma_wait3A_187 : memref<1536xf32, #tpu.memory_space<hbm>>)
    %dma_wait3A_190 = arith.constant 0 : i32
    %dma_wait3A_191 = tpu.memref_slice %arg9[%dma_wait3A_190] : memref<12288xf32, #tpu.memory_space<vmem>> -> memref<1536xf32, #tpu.memory_space<vmem>>
    %dma_wait3A_192 = arith.constant 0 : i32
    %dma_wait3A_193 = tpu.memref_slice %arg5[%mul3A_2, %dma_wait3A_192] : memref<4096x1536xf32, #tpu.memory_space<hbm>> -> memref<1x1536xf32, #tpu.memory_space<hbm>>
    %dma_wait3A_194 = tpu.memref_squeeze %dma_wait3A_193 : memref<1x1536xf32, #tpu.memory_space<hbm>> -> memref<1536xf32, #tpu.memory_space<hbm>>
    %dma_wait3A_195 = arith.constant 0 : i32
    %dma_wait3A_196 = tpu.memref_slice %arg5[%mul3A_2, %dma_wait3A_195] : memref<4096x1536xf32, #tpu.memory_space<hbm>> -> memref<1x1536xf32, #tpu.memory_space<hbm>>
    %dma_wait3A_197 = tpu.memref_squeeze %dma_wait3A_196 : memref<1x1536xf32, #tpu.memory_space<hbm>> -> memref<1536xf32, #tpu.memory_space<hbm>>
    %dma_wait3A_198 = arith.constant 0 : i32
    %dma_wait3A_199 = tpu.memref_slice %arg9[%dma_wait3A_198] : memref<12288xf32, #tpu.memory_space<vmem>> -> memref<1536xf32, #tpu.memory_space<vmem>>
    tpu.wait_dma2 semaphore(%arg18 : memref<!tpu.dma_semaphore, #tpu.memory_space<semaphore_mem>>) src(%dma_wait3A_199 : memref<1536xf32, #tpu.memory_space<vmem>>) dst(%dma_wait3A_197 : memref<1536xf32, #tpu.memory_space<hbm>>)
    %dma_wait3A_200 = arith.constant 1536 : i32
    %dma_wait3A_201 = tpu.memref_slice %arg9[%dma_wait3A_200] : memref<12288xf32, #tpu.memory_space<vmem>> -> memref<1536xf32, #tpu.memory_space<vmem>>
    %dma_wait3A_202 = arith.constant 0 : i32
    %dma_wait3A_203 = tpu.memref_slice %arg5[%mul3A_2, %dma_wait3A_202] : memref<4096x1536xf32, #tpu.memory_space<hbm>> -> memref<1x1536xf32, #tpu.memory_space<hbm>>
    %dma_wait3A_204 = tpu.memref_squeeze %dma_wait3A_203 : memref<1x1536xf32, #tpu.memory_space<hbm>> -> memref<1536xf32, #tpu.memory_space<hbm>>
    %dma_wait3A_205 = arith.constant 0 : i32
    %dma_wait3A_206 = tpu.memref_slice %arg5[%mul3A_2, %dma_wait3A_205] : memref<4096x1536xf32, #tpu.memory_space<hbm>> -> memref<1x1536xf32, #tpu.memory_space<hbm>>
    %dma_wait3A_207 = tpu.memref_squeeze %dma_wait3A_206 : memref<1x1536xf32, #tpu.memory_space<hbm>> -> memref<1536xf32, #tpu.memory_space<hbm>>
    %dma_wait3A_208 = arith.constant 1536 : i32
    %dma_wait3A_209 = tpu.memref_slice %arg9[%dma_wait3A_208] : memref<12288xf32, #tpu.memory_space<vmem>> -> memref<1536xf32, #tpu.memory_space<vmem>>
    tpu.wait_dma2 semaphore(%arg18 : memref<!tpu.dma_semaphore, #tpu.memory_space<semaphore_mem>>) src(%dma_wait3A_209 : memref<1536xf32, #tpu.memory_space<vmem>>) dst(%dma_wait3A_207 : memref<1536xf32, #tpu.memory_space<hbm>>)
    %dma_wait3A_210 = arith.constant 3072 : i32
    %dma_wait3A_211 = tpu.memref_slice %arg9[%dma_wait3A_210] : memref<12288xf32, #tpu.memory_space<vmem>> -> memref<1536xf32, #tpu.memory_space<vmem>>
    %dma_wait3A_212 = arith.constant 0 : i32
    %dma_wait3A_213 = tpu.memref_slice %arg5[%mul3A_2, %dma_wait3A_212] : memref<4096x1536xf32, #tpu.memory_space<hbm>> -> memref<1x1536xf32, #tpu.memory_space<hbm>>
    %dma_wait3A_214 = tpu.memref_squeeze %dma_wait3A_213 : memref<1x1536xf32, #tpu.memory_space<hbm>> -> memref<1536xf32, #tpu.memory_space<hbm>>
    %dma_wait3A_215 = arith.constant 0 : i32
    %dma_wait3A_216 = tpu.memref_slice %arg5[%mul3A_2, %dma_wait3A_215] : memref<4096x1536xf32, #tpu.memory_space<hbm>> -> memref<1x1536xf32, #tpu.memory_space<hbm>>
    %dma_wait3A_217 = tpu.memref_squeeze %dma_wait3A_216 : memref<1x1536xf32, #tpu.memory_space<hbm>> -> memref<1536xf32, #tpu.memory_space<hbm>>
    %dma_wait3A_218 = arith.constant 3072 : i32
    %dma_wait3A_219 = tpu.memref_slice %arg9[%dma_wait3A_218] : memref<12288xf32, #tpu.memory_space<vmem>> -> memref<1536xf32, #tpu.memory_space<vmem>>
    tpu.wait_dma2 semaphore(%arg18 : memref<!tpu.dma_semaphore, #tpu.memory_space<semaphore_mem>>) src(%dma_wait3A_219 : memref<1536xf32, #tpu.memory_space<vmem>>) dst(%dma_wait3A_217 : memref<1536xf32, #tpu.memory_space<hbm>>)
    %dma_wait3A_220 = arith.constant 4608 : i32
    %dma_wait3A_221 = tpu.memref_slice %arg9[%dma_wait3A_220] : memref<12288xf32, #tpu.memory_space<vmem>> -> memref<1536xf32, #tpu.memory_space<vmem>>
    %dma_wait3A_222 = arith.constant 0 : i32
    %dma_wait3A_223 = tpu.memref_slice %arg5[%mul3A_2, %dma_wait3A_222] : memref<4096x1536xf32, #tpu.memory_space<hbm>> -> memref<1x1536xf32, #tpu.memory_space<hbm>>
    %dma_wait3A_224 = tpu.memref_squeeze %dma_wait3A_223 : memref<1x1536xf32, #tpu.memory_space<hbm>> -> memref<1536xf32, #tpu.memory_space<hbm>>
    %dma_wait3A_225 = arith.constant 0 : i32
    %dma_wait3A_226 = tpu.memref_slice %arg5[%mul3A_2, %dma_wait3A_225] : memref<4096x1536xf32, #tpu.memory_space<hbm>> -> memref<1x1536xf32, #tpu.memory_space<hbm>>
    %dma_wait3A_227 = tpu.memref_squeeze %dma_wait3A_226 : memref<1x1536xf32, #tpu.memory_space<hbm>> -> memref<1536xf32, #tpu.memory_space<hbm>>
    %dma_wait3A_228 = arith.constant 4608 : i32
    %dma_wait3A_229 = tpu.memref_slice %arg9[%dma_wait3A_228] : memref<12288xf32, #tpu.memory_space<vmem>> -> memref<1536xf32, #tpu.memory_space<vmem>>
    tpu.wait_dma2 semaphore(%arg18 : memref<!tpu.dma_semaphore, #tpu.memory_space<semaphore_mem>>) src(%dma_wait3A_229 : memref<1536xf32, #tpu.memory_space<vmem>>) dst(%dma_wait3A_227 : memref<1536xf32, #tpu.memory_space<hbm>>)
    %dma_wait3A_230 = arith.constant 6144 : i32
    %dma_wait3A_231 = tpu.memref_slice %arg9[%dma_wait3A_230] : memref<12288xf32, #tpu.memory_space<vmem>> -> memref<1536xf32, #tpu.memory_space<vmem>>
    %dma_wait3A_232 = arith.constant 0 : i32
    %dma_wait3A_233 = tpu.memref_slice %arg5[%mul3A_2, %dma_wait3A_232] : memref<4096x1536xf32, #tpu.memory_space<hbm>> -> memref<1x1536xf32, #tpu.memory_space<hbm>>
    %dma_wait3A_234 = tpu.memref_squeeze %dma_wait3A_233 : memref<1x1536xf32, #tpu.memory_space<hbm>> -> memref<1536xf32, #tpu.memory_space<hbm>>
    %dma_wait3A_235 = arith.constant 0 : i32
    %dma_wait3A_236 = tpu.memref_slice %arg5[%mul3A_2, %dma_wait3A_235] : memref<4096x1536xf32, #tpu.memory_space<hbm>> -> memref<1x1536xf32, #tpu.memory_space<hbm>>
    %dma_wait3A_237 = tpu.memref_squeeze %dma_wait3A_236 : memref<1x1536xf32, #tpu.memory_space<hbm>> -> memref<1536xf32, #tpu.memory_space<hbm>>
    %dma_wait3A_238 = arith.constant 6144 : i32
    %dma_wait3A_239 = tpu.memref_slice %arg9[%dma_wait3A_238] : memref<12288xf32, #tpu.memory_space<vmem>> -> memref<1536xf32, #tpu.memory_space<vmem>>
    tpu.wait_dma2 semaphore(%arg18 : memref<!tpu.dma_semaphore, #tpu.memory_space<semaphore_mem>>) src(%dma_wait3A_239 : memref<1536xf32, #tpu.memory_space<vmem>>) dst(%dma_wait3A_237 : memref<1536xf32, #tpu.memory_space<hbm>>)
    %dma_wait3A_240 = arith.constant 7680 : i32
    %dma_wait3A_241 = tpu.memref_slice %arg9[%dma_wait3A_240] : memref<12288xf32, #tpu.memory_space<vmem>> -> memref<1536xf32, #tpu.memory_space<vmem>>
    %dma_wait3A_242 = arith.constant 0 : i32
    %dma_wait3A_243 = tpu.memref_slice %arg5[%mul3A_2, %dma_wait3A_242] : memref<4096x1536xf32, #tpu.memory_space<hbm>> -> memref<1x1536xf32, #tpu.memory_space<hbm>>
    %dma_wait3A_244 = tpu.memref_squeeze %dma_wait3A_243 : memref<1x1536xf32, #tpu.memory_space<hbm>> -> memref<1536xf32, #tpu.memory_space<hbm>>
    %dma_wait3A_245 = arith.constant 0 : i32
    %dma_wait3A_246 = tpu.memref_slice %arg5[%mul3A_2, %dma_wait3A_245] : memref<4096x1536xf32, #tpu.memory_space<hbm>> -> memref<1x1536xf32, #tpu.memory_space<hbm>>
    %dma_wait3A_247 = tpu.memref_squeeze %dma_wait3A_246 : memref<1x1536xf32, #tpu.memory_space<hbm>> -> memref<1536xf32, #tpu.memory_space<hbm>>
    %dma_wait3A_248 = arith.constant 7680 : i32
    %dma_wait3A_249 = tpu.memref_slice %arg9[%dma_wait3A_248] : memref<12288xf32, #tpu.memory_space<vmem>> -> memref<1536xf32, #tpu.memory_space<vmem>>
    tpu.wait_dma2 semaphore(%arg18 : memref<!tpu.dma_semaphore, #tpu.memory_space<semaphore_mem>>) src(%dma_wait3A_249 : memref<1536xf32, #tpu.memory_space<vmem>>) dst(%dma_wait3A_247 : memref<1536xf32, #tpu.memory_space<hbm>>)
    %dma_wait3A_250 = arith.constant 9216 : i32
    %dma_wait3A_251 = tpu.memref_slice %arg9[%dma_wait3A_250] : memref<12288xf32, #tpu.memory_space<vmem>> -> memref<1536xf32, #tpu.memory_space<vmem>>
    %dma_wait3A_252 = arith.constant 0 : i32
    %dma_wait3A_253 = tpu.memref_slice %arg5[%mul3A_2, %dma_wait3A_252] : memref<4096x1536xf32, #tpu.memory_space<hbm>> -> memref<1x1536xf32, #tpu.memory_space<hbm>>
    %dma_wait3A_254 = tpu.memref_squeeze %dma_wait3A_253 : memref<1x1536xf32, #tpu.memory_space<hbm>> -> memref<1536xf32, #tpu.memory_space<hbm>>
    %dma_wait3A_255 = arith.constant 0 : i32
    %dma_wait3A_256 = tpu.memref_slice %arg5[%mul3A_2, %dma_wait3A_255] : memref<4096x1536xf32, #tpu.memory_space<hbm>> -> memref<1x1536xf32, #tpu.memory_space<hbm>>
    %dma_wait3A_257 = tpu.memref_squeeze %dma_wait3A_256 : memref<1x1536xf32, #tpu.memory_space<hbm>> -> memref<1536xf32, #tpu.memory_space<hbm>>
    %dma_wait3A_258 = arith.constant 9216 : i32
    %dma_wait3A_259 = tpu.memref_slice %arg9[%dma_wait3A_258] : memref<12288xf32, #tpu.memory_space<vmem>> -> memref<1536xf32, #tpu.memory_space<vmem>>
    tpu.wait_dma2 semaphore(%arg18 : memref<!tpu.dma_semaphore, #tpu.memory_space<semaphore_mem>>) src(%dma_wait3A_259 : memref<1536xf32, #tpu.memory_space<vmem>>) dst(%dma_wait3A_257 : memref<1536xf32, #tpu.memory_space<hbm>>)
    %dma_wait3A_260 = arith.constant 10752 : i32
    %dma_wait3A_261 = tpu.memref_slice %arg9[%dma_wait3A_260] : memref<12288xf32, #tpu.memory_space<vmem>> -> memref<1536xf32, #tpu.memory_space<vmem>>
    %dma_wait3A_262 = arith.constant 0 : i32
    %dma_wait3A_263 = tpu.memref_slice %arg5[%mul3A_2, %dma_wait3A_262] : memref<4096x1536xf32, #tpu.memory_space<hbm>> -> memref<1x1536xf32, #tpu.memory_space<hbm>>
    %dma_wait3A_264 = tpu.memref_squeeze %dma_wait3A_263 : memref<1x1536xf32, #tpu.memory_space<hbm>> -> memref<1536xf32, #tpu.memory_space<hbm>>
    %dma_wait3A_265 = arith.constant 0 : i32
    %dma_wait3A_266 = tpu.memref_slice %arg5[%mul3A_2, %dma_wait3A_265] : memref<4096x1536xf32, #tpu.memory_space<hbm>> -> memref<1x1536xf32, #tpu.memory_space<hbm>>
    %dma_wait3A_267 = tpu.memref_squeeze %dma_wait3A_266 : memref<1x1536xf32, #tpu.memory_space<hbm>> -> memref<1536xf32, #tpu.memory_space<hbm>>
    %dma_wait3A_268 = arith.constant 10752 : i32
    %dma_wait3A_269 = tpu.memref_slice %arg9[%dma_wait3A_268] : memref<12288xf32, #tpu.memory_space<vmem>> -> memref<1536xf32, #tpu.memory_space<vmem>>
    tpu.wait_dma2 semaphore(%arg18 : memref<!tpu.dma_semaphore, #tpu.memory_space<semaphore_mem>>) src(%dma_wait3A_269 : memref<1536xf32, #tpu.memory_space<vmem>>) dst(%dma_wait3A_267 : memref<1536xf32, #tpu.memory_space<hbm>>)
    return
  }
}

</mosaic_0001>

<sc_bundles>
// kernel: kernel.3.cloned.1.call-start
scs
__scs_entry_jumppad:
0x0: {  	(pc) =	sbr.rel $0x88, $3  }
0x1: {  	(tag) =	ssettag $0x0;
	lr =	simm.s32 $0x1  }
0x2: {  	[smem:$0x3F9E] =	sst lr;
	_ =	strace $0xD0000000  }
0x3: {  	_ = 	snop  }
0x4: {  	_ = 	snop  }
0x5: {  	_ = 	snop  }
0x6: {  	_ = 	snop  }
0x7: {  	_ = 	snop  }
__scs_overlays_trampoline_lowered:
0x8: {  	[smem:$0x3FAD] =	sst s0  }
0x9: {  	[smem:$0x3FAE] =	sst s1  }
0xa: {  	[smem:$0x3FAF] =	sst s2  }
0xb: {  	[smem:$0x3FB0] =	sst s3  }
0xc: {  	[smem:$0x3FB1] =	sst s4  }
0xd: {  	[smem:$0x3FB2] =	sst s5  }
0xe: {  	[smem:$0x3FB3] =	sst s6  }
0xf: {  	[smem:$0x3FB4] =	sst s7  }
0x10: {  	[smem:$0x3FB5] =	sst s8  }
0x11: {  	[smem:$0x3FB6] =	sst s9;
	s0 =	simm.s32 @!p0 $0x0  }
0x12: {  	s1 =	sld [smem:$0x3F9C];
	s0 =	simm.s32 @p0 $0x1  }
0x13: {  	[smem:$0x3FB7] =	sst s0;
	s0 =	simm.s32 @!p1 $0x0  }
0x14: {  	s2 =	sld [smem:$0x3F9B];
	s0 =	simm.s32 @p1 $0x1  }
0x15: {  	[smem:$0x3FB8] =	sst s0;
	s0 =	simm.s32 @!p2 $0x0  }
0x16: {  	s3 =	sld [smem:$0x3FDB];
	s0 =	simm.s32 @p2 $0x1  }
0x17: {  	s4 =	simm.s32 $0x1BF5;
	[smem:$0x3FBA] =	sst s0  }
0x18: {  	s0 =	sld [smem:$0x3F9D];
	_ =	swait.ge [sflag:s4], $0x0  }
0x19: {  	s7 =	sld [smem:$0x3F9E]  }
0x1a: {  	s8 =	sadd.s32 $0xFFFFE003, lr  }
0x1b: {  	s9 =	sadd.s32 $0xFFFFFEF7, lr;
	s5 =	simm.s32 $0xFFFFFFFF;
	p2 =	slt.u32 s8, $0xFFFFF086  }
0x1c: {  	p1 =	slt.u32 s9, $0xF7A;
	s5 =	simm.s32 @!p2 $0x0  }
0x1d: {  	s5 =	simm.s32 @p1 $0x1;
	p0 =	seq.s32 s7, s2  }
0x1e: {  	s7 =	smul.u32 @!p0 $0xF7A, s2;
	p2 =	seq.s32 @!p0 s5, $0x0  }
0x1f: {  	s9 =	smul.u32 $0xF7A, s1;
	s8 =	simm.s32 @!p0 $0x1BF5;
	p2 =	por !p2, p0  }
0x20: {  	[sflag:s8] =	ssyncset.s32 @!p0 $0xFFFFF086;
	s6 =	sadd.s32 @!p0 s3, s7;
	s7 =	simm.s32 @!p0 $0x108  }
0x21: {  	s3 =	sadd.s32 s3, s9;
	s6 =	sadd.s32 @!p0 $0x88, s6;
	s7 =	simm.s32 @p2 $0x1082  }
0x22: {  	[simem:s7], [sflag:s8] =	dma.local @!p0 [hbm:s6], $0xF7A  }
0x23: {  	s9 =	sor.u32 $0xD0000000, s2;
	s6 =	simm.s32 $0x108;
	_ =	swait.ge @!p0 [sflag:s8], $0x0  }
0x24: {  	s3 =	sadd.s32 $0x88, s3;
	s6 =	simm.s32 @!p1 $0x1082;
	[sflag:s4] =	ssyncset.s32 $0xFFFFF086  }
0x25: {  	[simem:s6], [sflag:s4] =	dma.local [hbm:s3], $0xF7A  }
0x26: {  	[smem:$0x3F9E] =	sst s1;
	(tag) =	ssettag s2;
	_ =	strace s9  }
0x27: {  	s1 =	sld [smem:$0x3FAE]  }
0x28: {  	s2 =	sld [smem:$0x3FAF]  }
0x29: {  	s4 =	sld [smem:$0x3FB1]  }
0x2a: {  	p0 =	seq.s32 s5, $0x0;
	s5 =	sld [smem:$0x3FB2]  }
0x2b: {  	s6 =	sld [smem:$0x3FB3]  }
0x2c: {  	s7 =	sld [smem:$0x3FB4]  }
0x2d: {  	s3 =	simm.s32 $0x108;
	s8 =	sld [smem:$0x3FB5]  }
0x2e: {  	s3 =	simm.s32 @!p0 $0x1082;
	s9 =	sld [smem:$0x3FB6]  }
0x2f: {  	lr =	sadd.s32 s0, s3;
	s0 =	sld [smem:$0x3FAD]  }
0x30: {  	s3 =	sld [smem:$0x3FB0]  }
0x31: {  	[smem:$0x3FB9] =	sst s10  }
0x32: {  	s10 =	sld [smem:$0x3FB7];
	_ =	sdelay $0x3  }
0x33: {  	p0 =	seq.s32 s10, $0x1;
	s10 =	sld [smem:$0x3FB9];
	_ =	sdelay $0x3  }
0x34: {  	[smem:$0x3FB9] =	sst s10  }
0x35: {  	s10 =	sld [smem:$0x3FB8];
	_ =	sdelay $0x3  }
0x36: {  	p1 =	seq.s32 s10, $0x1;
	s10 =	sld [smem:$0x3FB9];
	_ =	sdelay $0x3  }
0x37: {  	[smem:$0x3FB9] =	sst s10  }
0x38: {  	s10 =	sld [smem:$0x3FBA]  }
0x39: {  	_ = 	snop;
	(pc) =	sbr.ind lr, $3  }
0x3a: {  	_ = 	snop  }
0x3b: {  	_ = 	snop  }
0x3c: {  	p2 =	seq.s32 s10, $0x1;
	s10 =	sld [smem:$0x3FB9]  }
0x3d: {  	_ =	shalt  }
0x3e: {  	_ =	shalt  }
0x3f: {  	_ =	shalt  }
0x40: {  	_ =	shalt  }
0x41: {  	_ =	shalt  }
0x42: {  	_ =	shalt  }
0x43: {  	_ =	shalt  }
0x44: {  	_ =	shalt  }
0x45: {  	_ =	shalt  }
0x46: {  	_ =	shalt  }
0x47: {  	_ =	shalt  }
0x48: {  	_ =	shalt  }
0x49: {  	_ =	shalt  }
0x4a: {  	_ =	shalt  }
0x4b: {  	_ =	shalt  }
0x4c: {  	_ =	shalt  }
0x4d: {  	_ =	shalt  }
0x4e: {  	_ =	shalt  }
0x4f: {  	_ =	shalt  }
0x50: {  	_ =	shalt  }
0x51: {  	_ =	shalt  }
0x52: {  	_ =	shalt  }
0x53: {  	_ =	shalt  }
0x54: {  	_ =	shalt  }
0x55: {  	_ =	shalt  }
0x56: {  	_ =	shalt  }
0x57: {  	_ =	shalt  }
0x58: {  	_ =	shalt  }
0x59: {  	_ =	shalt  }
0x5a: {  	_ =	shalt  }
0x5b: {  	_ =	shalt  }
0x5c: {  	_ =	shalt  }
0x5d: {  	_ =	shalt  }
0x5e: {  	_ =	shalt  }
0x5f: {  	_ =	shalt  }
0x60: {  	_ =	shalt  }
0x61: {  	_ =	shalt  }
0x62: {  	_ =	shalt  }
0x63: {  	_ =	shalt  }
0x64: {  	_ =	shalt  }
0x65: {  	_ =	shalt  }
0x66: {  	_ =	shalt  }
0x67: {  	_ =	shalt  }
0x68: {  	_ =	shalt  }
0x69: {  	_ =	shalt  }
0x6a: {  	_ =	shalt  }
0x6b: {  	_ =	shalt  }
0x6c: {  	_ =	shalt  }
0x6d: {  	_ =	shalt  }
0x6e: {  	_ =	shalt  }
0x6f: {  	_ =	shalt  }
0x70: {  	_ =	shalt  }
0x71: {  	_ =	shalt  }
0x72: {  	_ =	shalt  }
0x73: {  	_ =	shalt  }
0x74: {  	_ =	shalt  }
0x75: {  	_ =	shalt  }
0x76: {  	_ =	shalt  }
0x77: {  	_ =	shalt  }
0x78: {  	_ =	shalt  }
0x79: {  	_ =	shalt  }
0x7a: {  	_ =	shalt  }
0x7b: {  	_ =	shalt  }
0x7c: {  	_ =	shalt  }
0x7d: {  	_ =	shalt  }
0x7e: {  	_ =	shalt  }
0x7f: {  	_ =	shalt  }
0x80: {  	_ =	shalt  }
0x81: {  	_ =	shalt  }
0x82: {  	_ =	shalt  }
0x83: {  	_ =	shalt  }
0x84: {  	_ =	shalt  }
0x85: {  	_ =	shalt  }
0x86: {  	_ =	shalt  }
0x87: {  	_ =	shalt  }
.Lfunc_end0:
.L_simem_size_0:
called_computation_lowered:
.L_overlay_start_0:
0x88: {  	s2 =	sld [smem:$0x3FD9]  }
0x89: {  	s3 =	sld [smem:$0x3FFE];
	_ =	sdelay $0x1  }
0x8a: {  	s1 =	srdreg.scid  }
0x8b: {  	s0 =	sand.u32 $0x1, s1  }
0x8c: {  	s17 =	sshll.u32 s0, $0xA;
	s2 =	sadd.s32 s3, s2  }
0x8d: {  	s2 =	sadd.s32 s2, s17  }
0x8e: {  	[smem:$0x3FC5] =	sst s2  }
0x8f: {  	_ = 	snop  }
0x90: {  	s2 =	sld [smem:$0x3FC7]  }
0x91: {  	s18 =	sld [smem:$0x3FD0];
	(tm) =	ssettm $0x1  }
0x92: {  	s4 =	sld [smem:$0x3FFB];
	_ =	sdelay $0x3  }
0x93: {  	_ =	strace s4  }
0x94: {  	s4 =	sld [smem:$0x3FFC];
	_ =	sdelay $0x3  }
0x95: {  	_ =	strace s4  }
0x96: {  	s4 =	sld [smem:$0x3FFD];
	_ =	sdelay $0x3  }
0x97: {  	_ =	strace s4  }
0x98: {  	_ =	strace $0x8FFFFFFF  }
0x99: {  	s19 =	sld [smem:$0x3FDB];
	_ =	sdelay $0x1  }
0x9a: {  	s5 =	simm.s32 $_scs_section_size  }
0x9b: {  	s6 =	simm.s32 $_size__tile_overlayer_lowered;
	s7 =	simm.s32 $_tile_overlayer_lowered  }
0x9c: {  	s22 =	simm.s32 $0x1BFF;
	s21 =	sshll.u32 s7, $0x1;
	s4 =	sadd.s32 s5, s19  }
0x9d: {  	s8 =	simm.s32 $0x0;
	s20 =	sshll.u32 s6, $0x1;
	s6 =	sadd.s32 s21, s4  }
0x9e: {  	[timem:s8], [sflag:s22] =	dma.local [hbm:s6], s20  }
0x9f: {  	_ =	swait.ge [sflag:s22], s20  }
0xa0: {  	s5 =	ssub.s32 $0x0, s20;
	[sflag:s22] =	ssyncset.done $0x0  }
0xa1: {  	[sflag:s22] =	ssyncadd.s32 s5;
	_ =	sdelay $0x1  }
0xa2: {  	s23 =	simm.s32 $0x1B8B  }
0xa3: {  	_ =	swait.ge [sflag:s23], $0x1  }
0xa4: {  	[sflag:s23] =	ssyncset.done $0x0  }
0xa5: {  	s25 =	simm.s32 $0x1B8E;
	s24 =	sld [smem:$0x3FFE];
	[sflag:s23] =	ssyncadd.s32 $0xFFFFFFFF  }
0xa6: {  	s26 =	simm.s32 $execute0_lowered;
	[smem:$0x3FD2] =	sst s25  }
0xa7: {  	s6 =	sshll.u32 s26, $0x1;
	_ =	strace $0x80000046;
	[dreg:$0x1] =	wrdreg $0xFFFFFFFF  }
0xa8: {  	s28 =	simm.s32 $_size_execute0_lowered;
	s4 =	sadd.s32 s4, s6;
	[dreg:$0x0] =	wrdreg $0x0  }
0xa9: {  	s6 =	sshll.u32 s28, $0x1;
	[dreg:$0x2] =	wrdreg s4  }
0xaa: {  	[dreg:$0x3] =	wrdreg s6  }
0xab: {  	[dreg:$0x4] =	wrdreg $0xC0  }
0xac: {  	_ =	task [dreg:s8], $0x5FFFF  }
0xad: {  	[dreg:$0x1] =	wrdreg $0xFFFFFFFF  }
0xae: {  	[dreg:$0x0] =	wrdreg $0x60  }
0xaf: {  	[dreg:$0x2] =	wrdreg s24  }
0xb0: {  	[dreg:$0x3] =	wrdreg s2  }
0xb1: {  	[dreg:$0x4] =	wrdreg s18  }
0xb2: {  	[dreg:$0x5] =	wrdreg $0x9  }
0xb3: {  	_ =	task.clear_ibuf [dreg:s8], $0x6FFFF;
	_ =	strace $0x90000046  }
0xb4: {  	s29 =	simm.s32 $0x9;
	_ =	strace $0x80000048  }
0xb5: {  	_ =	swait.ge [sflag:s29], $0x1  }
0xb6: {  	[sflag:s29] =	ssyncadd.s32 $0xFFFFFFFF  }
0xb7: {  	_ =	strace $0x90000048  }
0xb8: {  	_ =	sfence  }
0xb9: {  	s30 =	sld [smem:$0x0];
	_ =	sdelay $0x2  }
0xba: {  	s31 =	sshll.u32 s1, $0xD;
	s1 =	sshrl.u32 s1, $0x2  }
0xbb: {  	s3 =	sand.u32 $0x4000, s31;
	s1 =	sadd.s32 s1, s30  }
0xbc: {  	s0 =	sor.u32 s3, s0;
	s1 =	sshll.u32 s1, $0x11  }
0xbd: {  	s0 =	sor.u32 s1, s0  }
0xbe: {  	s0 =	sadd.s32 $0x8F2B, s0  }
0xbf: {  	[sflag:s0] =	ssyncadd.remote.s32 $0x1  }
0xc0: {  	_ =	sfence.sel $0xFFFF  }
0xc1: {  	[dreg:$0x0] =	wrdreg $0xFFFFFFFF;
	(pc) =	sbr.abs _section_cstart, $3  }
0xc2: {  	[dreg:$0x1] =	wrdreg $0xFFFFFFFF  }
0xc3: {  	_ =	task.clear_ibuf [dreg:s8], $0x2FFFF;
	_ =	strace $0x9FFFFFFF  }
0xc4: {  	(tm) =	ssettm $0x7FFFFFFF  }
0xc5: {  	_ =	shalt  }
tec
execute0_lowered:
.L_overlay_start_1:
0x0: {  	(tag) =	ssettag $0x1  }
0x1: {  	s0 =	rddreg [dreg:$0x0]  }
0x2: {  	s23 =	rddreg [dreg:$0x2];
	s4 =	simm.s32 $0x0;
	s1 =	srdreg.scid  }
0x3: {  	s2 =	stileid.u32;
	[smem:$0x7FF] =	sst s4  }
0x4: {  	s1 =	sand.u32 $0x1, s1;
	s2 =	sshll.u32 s2, $0x8;
	s5 =	sadd.s32 $0x600, s0  }
0x5: {  	s9 =	sadd.s32 $0x610, s0;
	s10 =	sadd.s32 $0x620, s0;
	s11 =	sadd.s32 $0x630, s0  }
0x6: {  	s13 =	sadd.s32 $0x640, s0;
	s14 =	sadd.s32 $0x650, s0;
	s16 =	sadd.s32 $0x660, s0  }
0x7: {  	s26 =	sadd.s32 $0x20, s23;
	s28 =	sadd.s32 $0x30, s23;
	s29 =	sadd.s32 $0x40, s23  }
0x8: {  	s30 =	sadd.s32 $0x50, s23;
	s31 =	sadd.s32 $0x60, s23;
	_ =	strace $0x80000047  }
0x9: {  	s3 =	sshll.u32 s1, $0x7;
	s1 =	ssub.s32 $0x2, s1;
	[dreg:$0xb] =	wrdreg s5  }
0xa: {  	[dreg:$0x10] =	wrdreg s9;
	s15 =	smov.u32 s10;
	s17 =	smov.u32 s11  }
0xb: {  	s18 =	smov.u32 s13;
	s6 =	sor.u32 s3, s2;
	s3 =	sadd.s32 $0x200600, s0  }
0xc: {  	s21 =	smov.u32 s14;
	s7 =	sshrl.u32 s1, $0x1;
	[dreg:$0x5] =	wrdreg s3  }
0xd: {  	s0 =	sadd.s32 $0x670, s0;
	s20 =	sor.u32 $0x8, s6;
	[dreg:$0x4] =	wrdreg s6  }
0xe: {  	s3 =	sshll.u32 s6, $0x9;
	s25 =	sor.u32 $0x10, s6;
	[dreg:$0xf] =	wrdreg s20  }
0xf: {  	s1 =	ssub.s32 s1, s7;
	s8 =	sadd.s32 s5, s3;
	[dreg:$0x12] =	wrdreg s25  }
0x10: {  	s24 =	smov.u32 s0;
	s2 =	sadd.s32 s3, s9;
	[dreg:$0x6] =	wrdreg s8  }
0x11: {  	s7 =	simm.s32 $0x16200;
	s12 =	sadd.s32 s3, s11;
	[dreg:$0x7] =	wrdreg s2  }
0x12: {  	s11 =	smov.u32 s16;
	s19 =	sadd.s32 s3, s16;
	[dreg:$0x9] =	wrdreg s12  }
0x13: {  	s0 =	sadd.s32 s3, s0;
	s22 =	smax.u32 s1, $0x1;
	[dreg:$0xd] =	wrdreg s19  }
0x14: {  	s16 =	simm.s32 $0x10000;
	s25 =	simm.s32 $0x13000;
	[dreg:$0xe] =	wrdreg s0  }
0x15: {  	s2 =	sadd.s32 s3, s10;
	s12 =	sadd.s32 $0x10, s23;
	[dreg:$0x11] =	wrdreg s22  }
0x16: {  	s0 =	sadd.s32 $0x70, s23;
	s8 =	simm.s32 $0x80;
	s10 =	simm.s32 $0x400  }
0x17: {  	s22 =	simm.s32 $0x2;
	[dreg:$0x8] =	wrdreg s2;
	s2 =	sadd.s32 s3, s13  }
0x18: {  	s13 =	simm.s32 $0x8000;
	[dreg:$0xa] =	wrdreg s2;
	s2 =	sadd.s32 s3, s14  }
0x19: {  	v0 =	vlaneseq.u32;
	s14 =	simm.s32 $0x1;
	s3 =	simm.s32 $0x0;
	[dreg:$0xc] =	wrdreg s2  }
.LBB2_1:
0x1a: {  	[dreg:$0x13] =	wrdreg s3  }
0x1b: {  	s1 =	simm.s32 $0x16000;
	s2 =	rddreg [dreg:$0x1];
	s19 =	simm.s32 $0x5  }
0x1c: {  	[tilespmem:s1], [sflag:$0x5] =	stream.linear.gather [hbm4b:s2+s4], $0x200, $0x38;
	[tilespmem:$0x17600] =	vst v63  }
0x1d: {  	_ =	swait.ge [sflag:s19], $0x200  }
0x1e: {  	[sflag:s19] =	ssyncset.done $0x0  }
0x1f: {  	s20 =	rddreg [dreg:$0x5];
	[sflag:s19] =	ssyncadd.s32 $0xFFFFFE00  }
0x20: {  	[tilespmem:s7], [sflag:$0x5] =	stream.linear.gather [hbm4b:s20+s4], $0x800, $0x38;
	[tilespmem:$0x17600] =	vst v63  }
0x21: {  	_ =	swait.ge [sflag:s19], $0x800  }
0x22: {  	[sflag:s19] =	ssyncset.done $0x0  }
0x23: {  	[sflag:s19] =	ssyncadd.s32 $0xFFFFF800  }
0x24: {  	v1 =	vld [tilespmem:s1+$0x0];
	_ =	sdelay $0x2  }
0x25: {  	v2 =	vor.u32 s4, v0  }
0x26: {  	v3 =	vshll.u32 v2, $0x2  }
0x27: {  	v1 =	vshll.u32 v1, $0x2  }
0x28: {  	s2 =	simm.s32 $0x16A00;
	v2 =	vmul.u32 $0x3, v2;
	v1 =	vadd.s32 $0xFFFFFFF4, v1  }
0x29: {  	s3 =	simm.s32 $0x16C00;
	[tilespmem:s2+$0x0] =	vst v1  }
0x2a: {  	[tilespmem:s3+$0x0] =	vst v2  }
0x2b: {  	v1 =	vld.idx.msk [tilespmem:v3+s7+$0x0], $0xffff  }
0x2c: {  	v2 =	vor.u32 $0x1, v3;
	_ =	sdelay $0x2  }
0x2d: {  	s6 =	simm.s32 $0x16E00  }
0x2e: {  	[tilespmem:s6+$0x0] =	vst v1  }
0x2f: {  	v1 =	vld.idx.msk [tilespmem:v2+s7+$0x0], $0xffff  }
0x30: {  	v2 =	vor.u32 $0x2, v3;
	_ =	sdelay $0x2  }
0x31: {  	s20 =	sand.u32 $0x1F0, s4  }
0x32: {  	[tilespmem:s20+$0x17000] =	vst v1  }
0x33: {  	v1 =	vld.idx.msk [tilespmem:v2+s7+$0x0], $0xffff  }
0x34: {  	v2 =	vor.u32 $0x3, v3;
	_ =	sdelay $0x3  }
0x35: {  	[tilespmem:s20+$0x17200] =	vst v1  }
0x36: {  	v1 =	vld.idx.msk [tilespmem:v2+s7+$0x0], $0xffff;
	_ =	sdelay $0x3  }
0x37: {  	s19 =	simm.s32 $0x16E10;
	s6 =	simm.s32 $0x10  }
.LBB2_2:
0x38: {  	[tilespmem:s20+$0x17400] =	vst v1;
	s1 =	sadd.s32 $0x10, s1;
	s2 =	sadd.s32 $0x10, s2;
	s3 =	sadd.s32 $0x10, s3  }
0x39: {  	p0 =	sne.s32 s6, $0x1F0;
	s20 =	smov.u32 s6;
	s6 =	sadd.s32 $0x10, s6;
	v1 =	vld [tilespmem:s1+$0x0]  }
0x3a: {  	_ =	sdelay $0x1  }
0x3b: {  	v2 =	vor.u32 s20, v0  }
0x3c: {  	v3 =	vshll.u32 v2, $0x2  }
0x3d: {  	v1 =	vshll.u32 v1, $0x2  }
0x3e: {  	v2 =	vmul.u32 $0x3, v2;
	v1 =	vadd.s32 $0xFFFFFFF4, v1  }
0x3f: {  	[tilespmem:s2+$0x0] =	vst v1  }
0x40: {  	[tilespmem:s3+$0x0] =	vst v2  }
0x41: {  	v1 =	vld.idx.msk [tilespmem:v3+s7+$0x0], $0xffff;
	_ =	sdelay $0x1  }
0x42: {  	v2 =	vor.u32 $0x1, v3;
	_ =	sdelay $0x3  }
0x43: {  	[tilespmem:s19+$0x0] =	vst v1  }
0x44: {  	v1 =	vld.idx.msk [tilespmem:v2+s7+$0x0], $0xffff;
	_ =	sdelay $0x1  }
0x45: {  	v2 =	vor.u32 $0x2, v3;
	_ =	sdelay $0x2  }
0x46: {  	s20 =	sand.u32 $0x1F0, s20  }
0x47: {  	[tilespmem:s20+$0x17000] =	vst v1  }
0x48: {  	v1 =	vld.idx.msk [tilespmem:v2+s7+$0x0], $0xffff;
	_ =	sdelay $0x1  }
0x49: {  	v2 =	vor.u32 $0x3, v3;
	_ =	sdelay $0x3  }
0x4a: {  	[tilespmem:s20+$0x17200] =	vst v1  }
0x4b: {  	v1 =	vld.idx.msk [tilespmem:v2+s7+$0x0], $0xffff  }
.Ltmp0:
0x4c: {  	(pc) =	sbr.rel @p0 .LBB2_2-.Ltmp0, $2  }
0x4d: {  	_ =	sdelay $0x2  }
0x4e: {  	s19 =	sadd.s32 $0x10, s19  }
0x4f: {  	[tilespmem:s20+$0x17400] =	vst v1;
	s19 =	simm.s32 $0x0;
	s1 =	rddreg [dreg:$0x6]  }
0x50: {  	[tilespmem:s19], [sflag:$0x1] =	stream.strided.gather [hbm4b:s1+s8], $0x1000, s10, s8, $0x38;
	[tilespmem:$0x17600] =	vst v63  }
0x51: {  	s20 =	rddreg [dreg:$0x7];
	s2 =	simm.s32 $0x1000  }
0x52: {  	[tilespmem:s2], [sflag:$0x1] =	stream.strided.gather [hbm4b:s20+s8], $0x1000, s10, s8, $0x38;
	[tilespmem:$0x17600] =	vst v63  }
0x53: {  	s3 =	simm.s32 $0x2000;
	s2 =	rddreg [dreg:$0x8]  }
0x54: {  	[tilespmem:s3], [sflag:$0x1] =	stream.strided.gather [hbm4b:s2+s8], $0x1000, s10, s8, $0x38;
	[tilespmem:$0x17600] =	vst v63  }
0x55: {  	s5 =	rddreg [dreg:$0x9];
	s6 =	simm.s32 $0x3000  }
0x56: {  	[tilespmem:s6], [sflag:$0x1] =	stream.strided.gather [hbm4b:s5+s8], $0x1000, s10, s8, $0x38;
	[tilespmem:$0x17600] =	vst v63  }
0x57: {  	s9 =	rddreg [dreg:$0xa];
	s20 =	simm.s32 $0x4000  }
0x58: {  	[tilespmem:s20], [sflag:$0x1] =	stream.strided.gather [hbm4b:s9+s8], $0x1000, s10, s8, $0x38;
	[tilespmem:$0x17600] =	vst v63  }
0x59: {  	s2 =	rddreg [dreg:$0xc];
	s3 =	simm.s32 $0x5000  }
0x5a: {  	[tilespmem:s3], [sflag:$0x1] =	stream.strided.gather [hbm4b:s2+s8], $0x1000, s10, s8, $0x38;
	[tilespmem:$0x17600] =	vst v63  }
0x5b: {  	s5 =	rddreg [dreg:$0xd];
	s6 =	simm.s32 $0x6000  }
0x5c: {  	[tilespmem:s6], [sflag:$0x1] =	stream.strided.gather [hbm4b:s5+s8], $0x1000, s10, s8, $0x38;
	[tilespmem:$0x17600] =	vst v63  }
0x5d: {  	s9 =	rddreg [dreg:$0xe];
	s20 =	simm.s32 $0x7000  }
0x5e: {  	[tilespmem:s20], [sflag:$0x1] =	stream.strided.gather [hbm4b:s9+s8], $0x1000, s10, s8, $0x38;
	[tilespmem:$0x17600] =	vst v63  }
.LBB2_4:
0x5f: {  	s1 =	sshll.u32 s19, $0x4;
	s2 =	rddreg [dreg:$0xf]  }
0x60: {  	s20 =	sadd.s32 s2, s1  }
0x61: {  	s3 =	rddreg [dreg:$0xb];
	s2 =	sshll.u32 s20, $0x9  }
0x62: {  	s5 =	rddreg [dreg:$0x10];
	s3 =	sadd.s32 s3, s2  }
0x63: {  	[tilespmem:s13], [sflag:$0x2] =	stream.strided.gather [hbm4b:s3+s8], $0x1000, s10, s8, $0x38;
	[tilespmem:$0x17600] =	vst v63  }
0x64: {  	s3 =	sadd.s32 s2, s5;
	s5 =	simm.s32 $0x9000  }
0x65: {  	[tilespmem:s5], [sflag:$0x2] =	stream.strided.gather [hbm4b:s3+s8], $0x1000, s10, s8, $0x38;
	[tilespmem:$0x17600] =	vst v63  }
0x66: {  	s9 =	smov.u32 s23;
	s23 =	simm.s32 $0xA000;
	s6 =	sadd.s32 s2, s15  }
0x67: {  	[tilespmem:s23], [sflag:$0x2] =	stream.strided.gather [hbm4b:s6+s8], $0x1000, s10, s8, $0x38;
	[tilespmem:$0x17600] =	vst v63  }
0x68: {  	s6 =	sadd.s32 s2, s17;
	s23 =	simm.s32 $0xB000  }
0x69: {  	[tilespmem:s23], [sflag:$0x2] =	stream.strided.gather [hbm4b:s6+s8], $0x1000, s10, s8, $0x38;
	[tilespmem:$0x17600] =	vst v63  }
0x6a: {  	s6 =	sadd.s32 s2, s18;
	s23 =	simm.s32 $0xC000  }
0x6b: {  	[tilespmem:s23], [sflag:$0x2] =	stream.strided.gather [hbm4b:s6+s8], $0x1000, s10, s8, $0x38;
	[tilespmem:$0x17600] =	vst v63  }
0x6c: {  	s6 =	sadd.s32 s2, s21;
	s23 =	simm.s32 $0xD000  }
0x6d: {  	[tilespmem:s23], [sflag:$0x2] =	stream.strided.gather [hbm4b:s6+s8], $0x1000, s10, s8, $0x38;
	[tilespmem:$0x17600] =	vst v63  }
0x6e: {  	s5 =	sadd.s32 s2, s11;
	s6 =	simm.s32 $0xE000  }
0x6f: {  	[tilespmem:s6], [sflag:$0x2] =	stream.strided.gather [hbm4b:s5+s8], $0x1000, s10, s8, $0x38;
	[tilespmem:$0x17600] =	vst v63  }
0x70: {  	s2 =	sadd.s32 s2, s24;
	s23 =	simm.s32 $0xF000  }
0x71: {  	[tilespmem:s23], [sflag:$0x2] =	stream.strided.gather [hbm4b:s2+s8], $0x1000, s10, s8, $0x38;
	[tilespmem:$0x17600] =	vst v63  }
0x72: {  	_ =	swait.ge [sflag:s14], $0x1000  }
0x73: {  	[sflag:s14] =	ssyncset.done $0x0  }
0x74: {  	[sflag:s14] =	ssyncadd.s32 $0xFFFFF000  }
0x75: {  	_ =	swait.ge [sflag:s14], $0x1000  }
0x76: {  	[sflag:s14] =	ssyncset.done $0x0  }
0x77: {  	[sflag:s14] =	ssyncadd.s32 $0xFFFFF000  }
0x78: {  	_ =	swait.ge [sflag:s14], $0x1000  }
0x79: {  	[sflag:s14] =	ssyncset.done $0x0  }
0x7a: {  	[sflag:s14] =	ssyncadd.s32 $0xFFFFF000  }
0x7b: {  	_ =	swait.ge [sflag:s14], $0x1000  }
0x7c: {  	[sflag:s14] =	ssyncset.done $0x0  }
0x7d: {  	[sflag:s14] =	ssyncadd.s32 $0xFFFFF000  }
0x7e: {  	_ =	swait.ge [sflag:s14], $0x1000  }
0x7f: {  	[sflag:s14] =	ssyncset.done $0x0  }
0x80: {  	[sflag:s14] =	ssyncadd.s32 $0xFFFFF000  }
0x81: {  	_ =	swait.ge [sflag:s14], $0x1000  }
0x82: {  	[sflag:s14] =	ssyncset.done $0x0  }
0x83: {  	[sflag:s14] =	ssyncadd.s32 $0xFFFFF000  }
0x84: {  	_ =	swait.ge [sflag:s14], $0x1000  }
0x85: {  	[sflag:s14] =	ssyncset.done $0x0  }
0x86: {  	[sflag:s14] =	ssyncadd.s32 $0xFFFFF000  }
0x87: {  	_ =	swait.ge [sflag:s14], $0x1000  }
0x88: {  	p0 =	seq.s32 s19, $0x0;
	[sflag:s14] =	ssyncset.done $0x0  }
0x89: {  	s2 =	simm.s32 @!p0 $0x3;
	[sflag:s14] =	ssyncadd.s32 $0xFFFFF000  }
0x8a: {  	_ =	swait.ge @!p0 [sflag:s2], $0x600  }
0x8b: {  	[sflag:s2] =	ssyncset.done @!p0 $0x0  }
0x8c: {  	[sflag:s2] =	ssyncadd.s32 @!p0 $0xFFFFFA00  }
0x8d: {  	_ =	swait.ge @!p0 [sflag:s2], $0x600  }
0x8e: {  	[sflag:s2] =	ssyncset.done @!p0 $0x0  }
0x8f: {  	[sflag:s2] =	ssyncadd.s32 @!p0 $0xFFFFFA00  }
0x90: {  	_ =	swait.ge @!p0 [sflag:s2], $0x600  }
0x91: {  	[sflag:s2] =	ssyncset.done @!p0 $0x0  }
0x92: {  	[sflag:s2] =	ssyncadd.s32 @!p0 $0xFFFFFA00  }
0x93: {  	_ =	swait.ge @!p0 [sflag:s2], $0x600  }
0x94: {  	[sflag:s2] =	ssyncset.done @!p0 $0x0  }
0x95: {  	[sflag:s2] =	ssyncadd.s32 @!p0 $0xFFFFFA00  }
0x96: {  	_ =	swait.ge @!p0 [sflag:s2], $0x600  }
0x97: {  	[sflag:s2] =	ssyncset.done @!p0 $0x0  }
0x98: {  	[sflag:s2] =	ssyncadd.s32 @!p0 $0xFFFFFA00  }
0x99: {  	_ =	swait.ge @!p0 [sflag:s2], $0x600  }
0x9a: {  	[sflag:s2] =	ssyncset.done @!p0 $0x0  }
0x9b: {  	[sflag:s2] =	ssyncadd.s32 @!p0 $0xFFFFFA00  }
0x9c: {  	_ =	swait.ge @!p0 [sflag:s2], $0x600  }
0x9d: {  	[sflag:s2] =	ssyncset.done @!p0 $0x0  }
0x9e: {  	[sflag:s2] =	ssyncadd.s32 @!p0 $0xFFFFFA00  }
0x9f: {  	_ =	swait.ge @!p0 [sflag:s2], $0x600  }
0xa0: {  	s3 =	simm.s32 $0x0;
	s6 =	simm.s32 $0x16C00;
	[sflag:s2] =	ssyncset.done @!p0 $0x0  }
0xa1: {  	s23 =	simm.s32 $0x16E00;
	[sflag:s2] =	ssyncadd.s32 @!p0 $0xFFFFFA00;
	s2 =	simm.s32 $0x16A00  }
.LBB2_5:
0xa2: {  	v6 =	vld [tilespmem:s2+$0x0];
	_ =	sdelay $0x4  }
0xa3: {  	v2 =	vadd.s32 $0x3, v6  }
0xa4: {  	v3 =	vadd.s32 $0x7, v6  }
0xa5: {  	v1 =	vld [tilespmem:s6+$0x0]  }
0xa6: {  	v4 =	vld [tilespmem:s23+$0x0];
	s5 =	sand.u32 $0x1F0, s3;
	v7 =	vadd.s32 $0xB, v6  }
0xa7: {  	v5 =	vld [tilespmem:s5+$0x17000]  }
0xa8: {  	v8 =	vadd.s32 $0xF, v6;
	v9 =	vld.idx.msk [tilespmem:v2+s4+$0x0], $0xffff  }
0xa9: {  	v10 =	vld.idx.msk [tilespmem:v3+s4+$0x0], $0xffff  }
0xaa: {  	v11 =	vadd.s32 $0x1, v6;
	v3 =	vld [tilespmem:s5+$0x17200]  }
0xab: {  	v12 =	vadd.s32 $0x2, v6;
	v7 =	vld.idx.msk [tilespmem:v7+s4+$0x0], $0xffff  }
0xac: {  	v13 =	vadd.s32 $0x4, v6;
	v2 =	vld [tilespmem:s5+$0x17400]  }
0xad: {  	v14 =	vadd.s32 $0x5, v6;
	v8 =	vld.idx.msk [tilespmem:v8+s4+$0x0], $0xffff  }
0xae: {  	v15 =	vadd.s32 $0x6, v6;
	v16 =	vld.idx.msk [tilespmem:v6+s4+$0x0], $0xffff;
	v9 =	vmul.f32 v9, v4;
	v10 =	vmul.f32 v10, v5  }
0xaf: {  	v17 =	vadd.s32 $0x8, v6;
	v11 =	vld.idx.msk [tilespmem:v11+s4+$0x0], $0xffff  }
0xb0: {  	v18 =	vadd.s32 $0x9, v6;
	v12 =	vld.idx.msk [tilespmem:v12+s4+$0x0], $0xffff;
	v7 =	vmul.f32 v7, v3;
	v9 =	vadd.f32 v10, v9  }
0xb1: {  	v19 =	vadd.s32 $0xC, v6;
	v13 =	vld.idx.msk [tilespmem:v13+s4+$0x0], $0xffff  }
0xb2: {  	v44 =	vadd.s32 $0xA, v6;
	v14 =	vld.idx.msk [tilespmem:v14+s4+$0x0], $0xffff;
	v8 =	vmul.f32 v8, v2;
	v7 =	vadd.f32 v7, v9  }
0xb3: {  	v45 =	vadd.s32 $0xD, v6;
	v15 =	vld.idx.msk [tilespmem:v15+s4+$0x0], $0xffff  }
0xb4: {  	v20 =	vadd.s32 $0xE, v6;
	v17 =	vld.idx.msk [tilespmem:v17+s4+$0x0], $0xffff;
	v7 =	vadd.f32 v8, v7  }
0xb5: {  	v46 =	vld.idx.msk [tilespmem:v18+s4+$0x0], $0xffff  }
0xb6: {  	v48 =	vld.idx.msk [tilespmem:v19+s4+$0x0], $0xffff;
	(erf) = vrcp.f32 v7  }
0xb7: {  	v47 =	vmul.f32 v16, v4;
	v10 =	vld.idx.msk [tilespmem:v44+s4+$0x0], $0xffff  }
0xb8: {  	v11 =	vmul.f32 v11, v4;
	v13 =	vmul.f32 v13, v5;
	v9 =	vld.idx.msk [tilespmem:v45+s4+$0x0], $0xffff  }
0xb9: {  	v49 =	vld.idx.msk [tilespmem:v20+s4+$0x0], $0xffff;
	v12 =	vmul.f32 v12, v4;
	v14 =	vmul.f32 v14, v5  }
0xba: {  	v15 =	vmul.f32 v15, v5;
	v50 =	vmul.f32 v17, v3;
	v7 =	vadd.f32 v13, v47  }
0xbb: {  	v51 =	vmul.f32 v48, v2;
	v11 =	vadd.f32 v14, v11;
	v8 =	vmul.f32 v46, v3  }
0xbc: {  	v12 =	vadd.f32 v15, v12;
	v10 =	vmul.f32 v10, v3;
	v7 =	vadd.f32 v50, v7  }
0xbd: {  	v52 =	vadd.s32 $0x1, v1;
	v8 =	vadd.f32 v8, v11;
	v9 =	vmul.f32 v9, v2  }
0xbe: {  	v53 =	vmul.f32 v49, v2;
	v10 =	vadd.f32 v10, v12;
	v7 =	vadd.f32 v51, v7  }
0xbf: {  	v54 =	vadd.s32 $0x2, v1;
	v8 =	vadd.f32 v9, v8;
	v55 =	vpop (erf)  }
0xc0: {  	v56 =	vadd.s32 $0x1003, v6;
	v10 =	vadd.f32 v53, v10;
	v7 =	vmul.f32 v55, v7  }
0xc1: {  	v57 =	vadd.s32 $0x1007, v6;
	v8 =	vmul.f32 v55, v8  }
0xc2: {  	v58 =	vmul.f32 v55, v10;
	[tilespmem:v1+s16+$0x0] =	vst.idx.msk $0xffff, v7  }
0xc3: {  	v59 =	vadd.s32 $0x100B, v6;
	[tilespmem:v52+s16+$0x0] =	vst.idx.msk $0xffff, v8  }
0xc4: {  	[tilespmem:v54+s16+$0x0] =	vst.idx.msk $0xffff, v58  }
0xc5: {  	v60 =	vadd.s32 $0x100F, v6;
	v7 =	vld.idx.msk [tilespmem:v56+s4+$0x0], $0xffff  }
0xc6: {  	v61 =	vadd.s32 $0x1000, v6;
	v62 =	vld.idx.msk [tilespmem:v57+s4+$0x0], $0xffff  }
0xc7: {  	v63 =	vadd.s32 $0x1001, v6  }
0xc8: {  	v20 =	vadd.s32 $0x1002, v6;
	v8 =	vld.idx.msk [tilespmem:v59+s4+$0x0], $0xffff  }
0xc9: {  	v21 =	vadd.s32 $0x1004, v6  }
0xca: {  	v22 =	vadd.s32 $0x1005, v6;
	v9 =	vld.idx.msk [tilespmem:v60+s4+$0x0], $0xffff  }
0xcb: {  	v23 =	vadd.s32 $0x1006, v6;
	v10 =	vld.idx.msk [tilespmem:v61+s4+$0x0], $0xffff;
	v7 =	vmul.f32 v7, v4;
	v11 =	vmul.f32 v62, v5  }
0xcc: {  	v24 =	vadd.s32 $0x1008, v6;
	v12 =	vld.idx.msk [tilespmem:v63+s4+$0x0], $0xffff  }
0xcd: {  	v25 =	vadd.s32 $0x1009, v6;
	v13 =	vld.idx.msk [tilespmem:v20+s4+$0x0], $0xffff;
	v8 =	vmul.f32 v8, v3;
	v7 =	vadd.f32 v11, v7  }
0xce: {  	v26 =	vadd.s32 $0x100A, v6;
	v14 =	vld.idx.msk [tilespmem:v21+s4+$0x0], $0xffff  }
0xcf: {  	v27 =	vadd.s32 $0x100C, v6;
	v15 =	vld.idx.msk [tilespmem:v22+s4+$0x0], $0xffff;
	v9 =	vmul.f32 v9, v2;
	v7 =	vadd.f32 v8, v7  }
0xd0: {  	v28 =	vadd.s32 $0x100D, v6;
	v16 =	vld.idx.msk [tilespmem:v23+s4+$0x0], $0xffff  }
0xd1: {  	v29 =	vadd.s32 $0x100E, v6;
	v17 =	vld.idx.msk [tilespmem:v24+s4+$0x0], $0xffff;
	v7 =	vadd.f32 v9, v7  }
0xd2: {  	v30 =	vld.idx.msk [tilespmem:v25+s4+$0x0], $0xffff  }
0xd3: {  	v31 =	vld.idx.msk [tilespmem:v26+s4+$0x0], $0xffff;
	(erf) = vrcp.f32 v7  }
0xd4: {  	v32 =	vmul.f32 v10, v4;
	v33 =	vmul.f32 v14, v5;
	v8 =	vld.idx.msk [tilespmem:v27+s4+$0x0], $0xffff  }
0xd5: {  	v35 =	vld.idx.msk [tilespmem:v28+s4+$0x0], $0xffff;
	v12 =	vmul.f32 v12, v4;
	v34 =	vmul.f32 v15, v5  }
0xd6: {  	v37 =	vld.idx.msk [tilespmem:v29+s4+$0x0], $0xffff;
	v13 =	vmul.f32 v13, v4;
	v36 =	vmul.f32 v16, v5  }
0xd7: {  	v40 =	vadd.s32 $0x600, v1;
	v38 =	vmul.f32 v17, v3;
	v7 =	vadd.f32 v33, v32  }
0xd8: {  	v12 =	vadd.f32 v34, v12;
	v10 =	vadd.f32 v36, v13;
	v9 =	vmul.f32 v30, v3  }
0xd9: {  	v11 =	vmul.f32 v31, v3;
	v8 =	vmul.f32 v8, v2;
	v7 =	vadd.f32 v38, v7  }
0xda: {  	v42 =	vadd.s32 $0x601, v1;
	v39 =	vmul.f32 v35, v2;
	v9 =	vadd.f32 v9, v12  }
0xdb: {  	v41 =	vmul.f32 v37, v2;
	v10 =	vadd.f32 v11, v10;
	v7 =	vadd.f32 v8, v7  }
0xdc: {  	v44 =	vadd.s32 $0x602, v1;
	v9 =	vadd.f32 v39, v9;
	v43 =	vpop (erf)  }
0xdd: {  	v45 =	vadd.s32 $0x2003, v6;
	v8 =	vadd.f32 v41, v10;
	v7 =	vmul.f32 v43, v7  }
0xde: {  	v46 =	vadd.s32 $0x2007, v6;
	v9 =	vmul.f32 v43, v9  }
0xdf: {  	v47 =	vmul.f32 v43, v8;
	[tilespmem:v40+s16+$0x0] =	vst.idx.msk $0xffff, v7  }
0xe0: {  	v48 =	vadd.s32 $0x200B, v6;
	[tilespmem:v42+s16+$0x0] =	vst.idx.msk $0xffff, v9  }
0xe1: {  	[tilespmem:v44+s16+$0x0] =	vst.idx.msk $0xffff, v47  }
0xe2: {  	v49 =	vadd.s32 $0x200F, v6;
	v7 =	vld.idx.msk [tilespmem:v45+s4+$0x0], $0xffff  }
0xe3: {  	v50 =	vadd.s32 $0x2000, v6;
	v51 =	vld.idx.msk [tilespmem:v46+s4+$0x0], $0xffff  }
0xe4: {  	v52 =	vadd.s32 $0x2001, v6  }
0xe5: {  	v53 =	vadd.s32 $0x2002, v6;
	v8 =	vld.idx.msk [tilespmem:v48+s4+$0x0], $0xffff  }
0xe6: {  	v54 =	vadd.s32 $0x2004, v6  }
0xe7: {  	v55 =	vadd.s32 $0x2005, v6;
	v9 =	vld.idx.msk [tilespmem:v49+s4+$0x0], $0xffff  }
0xe8: {  	v56 =	vadd.s32 $0x2006, v6;
	v10 =	vld.idx.msk [tilespmem:v50+s4+$0x0], $0xffff;
	v7 =	vmul.f32 v7, v4;
	v11 =	vmul.f32 v51, v5  }
0xe9: {  	v57 =	vadd.s32 $0x2008, v6;
	v12 =	vld.idx.msk [tilespmem:v52+s4+$0x0], $0xffff  }
0xea: {  	v58 =	vadd.s32 $0x2009, v6;
	v13 =	vld.idx.msk [tilespmem:v53+s4+$0x0], $0xffff;
	v8 =	vmul.f32 v8, v3;
	v7 =	vadd.f32 v11, v7  }
0xeb: {  	v59 =	vadd.s32 $0x200A, v6;
	v14 =	vld.idx.msk [tilespmem:v54+s4+$0x0], $0xffff  }
0xec: {  	v60 =	vadd.s32 $0x200C, v6;
	v15 =	vld.idx.msk [tilespmem:v55+s4+$0x0], $0xffff;
	v9 =	vmul.f32 v9, v2;
	v7 =	vadd.f32 v8, v7  }
0xed: {  	v61 =	vadd.s32 $0x200D, v6;
	v16 =	vld.idx.msk [tilespmem:v56+s4+$0x0], $0xffff  }
0xee: {  	v62 =	vadd.s32 $0x200E, v6;
	v17 =	vld.idx.msk [tilespmem:v57+s4+$0x0], $0xffff;
	v7 =	vadd.f32 v9, v7  }
0xef: {  	v63 =	vld.idx.msk [tilespmem:v58+s4+$0x0], $0xffff  }
0xf0: {  	v21 =	vld.idx.msk [tilespmem:v59+s4+$0x0], $0xffff;
	(erf) = vrcp.f32 v7  }
0xf1: {  	v22 =	vmul.f32 v10, v4;
	v23 =	vmul.f32 v14, v5;
	v8 =	vld.idx.msk [tilespmem:v60+s4+$0x0], $0xffff  }
0xf2: {  	v25 =	vld.idx.msk [tilespmem:v61+s4+$0x0], $0xffff;
	v12 =	vmul.f32 v12, v4;
	v24 =	vmul.f32 v15, v5  }
0xf3: {  	v27 =	vld.idx.msk [tilespmem:v62+s4+$0x0], $0xffff;
	v13 =	vmul.f32 v13, v4;
	v26 =	vmul.f32 v16, v5  }
0xf4: {  	v30 =	vadd.s32 $0xC00, v1;
	v28 =	vmul.f32 v17, v3;
	v7 =	vadd.f32 v23, v22  }
0xf5: {  	v12 =	vadd.f32 v24, v12;
	v10 =	vadd.f32 v26, v13;
	v9 =	vmul.f32 v63, v3  }
0xf6: {  	v11 =	vmul.f32 v21, v3;
	v8 =	vmul.f32 v8, v2;
	v7 =	vadd.f32 v28, v7  }
0xf7: {  	v32 =	vadd.s32 $0xC01, v1;
	v29 =	vmul.f32 v25, v2;
	v9 =	vadd.f32 v9, v12  }
0xf8: {  	v31 =	vmul.f32 v27, v2;
	v10 =	vadd.f32 v11, v10;
	v7 =	vadd.f32 v8, v7  }
0xf9: {  	v34 =	vadd.s32 $0xC02, v1;
	v9 =	vadd.f32 v29, v9;
	v33 =	vpop (erf)  }
0xfa: {  	v35 =	vadd.s32 $0x3003, v6;
	v8 =	vadd.f32 v31, v10;
	v7 =	vmul.f32 v33, v7  }
0xfb: {  	v36 =	vadd.s32 $0x3007, v6;
	v9 =	vmul.f32 v33, v9  }
0xfc: {  	v37 =	vmul.f32 v33, v8;
	[tilespmem:v30+s16+$0x0] =	vst.idx.msk $0xffff, v7  }
0xfd: {  	v38 =	vadd.s32 $0x300B, v6;
	[tilespmem:v32+s16+$0x0] =	vst.idx.msk $0xffff, v9  }
0xfe: {  	[tilespmem:v34+s16+$0x0] =	vst.idx.msk $0xffff, v37  }
0xff: {  	v39 =	vadd.s32 $0x300F, v6;
	v7 =	vld.idx.msk [tilespmem:v35+s4+$0x0], $0xffff  }
0x100: {  	v40 =	vadd.s32 $0x3000, v6;
	v41 =	vld.idx.msk [tilespmem:v36+s4+$0x0], $0xffff  }
0x101: {  	v42 =	vadd.s32 $0x3001, v6  }
0x102: {  	v43 =	vadd.s32 $0x3002, v6;
	v8 =	vld.idx.msk [tilespmem:v38+s4+$0x0], $0xffff  }
0x103: {  	v44 =	vadd.s32 $0x3004, v6  }
0x104: {  	v45 =	vadd.s32 $0x3005, v6;
	v9 =	vld.idx.msk [tilespmem:v39+s4+$0x0], $0xffff  }
0x105: {  	v46 =	vadd.s32 $0x3006, v6;
	v10 =	vld.idx.msk [tilespmem:v40+s4+$0x0], $0xffff;
	v7 =	vmul.f32 v7, v4;
	v11 =	vmul.f32 v41, v5  }
0x106: {  	v47 =	vadd.s32 $0x3008, v6;
	v12 =	vld.idx.msk [tilespmem:v42+s4+$0x0], $0xffff  }
0x107: {  	v48 =	vadd.s32 $0x3009, v6;
	v13 =	vld.idx.msk [tilespmem:v43+s4+$0x0], $0xffff;
	v8 =	vmul.f32 v8, v3;
	v7 =	vadd.f32 v11, v7  }
0x108: {  	v49 =	vadd.s32 $0x300A, v6;
	v14 =	vld.idx.msk [tilespmem:v44+s4+$0x0], $0xffff  }
0x109: {  	v50 =	vadd.s32 $0x300C, v6;
	v15 =	vld.idx.msk [tilespmem:v45+s4+$0x0], $0xffff;
	v9 =	vmul.f32 v9, v2;
	v7 =	vadd.f32 v8, v7  }
0x10a: {  	v51 =	vadd.s32 $0x300D, v6;
	v16 =	vld.idx.msk [tilespmem:v46+s4+$0x0], $0xffff  }
0x10b: {  	v52 =	vadd.s32 $0x300E, v6;
	v17 =	vld.idx.msk [tilespmem:v47+s4+$0x0], $0xffff;
	v7 =	vadd.f32 v9, v7  }
0x10c: {  	v53 =	vld.idx.msk [tilespmem:v48+s4+$0x0], $0xffff  }
0x10d: {  	v54 =	vld.idx.msk [tilespmem:v49+s4+$0x0], $0xffff;
	(erf) = vrcp.f32 v7  }
0x10e: {  	v55 =	vmul.f32 v10, v4;
	v56 =	vmul.f32 v14, v5;
	v8 =	vld.idx.msk [tilespmem:v50+s4+$0x0], $0xffff  }
0x10f: {  	v58 =	vld.idx.msk [tilespmem:v51+s4+$0x0], $0xffff;
	v12 =	vmul.f32 v12, v4;
	v57 =	vmul.f32 v15, v5  }
0x110: {  	v60 =	vld.idx.msk [tilespmem:v52+s4+$0x0], $0xffff;
	v13 =	vmul.f32 v13, v4;
	v59 =	vmul.f32 v16, v5  }
0x111: {  	v19 =	vadd.s32 $0x1201, v1;
	v61 =	vmul.f32 v17, v3;
	v7 =	vadd.f32 v56, v55  }
0x112: {  	v12 =	vadd.f32 v57, v12;
	v10 =	vadd.f32 v59, v13;
	v9 =	vmul.f32 v53, v3  }
0x113: {  	v11 =	vmul.f32 v54, v3;
	v8 =	vmul.f32 v8, v2;
	v7 =	vadd.f32 v61, v7  }
0x114: {  	v63 =	vadd.s32 $0x1200, v1;
	v62 =	vmul.f32 v58, v2;
	v9 =	vadd.f32 v9, v12  }
0x115: {  	v18 =	vmul.f32 v60, v2;
	v10 =	vadd.f32 v11, v10;
	v7 =	vadd.f32 v8, v7  }
0x116: {  	v21 =	vadd.s32 $0x1202, v1;
	v9 =	vadd.f32 v62, v9;
	v20 =	vpop (erf)  }
0x117: {  	v22 =	vadd.s32 $0x4003, v6;
	v8 =	vadd.f32 v18, v10;
	v7 =	vmul.f32 v20, v7  }
0x118: {  	v23 =	vadd.s32 $0x4007, v6;
	v9 =	vmul.f32 v20, v9  }
0x119: {  	v24 =	vmul.f32 v20, v8;
	[tilespmem:v63+s16+$0x0] =	vst.idx.msk $0xffff, v7  }
0x11a: {  	v25 =	vadd.s32 $0x400B, v6;
	[tilespmem:v19+s16+$0x0] =	vst.idx.msk $0xffff, v9  }
0x11b: {  	[tilespmem:v21+s16+$0x0] =	vst.idx.msk $0xffff, v24  }
0x11c: {  	v26 =	vadd.s32 $0x400F, v6;
	v7 =	vld.idx.msk [tilespmem:v22+s4+$0x0], $0xffff  }
0x11d: {  	v27 =	vadd.s32 $0x4000, v6;
	v28 =	vld.idx.msk [tilespmem:v23+s4+$0x0], $0xffff  }
0x11e: {  	v29 =	vadd.s32 $0x4001, v6  }
0x11f: {  	v30 =	vadd.s32 $0x4002, v6;
	v8 =	vld.idx.msk [tilespmem:v25+s4+$0x0], $0xffff  }
0x120: {  	v31 =	vadd.s32 $0x4004, v6  }
0x121: {  	v32 =	vadd.s32 $0x4005, v6;
	v9 =	vld.idx.msk [tilespmem:v26+s4+$0x0], $0xffff  }
0x122: {  	v33 =	vadd.s32 $0x4006, v6;
	v10 =	vld.idx.msk [tilespmem:v27+s4+$0x0], $0xffff;
	v7 =	vmul.f32 v7, v4;
	v11 =	vmul.f32 v28, v5  }
0x123: {  	v34 =	vadd.s32 $0x4008, v6;
	v12 =	vld.idx.msk [tilespmem:v29+s4+$0x0], $0xffff  }
0x124: {  	v35 =	vadd.s32 $0x4009, v6;
	v13 =	vld.idx.msk [tilespmem:v30+s4+$0x0], $0xffff;
	v8 =	vmul.f32 v8, v3;
	v7 =	vadd.f32 v11, v7  }
0x125: {  	v36 =	vadd.s32 $0x400A, v6;
	v14 =	vld.idx.msk [tilespmem:v31+s4+$0x0], $0xffff  }
0x126: {  	v37 =	vadd.s32 $0x400C, v6;
	v15 =	vld.idx.msk [tilespmem:v32+s4+$0x0], $0xffff;
	v9 =	vmul.f32 v9, v2;
	v7 =	vadd.f32 v8, v7  }
0x127: {  	v38 =	vadd.s32 $0x400D, v6;
	v16 =	vld.idx.msk [tilespmem:v33+s4+$0x0], $0xffff  }
0x128: {  	v39 =	vadd.s32 $0x400E, v6;
	v17 =	vld.idx.msk [tilespmem:v34+s4+$0x0], $0xffff;
	v7 =	vadd.f32 v9, v7  }
0x129: {  	v40 =	vld.idx.msk [tilespmem:v35+s4+$0x0], $0xffff  }
0x12a: {  	v41 =	vld.idx.msk [tilespmem:v36+s4+$0x0], $0xffff;
	(erf) = vrcp.f32 v7  }
0x12b: {  	v42 =	vmul.f32 v10, v4;
	v43 =	vmul.f32 v14, v5;
	v8 =	vld.idx.msk [tilespmem:v37+s4+$0x0], $0xffff  }
0x12c: {  	v45 =	vld.idx.msk [tilespmem:v38+s4+$0x0], $0xffff;
	v12 =	vmul.f32 v12, v4;
	v44 =	vmul.f32 v15, v5  }
0x12d: {  	v47 =	vld.idx.msk [tilespmem:v39+s4+$0x0], $0xffff;
	v13 =	vmul.f32 v13, v4;
	v46 =	vmul.f32 v16, v5  }
0x12e: {  	v52 =	vadd.s32 $0x1801, v1;
	v48 =	vmul.f32 v17, v3;
	v7 =	vadd.f32 v43, v42  }
0x12f: {  	v12 =	vadd.f32 v44, v12;
	v10 =	vadd.f32 v46, v13;
	v9 =	vmul.f32 v40, v3  }
0x130: {  	v11 =	vmul.f32 v41, v3;
	v8 =	vmul.f32 v8, v2;
	v7 =	vadd.f32 v48, v7  }
0x131: {  	v50 =	vadd.s32 $0x1800, v1;
	v49 =	vmul.f32 v45, v2;
	v9 =	vadd.f32 v9, v12  }
0x132: {  	v51 =	vmul.f32 v47, v2;
	v10 =	vadd.f32 v11, v10;
	v7 =	vadd.f32 v8, v7  }
0x133: {  	v54 =	vadd.s32 $0x1802, v1;
	v9 =	vadd.f32 v49, v9;
	v53 =	vpop (erf)  }
0x134: {  	v55 =	vadd.s32 $0x5003, v6;
	v8 =	vadd.f32 v51, v10;
	v7 =	vmul.f32 v53, v7  }
0x135: {  	v56 =	vadd.s32 $0x5007, v6;
	v9 =	vmul.f32 v53, v9  }
0x136: {  	v57 =	vmul.f32 v53, v8;
	[tilespmem:v50+s16+$0x0] =	vst.idx.msk $0xffff, v7  }
0x137: {  	v58 =	vadd.s32 $0x500B, v6;
	[tilespmem:v52+s16+$0x0] =	vst.idx.msk $0xffff, v9  }
0x138: {  	[tilespmem:v54+s16+$0x0] =	vst.idx.msk $0xffff, v57  }
0x139: {  	v59 =	vadd.s32 $0x500F, v6;
	v7 =	vld.idx.msk [tilespmem:v55+s4+$0x0], $0xffff  }
0x13a: {  	v60 =	vadd.s32 $0x5000, v6;
	v61 =	vld.idx.msk [tilespmem:v56+s4+$0x0], $0xffff  }
0x13b: {  	v62 =	vadd.s32 $0x5001, v6  }
0x13c: {  	v63 =	vadd.s32 $0x5002, v6;
	v8 =	vld.idx.msk [tilespmem:v58+s4+$0x0], $0xffff  }
0x13d: {  	v20 =	vadd.s32 $0x5004, v6  }
0x13e: {  	v21 =	vadd.s32 $0x5005, v6;
	v9 =	vld.idx.msk [tilespmem:v59+s4+$0x0], $0xffff  }
0x13f: {  	v22 =	vadd.s32 $0x5006, v6;
	v10 =	vld.idx.msk [tilespmem:v60+s4+$0x0], $0xffff;
	v7 =	vmul.f32 v7, v4;
	v11 =	vmul.f32 v61, v5  }
0x140: {  	v23 =	vadd.s32 $0x5008, v6;
	v12 =	vld.idx.msk [tilespmem:v62+s4+$0x0], $0xffff  }
0x141: {  	v24 =	vadd.s32 $0x5009, v6;
	v13 =	vld.idx.msk [tilespmem:v63+s4+$0x0], $0xffff;
	v8 =	vmul.f32 v8, v3;
	v7 =	vadd.f32 v11, v7  }
0x142: {  	v25 =	vadd.s32 $0x500A, v6;
	v14 =	vld.idx.msk [tilespmem:v20+s4+$0x0], $0xffff  }
0x143: {  	v26 =	vadd.s32 $0x500C, v6;
	v15 =	vld.idx.msk [tilespmem:v21+s4+$0x0], $0xffff;
	v9 =	vmul.f32 v9, v2;
	v7 =	vadd.f32 v8, v7  }
0x144: {  	v27 =	vadd.s32 $0x500D, v6;
	v16 =	vld.idx.msk [tilespmem:v22+s4+$0x0], $0xffff  }
0x145: {  	v28 =	vadd.s32 $0x500E, v6;
	v17 =	vld.idx.msk [tilespmem:v23+s4+$0x0], $0xffff;
	v7 =	vadd.f32 v9, v7  }
0x146: {  	v29 =	vld.idx.msk [tilespmem:v24+s4+$0x0], $0xffff  }
0x147: {  	v30 =	vld.idx.msk [tilespmem:v25+s4+$0x0], $0xffff;
	(erf) = vrcp.f32 v7  }
0x148: {  	v31 =	vmul.f32 v10, v4;
	v32 =	vmul.f32 v14, v5;
	v8 =	vld.idx.msk [tilespmem:v26+s4+$0x0], $0xffff  }
0x149: {  	v34 =	vld.idx.msk [tilespmem:v27+s4+$0x0], $0xffff;
	v12 =	vmul.f32 v12, v4;
	v33 =	vmul.f32 v15, v5  }
0x14a: {  	v36 =	vld.idx.msk [tilespmem:v28+s4+$0x0], $0xffff;
	v13 =	vmul.f32 v13, v4;
	v35 =	vmul.f32 v16, v5  }
0x14b: {  	v39 =	vadd.s32 $0x1E00, v1;
	v37 =	vmul.f32 v17, v3;
	v7 =	vadd.f32 v32, v31  }
0x14c: {  	v12 =	vadd.f32 v33, v12;
	v10 =	vadd.f32 v35, v13;
	v9 =	vmul.f32 v29, v3  }
0x14d: {  	v11 =	vmul.f32 v30, v3;
	v8 =	vmul.f32 v8, v2;
	v7 =	vadd.f32 v37, v7  }
0x14e: {  	v41 =	vadd.s32 $0x1E01, v1;
	v38 =	vmul.f32 v34, v2;
	v9 =	vadd.f32 v9, v12  }
0x14f: {  	v40 =	vmul.f32 v36, v2;
	v10 =	vadd.f32 v11, v10;
	v7 =	vadd.f32 v8, v7  }
0x150: {  	v43 =	vadd.s32 $0x1E02, v1;
	v9 =	vadd.f32 v38, v9;
	v42 =	vpop (erf)  }
0x151: {  	v44 =	vadd.s32 $0x6003, v6;
	v8 =	vadd.f32 v40, v10;
	v7 =	vmul.f32 v42, v7  }
0x152: {  	v45 =	vadd.s32 $0x6007, v6;
	v9 =	vmul.f32 v42, v9  }
0x153: {  	v46 =	vmul.f32 v42, v8;
	[tilespmem:v39+s16+$0x0] =	vst.idx.msk $0xffff, v7  }
0x154: {  	v47 =	vadd.s32 $0x600B, v6;
	[tilespmem:v41+s16+$0x0] =	vst.idx.msk $0xffff, v9  }
0x155: {  	[tilespmem:v43+s16+$0x0] =	vst.idx.msk $0xffff, v46  }
0x156: {  	v48 =	vadd.s32 $0x600F, v6;
	v7 =	vld.idx.msk [tilespmem:v44+s4+$0x0], $0xffff  }
0x157: {  	v49 =	vadd.s32 $0x6000, v6;
	v50 =	vld.idx.msk [tilespmem:v45+s4+$0x0], $0xffff  }
0x158: {  	v51 =	vadd.s32 $0x6001, v6  }
0x159: {  	v52 =	vadd.s32 $0x6002, v6;
	v8 =	vld.idx.msk [tilespmem:v47+s4+$0x0], $0xffff  }
0x15a: {  	v53 =	vadd.s32 $0x6004, v6  }
0x15b: {  	v54 =	vadd.s32 $0x6005, v6;
	v9 =	vld.idx.msk [tilespmem:v48+s4+$0x0], $0xffff  }
0x15c: {  	v55 =	vadd.s32 $0x6006, v6;
	v10 =	vld.idx.msk [tilespmem:v49+s4+$0x0], $0xffff;
	v7 =	vmul.f32 v7, v4;
	v11 =	vmul.f32 v50, v5  }
0x15d: {  	v56 =	vadd.s32 $0x6008, v6;
	v12 =	vld.idx.msk [tilespmem:v51+s4+$0x0], $0xffff  }
0x15e: {  	v57 =	vadd.s32 $0x6009, v6;
	v13 =	vld.idx.msk [tilespmem:v52+s4+$0x0], $0xffff;
	v8 =	vmul.f32 v8, v3;
	v7 =	vadd.f32 v11, v7  }
0x15f: {  	v58 =	vadd.s32 $0x600A, v6;
	v14 =	vld.idx.msk [tilespmem:v53+s4+$0x0], $0xffff  }
0x160: {  	v59 =	vadd.s32 $0x600C, v6;
	v15 =	vld.idx.msk [tilespmem:v54+s4+$0x0], $0xffff;
	v9 =	vmul.f32 v9, v2;
	v7 =	vadd.f32 v8, v7  }
0x161: {  	v60 =	vadd.s32 $0x600D, v6;
	v16 =	vld.idx.msk [tilespmem:v55+s4+$0x0], $0xffff  }
0x162: {  	v61 =	vadd.s32 $0x600E, v6;
	v17 =	vld.idx.msk [tilespmem:v56+s4+$0x0], $0xffff;
	v7 =	vadd.f32 v9, v7  }
0x163: {  	v62 =	vld.idx.msk [tilespmem:v57+s4+$0x0], $0xffff  }
0x164: {  	v63 =	vld.idx.msk [tilespmem:v58+s4+$0x0], $0xffff;
	(erf) = vrcp.f32 v7  }
0x165: {  	v18 =	vmul.f32 v10, v4;
	v21 =	vmul.f32 v14, v5;
	v8 =	vld.idx.msk [tilespmem:v59+s4+$0x0], $0xffff  }
0x166: {  	v23 =	vld.idx.msk [tilespmem:v60+s4+$0x0], $0xffff;
	v12 =	vmul.f32 v12, v4;
	v22 =	vmul.f32 v15, v5  }
0x167: {  	v25 =	vld.idx.msk [tilespmem:v61+s4+$0x0], $0xffff;
	v13 =	vmul.f32 v13, v4;
	v24 =	vmul.f32 v16, v5  }
0x168: {  	v28 =	vadd.s32 $0x2400, v1;
	v26 =	vmul.f32 v17, v3;
	v7 =	vadd.f32 v21, v18  }
0x169: {  	v12 =	vadd.f32 v22, v12;
	v10 =	vadd.f32 v24, v13;
	v9 =	vmul.f32 v62, v3  }
0x16a: {  	v11 =	vmul.f32 v63, v3;
	v8 =	vmul.f32 v8, v2;
	v7 =	vadd.f32 v26, v7  }
0x16b: {  	v30 =	vadd.s32 $0x2401, v1;
	v27 =	vmul.f32 v23, v2;
	v9 =	vadd.f32 v9, v12  }
0x16c: {  	v29 =	vmul.f32 v25, v2;
	v10 =	vadd.f32 v11, v10;
	v7 =	vadd.f32 v8, v7  }
0x16d: {  	v32 =	vadd.s32 $0x2402, v1;
	v9 =	vadd.f32 v27, v9;
	v31 =	vpop (erf)  }
0x16e: {  	v33 =	vadd.s32 $0x7003, v6;
	v8 =	vadd.f32 v29, v10;
	v7 =	vmul.f32 v31, v7  }
0x16f: {  	v34 =	vadd.s32 $0x7007, v6;
	v9 =	vmul.f32 v31, v9  }
0x170: {  	v35 =	vmul.f32 v31, v8;
	[tilespmem:v28+s16+$0x0] =	vst.idx.msk $0xffff, v7  }
0x171: {  	v36 =	vadd.s32 $0x700B, v6;
	[tilespmem:v30+s16+$0x0] =	vst.idx.msk $0xffff, v9  }
0x172: {  	[tilespmem:v32+s16+$0x0] =	vst.idx.msk $0xffff, v35  }
0x173: {  	v37 =	vadd.s32 $0x700F, v6;
	v7 =	vld.idx.msk [tilespmem:v33+s4+$0x0], $0xffff  }
0x174: {  	v38 =	vadd.s32 $0x7000, v6;
	v39 =	vld.idx.msk [tilespmem:v34+s4+$0x0], $0xffff  }
0x175: {  	v40 =	vadd.s32 $0x7001, v6  }
0x176: {  	v41 =	vadd.s32 $0x7002, v6;
	v8 =	vld.idx.msk [tilespmem:v36+s4+$0x0], $0xffff  }
0x177: {  	v42 =	vadd.s32 $0x7004, v6  }
0x178: {  	v43 =	vadd.s32 $0x7005, v6;
	v9 =	vld.idx.msk [tilespmem:v37+s4+$0x0], $0xffff  }
0x179: {  	v44 =	vadd.s32 $0x7006, v6;
	v10 =	vld.idx.msk [tilespmem:v38+s4+$0x0], $0xffff;
	v7 =	vmul.f32 v7, v4;
	v11 =	vmul.f32 v39, v5  }
0x17a: {  	v45 =	vadd.s32 $0x7008, v6;
	v12 =	vld.idx.msk [tilespmem:v40+s4+$0x0], $0xffff  }
0x17b: {  	v46 =	vadd.s32 $0x7009, v6;
	v13 =	vld.idx.msk [tilespmem:v41+s4+$0x0], $0xffff;
	v8 =	vmul.f32 v8, v3;
	v7 =	vadd.f32 v11, v7  }
0x17c: {  	v47 =	vadd.s32 $0x700A, v6;
	v14 =	vld.idx.msk [tilespmem:v42+s4+$0x0], $0xffff  }
0x17d: {  	v48 =	vadd.s32 $0x700C, v6;
	v15 =	vld.idx.msk [tilespmem:v43+s4+$0x0], $0xffff;
	v9 =	vmul.f32 v9, v2;
	v7 =	vadd.f32 v8, v7  }
0x17e: {  	v49 =	vadd.s32 $0x700D, v6;
	v16 =	vld.idx.msk [tilespmem:v44+s4+$0x0], $0xffff  }
0x17f: {  	v6 =	vadd.s32 $0x700E, v6;
	v17 =	vld.idx.msk [tilespmem:v45+s4+$0x0], $0xffff;
	v7 =	vadd.f32 v9, v7  }
0x180: {  	v50 =	vld.idx.msk [tilespmem:v46+s4+$0x0], $0xffff  }
0x181: {  	v51 =	vld.idx.msk [tilespmem:v47+s4+$0x0], $0xffff;
	(erf) = vrcp.f32 v7  }
0x182: {  	v52 =	vmul.f32 v10, v4;
	v53 =	vmul.f32 v14, v5;
	v8 =	vld.idx.msk [tilespmem:v48+s4+$0x0], $0xffff  }
0x183: {  	v55 =	vld.idx.msk [tilespmem:v49+s4+$0x0], $0xffff;
	v12 =	vmul.f32 v12, v4;
	v54 =	vmul.f32 v15, v5  }
0x184: {  	v6 =	vld.idx.msk [tilespmem:v6+s4+$0x0], $0xffff;
	v4 =	vmul.f32 v13, v4;
	v5 =	vmul.f32 v16, v5  }
0x185: {  	v61 =	vadd.s32 $0x2A00, v1;
	v57 =	vmul.f32 v17, v3;
	v7 =	vadd.f32 v53, v52  }
0x186: {  	v56 =	vadd.f32 v54, v12;
	v4 =	vadd.f32 v5, v4;
	v9 =	vmul.f32 v50, v3  }
0x187: {  	v3 =	vmul.f32 v51, v3;
	v8 =	vmul.f32 v8, v2;
	v58 =	vadd.f32 v57, v7  }
0x188: {  	v62 =	vadd.s32 $0x2A01, v1;
	v60 =	vmul.f32 v55, v2;
	v59 =	vadd.f32 v9, v56  }
0x189: {  	v3 =	vadd.f32 v3, v4;
	v2 =	vmul.f32 v6, v2;
	v5 =	vadd.f32 v8, v58  }
0x18a: {  	p1 =	sne.s32 s3, $0x1F0;
	v1 =	vadd.s32 $0x2A02, v1;
	v4 =	vadd.f32 v60, v59;
	v63 =	vpop (erf)  }
.Ltmp1:
0x18b: {  	v2 =	vadd.f32 v2, v3;
	v3 =	vmul.f32 v63, v5;
	(pc) =	sbr.rel @p1 .LBB2_5-.Ltmp1, $4  }
0x18c: {  	v4 =	vmul.f32 v63, v4  }
0x18d: {  	v2 =	vmul.f32 v63, v2;
	[tilespmem:v61+s16+$0x0] =	vst.idx.msk $0xffff, v3  }
0x18e: {  	s2 =	sadd.s32 $0x10, s2;
	[tilespmem:v62+s16+$0x0] =	vst.idx.msk $0xffff, v4  }
0x18f: {  	s6 =	sadd.s32 $0x10, s6;
	s23 =	sadd.s32 $0x10, s23;
	s3 =	sadd.s32 $0x10, s3;
	[tilespmem:v1+s16+$0x0] =	vst.idx.msk $0xffff, v2  }
0x190: {  	s2 =	rddreg [dreg:$0x4]  }
0x191: {  	s2 =	sor.u32 s2, s1  }
0x192: {  	s2 =	sshrl.u32 s2, $0x3  }
0x193: {  	s2 =	smul.u32 $0x600, s2;
	_ =	sdelay $0x1  }
0x194: {  	s3 =	sadd.s32 s9, s2  }
0x195: {  	[hbm4b:s3+s8] =	stream.strided.scatter [tilespmem:s16], [sflag:$0x3], $0x600, s10, s8, $0x38;
	[tilespmem:$0x17600] =	vst v63  }
0x196: {  	s23 =	smov.u32 s9;
	s5 =	simm.s32 $0x10600;
	s9 =	sadd.s32 s2, s12  }
0x197: {  	[hbm4b:s9+s8] =	stream.strided.scatter [tilespmem:s5], [sflag:$0x3], $0x600, s10, s8, $0x38;
	[tilespmem:$0x17600] =	vst v63  }
0x198: {  	s6 =	sadd.s32 s2, s26;
	s9 =	simm.s32 $0x10C00  }
0x199: {  	[hbm4b:s6+s8] =	stream.strided.scatter [tilespmem:s9], [sflag:$0x3], $0x600, s10, s8, $0x38;
	[tilespmem:$0x17600] =	vst v63  }
0x19a: {  	s6 =	sadd.s32 s2, s28;
	s9 =	simm.s32 $0x11200  }
0x19b: {  	[hbm4b:s6+s8] =	stream.strided.scatter [tilespmem:s9], [sflag:$0x3], $0x600, s10, s8, $0x38;
	[tilespmem:$0x17600] =	vst v63  }
0x19c: {  	s6 =	sadd.s32 s2, s29;
	s9 =	simm.s32 $0x11800  }
0x19d: {  	[hbm4b:s6+s8] =	stream.strided.scatter [tilespmem:s9], [sflag:$0x3], $0x600, s10, s8, $0x38;
	[tilespmem:$0x17600] =	vst v63  }
0x19e: {  	s6 =	sadd.s32 s2, s30;
	s9 =	simm.s32 $0x11E00  }
0x19f: {  	[hbm4b:s6+s8] =	stream.strided.scatter [tilespmem:s9], [sflag:$0x3], $0x600, s10, s8, $0x38;
	[tilespmem:$0x17600] =	vst v63  }
0x1a0: {  	s5 =	sadd.s32 s2, s31;
	s6 =	simm.s32 $0x12400  }
0x1a1: {  	[hbm4b:s5+s8] =	stream.strided.scatter [tilespmem:s6], [sflag:$0x3], $0x600, s10, s8, $0x38;
	[tilespmem:$0x17600] =	vst v63  }
0x1a2: {  	s2 =	sadd.s32 s2, s0;
	s9 =	simm.s32 $0x12A00  }
0x1a3: {  	[hbm4b:s2+s8] =	stream.strided.scatter [tilespmem:s9], [sflag:$0x3], $0x600, s10, s8, $0x38;
	[tilespmem:$0x17600] =	vst v63  }
0x1a4: {  	p1 =	seq.s32 s19, $0x7;
	s2 =	rddreg [dreg:$0x12]  }
0x1a5: {  	s1 =	sadd.s32 @!p1 s1, s2  }
0x1a6: {  	s3 =	simm.s32 @!p1 $0x80;
	s2 =	rddreg [dreg:$0xb];
	s1 =	sshll.u32 @!p1 s1, $0x9  }
0x1a7: {  	s5 =	simm.s32 @!p1 $0x400;
	s6 =	simm.s32 @!p1 $0x0;
	s2 =	sadd.s32 @!p1 s2, s1  }
0x1a8: {  	[tilespmem:s6], [sflag:$0x1] =	stream.strided.gather @!p1 [hbm4b:s2+s3], $0x1000, s5, s3, $0x38;
	[tilespmem:$0x17600] =	vst v63  }
0x1a9: {  	s2 =	rddreg [dreg:$0x10]  }
0x1aa: {  	s6 =	simm.s32 @!p1 $0x1000;
	s2 =	sadd.s32 @!p1 s1, s2  }
0x1ab: {  	[tilespmem:s6], [sflag:$0x1] =	stream.strided.gather @!p1 [hbm4b:s2+s3], $0x1000, s5, s3, $0x38;
	[tilespmem:$0x17600] =	vst v63  }
0x1ac: {  	s2 =	sadd.s32 @!p1 s1, s15;
	s6 =	simm.s32 @!p1 $0x2000  }
0x1ad: {  	[tilespmem:s6], [sflag:$0x1] =	stream.strided.gather @!p1 [hbm4b:s2+s3], $0x1000, s5, s3, $0x38;
	[tilespmem:$0x17600] =	vst v63  }
0x1ae: {  	s2 =	sadd.s32 @!p1 s1, s17;
	s6 =	simm.s32 @!p1 $0x3000  }
0x1af: {  	[tilespmem:s6], [sflag:$0x1] =	stream.strided.gather @!p1 [hbm4b:s2+s3], $0x1000, s5, s3, $0x38;
	[tilespmem:$0x17600] =	vst v63  }
0x1b0: {  	s2 =	sadd.s32 @!p1 s1, s18;
	s6 =	simm.s32 @!p1 $0x4000  }
0x1b1: {  	[tilespmem:s6], [sflag:$0x1] =	stream.strided.gather @!p1 [hbm4b:s2+s3], $0x1000, s5, s3, $0x38;
	[tilespmem:$0x17600] =	vst v63  }
0x1b2: {  	s2 =	sadd.s32 @!p1 s1, s21;
	s6 =	simm.s32 @!p1 $0x5000  }
0x1b3: {  	[tilespmem:s6], [sflag:$0x1] =	stream.strided.gather @!p1 [hbm4b:s2+s3], $0x1000, s5, s3, $0x38;
	[tilespmem:$0x17600] =	vst v63  }
0x1b4: {  	s2 =	sadd.s32 @!p1 s1, s11;
	s6 =	simm.s32 @!p1 $0x6000  }
0x1b5: {  	[tilespmem:s6], [sflag:$0x1] =	stream.strided.gather @!p1 [hbm4b:s2+s3], $0x1000, s5, s3, $0x38;
	[tilespmem:$0x17600] =	vst v63  }
0x1b6: {  	s1 =	sadd.s32 @!p1 s1, s24;
	s2 =	simm.s32 @!p1 $0x7000  }
0x1b7: {  	[tilespmem:s2], [sflag:$0x1] =	stream.strided.gather @!p1 [hbm4b:s1+s3], $0x1000, s5, s3, $0x38;
	[tilespmem:$0x17600] =	vst v63  }
0x1b8: {  	_ =	swait.ge [sflag:s22], $0x1000  }
0x1b9: {  	[sflag:s22] =	ssyncset.done $0x0  }
0x1ba: {  	[sflag:s22] =	ssyncadd.s32 $0xFFFFF000  }
0x1bb: {  	_ =	swait.ge [sflag:s22], $0x1000  }
0x1bc: {  	[sflag:s22] =	ssyncset.done $0x0  }
0x1bd: {  	[sflag:s22] =	ssyncadd.s32 $0xFFFFF000  }
0x1be: {  	_ =	swait.ge [sflag:s22], $0x1000  }
0x1bf: {  	[sflag:s22] =	ssyncset.done $0x0  }
0x1c0: {  	[sflag:s22] =	ssyncadd.s32 $0xFFFFF000  }
0x1c1: {  	_ =	swait.ge [sflag:s22], $0x1000  }
0x1c2: {  	[sflag:s22] =	ssyncset.done $0x0  }
0x1c3: {  	[sflag:s22] =	ssyncadd.s32 $0xFFFFF000  }
0x1c4: {  	_ =	swait.ge [sflag:s22], $0x1000  }
0x1c5: {  	[sflag:s22] =	ssyncset.done $0x0  }
0x1c6: {  	[sflag:s22] =	ssyncadd.s32 $0xFFFFF000  }
0x1c7: {  	_ =	swait.ge [sflag:s22], $0x1000  }
0x1c8: {  	[sflag:s22] =	ssyncset.done $0x0  }
0x1c9: {  	[sflag:s22] =	ssyncadd.s32 $0xFFFFF000  }
0x1ca: {  	_ =	swait.ge [sflag:s22], $0x1000  }
0x1cb: {  	[sflag:s22] =	ssyncset.done $0x0  }
0x1cc: {  	[sflag:s22] =	ssyncadd.s32 $0xFFFFF000  }
0x1cd: {  	_ =	swait.ge [sflag:s22], $0x1000  }
0x1ce: {  	[sflag:s22] =	ssyncset.done $0x0  }
0x1cf: {  	s1 =	simm.s32 @!p0 $0x4;
	[sflag:s22] =	ssyncadd.s32 $0xFFFFF000  }
0x1d0: {  	_ =	swait.ge @!p0 [sflag:s1], $0x600  }
0x1d1: {  	[sflag:s1] =	ssyncset.done @!p0 $0x0  }
0x1d2: {  	[sflag:s1] =	ssyncadd.s32 @!p0 $0xFFFFFA00  }
0x1d3: {  	_ =	swait.ge @!p0 [sflag:s1], $0x600  }
0x1d4: {  	[sflag:s1] =	ssyncset.done @!p0 $0x0  }
0x1d5: {  	[sflag:s1] =	ssyncadd.s32 @!p0 $0xFFFFFA00  }
0x1d6: {  	_ =	swait.ge @!p0 [sflag:s1], $0x600  }
0x1d7: {  	[sflag:s1] =	ssyncset.done @!p0 $0x0  }
0x1d8: {  	[sflag:s1] =	ssyncadd.s32 @!p0 $0xFFFFFA00  }
0x1d9: {  	_ =	swait.ge @!p0 [sflag:s1], $0x600  }
0x1da: {  	[sflag:s1] =	ssyncset.done @!p0 $0x0  }
0x1db: {  	[sflag:s1] =	ssyncadd.s32 @!p0 $0xFFFFFA00  }
0x1dc: {  	_ =	swait.ge @!p0 [sflag:s1], $0x600  }
0x1dd: {  	[sflag:s1] =	ssyncset.done @!p0 $0x0  }
0x1de: {  	[sflag:s1] =	ssyncadd.s32 @!p0 $0xFFFFFA00  }
0x1df: {  	_ =	swait.ge @!p0 [sflag:s1], $0x600  }
0x1e0: {  	[sflag:s1] =	ssyncset.done @!p0 $0x0  }
0x1e1: {  	[sflag:s1] =	ssyncadd.s32 @!p0 $0xFFFFFA00  }
0x1e2: {  	_ =	swait.ge @!p0 [sflag:s1], $0x600  }
0x1e3: {  	[sflag:s1] =	ssyncset.done @!p0 $0x0  }
0x1e4: {  	[sflag:s1] =	ssyncadd.s32 @!p0 $0xFFFFFA00  }
0x1e5: {  	_ =	swait.ge @!p0 [sflag:s1], $0x600  }
0x1e6: {  	s6 =	simm.s32 $0x16C00;
	s2 =	simm.s32 $0x16A00;
	[sflag:s1] =	ssyncset.done @!p0 $0x0  }
0x1e7: {  	s3 =	simm.s32 $0x16E00;
	[sflag:s1] =	ssyncadd.s32 @!p0 $0xFFFFFA00;
	s1 =	simm.s32 $0x0  }
.LBB2_7:
0x1e8: {  	v6 =	vld [tilespmem:s2+$0x0];
	_ =	sdelay $0x4  }
0x1e9: {  	v2 =	vadd.s32 $0x3, v6  }
0x1ea: {  	v3 =	vadd.s32 $0x7, v6  }
0x1eb: {  	v1 =	vld [tilespmem:s6+$0x0]  }
0x1ec: {  	v4 =	vld [tilespmem:s3+$0x0];
	s5 =	sand.u32 $0x1F0, s1;
	v7 =	vadd.s32 $0xB, v6  }
0x1ed: {  	v5 =	vld [tilespmem:s5+$0x17000]  }
0x1ee: {  	v8 =	vadd.s32 $0xF, v6;
	v9 =	vld.idx.msk [tilespmem:v2+s13+$0x0], $0xffff  }
0x1ef: {  	v10 =	vld.idx.msk [tilespmem:v3+s13+$0x0], $0xffff  }
0x1f0: {  	v11 =	vadd.s32 $0x1, v6;
	v3 =	vld [tilespmem:s5+$0x17200]  }
0x1f1: {  	v12 =	vadd.s32 $0x2, v6;
	v7 =	vld.idx.msk [tilespmem:v7+s13+$0x0], $0xffff  }
0x1f2: {  	v13 =	vadd.s32 $0x4, v6;
	v2 =	vld [tilespmem:s5+$0x17400]  }
0x1f3: {  	v14 =	vadd.s32 $0x5, v6;
	v8 =	vld.idx.msk [tilespmem:v8+s13+$0x0], $0xffff  }
0x1f4: {  	v15 =	vadd.s32 $0x6, v6;
	v16 =	vld.idx.msk [tilespmem:v6+s13+$0x0], $0xffff;
	v9 =	vmul.f32 v9, v4;
	v10 =	vmul.f32 v10, v5  }
0x1f5: {  	v17 =	vadd.s32 $0x8, v6;
	v11 =	vld.idx.msk [tilespmem:v11+s13+$0x0], $0xffff  }
0x1f6: {  	v18 =	vadd.s32 $0x9, v6;
	v12 =	vld.idx.msk [tilespmem:v12+s13+$0x0], $0xffff;
	v7 =	vmul.f32 v7, v3;
	v9 =	vadd.f32 v10, v9  }
0x1f7: {  	v19 =	vadd.s32 $0xC, v6;
	v13 =	vld.idx.msk [tilespmem:v13+s13+$0x0], $0xffff  }
0x1f8: {  	v44 =	vadd.s32 $0xA, v6;
	v14 =	vld.idx.msk [tilespmem:v14+s13+$0x0], $0xffff;
	v8 =	vmul.f32 v8, v2;
	v7 =	vadd.f32 v7, v9  }
0x1f9: {  	v45 =	vadd.s32 $0xD, v6;
	v15 =	vld.idx.msk [tilespmem:v15+s13+$0x0], $0xffff  }
0x1fa: {  	v20 =	vadd.s32 $0xE, v6;
	v17 =	vld.idx.msk [tilespmem:v17+s13+$0x0], $0xffff;
	v7 =	vadd.f32 v8, v7  }
0x1fb: {  	v46 =	vld.idx.msk [tilespmem:v18+s13+$0x0], $0xffff  }
0x1fc: {  	v48 =	vld.idx.msk [tilespmem:v19+s13+$0x0], $0xffff;
	(erf) = vrcp.f32 v7  }
0x1fd: {  	v47 =	vmul.f32 v16, v4;
	v10 =	vld.idx.msk [tilespmem:v44+s13+$0x0], $0xffff  }
0x1fe: {  	v11 =	vmul.f32 v11, v4;
	v13 =	vmul.f32 v13, v5;
	v9 =	vld.idx.msk [tilespmem:v45+s13+$0x0], $0xffff  }
0x1ff: {  	v49 =	vld.idx.msk [tilespmem:v20+s13+$0x0], $0xffff;
	v12 =	vmul.f32 v12, v4;
	v14 =	vmul.f32 v14, v5  }
0x200: {  	v15 =	vmul.f32 v15, v5;
	v50 =	vmul.f32 v17, v3;
	v7 =	vadd.f32 v13, v47  }
0x201: {  	v51 =	vmul.f32 v48, v2;
	v11 =	vadd.f32 v14, v11;
	v8 =	vmul.f32 v46, v3  }
0x202: {  	v12 =	vadd.f32 v15, v12;
	v10 =	vmul.f32 v10, v3;
	v7 =	vadd.f32 v50, v7  }
0x203: {  	v52 =	vadd.s32 $0x1, v1;
	v8 =	vadd.f32 v8, v11;
	v9 =	vmul.f32 v9, v2  }
0x204: {  	v53 =	vmul.f32 v49, v2;
	v10 =	vadd.f32 v10, v12;
	v7 =	vadd.f32 v51, v7  }
0x205: {  	v54 =	vadd.s32 $0x2, v1;
	v8 =	vadd.f32 v9, v8;
	v55 =	vpop (erf)  }
0x206: {  	v56 =	vadd.s32 $0x1003, v6;
	v10 =	vadd.f32 v53, v10;
	v7 =	vmul.f32 v55, v7  }
0x207: {  	v57 =	vadd.s32 $0x1007, v6;
	v8 =	vmul.f32 v55, v8  }
0x208: {  	v58 =	vmul.f32 v55, v10;
	[tilespmem:v1+s25+$0x0] =	vst.idx.msk $0xffff, v7  }
0x209: {  	v59 =	vadd.s32 $0x100B, v6;
	[tilespmem:v52+s25+$0x0] =	vst.idx.msk $0xffff, v8  }
0x20a: {  	[tilespmem:v54+s25+$0x0] =	vst.idx.msk $0xffff, v58  }
0x20b: {  	v60 =	vadd.s32 $0x100F, v6;
	v7 =	vld.idx.msk [tilespmem:v56+s13+$0x0], $0xffff  }
0x20c: {  	v61 =	vadd.s32 $0x1000, v6;
	v62 =	vld.idx.msk [tilespmem:v57+s13+$0x0], $0xffff  }
0x20d: {  	v63 =	vadd.s32 $0x1001, v6  }
0x20e: {  	v20 =	vadd.s32 $0x1002, v6;
	v8 =	vld.idx.msk [tilespmem:v59+s13+$0x0], $0xffff  }
0x20f: {  	v21 =	vadd.s32 $0x1004, v6  }
0x210: {  	v22 =	vadd.s32 $0x1005, v6;
	v9 =	vld.idx.msk [tilespmem:v60+s13+$0x0], $0xffff  }
0x211: {  	v23 =	vadd.s32 $0x1006, v6;
	v10 =	vld.idx.msk [tilespmem:v61+s13+$0x0], $0xffff;
	v7 =	vmul.f32 v7, v4;
	v11 =	vmul.f32 v62, v5  }
0x212: {  	v24 =	vadd.s32 $0x1008, v6;
	v12 =	vld.idx.msk [tilespmem:v63+s13+$0x0], $0xffff  }
0x213: {  	v25 =	vadd.s32 $0x1009, v6;
	v13 =	vld.idx.msk [tilespmem:v20+s13+$0x0], $0xffff;
	v8 =	vmul.f32 v8, v3;
	v7 =	vadd.f32 v11, v7  }
0x214: {  	v26 =	vadd.s32 $0x100A, v6;
	v14 =	vld.idx.msk [tilespmem:v21+s13+$0x0], $0xffff  }
0x215: {  	v27 =	vadd.s32 $0x100C, v6;
	v15 =	vld.idx.msk [tilespmem:v22+s13+$0x0], $0xffff;
	v9 =	vmul.f32 v9, v2;
	v7 =	vadd.f32 v8, v7  }
0x216: {  	v28 =	vadd.s32 $0x100D, v6;
	v16 =	vld.idx.msk [tilespmem:v23+s13+$0x0], $0xffff  }
0x217: {  	v29 =	vadd.s32 $0x100E, v6;
	v17 =	vld.idx.msk [tilespmem:v24+s13+$0x0], $0xffff;
	v7 =	vadd.f32 v9, v7  }
0x218: {  	v30 =	vld.idx.msk [tilespmem:v25+s13+$0x0], $0xffff  }
0x219: {  	v31 =	vld.idx.msk [tilespmem:v26+s13+$0x0], $0xffff;
	(erf) = vrcp.f32 v7  }
0x21a: {  	v32 =	vmul.f32 v10, v4;
	v33 =	vmul.f32 v14, v5;
	v8 =	vld.idx.msk [tilespmem:v27+s13+$0x0], $0xffff  }
0x21b: {  	v35 =	vld.idx.msk [tilespmem:v28+s13+$0x0], $0xffff;
	v12 =	vmul.f32 v12, v4;
	v34 =	vmul.f32 v15, v5  }
0x21c: {  	v37 =	vld.idx.msk [tilespmem:v29+s13+$0x0], $0xffff;
	v13 =	vmul.f32 v13, v4;
	v36 =	vmul.f32 v16, v5  }
0x21d: {  	v40 =	vadd.s32 $0x600, v1;
	v38 =	vmul.f32 v17, v3;
	v7 =	vadd.f32 v33, v32  }
0x21e: {  	v12 =	vadd.f32 v34, v12;
	v10 =	vadd.f32 v36, v13;
	v9 =	vmul.f32 v30, v3  }
0x21f: {  	v11 =	vmul.f32 v31, v3;
	v8 =	vmul.f32 v8, v2;
	v7 =	vadd.f32 v38, v7  }
0x220: {  	v42 =	vadd.s32 $0x601, v1;
	v39 =	vmul.f32 v35, v2;
	v9 =	vadd.f32 v9, v12  }
0x221: {  	v41 =	vmul.f32 v37, v2;
	v10 =	vadd.f32 v11, v10;
	v7 =	vadd.f32 v8, v7  }
0x222: {  	v44 =	vadd.s32 $0x602, v1;
	v9 =	vadd.f32 v39, v9;
	v43 =	vpop (erf)  }
0x223: {  	v45 =	vadd.s32 $0x2003, v6;
	v8 =	vadd.f32 v41, v10;
	v7 =	vmul.f32 v43, v7  }
0x224: {  	v46 =	vadd.s32 $0x2007, v6;
	v9 =	vmul.f32 v43, v9  }
0x225: {  	v47 =	vmul.f32 v43, v8;
	[tilespmem:v40+s25+$0x0] =	vst.idx.msk $0xffff, v7  }
0x226: {  	v48 =	vadd.s32 $0x200B, v6;
	[tilespmem:v42+s25+$0x0] =	vst.idx.msk $0xffff, v9  }
0x227: {  	[tilespmem:v44+s25+$0x0] =	vst.idx.msk $0xffff, v47  }
0x228: {  	v49 =	vadd.s32 $0x200F, v6;
	v7 =	vld.idx.msk [tilespmem:v45+s13+$0x0], $0xffff  }
0x229: {  	v50 =	vadd.s32 $0x2000, v6;
	v51 =	vld.idx.msk [tilespmem:v46+s13+$0x0], $0xffff  }
0x22a: {  	v52 =	vadd.s32 $0x2001, v6  }
0x22b: {  	v53 =	vadd.s32 $0x2002, v6;
	v8 =	vld.idx.msk [tilespmem:v48+s13+$0x0], $0xffff  }
0x22c: {  	v54 =	vadd.s32 $0x2004, v6  }
0x22d: {  	v55 =	vadd.s32 $0x2005, v6;
	v9 =	vld.idx.msk [tilespmem:v49+s13+$0x0], $0xffff  }
0x22e: {  	v56 =	vadd.s32 $0x2006, v6;
	v10 =	vld.idx.msk [tilespmem:v50+s13+$0x0], $0xffff;
	v7 =	vmul.f32 v7, v4;
	v11 =	vmul.f32 v51, v5  }
0x22f: {  	v57 =	vadd.s32 $0x2008, v6;
	v12 =	vld.idx.msk [tilespmem:v52+s13+$0x0], $0xffff  }
0x230: {  	v58 =	vadd.s32 $0x2009, v6;
	v13 =	vld.idx.msk [tilespmem:v53+s13+$0x0], $0xffff;
	v8 =	vmul.f32 v8, v3;
	v7 =	vadd.f32 v11, v7  }
0x231: {  	v59 =	vadd.s32 $0x200A, v6;
	v14 =	vld.idx.msk [tilespmem:v54+s13+$0x0], $0xffff  }
0x232: {  	v60 =	vadd.s32 $0x200C, v6;
	v15 =	vld.idx.msk [tilespmem:v55+s13+$0x0], $0xffff;
	v9 =	vmul.f32 v9, v2;
	v7 =	vadd.f32 v8, v7  }
0x233: {  	v61 =	vadd.s32 $0x200D, v6;
	v16 =	vld.idx.msk [tilespmem:v56+s13+$0x0], $0xffff  }
0x234: {  	v62 =	vadd.s32 $0x200E, v6;
	v17 =	vld.idx.msk [tilespmem:v57+s13+$0x0], $0xffff;
	v7 =	vadd.f32 v9, v7  }
0x235: {  	v63 =	vld.idx.msk [tilespmem:v58+s13+$0x0], $0xffff  }
0x236: {  	v21 =	vld.idx.msk [tilespmem:v59+s13+$0x0], $0xffff;
	(erf) = vrcp.f32 v7  }
0x237: {  	v22 =	vmul.f32 v10, v4;
	v23 =	vmul.f32 v14, v5;
	v8 =	vld.idx.msk [tilespmem:v60+s13+$0x0], $0xffff  }
0x238: {  	v25 =	vld.idx.msk [tilespmem:v61+s13+$0x0], $0xffff;
	v12 =	vmul.f32 v12, v4;
	v24 =	vmul.f32 v15, v5  }
0x239: {  	v27 =	vld.idx.msk [tilespmem:v62+s13+$0x0], $0xffff;
	v13 =	vmul.f32 v13, v4;
	v26 =	vmul.f32 v16, v5  }
0x23a: {  	v30 =	vadd.s32 $0xC00, v1;
	v28 =	vmul.f32 v17, v3;
	v7 =	vadd.f32 v23, v22  }
0x23b: {  	v12 =	vadd.f32 v24, v12;
	v10 =	vadd.f32 v26, v13;
	v9 =	vmul.f32 v63, v3  }
0x23c: {  	v11 =	vmul.f32 v21, v3;
	v8 =	vmul.f32 v8, v2;
	v7 =	vadd.f32 v28, v7  }
0x23d: {  	v32 =	vadd.s32 $0xC01, v1;
	v29 =	vmul.f32 v25, v2;
	v9 =	vadd.f32 v9, v12  }
0x23e: {  	v31 =	vmul.f32 v27, v2;
	v10 =	vadd.f32 v11, v10;
	v7 =	vadd.f32 v8, v7  }
0x23f: {  	v34 =	vadd.s32 $0xC02, v1;
	v9 =	vadd.f32 v29, v9;
	v33 =	vpop (erf)  }
0x240: {  	v35 =	vadd.s32 $0x3003, v6;
	v8 =	vadd.f32 v31, v10;
	v7 =	vmul.f32 v33, v7  }
0x241: {  	v36 =	vadd.s32 $0x3007, v6;
	v9 =	vmul.f32 v33, v9  }
0x242: {  	v37 =	vmul.f32 v33, v8;
	[tilespmem:v30+s25+$0x0] =	vst.idx.msk $0xffff, v7  }
0x243: {  	v38 =	vadd.s32 $0x300B, v6;
	[tilespmem:v32+s25+$0x0] =	vst.idx.msk $0xffff, v9  }
0x244: {  	[tilespmem:v34+s25+$0x0] =	vst.idx.msk $0xffff, v37  }
0x245: {  	v39 =	vadd.s32 $0x300F, v6;
	v7 =	vld.idx.msk [tilespmem:v35+s13+$0x0], $0xffff  }
0x246: {  	v40 =	vadd.s32 $0x3000, v6;
	v41 =	vld.idx.msk [tilespmem:v36+s13+$0x0], $0xffff  }
0x247: {  	v42 =	vadd.s32 $0x3001, v6  }
0x248: {  	v43 =	vadd.s32 $0x3002, v6;
	v8 =	vld.idx.msk [tilespmem:v38+s13+$0x0], $0xffff  }
0x249: {  	v44 =	vadd.s32 $0x3004, v6  }
0x24a: {  	v45 =	vadd.s32 $0x3005, v6;
	v9 =	vld.idx.msk [tilespmem:v39+s13+$0x0], $0xffff  }
0x24b: {  	v46 =	vadd.s32 $0x3006, v6;
	v10 =	vld.idx.msk [tilespmem:v40+s13+$0x0], $0xffff;
	v7 =	vmul.f32 v7, v4;
	v11 =	vmul.f32 v41, v5  }
0x24c: {  	v47 =	vadd.s32 $0x3008, v6;
	v12 =	vld.idx.msk [tilespmem:v42+s13+$0x0], $0xffff  }
0x24d: {  	v48 =	vadd.s32 $0x3009, v6;
	v13 =	vld.idx.msk [tilespmem:v43+s13+$0x0], $0xffff;
	v8 =	vmul.f32 v8, v3;
	v7 =	vadd.f32 v11, v7  }
0x24e: {  	v49 =	vadd.s32 $0x300A, v6;
	v14 =	vld.idx.msk [tilespmem:v44+s13+$0x0], $0xffff  }
0x24f: {  	v50 =	vadd.s32 $0x300C, v6;
	v15 =	vld.idx.msk [tilespmem:v45+s13+$0x0], $0xffff;
	v9 =	vmul.f32 v9, v2;
	v7 =	vadd.f32 v8, v7  }
0x250: {  	v51 =	vadd.s32 $0x300D, v6;
	v16 =	vld.idx.msk [tilespmem:v46+s13+$0x0], $0xffff  }
0x251: {  	v52 =	vadd.s32 $0x300E, v6;
	v17 =	vld.idx.msk [tilespmem:v47+s13+$0x0], $0xffff;
	v7 =	vadd.f32 v9, v7  }
0x252: {  	v53 =	vld.idx.msk [tilespmem:v48+s13+$0x0], $0xffff  }
0x253: {  	v54 =	vld.idx.msk [tilespmem:v49+s13+$0x0], $0xffff;
	(erf) = vrcp.f32 v7  }
0x254: {  	v55 =	vmul.f32 v10, v4;
	v56 =	vmul.f32 v14, v5;
	v8 =	vld.idx.msk [tilespmem:v50+s13+$0x0], $0xffff  }
0x255: {  	v58 =	vld.idx.msk [tilespmem:v51+s13+$0x0], $0xffff;
	v12 =	vmul.f32 v12, v4;
	v57 =	vmul.f32 v15, v5  }
0x256: {  	v60 =	vld.idx.msk [tilespmem:v52+s13+$0x0], $0xffff;
	v13 =	vmul.f32 v13, v4;
	v59 =	vmul.f32 v16, v5  }
0x257: {  	v19 =	vadd.s32 $0x1201, v1;
	v61 =	vmul.f32 v17, v3;
	v7 =	vadd.f32 v56, v55  }
0x258: {  	v12 =	vadd.f32 v57, v12;
	v10 =	vadd.f32 v59, v13;
	v9 =	vmul.f32 v53, v3  }
0x259: {  	v11 =	vmul.f32 v54, v3;
	v8 =	vmul.f32 v8, v2;
	v7 =	vadd.f32 v61, v7  }
0x25a: {  	v63 =	vadd.s32 $0x1200, v1;
	v62 =	vmul.f32 v58, v2;
	v9 =	vadd.f32 v9, v12  }
0x25b: {  	v18 =	vmul.f32 v60, v2;
	v10 =	vadd.f32 v11, v10;
	v7 =	vadd.f32 v8, v7  }
0x25c: {  	v21 =	vadd.s32 $0x1202, v1;
	v9 =	vadd.f32 v62, v9;
	v20 =	vpop (erf)  }
0x25d: {  	v22 =	vadd.s32 $0x4003, v6;
	v8 =	vadd.f32 v18, v10;
	v7 =	vmul.f32 v20, v7  }
0x25e: {  	v23 =	vadd.s32 $0x4007, v6;
	v9 =	vmul.f32 v20, v9  }
0x25f: {  	v24 =	vmul.f32 v20, v8;
	[tilespmem:v63+s25+$0x0] =	vst.idx.msk $0xffff, v7  }
0x260: {  	v25 =	vadd.s32 $0x400B, v6;
	[tilespmem:v19+s25+$0x0] =	vst.idx.msk $0xffff, v9  }
0x261: {  	[tilespmem:v21+s25+$0x0] =	vst.idx.msk $0xffff, v24  }
0x262: {  	v26 =	vadd.s32 $0x400F, v6;
	v7 =	vld.idx.msk [tilespmem:v22+s13+$0x0], $0xffff  }
0x263: {  	v27 =	vadd.s32 $0x4000, v6;
	v28 =	vld.idx.msk [tilespmem:v23+s13+$0x0], $0xffff  }
0x264: {  	v29 =	vadd.s32 $0x4001, v6  }
0x265: {  	v30 =	vadd.s32 $0x4002, v6;
	v8 =	vld.idx.msk [tilespmem:v25+s13+$0x0], $0xffff  }
0x266: {  	v31 =	vadd.s32 $0x4004, v6  }
0x267: {  	v32 =	vadd.s32 $0x4005, v6;
	v9 =	vld.idx.msk [tilespmem:v26+s13+$0x0], $0xffff  }
0x268: {  	v33 =	vadd.s32 $0x4006, v6;
	v10 =	vld.idx.msk [tilespmem:v27+s13+$0x0], $0xffff;
	v7 =	vmul.f32 v7, v4;
	v11 =	vmul.f32 v28, v5  }
0x269: {  	v34 =	vadd.s32 $0x4008, v6;
	v12 =	vld.idx.msk [tilespmem:v29+s13+$0x0], $0xffff  }
0x26a: {  	v35 =	vadd.s32 $0x4009, v6;
	v13 =	vld.idx.msk [tilespmem:v30+s13+$0x0], $0xffff;
	v8 =	vmul.f32 v8, v3;
	v7 =	vadd.f32 v11, v7  }
0x26b: {  	v36 =	vadd.s32 $0x400A, v6;
	v14 =	vld.idx.msk [tilespmem:v31+s13+$0x0], $0xffff  }
0x26c: {  	v37 =	vadd.s32 $0x400C, v6;
	v15 =	vld.idx.msk [tilespmem:v32+s13+$0x0], $0xffff;
	v9 =	vmul.f32 v9, v2;
	v7 =	vadd.f32 v8, v7  }
0x26d: {  	v38 =	vadd.s32 $0x400D, v6;
	v16 =	vld.idx.msk [tilespmem:v33+s13+$0x0], $0xffff  }
0x26e: {  	v39 =	vadd.s32 $0x400E, v6;
	v17 =	vld.idx.msk [tilespmem:v34+s13+$0x0], $0xffff;
	v7 =	vadd.f32 v9, v7  }
0x26f: {  	v40 =	vld.idx.msk [tilespmem:v35+s13+$0x0], $0xffff  }
0x270: {  	v41 =	vld.idx.msk [tilespmem:v36+s13+$0x0], $0xffff;
	(erf) = vrcp.f32 v7  }
0x271: {  	v42 =	vmul.f32 v10, v4;
	v43 =	vmul.f32 v14, v5;
	v8 =	vld.idx.msk [tilespmem:v37+s13+$0x0], $0xffff  }
0x272: {  	v45 =	vld.idx.msk [tilespmem:v38+s13+$0x0], $0xffff;
	v12 =	vmul.f32 v12, v4;
	v44 =	vmul.f32 v15, v5  }
0x273: {  	v47 =	vld.idx.msk [tilespmem:v39+s13+$0x0], $0xffff;
	v13 =	vmul.f32 v13, v4;
	v46 =	vmul.f32 v16, v5  }
0x274: {  	v52 =	vadd.s32 $0x1801, v1;
	v48 =	vmul.f32 v17, v3;
	v7 =	vadd.f32 v43, v42  }
0x275: {  	v12 =	vadd.f32 v44, v12;
	v10 =	vadd.f32 v46, v13;
	v9 =	vmul.f32 v40, v3  }
0x276: {  	v11 =	vmul.f32 v41, v3;
	v8 =	vmul.f32 v8, v2;
	v7 =	vadd.f32 v48, v7  }
0x277: {  	v50 =	vadd.s32 $0x1800, v1;
	v49 =	vmul.f32 v45, v2;
	v9 =	vadd.f32 v9, v12  }
0x278: {  	v51 =	vmul.f32 v47, v2;
	v10 =	vadd.f32 v11, v10;
	v7 =	vadd.f32 v8, v7  }
0x279: {  	v54 =	vadd.s32 $0x1802, v1;
	v9 =	vadd.f32 v49, v9;
	v53 =	vpop (erf)  }
0x27a: {  	v55 =	vadd.s32 $0x5003, v6;
	v8 =	vadd.f32 v51, v10;
	v7 =	vmul.f32 v53, v7  }
0x27b: {  	v56 =	vadd.s32 $0x5007, v6;
	v9 =	vmul.f32 v53, v9  }
0x27c: {  	v57 =	vmul.f32 v53, v8;
	[tilespmem:v50+s25+$0x0] =	vst.idx.msk $0xffff, v7  }
0x27d: {  	v58 =	vadd.s32 $0x500B, v6;
	[tilespmem:v52+s25+$0x0] =	vst.idx.msk $0xffff, v9  }
0x27e: {  	[tilespmem:v54+s25+$0x0] =	vst.idx.msk $0xffff, v57  }
0x27f: {  	v59 =	vadd.s32 $0x500F, v6;
	v7 =	vld.idx.msk [tilespmem:v55+s13+$0x0], $0xffff  }
0x280: {  	v60 =	vadd.s32 $0x5000, v6;
	v61 =	vld.idx.msk [tilespmem:v56+s13+$0x0], $0xffff  }
0x281: {  	v62 =	vadd.s32 $0x5001, v6  }
0x282: {  	v63 =	vadd.s32 $0x5002, v6;
	v8 =	vld.idx.msk [tilespmem:v58+s13+$0x0], $0xffff  }
0x283: {  	v20 =	vadd.s32 $0x5004, v6  }
0x284: {  	v21 =	vadd.s32 $0x5005, v6;
	v9 =	vld.idx.msk [tilespmem:v59+s13+$0x0], $0xffff  }
0x285: {  	v22 =	vadd.s32 $0x5006, v6;
	v10 =	vld.idx.msk [tilespmem:v60+s13+$0x0], $0xffff;
	v7 =	vmul.f32 v7, v4;
	v11 =	vmul.f32 v61, v5  }
0x286: {  	v23 =	vadd.s32 $0x5008, v6;
	v12 =	vld.idx.msk [tilespmem:v62+s13+$0x0], $0xffff  }
0x287: {  	v24 =	vadd.s32 $0x5009, v6;
	v13 =	vld.idx.msk [tilespmem:v63+s13+$0x0], $0xffff;
	v8 =	vmul.f32 v8, v3;
	v7 =	vadd.f32 v11, v7  }
0x288: {  	v25 =	vadd.s32 $0x500A, v6;
	v14 =	vld.idx.msk [tilespmem:v20+s13+$0x0], $0xffff  }
0x289: {  	v26 =	vadd.s32 $0x500C, v6;
	v15 =	vld.idx.msk [tilespmem:v21+s13+$0x0], $0xffff;
	v9 =	vmul.f32 v9, v2;
	v7 =	vadd.f32 v8, v7  }
0x28a: {  	v27 =	vadd.s32 $0x500D, v6;
	v16 =	vld.idx.msk [tilespmem:v22+s13+$0x0], $0xffff  }
0x28b: {  	v28 =	vadd.s32 $0x500E, v6;
	v17 =	vld.idx.msk [tilespmem:v23+s13+$0x0], $0xffff;
	v7 =	vadd.f32 v9, v7  }
0x28c: {  	v29 =	vld.idx.msk [tilespmem:v24+s13+$0x0], $0xffff  }
0x28d: {  	v30 =	vld.idx.msk [tilespmem:v25+s13+$0x0], $0xffff;
	(erf) = vrcp.f32 v7  }
0x28e: {  	v31 =	vmul.f32 v10, v4;
	v32 =	vmul.f32 v14, v5;
	v8 =	vld.idx.msk [tilespmem:v26+s13+$0x0], $0xffff  }
0x28f: {  	v34 =	vld.idx.msk [tilespmem:v27+s13+$0x0], $0xffff;
	v12 =	vmul.f32 v12, v4;
	v33 =	vmul.f32 v15, v5  }
0x290: {  	v36 =	vld.idx.msk [tilespmem:v28+s13+$0x0], $0xffff;
	v13 =	vmul.f32 v13, v4;
	v35 =	vmul.f32 v16, v5  }
0x291: {  	v39 =	vadd.s32 $0x1E00, v1;
	v37 =	vmul.f32 v17, v3;
	v7 =	vadd.f32 v32, v31  }
0x292: {  	v12 =	vadd.f32 v33, v12;
	v10 =	vadd.f32 v35, v13;
	v9 =	vmul.f32 v29, v3  }
0x293: {  	v11 =	vmul.f32 v30, v3;
	v8 =	vmul.f32 v8, v2;
	v7 =	vadd.f32 v37, v7  }
0x294: {  	v41 =	vadd.s32 $0x1E01, v1;
	v38 =	vmul.f32 v34, v2;
	v9 =	vadd.f32 v9, v12  }
0x295: {  	v40 =	vmul.f32 v36, v2;
	v10 =	vadd.f32 v11, v10;
	v7 =	vadd.f32 v8, v7  }
0x296: {  	v43 =	vadd.s32 $0x1E02, v1;
	v9 =	vadd.f32 v38, v9;
	v42 =	vpop (erf)  }
0x297: {  	v44 =	vadd.s32 $0x6003, v6;
	v8 =	vadd.f32 v40, v10;
	v7 =	vmul.f32 v42, v7  }
0x298: {  	v45 =	vadd.s32 $0x6007, v6;
	v9 =	vmul.f32 v42, v9  }
0x299: {  	v46 =	vmul.f32 v42, v8;
	[tilespmem:v39+s25+$0x0] =	vst.idx.msk $0xffff, v7  }
0x29a: {  	v47 =	vadd.s32 $0x600B, v6;
	[tilespmem:v41+s25+$0x0] =	vst.idx.msk $0xffff, v9  }
0x29b: {  	[tilespmem:v43+s25+$0x0] =	vst.idx.msk $0xffff, v46  }
0x29c: {  	v48 =	vadd.s32 $0x600F, v6;
	v7 =	vld.idx.msk [tilespmem:v44+s13+$0x0], $0xffff  }
0x29d: {  	v49 =	vadd.s32 $0x6000, v6;
	v50 =	vld.idx.msk [tilespmem:v45+s13+$0x0], $0xffff  }
0x29e: {  	v51 =	vadd.s32 $0x6001, v6  }
0x29f: {  	v52 =	vadd.s32 $0x6002, v6;
	v8 =	vld.idx.msk [tilespmem:v47+s13+$0x0], $0xffff  }
0x2a0: {  	v53 =	vadd.s32 $0x6004, v6  }
0x2a1: {  	v54 =	vadd.s32 $0x6005, v6;
	v9 =	vld.idx.msk [tilespmem:v48+s13+$0x0], $0xffff  }
0x2a2: {  	v55 =	vadd.s32 $0x6006, v6;
	v10 =	vld.idx.msk [tilespmem:v49+s13+$0x0], $0xffff;
	v7 =	vmul.f32 v7, v4;
	v11 =	vmul.f32 v50, v5  }
0x2a3: {  	v56 =	vadd.s32 $0x6008, v6;
	v12 =	vld.idx.msk [tilespmem:v51+s13+$0x0], $0xffff  }
0x2a4: {  	v57 =	vadd.s32 $0x6009, v6;
	v13 =	vld.idx.msk [tilespmem:v52+s13+$0x0], $0xffff;
	v8 =	vmul.f32 v8, v3;
	v7 =	vadd.f32 v11, v7  }
0x2a5: {  	v58 =	vadd.s32 $0x600A, v6;
	v14 =	vld.idx.msk [tilespmem:v53+s13+$0x0], $0xffff  }
0x2a6: {  	v59 =	vadd.s32 $0x600C, v6;
	v15 =	vld.idx.msk [tilespmem:v54+s13+$0x0], $0xffff;
	v9 =	vmul.f32 v9, v2;
	v7 =	vadd.f32 v8, v7  }
0x2a7: {  	v60 =	vadd.s32 $0x600D, v6;
	v16 =	vld.idx.msk [tilespmem:v55+s13+$0x0], $0xffff  }
0x2a8: {  	v61 =	vadd.s32 $0x600E, v6;
	v17 =	vld.idx.msk [tilespmem:v56+s13+$0x0], $0xffff;
	v7 =	vadd.f32 v9, v7  }
0x2a9: {  	v62 =	vld.idx.msk [tilespmem:v57+s13+$0x0], $0xffff  }
0x2aa: {  	v63 =	vld.idx.msk [tilespmem:v58+s13+$0x0], $0xffff;
	(erf) = vrcp.f32 v7  }
0x2ab: {  	v18 =	vmul.f32 v10, v4;
	v21 =	vmul.f32 v14, v5;
	v8 =	vld.idx.msk [tilespmem:v59+s13+$0x0], $0xffff  }
0x2ac: {  	v23 =	vld.idx.msk [tilespmem:v60+s13+$0x0], $0xffff;
	v12 =	vmul.f32 v12, v4;
	v22 =	vmul.f32 v15, v5  }
0x2ad: {  	v25 =	vld.idx.msk [tilespmem:v61+s13+$0x0], $0xffff;
	v13 =	vmul.f32 v13, v4;
	v24 =	vmul.f32 v16, v5  }
0x2ae: {  	v28 =	vadd.s32 $0x2400, v1;
	v26 =	vmul.f32 v17, v3;
	v7 =	vadd.f32 v21, v18  }
0x2af: {  	v12 =	vadd.f32 v22, v12;
	v10 =	vadd.f32 v24, v13;
	v9 =	vmul.f32 v62, v3  }
0x2b0: {  	v11 =	vmul.f32 v63, v3;
	v8 =	vmul.f32 v8, v2;
	v7 =	vadd.f32 v26, v7  }
0x2b1: {  	v30 =	vadd.s32 $0x2401, v1;
	v27 =	vmul.f32 v23, v2;
	v9 =	vadd.f32 v9, v12  }
0x2b2: {  	v29 =	vmul.f32 v25, v2;
	v10 =	vadd.f32 v11, v10;
	v7 =	vadd.f32 v8, v7  }
0x2b3: {  	v32 =	vadd.s32 $0x2402, v1;
	v9 =	vadd.f32 v27, v9;
	v31 =	vpop (erf)  }
0x2b4: {  	v33 =	vadd.s32 $0x7003, v6;
	v8 =	vadd.f32 v29, v10;
	v7 =	vmul.f32 v31, v7  }
0x2b5: {  	v34 =	vadd.s32 $0x7007, v6;
	v9 =	vmul.f32 v31, v9  }
0x2b6: {  	v35 =	vmul.f32 v31, v8;
	[tilespmem:v28+s25+$0x0] =	vst.idx.msk $0xffff, v7  }
0x2b7: {  	v36 =	vadd.s32 $0x700B, v6;
	[tilespmem:v30+s25+$0x0] =	vst.idx.msk $0xffff, v9  }
0x2b8: {  	[tilespmem:v32+s25+$0x0] =	vst.idx.msk $0xffff, v35  }
0x2b9: {  	v37 =	vadd.s32 $0x700F, v6;
	v7 =	vld.idx.msk [tilespmem:v33+s13+$0x0], $0xffff  }
0x2ba: {  	v38 =	vadd.s32 $0x7000, v6;
	v39 =	vld.idx.msk [tilespmem:v34+s13+$0x0], $0xffff  }
0x2bb: {  	v40 =	vadd.s32 $0x7001, v6  }
0x2bc: {  	v41 =	vadd.s32 $0x7002, v6;
	v8 =	vld.idx.msk [tilespmem:v36+s13+$0x0], $0xffff  }
0x2bd: {  	v42 =	vadd.s32 $0x7004, v6  }
0x2be: {  	v43 =	vadd.s32 $0x7005, v6;
	v9 =	vld.idx.msk [tilespmem:v37+s13+$0x0], $0xffff  }
0x2bf: {  	v44 =	vadd.s32 $0x7006, v6;
	v10 =	vld.idx.msk [tilespmem:v38+s13+$0x0], $0xffff;
	v7 =	vmul.f32 v7, v4;
	v11 =	vmul.f32 v39, v5  }
0x2c0: {  	v45 =	vadd.s32 $0x7008, v6;
	v12 =	vld.idx.msk [tilespmem:v40+s13+$0x0], $0xffff  }
0x2c1: {  	v46 =	vadd.s32 $0x7009, v6;
	v13 =	vld.idx.msk [tilespmem:v41+s13+$0x0], $0xffff;
	v8 =	vmul.f32 v8, v3;
	v7 =	vadd.f32 v11, v7  }
0x2c2: {  	v47 =	vadd.s32 $0x700A, v6;
	v14 =	vld.idx.msk [tilespmem:v42+s13+$0x0], $0xffff  }
0x2c3: {  	v48 =	vadd.s32 $0x700C, v6;
	v15 =	vld.idx.msk [tilespmem:v43+s13+$0x0], $0xffff;
	v9 =	vmul.f32 v9, v2;
	v7 =	vadd.f32 v8, v7  }
0x2c4: {  	v49 =	vadd.s32 $0x700D, v6;
	v16 =	vld.idx.msk [tilespmem:v44+s13+$0x0], $0xffff  }
0x2c5: {  	v6 =	vadd.s32 $0x700E, v6;
	v17 =	vld.idx.msk [tilespmem:v45+s13+$0x0], $0xffff;
	v7 =	vadd.f32 v9, v7  }
0x2c6: {  	v50 =	vld.idx.msk [tilespmem:v46+s13+$0x0], $0xffff  }
0x2c7: {  	v51 =	vld.idx.msk [tilespmem:v47+s13+$0x0], $0xffff;
	(erf) = vrcp.f32 v7  }
0x2c8: {  	v52 =	vmul.f32 v10, v4;
	v53 =	vmul.f32 v14, v5;
	v8 =	vld.idx.msk [tilespmem:v48+s13+$0x0], $0xffff  }
0x2c9: {  	v55 =	vld.idx.msk [tilespmem:v49+s13+$0x0], $0xffff;
	v12 =	vmul.f32 v12, v4;
	v54 =	vmul.f32 v15, v5  }
0x2ca: {  	v6 =	vld.idx.msk [tilespmem:v6+s13+$0x0], $0xffff;
	v4 =	vmul.f32 v13, v4;
	v5 =	vmul.f32 v16, v5  }
0x2cb: {  	v61 =	vadd.s32 $0x2A00, v1;
	v57 =	vmul.f32 v17, v3;
	v7 =	vadd.f32 v53, v52  }
0x2cc: {  	v56 =	vadd.f32 v54, v12;
	v4 =	vadd.f32 v5, v4;
	v9 =	vmul.f32 v50, v3  }
0x2cd: {  	v3 =	vmul.f32 v51, v3;
	v8 =	vmul.f32 v8, v2;
	v58 =	vadd.f32 v57, v7  }
0x2ce: {  	v62 =	vadd.s32 $0x2A01, v1;
	v60 =	vmul.f32 v55, v2;
	v59 =	vadd.f32 v9, v56  }
0x2cf: {  	v3 =	vadd.f32 v3, v4;
	v2 =	vmul.f32 v6, v2;
	v5 =	vadd.f32 v8, v58  }
0x2d0: {  	p0 =	sne.s32 s1, $0x1F0;
	v1 =	vadd.s32 $0x2A02, v1;
	v4 =	vadd.f32 v60, v59;
	v63 =	vpop (erf)  }
.Ltmp2:
0x2d1: {  	v2 =	vadd.f32 v2, v3;
	v3 =	vmul.f32 v63, v5;
	(pc) =	sbr.rel @p0 .LBB2_7-.Ltmp2, $4  }
0x2d2: {  	v4 =	vmul.f32 v63, v4  }
0x2d3: {  	v2 =	vmul.f32 v63, v2;
	[tilespmem:v61+s25+$0x0] =	vst.idx.msk $0xffff, v3  }
0x2d4: {  	s2 =	sadd.s32 $0x10, s2;
	[tilespmem:v62+s25+$0x0] =	vst.idx.msk $0xffff, v4  }
0x2d5: {  	s6 =	sadd.s32 $0x10, s6;
	s3 =	sadd.s32 $0x10, s3;
	s1 =	sadd.s32 $0x10, s1;
	[tilespmem:v1+s25+$0x0] =	vst.idx.msk $0xffff, v2  }
0x2d6: {  	s1 =	sshrl.u32 s20, $0x3  }
0x2d7: {  	s1 =	smul.u32 $0x600, s1;
	_ =	sdelay $0x1  }
0x2d8: {  	s2 =	sadd.s32 s23, s1  }
0x2d9: {  	[hbm4b:s2+s8] =	stream.strided.scatter [tilespmem:s25], [sflag:$0x4], $0x600, s10, s8, $0x38;
	[tilespmem:$0x17600] =	vst v63  }
0x2da: {  	s3 =	simm.s32 $0x13600;
	s6 =	sadd.s32 s1, s12  }
0x2db: {  	[hbm4b:s6+s8] =	stream.strided.scatter [tilespmem:s3], [sflag:$0x4], $0x600, s10, s8, $0x38;
	[tilespmem:$0x17600] =	vst v63  }
0x2dc: {  	s20 =	simm.s32 $0x13C00;
	s9 =	sadd.s32 s1, s26  }
0x2dd: {  	[hbm4b:s9+s8] =	stream.strided.scatter [tilespmem:s20], [sflag:$0x4], $0x600, s10, s8, $0x38;
	[tilespmem:$0x17600] =	vst v63  }
0x2de: {  	s5 =	sadd.s32 s1, s28;
	s6 =	simm.s32 $0x14200  }
0x2df: {  	[hbm4b:s5+s8] =	stream.strided.scatter [tilespmem:s6], [sflag:$0x4], $0x600, s10, s8, $0x38;
	[tilespmem:$0x17600] =	vst v63  }
0x2e0: {  	s19 =	sadd.s32 $0x1, s19;
	s9 =	sadd.s32 s1, s29;
	s20 =	simm.s32 $0x14800  }
0x2e1: {  	[hbm4b:s9+s8] =	stream.strided.scatter [tilespmem:s20], [sflag:$0x4], $0x600, s10, s8, $0x38;
	[tilespmem:$0x17600] =	vst v63  }
0x2e2: {  	p0 =	sne.s32 s19, $0x8;
	s3 =	sadd.s32 s1, s30;
	s5 =	simm.s32 $0x14E00  }
0x2e3: {  	[hbm4b:s3+s8] =	stream.strided.scatter [tilespmem:s5], [sflag:$0x4], $0x600, s10, s8, $0x38;
	[tilespmem:$0x17600] =	vst v63  }
.Ltmp3:
0x2e4: {  	_ = 	snop;
	(pc) =	sbr.rel @p0 .LBB2_4-.Ltmp3, $4  }
0x2e5: {  	s6 =	sadd.s32 s1, s31;
	s9 =	simm.s32 $0x15400  }
0x2e6: {  	[hbm4b:s6+s8] =	stream.strided.scatter [tilespmem:s9], [sflag:$0x4], $0x600, s10, s8, $0x38;
	[tilespmem:$0x17600] =	vst v63  }
0x2e7: {  	s1 =	sadd.s32 s1, s0;
	s20 =	simm.s32 $0x15A00  }
0x2e8: {  	[hbm4b:s1+s8] =	stream.strided.scatter [tilespmem:s20], [sflag:$0x4], $0x600, s10, s8, $0x38;
	[tilespmem:$0x17600] =	vst v63  }
0x2e9: {  	s1 =	simm.s32 $0x3  }
0x2ea: {  	_ =	swait.ge [sflag:s1], $0x600  }
0x2eb: {  	[sflag:s1] =	ssyncset.done $0x0  }
0x2ec: {  	[sflag:s1] =	ssyncadd.s32 $0xFFFFFA00  }
0x2ed: {  	_ =	swait.ge [sflag:s1], $0x600  }
0x2ee: {  	[sflag:s1] =	ssyncset.done $0x0  }
0x2ef: {  	[sflag:s1] =	ssyncadd.s32 $0xFFFFFA00  }
0x2f0: {  	_ =	swait.ge [sflag:s1], $0x600  }
0x2f1: {  	[sflag:s1] =	ssyncset.done $0x0  }
0x2f2: {  	[sflag:s1] =	ssyncadd.s32 $0xFFFFFA00  }
0x2f3: {  	_ =	swait.ge [sflag:s1], $0x600  }
0x2f4: {  	[sflag:s1] =	ssyncset.done $0x0  }
0x2f5: {  	[sflag:s1] =	ssyncadd.s32 $0xFFFFFA00  }
0x2f6: {  	_ =	swait.ge [sflag:s1], $0x600  }
0x2f7: {  	[sflag:s1] =	ssyncset.done $0x0  }
0x2f8: {  	[sflag:s1] =	ssyncadd.s32 $0xFFFFFA00  }
0x2f9: {  	_ =	swait.ge [sflag:s1], $0x600  }
0x2fa: {  	[sflag:s1] =	ssyncset.done $0x0  }
0x2fb: {  	[sflag:s1] =	ssyncadd.s32 $0xFFFFFA00  }
0x2fc: {  	_ =	swait.ge [sflag:s1], $0x600  }
0x2fd: {  	[sflag:s1] =	ssyncset.done $0x0  }
0x2fe: {  	[sflag:s1] =	ssyncadd.s32 $0xFFFFFA00  }
0x2ff: {  	_ =	swait.ge [sflag:s1], $0x600  }
0x300: {  	[sflag:s1] =	ssyncset.done $0x0  }
0x301: {  	s2 =	simm.s32 $0x4;
	[sflag:s1] =	ssyncadd.s32 $0xFFFFFA00  }
0x302: {  	_ =	swait.ge [sflag:s2], $0x600  }
0x303: {  	[sflag:s2] =	ssyncset.done $0x0  }
0x304: {  	[sflag:s2] =	ssyncadd.s32 $0xFFFFFA00  }
0x305: {  	_ =	swait.ge [sflag:s2], $0x600  }
0x306: {  	[sflag:s2] =	ssyncset.done $0x0  }
0x307: {  	[sflag:s2] =	ssyncadd.s32 $0xFFFFFA00  }
0x308: {  	_ =	swait.ge [sflag:s2], $0x600  }
0x309: {  	[sflag:s2] =	ssyncset.done $0x0  }
0x30a: {  	[sflag:s2] =	ssyncadd.s32 $0xFFFFFA00  }
0x30b: {  	_ =	swait.ge [sflag:s2], $0x600  }
0x30c: {  	[sflag:s2] =	ssyncset.done $0x0  }
0x30d: {  	[sflag:s2] =	ssyncadd.s32 $0xFFFFFA00  }
0x30e: {  	_ =	swait.ge [sflag:s2], $0x600  }
0x30f: {  	[sflag:s2] =	ssyncset.done $0x0  }
0x310: {  	[sflag:s2] =	ssyncadd.s32 $0xFFFFFA00  }
0x311: {  	_ =	swait.ge [sflag:s2], $0x600  }
0x312: {  	[sflag:s2] =	ssyncset.done $0x0  }
0x313: {  	[sflag:s2] =	ssyncadd.s32 $0xFFFFFA00  }
0x314: {  	_ =	swait.ge [sflag:s2], $0x600  }
0x315: {  	[sflag:s2] =	ssyncset.done $0x0  }
0x316: {  	[sflag:s2] =	ssyncadd.s32 $0xFFFFFA00  }
0x317: {  	_ =	swait.ge [sflag:s2], $0x600  }
0x318: {  	s3 =	rddreg [dreg:$0x13]  }
0x319: {  	s20 =	rddreg [dreg:$0x11];
	s3 =	sadd.s32 $0x1, s3  }
0x31a: {  	p0 =	sne.s32 s3, s20  }
.Ltmp4:
0x31b: {  	_ = 	snop;
	(pc) =	sbr.rel @p0 .LBB2_1-.Ltmp4, $3  }
0x31c: {  	_ =	sdelay $0x1  }
0x31d: {  	[sflag:s2] =	ssyncset.done $0x0  }
0x31e: {  	[sflag:s2] =	ssyncadd.s32 $0xFFFFFA00  }
0x31f: {  	_ =	sfence.sel $0x180000  }
0x320: {  	[bflag:$0x0] =	sbarrier.arrive $0xFFFF  }
0x321: {  	_ =	strace $0x90000047  }
0x322: {  	s0 =	stileid.u32;
	[bflag:$0x2] =	sbarrier.arrive $0xFFFF  }
0x323: {  	p0 =	sne.s32 s0, $0x0;
	s0 =	rddreg [dreg:$0x3]  }
0x324: {  	s0 =	sadd.s32 @!p0 $0x100000, s0  }
0x325: {  	[sflag:s0] =	ssyncadd.tile.s32 @!p0 $0x1;
	_ =	shalt  }
.Lfunc_end2:
_tile_overlayer_lowered:
.L_overlay_start_2:
0x326: {  	(tag) =	ssettag $0x2  }
0x327: {  	s0 =	rddreg [dreg:$0x0];
	s2 =	stileid.u32  }
0x328: {  	s1 =	rddreg [dreg:$0x1];
	p0 =	sne.s32 s2, $0x0  }
0x329: {  	s3 =	rddreg [dreg:$0x2];
	[bflag:$0x3] =	sbarrier.arrive $0xFFFF;
	s2 =	simm.s32 @!p0 $0x1C05  }
0x32a: {  	[timem:s3], [sflag:s2] =	dma.local @!p0 [hbm:s0], s1  }
0x32b: {  	s0 =	simm.s32 @!p0 $0x5  }
0x32c: {  	_ =	swait.ge @!p0 [sflag:s0], s1  }
0x32d: {  	s1 =	ssub.s32 @!p0 $0x0, s1;
	[sflag:s0] =	ssyncset.done @!p0 $0x0  }
0x32e: {  	[sflag:s0] =	ssyncadd.s32 @!p0 s1  }
0x32f: {  	[bflag:$0x3] =	sbarrier.arrive $0xFFFF  }
0x330: {  	_ =	shalt  }

</sc_bundles>
